<compile_context>
chip_gen: v7x
topology: tpu7x:2x2x1
jax: 0.10.2.dev20260603
libtpu: 0.0.44.dev20260713+nightly
codegen_flags: <defaults>
</compile_context>

<pallas_src>
import functools

import jax
import jax.numpy as jnp
from jax import lax
from jax.experimental import pallas as pl
from jax.experimental.pallas import tpu as pltpu
from jax.experimental.pallas import tpu_sc as plsc

_PERM_DNUMS = lax.GatherDimensionNumbers(
    offset_dims=(), collapsed_slice_dims=(0,), start_index_map=(0,))


def _permute(v, idx):
    return lax.gather(v, idx[:, None], _PERM_DNUMS, (1,),
                      mode=lax.GatherScatterMode.PROMISE_IN_BOUNDS)


N_NODES = 10000
D = 128
E = 320000
NW = 32
PER_W = E // NW
B = 96
NFULL = PER_W // B
NCHUNK = NFULL + 1
TAIL_BASE = PER_W - B
L = 16
NBUF = 4


def _sc_kernel(x_hbm, row_hbm, col_hbm, out_hbm,
               idxr_a, idxc_a, zr0, zc0, zr1, zc1, zr2, zc2, zr3, zc3,
               out_a, sem0, sem1, sem2, sem3):
    nc = 2
    wid = lax.axis_index("s") * nc + lax.axis_index("c")
    base_w = wid * PER_W

    pltpu.sync_copy(row_hbm.at[pl.ds(base_w, PER_W)], idxr_a)
    pltpu.sync_copy(col_hbm.at[pl.ds(base_w, PER_W)], idxc_a)

    bufs = ((zr0, zc0, sem0), (zr1, zc1, sem1),
            (zr2, zc2, sem2), (zr3, zc3, sem3))

    def chunk_base(c):
        return jnp.minimum(c * B, TAIL_BASE)

    def issue(c, b):
        base = chunk_base(c)
        zr, zc, sem = bufs[b]
        pltpu.async_copy(x_hbm.at[idxr_a.at[pl.ds(base, B)]], zr, sem)
        pltpu.async_copy(x_hbm.at[idxc_a.at[pl.ds(base, B)]], zc, sem)

    def wait(c, b):
        base = chunk_base(c)
        zr, zc, sem = bufs[b]
        pltpu.make_async_copy(x_hbm.at[idxr_a.at[pl.ds(base, B)]], zr, sem).wait()
        pltpu.make_async_copy(x_hbm.at[idxc_a.at[pl.ds(base, B)]], zc, sem).wait()

    lane = jnp.arange(L, dtype=jnp.int32)
    perms = [lane ^ t for t in (8, 4, 2, 1)]

    def compute(c, b):
        base = chunk_base(c)
        zr, zc, _ = bufs[b]

        def group_body(g, _):
            def edge_body(j, res):
                e = g * L + j
                acc = zr[e, pl.ds(0, L)] * zc[e, pl.ds(0, L)]
                for k in range(1, D // L):
                    acc += zr[e, pl.ds(k * L, L)] * zc[e, pl.ds(k * L, L)]
                for p in perms:
                    acc = acc + _permute(acc, p)
                return jnp.where(lane == j, acc, res)

            res = lax.fori_loop(0, L, edge_body,
                                jnp.zeros((L,), jnp.float32), unroll=4)
            out_a[pl.ds(base + g * L, L)] = res
            return 0

        lax.fori_loop(0, B // L, group_body, 0)

    issue(0, 0)
    issue(1, 1)
    issue(2, 2)

    def quad_body(i4, _):
        for b in range(NBUF):
            c = i4 * NBUF + b
            issue(c + 3, (b + 3) % NBUF)
            wait(c, b)
            compute(c, b)
        return 0

    lax.fori_loop(0, 25, quad_body, 0)

    issue(103, 103 % NBUF)
    wait(100, 100 % NBUF)
    compute(100, 100 % NBUF)
    issue(104, 104 % NBUF)
    wait(101, 101 % NBUF)
    compute(101, 101 % NBUF)
    wait(102, 102 % NBUF)
    compute(102, 102 % NBUF)
    wait(103, 103 % NBUF)
    compute(103, 103 % NBUF)
    wait(104, 104 % NBUF)
    compute(104, 104 % NBUF)

    pltpu.sync_copy(out_a, out_hbm.at[pl.ds(base_w, PER_W)])


def kernel(x, edge_index):
    mesh = plsc.VectorSubcoreMesh(core_axis_name="c", subcore_axis_name="s")
    f = functools.partial(
        pl.kernel,
        mesh=mesh,
        out_type=jax.ShapeDtypeStruct((E,), jnp.float32),
        scratch_types=[
            pltpu.VMEM((PER_W,), jnp.int32),
            pltpu.VMEM((PER_W,), jnp.int32),
            pltpu.VMEM((B, D), jnp.float32),
            pltpu.VMEM((B, D), jnp.float32),
            pltpu.VMEM((B, D), jnp.float32),
            pltpu.VMEM((B, D), jnp.float32),
            pltpu.VMEM((B, D), jnp.float32),
            pltpu.VMEM((B, D), jnp.float32),
            pltpu.VMEM((B, D), jnp.float32),
            pltpu.VMEM((B, D), jnp.float32),
            pltpu.VMEM((PER_W,), jnp.float32),
            pltpu.SemaphoreType.DMA,
            pltpu.SemaphoreType.DMA,
            pltpu.SemaphoreType.DMA,
            pltpu.SemaphoreType.DMA,
        ],
    )(_sc_kernel)
    return f(x, edge_index[0], edge_index[1])

# --- scband reference (transcript-rebuilt; emitter-appended) ---
"""Pipeline reference for scband-gnnlink-predictor-6811818131852 (READ-ONLY COPY).

The authoritative reference and input builder live on the scoring server;
editing this copy changes nothing except your own understanding.
"""

import jax, jax.numpy as jnp
import numpy as np

N_NODES = 10000
D_FEAT = 128
N_EDGES = 320000


def setup_inputs(seed: int = 0) -> dict:
    key = jax.random.key(seed)
    k1, k2 = jax.random.split(key)
    x = jax.random.normal(k1, (N_NODES, D_FEAT), dtype=jnp.float32)
    edge_index = jax.random.randint(k2, (2, N_EDGES), 0, N_NODES, dtype=jnp.int32)
    return {"x": x, "edge_index": edge_index}


def reference(x, edge_index):
    # Faithful translation of GNNLinkPredictor.predict_link_score:
    #   row, col = edge_index
    #   score = (z[row] * z[col]).sum(dim=-1)
    # (the base-class forward is abstract; the concrete computation in this
    #  module is the per-edge gather + elementwise product + segment-style
    #  feature reduction of the link scorer)
    row = edge_index[0]
    col = edge_index[1]
    z_row = jnp.take(x, row, axis=0)   # gather [E, d]
    z_col = jnp.take(x, col, axis=0)   # gather [E, d]
    scores = jnp.sum(z_row * z_col, axis=-1)  # [E]
    return scores

if __name__ == "__main__":
    import jax
    _d = setup_inputs()
    print(jax.jit(kernel)(*tuple(_d.values())))

</pallas_src>

<mosaic_0001>
#map = affine_map<(d0, d1) -> (0, 0)>
#map1 = affine_map<(d0, d1) -> (0)>
module attributes {stable_mosaic.version = 14 : i64} {
  func.func @_sc_kernel(%arg0: i32, %arg1: i32, %arg2: memref<10000x128xf32, #tpu.memory_space<hbm>>, %arg3: memref<320000xi32, #tpu.memory_space<hbm>>, %arg4: memref<320000xi32, #tpu.memory_space<hbm>>, %arg5: memref<320000xf32, #tpu.memory_space<hbm>>, %arg6: memref<10000xi32, #tpu.memory_space<vmem>>, %arg7: memref<10000xi32, #tpu.memory_space<vmem>>, %arg8: memref<96x128xf32, #tpu.memory_space<vmem>>, %arg9: memref<96x128xf32, #tpu.memory_space<vmem>>, %arg10: memref<96x128xf32, #tpu.memory_space<vmem>>, %arg11: memref<96x128xf32, #tpu.memory_space<vmem>>, %arg12: memref<96x128xf32, #tpu.memory_space<vmem>>, %arg13: memref<96x128xf32, #tpu.memory_space<vmem>>, %arg14: memref<96x128xf32, #tpu.memory_space<vmem>>, %arg15: memref<96x128xf32, #tpu.memory_space<vmem>>, %arg16: memref<10000xf32, #tpu.memory_space<vmem>>, %arg17: memref<!tpu.dma_semaphore, #tpu.memory_space<semaphore_mem>>, %arg18: memref<!tpu.dma_semaphore, #tpu.memory_space<semaphore_mem>>, %arg19: memref<!tpu.dma_semaphore, #tpu.memory_space<semaphore_mem>>, %arg20: memref<!tpu.dma_semaphore, #tpu.memory_space<semaphore_mem>>) attributes {dimension_semantics = [#tpu.dimension_semantics<core_parallel>, #tpu.dimension_semantics<subcore_parallel>], iteration_bounds = array<i64: 2, 16>, scalar_prefetch = 0 : i64, scratch_operands = 15 : i64, tpu.core_type = #tpu.core_type<sc_vector_subcore>, window_params = [{transform_indices = #map}, {transform_indices = #map1}, {transform_indices = #map1}, {transform_indices = #map1}]} {
    %mul3A = arith.constant 2 : i32
    %mul3A_0 = arith.muli %arg1, %mul3A : i32
    %add3A = arith.addi %mul3A_0, %arg0 : i32
    %mul3A_1 = arith.constant 10000 : i32
    %mul3A_2 = arith.muli %add3A, %mul3A_1 : i32
    "tpu.region"() ({
      %run_scoped3A = tpu.sem_alloc : memref<!tpu.dma_semaphore, #tpu.memory_space<semaphore_mem>>
      %dma_start3A_177 = tpu.memref_slice %arg3[%mul3A_2] : memref<320000xi32, #tpu.memory_space<hbm>> -> memref<10000xi32, #tpu.memory_space<hbm>>
      %dma_start3A_178 = tpu.memref_slice %arg3[%mul3A_2] : memref<320000xi32, #tpu.memory_space<hbm>> -> memref<10000xi32, #tpu.memory_space<hbm>>
      tpu.enqueue_dma source(%dma_start3A_178 : memref<10000xi32, #tpu.memory_space<hbm>>) target(%arg6 : memref<10000xi32, #tpu.memory_space<vmem>>) target_semaphore(%run_scoped3A : memref<!tpu.dma_semaphore, #tpu.memory_space<semaphore_mem>>)
      %dma_wait3A_179 = tpu.memref_slice %arg3[%mul3A_2] : memref<320000xi32, #tpu.memory_space<hbm>> -> memref<10000xi32, #tpu.memory_space<hbm>>
      %dma_wait3A_180 = tpu.memref_slice %arg3[%mul3A_2] : memref<320000xi32, #tpu.memory_space<hbm>> -> memref<10000xi32, #tpu.memory_space<hbm>>
      tpu.wait_dma2 semaphore(%run_scoped3A : memref<!tpu.dma_semaphore, #tpu.memory_space<semaphore_mem>>) src(%dma_wait3A_180 : memref<10000xi32, #tpu.memory_space<hbm>>) dst(%arg6 : memref<10000xi32, #tpu.memory_space<vmem>>)
      tpu.yield
    }) : () -> ()
    "tpu.region"() ({
      %run_scoped3A = tpu.sem_alloc : memref<!tpu.dma_semaphore, #tpu.memory_space<semaphore_mem>>
      %dma_start3A_177 = tpu.memref_slice %arg4[%mul3A_2] : memref<320000xi32, #tpu.memory_space<hbm>> -> memref<10000xi32, #tpu.memory_space<hbm>>
      %dma_start3A_178 = tpu.memref_slice %arg4[%mul3A_2] : memref<320000xi32, #tpu.memory_space<hbm>> -> memref<10000xi32, #tpu.memory_space<hbm>>
      tpu.enqueue_dma source(%dma_start3A_178 : memref<10000xi32, #tpu.memory_space<hbm>>) target(%arg7 : memref<10000xi32, #tpu.memory_space<vmem>>) target_semaphore(%run_scoped3A : memref<!tpu.dma_semaphore, #tpu.memory_space<semaphore_mem>>)
      %dma_wait3A_179 = tpu.memref_slice %arg4[%mul3A_2] : memref<320000xi32, #tpu.memory_space<hbm>> -> memref<10000xi32, #tpu.memory_space<hbm>>
      %dma_wait3A_180 = tpu.memref_slice %arg4[%mul3A_2] : memref<320000xi32, #tpu.memory_space<hbm>> -> memref<10000xi32, #tpu.memory_space<hbm>>
      tpu.wait_dma2 semaphore(%run_scoped3A : memref<!tpu.dma_semaphore, #tpu.memory_space<semaphore_mem>>) src(%dma_wait3A_180 : memref<10000xi32, #tpu.memory_space<hbm>>) dst(%arg7 : memref<10000xi32, #tpu.memory_space<vmem>>)
      tpu.yield
    }) : () -> ()
    %iota3A = tpu.iota {dimensions = array<i32: 0>} : vector<16xi32>
    %xor3A = arith.constant 8 : i32
    %xor3A_3 = vector.broadcast %xor3A : i32 to vector<16xi32>
    %xor3A_4 = arith.xori %iota3A, %xor3A_3 : vector<16xi32>
    %xor3A_5 = arith.constant 4 : i32
    %xor3A_6 = vector.broadcast %xor3A_5 : i32 to vector<16xi32>
    %xor3A_7 = arith.xori %iota3A, %xor3A_6 : vector<16xi32>
    %xor3A_8 = arith.constant 2 : i32
    %xor3A_9 = vector.broadcast %xor3A_8 : i32 to vector<16xi32>
    %xor3A_10 = arith.xori %iota3A, %xor3A_9 : vector<16xi32>
    %xor3A_11 = arith.constant 1 : i32
    %xor3A_12 = vector.broadcast %xor3A_11 : i32 to vector<16xi32>
    %xor3A_13 = arith.xori %iota3A, %xor3A_12 : vector<16xi32>
    %min3A = arith.constant 0 : i32
    %min3A_14 = arith.constant 9904 : i32
    %min3A_15 = arith.minsi %min3A, %min3A_14 : i32
    %dma_start3A = tpu.memref_slice %arg6[%min3A_15] : memref<10000xi32, #tpu.memory_space<vmem>> -> memref<96xi32, #tpu.memory_space<vmem>>
    %dma_start3A_16 = arith.constant 0 : i32
    %dma_start3A_17 = arith.constant 0 : i32
    %dma_start3A_18 = tpu.memref_slice %arg2[%dma_start3A_16, %dma_start3A_17] : memref<10000x128xf32, #tpu.memory_space<hbm>> -> memref<10000x128xf32, #tpu.memory_space<hbm>>
    tpu.enqueue_indirect_dma source(%dma_start3A_18 : memref<10000x128xf32, #tpu.memory_space<hbm>>) target(%arg8 : memref<96x128xf32, #tpu.memory_space<vmem>>) offsets(%dma_start3A : memref<96xi32, #tpu.memory_space<vmem>>) semaphore(%arg17 : memref<!tpu.dma_semaphore, #tpu.memory_space<semaphore_mem>>)
    %dma_start3A_19 = tpu.memref_slice %arg7[%min3A_15] : memref<10000xi32, #tpu.memory_space<vmem>> -> memref<96xi32, #tpu.memory_space<vmem>>
    %dma_start3A_20 = arith.constant 0 : i32
    %dma_start3A_21 = arith.constant 0 : i32
    %dma_start3A_22 = tpu.memref_slice %arg2[%dma_start3A_20, %dma_start3A_21] : memref<10000x128xf32, #tpu.memory_space<hbm>> -> memref<10000x128xf32, #tpu.memory_space<hbm>>
    tpu.enqueue_indirect_dma source(%dma_start3A_22 : memref<10000x128xf32, #tpu.memory_space<hbm>>) target(%arg9 : memref<96x128xf32, #tpu.memory_space<vmem>>) offsets(%dma_start3A_19 : memref<96xi32, #tpu.memory_space<vmem>>) semaphore(%arg17 : memref<!tpu.dma_semaphore, #tpu.memory_space<semaphore_mem>>)
    %min3A_23 = arith.constant 96 : i32
    %min3A_24 = arith.constant 9904 : i32
    %min3A_25 = arith.minsi %min3A_23, %min3A_24 : i32
    %dma_start3A_26 = tpu.memref_slice %arg6[%min3A_25] : memref<10000xi32, #tpu.memory_space<vmem>> -> memref<96xi32, #tpu.memory_space<vmem>>
    %dma_start3A_27 = arith.constant 0 : i32
    %dma_start3A_28 = arith.constant 0 : i32
    %dma_start3A_29 = tpu.memref_slice %arg2[%dma_start3A_27, %dma_start3A_28] : memref<10000x128xf32, #tpu.memory_space<hbm>> -> memref<10000x128xf32, #tpu.memory_space<hbm>>
    tpu.enqueue_indirect_dma source(%dma_start3A_29 : memref<10000x128xf32, #tpu.memory_space<hbm>>) target(%arg10 : memref<96x128xf32, #tpu.memory_space<vmem>>) offsets(%dma_start3A_26 : memref<96xi32, #tpu.memory_space<vmem>>) semaphore(%arg18 : memref<!tpu.dma_semaphore, #tpu.memory_space<semaphore_mem>>)
    %dma_start3A_30 = tpu.memref_slice %arg7[%min3A_25] : memref<10000xi32, #tpu.memory_space<vmem>> -> memref<96xi32, #tpu.memory_space<vmem>>
    %dma_start3A_31 = arith.constant 0 : i32
    %dma_start3A_32 = arith.constant 0 : i32
    %dma_start3A_33 = tpu.memref_slice %arg2[%dma_start3A_31, %dma_start3A_32] : memref<10000x128xf32, #tpu.memory_space<hbm>> -> memref<10000x128xf32, #tpu.memory_space<hbm>>
    tpu.enqueue_indirect_dma source(%dma_start3A_33 : memref<10000x128xf32, #tpu.memory_space<hbm>>) target(%arg11 : memref<96x128xf32, #tpu.memory_space<vmem>>) offsets(%dma_start3A_30 : memref<96xi32, #tpu.memory_space<vmem>>) semaphore(%arg18 : memref<!tpu.dma_semaphore, #tpu.memory_space<semaphore_mem>>)
    %min3A_34 = arith.constant 192 : i32
    %min3A_35 = arith.constant 9904 : i32
    %min3A_36 = arith.minsi %min3A_34, %min3A_35 : i32
    %dma_start3A_37 = tpu.memref_slice %arg6[%min3A_36] : memref<10000xi32, #tpu.memory_space<vmem>> -> memref<96xi32, #tpu.memory_space<vmem>>
    %dma_start3A_38 = arith.constant 0 : i32
    %dma_start3A_39 = arith.constant 0 : i32
    %dma_start3A_40 = tpu.memref_slice %arg2[%dma_start3A_38, %dma_start3A_39] : memref<10000x128xf32, #tpu.memory_space<hbm>> -> memref<10000x128xf32, #tpu.memory_space<hbm>>
    tpu.enqueue_indirect_dma source(%dma_start3A_40 : memref<10000x128xf32, #tpu.memory_space<hbm>>) target(%arg12 : memref<96x128xf32, #tpu.memory_space<vmem>>) offsets(%dma_start3A_37 : memref<96xi32, #tpu.memory_space<vmem>>) semaphore(%arg19 : memref<!tpu.dma_semaphore, #tpu.memory_space<semaphore_mem>>)
    %dma_start3A_41 = tpu.memref_slice %arg7[%min3A_36] : memref<10000xi32, #tpu.memory_space<vmem>> -> memref<96xi32, #tpu.memory_space<vmem>>
    %dma_start3A_42 = arith.constant 0 : i32
    %dma_start3A_43 = arith.constant 0 : i32
    %dma_start3A_44 = tpu.memref_slice %arg2[%dma_start3A_42, %dma_start3A_43] : memref<10000x128xf32, #tpu.memory_space<hbm>> -> memref<10000x128xf32, #tpu.memory_space<hbm>>
    tpu.enqueue_indirect_dma source(%dma_start3A_44 : memref<10000x128xf32, #tpu.memory_space<hbm>>) target(%arg13 : memref<96x128xf32, #tpu.memory_space<vmem>>) offsets(%dma_start3A_41 : memref<96xi32, #tpu.memory_space<vmem>>) semaphore(%arg19 : memref<!tpu.dma_semaphore, #tpu.memory_space<semaphore_mem>>)
    %scan3A = arith.constant 0 : i32
    %scan3A_45 = arith.constant 0 : i32
    %scan3A_46 = arith.constant 25 : i32
    %scan3A_47 = arith.addi %scan3A_45, %scan3A_46 : i32
    %scan3A_48 = arith.constant 1 : i32
    %scan3A_49 = scf.for %scan3A_177 = %scan3A_45 to %scan3A_47 step %scan3A_48 iter_args(%scan3A_178 = %scan3A) -> (i32)  : i32 {
      %mul3A_179 = arith.constant 4 : i32
      %mul3A_180 = arith.muli %scan3A_177, %mul3A_179 : i32
      %add3A_181 = arith.constant 0 : i32
      %add3A_182 = arith.addi %mul3A_180, %add3A_181 : i32
      %add3A_183 = arith.constant 3 : i32
      %add3A_184 = arith.addi %add3A_182, %add3A_183 : i32
      %mul3A_185 = arith.constant 96 : i32
      %mul3A_186 = arith.muli %add3A_184, %mul3A_185 : i32
      %min3A_187 = arith.constant 9904 : i32
      %min3A_188 = arith.minsi %mul3A_186, %min3A_187 : i32
      %dma_start3A_189 = tpu.memref_slice %arg6[%min3A_188] : memref<10000xi32, #tpu.memory_space<vmem>> -> memref<96xi32, #tpu.memory_space<vmem>>
      %dma_start3A_190 = arith.constant 0 : i32
      %dma_start3A_191 = arith.constant 0 : i32
      %dma_start3A_192 = tpu.memref_slice %arg2[%dma_start3A_190, %dma_start3A_191] : memref<10000x128xf32, #tpu.memory_space<hbm>> -> memref<10000x128xf32, #tpu.memory_space<hbm>>
      tpu.enqueue_indirect_dma source(%dma_start3A_192 : memref<10000x128xf32, #tpu.memory_space<hbm>>) target(%arg14 : memref<96x128xf32, #tpu.memory_space<vmem>>) offsets(%dma_start3A_189 : memref<96xi32, #tpu.memory_space<vmem>>) semaphore(%arg20 : memref<!tpu.dma_semaphore, #tpu.memory_space<semaphore_mem>>)
      %dma_start3A_193 = tpu.memref_slice %arg7[%min3A_188] : memref<10000xi32, #tpu.memory_space<vmem>> -> memref<96xi32, #tpu.memory_space<vmem>>
      %dma_start3A_194 = arith.constant 0 : i32
      %dma_start3A_195 = arith.constant 0 : i32
      %dma_start3A_196 = tpu.memref_slice %arg2[%dma_start3A_194, %dma_start3A_195] : memref<10000x128xf32, #tpu.memory_space<hbm>> -> memref<10000x128xf32, #tpu.memory_space<hbm>>
      tpu.enqueue_indirect_dma source(%dma_start3A_196 : memref<10000x128xf32, #tpu.memory_space<hbm>>) target(%arg15 : memref<96x128xf32, #tpu.memory_space<vmem>>) offsets(%dma_start3A_193 : memref<96xi32, #tpu.memory_space<vmem>>) semaphore(%arg20 : memref<!tpu.dma_semaphore, #tpu.memory_space<semaphore_mem>>)
      %mul3A_197 = arith.constant 96 : i32
      %mul3A_198 = arith.muli %add3A_182, %mul3A_197 : i32
      %min3A_199 = arith.constant 9904 : i32
      %min3A_200 = arith.minsi %mul3A_198, %min3A_199 : i32
      %dma_wait3A_201 = tpu.memref_slice %arg6[%min3A_200] : memref<10000xi32, #tpu.memory_space<vmem>> -> memref<96xi32, #tpu.memory_space<vmem>>
      %dma_wait3A_202 = arith.constant 0 : i32
      %dma_wait3A_203 = arith.constant 0 : i32
      %dma_wait3A_204 = tpu.memref_slice %arg2[%dma_wait3A_202, %dma_wait3A_203] : memref<10000x128xf32, #tpu.memory_space<hbm>> -> memref<10000x128xf32, #tpu.memory_space<hbm>>
      tpu.wait_indirect_dma semaphore(%arg17 : memref<!tpu.dma_semaphore, #tpu.memory_space<semaphore_mem>>) src(%dma_wait3A_204 : memref<10000x128xf32, #tpu.memory_space<hbm>>) dst(%arg8 : memref<96x128xf32, #tpu.memory_space<vmem>>)
      %dma_wait3A_205 = tpu.memref_slice %arg7[%min3A_200] : memref<10000xi32, #tpu.memory_space<vmem>> -> memref<96xi32, #tpu.memory_space<vmem>>
      %dma_wait3A_206 = arith.constant 0 : i32
      %dma_wait3A_207 = arith.constant 0 : i32
      %dma_wait3A_208 = tpu.memref_slice %arg2[%dma_wait3A_206, %dma_wait3A_207] : memref<10000x128xf32, #tpu.memory_space<hbm>> -> memref<10000x128xf32, #tpu.memory_space<hbm>>
      tpu.wait_indirect_dma semaphore(%arg17 : memref<!tpu.dma_semaphore, #tpu.memory_space<semaphore_mem>>) src(%dma_wait3A_208 : memref<10000x128xf32, #tpu.memory_space<hbm>>) dst(%arg9 : memref<96x128xf32, #tpu.memory_space<vmem>>)
      %mul3A_209 = arith.constant 96 : i32
      %mul3A_210 = arith.muli %add3A_182, %mul3A_209 : i32
      %min3A_211 = arith.constant 9904 : i32
      %min3A_212 = arith.minsi %mul3A_210, %min3A_211 : i32
      %scan3A_213 = arith.constant 0 : i32
      %scan3A_214 = arith.constant 0 : i32
      %scan3A_215 = arith.constant 6 : i32
      %scan3A_216 = arith.addi %scan3A_214, %scan3A_215 : i32
      %scan3A_217 = arith.constant 1 : i32
      %scan3A_218 = scf.for %scan3A_344 = %scan3A_214 to %scan3A_216 step %scan3A_217 iter_args(%scan3A_345 = %scan3A_213) -> (i32)  : i32 {
        %broadcast_in_dim3A = arith.constant 0.000000e+00 : f32
        %broadcast_in_dim3A_346 = vector.broadcast %broadcast_in_dim3A : f32 to vector<16xf32>
        %scan3A_347 = arith.constant 0 : i32
        %scan3A_348 = arith.constant 16 : i32
        %scan3A_349 = arith.addi %scan3A_347, %scan3A_348 : i32
        %scan3A_350 = arith.constant 4 : i32
        %scan3A_351 = scf.for %scan3A_360 = %scan3A_347 to %scan3A_349 step %scan3A_350 iter_args(%scan3A_361 = %broadcast_in_dim3A_346) -> (vector<16xf32>)  : i32 {
          %mul3A_362 = arith.constant 16 : i32
          %mul3A_363 = arith.muli %scan3A_344, %mul3A_362 : i32
          %add3A_364 = arith.addi %mul3A_363, %scan3A_360 : i32
          %get3A = arith.index_cast %add3A_364 : i32 to index
          %get3A_365 = arith.constant 0 : index
          %get3A_366 = tpu.vector_load %arg8[%get3A, %get3A_365] {strides = array<i32>} : memref<96x128xf32, #tpu.memory_space<vmem>>, vector<1x16xf32>,
          %get3A_367 = vector.shape_cast %get3A_366 : vector<1x16xf32> to vector<16xf32>
          %get3A_368 = arith.index_cast %add3A_364 : i32 to index
          %get3A_369 = arith.constant 0 : index
          %get3A_370 = tpu.vector_load %arg9[%get3A_368, %get3A_369] {strides = array<i32>} : memref<96x128xf32, #tpu.memory_space<vmem>>, vector<1x16xf32>,
          %get3A_371 = vector.shape_cast %get3A_370 : vector<1x16xf32> to vector<16xf32>
          %mul3A_372 = arith.mulf %get3A_367, %get3A_371 : vector<16xf32>
          %get3A_373 = arith.index_cast %add3A_364 : i32 to index
          %get3A_374 = arith.constant 16 : index
          %get3A_375 = tpu.vector_load %arg8[%get3A_373, %get3A_374] {strides = array<i32>} : memref<96x128xf32, #tpu.memory_space<vmem>>, vector<1x16xf32>,
          %get3A_376 = vector.shape_cast %get3A_375 : vector<1x16xf32> to vector<16xf32>
          %get3A_377 = arith.index_cast %add3A_364 : i32 to index
          %get3A_378 = arith.constant 16 : index
          %get3A_379 = tpu.vector_load %arg9[%get3A_377, %get3A_378] {strides = array<i32>} : memref<96x128xf32, #tpu.memory_space<vmem>>, vector<1x16xf32>,
          %get3A_380 = vector.shape_cast %get3A_379 : vector<1x16xf32> to vector<16xf32>
          %mul3A_381 = arith.mulf %get3A_376, %get3A_380 : vector<16xf32>
          %add3A_382 = arith.addf %mul3A_372, %mul3A_381 : vector<16xf32>
          %get3A_383 = arith.index_cast %add3A_364 : i32 to index
          %get3A_384 = arith.constant 32 : index
          %get3A_385 = tpu.vector_load %arg8[%get3A_383, %get3A_384] {strides = array<i32>} : memref<96x128xf32, #tpu.memory_space<vmem>>, vector<1x16xf32>,
          %get3A_386 = vector.shape_cast %get3A_385 : vector<1x16xf32> to vector<16xf32>
          %get3A_387 = arith.index_cast %add3A_364 : i32 to index
          %get3A_388 = arith.constant 32 : index
          %get3A_389 = tpu.vector_load %arg9[%get3A_387, %get3A_388] {strides = array<i32>} : memref<96x128xf32, #tpu.memory_space<vmem>>, vector<1x16xf32>,
          %get3A_390 = vector.shape_cast %get3A_389 : vector<1x16xf32> to vector<16xf32>
          %mul3A_391 = arith.mulf %get3A_386, %get3A_390 : vector<16xf32>
          %add3A_392 = arith.addf %add3A_382, %mul3A_391 : vector<16xf32>
          %get3A_393 = arith.index_cast %add3A_364 : i32 to index
          %get3A_394 = arith.constant 48 : index
          %get3A_395 = tpu.vector_load %arg8[%get3A_393, %get3A_394] {strides = array<i32>} : memref<96x128xf32, #tpu.memory_space<vmem>>, vector<1x16xf32>,
          %get3A_396 = vector.shape_cast %get3A_395 : vector<1x16xf32> to vector<16xf32>
          %get3A_397 = arith.index_cast %add3A_364 : i32 to index
          %get3A_398 = arith.constant 48 : index
          %get3A_399 = tpu.vector_load %arg9[%get3A_397, %get3A_398] {strides = array<i32>} : memref<96x128xf32, #tpu.memory_space<vmem>>, vector<1x16xf32>,
          %get3A_400 = vector.shape_cast %get3A_399 : vector<1x16xf32> to vector<16xf32>
          %mul3A_401 = arith.mulf %get3A_396, %get3A_400 : vector<16xf32>
          %add3A_402 = arith.addf %add3A_392, %mul3A_401 : vector<16xf32>
          %get3A_403 = arith.index_cast %add3A_364 : i32 to index
          %get3A_404 = arith.constant 64 : index
          %get3A_405 = tpu.vector_load %arg8[%get3A_403, %get3A_404] {strides = array<i32>} : memref<96x128xf32, #tpu.memory_space<vmem>>, vector<1x16xf32>,
          %get3A_406 = vector.shape_cast %get3A_405 : vector<1x16xf32> to vector<16xf32>
          %get3A_407 = arith.index_cast %add3A_364 : i32 to index
          %get3A_408 = arith.constant 64 : index
          %get3A_409 = tpu.vector_load %arg9[%get3A_407, %get3A_408] {strides = array<i32>} : memref<96x128xf32, #tpu.memory_space<vmem>>, vector<1x16xf32>,
          %get3A_410 = vector.shape_cast %get3A_409 : vector<1x16xf32> to vector<16xf32>
          %mul3A_411 = arith.mulf %get3A_406, %get3A_410 : vector<16xf32>
          %add3A_412 = arith.addf %add3A_402, %mul3A_411 : vector<16xf32>
          %get3A_413 = arith.index_cast %add3A_364 : i32 to index
          %get3A_414 = arith.constant 80 : index
          %get3A_415 = tpu.vector_load %arg8[%get3A_413, %get3A_414] {strides = array<i32>} : memref<96x128xf32, #tpu.memory_space<vmem>>, vector<1x16xf32>,
          %get3A_416 = vector.shape_cast %get3A_415 : vector<1x16xf32> to vector<16xf32>
          %get3A_417 = arith.index_cast %add3A_364 : i32 to index
          %get3A_418 = arith.constant 80 : index
          %get3A_419 = tpu.vector_load %arg9[%get3A_417, %get3A_418] {strides = array<i32>} : memref<96x128xf32, #tpu.memory_space<vmem>>, vector<1x16xf32>,
          %get3A_420 = vector.shape_cast %get3A_419 : vector<1x16xf32> to vector<16xf32>
          %mul3A_421 = arith.mulf %get3A_416, %get3A_420 : vector<16xf32>
          %add3A_422 = arith.addf %add3A_412, %mul3A_421 : vector<16xf32>
          %get3A_423 = arith.index_cast %add3A_364 : i32 to index
          %get3A_424 = arith.constant 96 : index
          %get3A_425 = tpu.vector_load %arg8[%get3A_423, %get3A_424] {strides = array<i32>} : memref<96x128xf32, #tpu.memory_space<vmem>>, vector<1x16xf32>,
          %get3A_426 = vector.shape_cast %get3A_425 : vector<1x16xf32> to vector<16xf32>
          %get3A_427 = arith.index_cast %add3A_364 : i32 to index
          %get3A_428 = arith.constant 96 : index
          %get3A_429 = tpu.vector_load %arg9[%get3A_427, %get3A_428] {strides = array<i32>} : memref<96x128xf32, #tpu.memory_space<vmem>>, vector<1x16xf32>,
          %get3A_430 = vector.shape_cast %get3A_429 : vector<1x16xf32> to vector<16xf32>
          %mul3A_431 = arith.mulf %get3A_426, %get3A_430 : vector<16xf32>
          %add3A_432 = arith.addf %add3A_422, %mul3A_431 : vector<16xf32>
          %get3A_433 = arith.index_cast %add3A_364 : i32 to index
          %get3A_434 = arith.constant 112 : index
          %get3A_435 = tpu.vector_load %arg8[%get3A_433, %get3A_434] {strides = array<i32>} : memref<96x128xf32, #tpu.memory_space<vmem>>, vector<1x16xf32>,
          %get3A_436 = vector.shape_cast %get3A_435 : vector<1x16xf32> to vector<16xf32>
          %get3A_437 = arith.index_cast %add3A_364 : i32 to index
          %get3A_438 = arith.constant 112 : index
          %get3A_439 = tpu.vector_load %arg9[%get3A_437, %get3A_438] {strides = array<i32>} : memref<96x128xf32, #tpu.memory_space<vmem>>, vector<1x16xf32>,
          %get3A_440 = vector.shape_cast %get3A_439 : vector<1x16xf32> to vector<16xf32>
          %mul3A_441 = arith.mulf %get3A_436, %get3A_440 : vector<16xf32>
          %add3A_442 = arith.addf %add3A_432, %mul3A_441 : vector<16xf32>
          %broadcast_in_dim3A_443 = vector.shape_cast %xor3A_4 : vector<16xi32> to vector<16x1xi32>
          %gather3A = vector.shape_cast %broadcast_in_dim3A_443 : vector<16x1xi32> to vector<16xi32>
          %gather3A_444 = tpu.dynamic_gather %add3A_442[%gather3A] in [0] : vector<16xf32>, vector<16xi32> -> vector<16xf32>
          %add3A_445 = arith.addf %add3A_442, %gather3A_444 : vector<16xf32>
          %broadcast_in_dim3A_446 = vector.shape_cast %xor3A_7 : vector<16xi32> to vector<16x1xi32>
          %gather3A_447 = vector.shape_cast %broadcast_in_dim3A_446 : vector<16x1xi32> to vector<16xi32>
          %gather3A_448 = tpu.dynamic_gather %add3A_445[%gather3A_447] in [0] : vector<16xf32>, vector<16xi32> -> vector<16xf32>
          %add3A_449 = arith.addf %add3A_445, %gather3A_448 : vector<16xf32>
          %broadcast_in_dim3A_450 = vector.shape_cast %xor3A_10 : vector<16xi32> to vector<16x1xi32>
          %gather3A_451 = vector.shape_cast %broadcast_in_dim3A_450 : vector<16x1xi32> to vector<16xi32>
          %gather3A_452 = tpu.dynamic_gather %add3A_449[%gather3A_451] in [0] : vector<16xf32>, vector<16xi32> -> vector<16xf32>
          %add3A_453 = arith.addf %add3A_449, %gather3A_452 : vector<16xf32>
          %broadcast_in_dim3A_454 = vector.shape_cast %xor3A_13 : vector<16xi32> to vector<16x1xi32>
          %gather3A_455 = vector.shape_cast %broadcast_in_dim3A_454 : vector<16x1xi32> to vector<16xi32>
          %gather3A_456 = tpu.dynamic_gather %add3A_453[%gather3A_455] in [0] : vector<16xf32>, vector<16xi32> -> vector<16xf32>
          %add3A_457 = arith.addf %add3A_453, %gather3A_456 : vector<16xf32>
          %eq3A = vector.broadcast %scan3A_360 : i32 to vector<16xi32>
          %eq3A_458 = arith.cmpi eq, %iota3A, %eq3A : vector<16xi32>
          %select_n3A = arith.select %eq3A_458, %add3A_457, %scan3A_361 : vector<16xi1>, vector<16xf32>
          %scan3A_459 = arith.constant 1 : i32
          %scan3A_460 = arith.addi %scan3A_360, %scan3A_459 : i32
          %mul3A_461 = arith.constant 16 : i32
          %mul3A_462 = arith.muli %scan3A_344, %mul3A_461 : i32
          %add3A_463 = arith.addi %mul3A_462, %scan3A_460 : i32
          %get3A_464 = arith.index_cast %add3A_463 : i32 to index
          %get3A_465 = arith.constant 0 : index
          %get3A_466 = tpu.vector_load %arg8[%get3A_464, %get3A_465] {strides = array<i32>} : memref<96x128xf32, #tpu.memory_space<vmem>>, vector<1x16xf32>,
          %get3A_467 = vector.shape_cast %get3A_466 : vector<1x16xf32> to vector<16xf32>
          %get3A_468 = arith.index_cast %add3A_463 : i32 to index
          %get3A_469 = arith.constant 0 : index
          %get3A_470 = tpu.vector_load %arg9[%get3A_468, %get3A_469] {strides = array<i32>} : memref<96x128xf32, #tpu.memory_space<vmem>>, vector<1x16xf32>,
          %get3A_471 = vector.shape_cast %get3A_470 : vector<1x16xf32> to vector<16xf32>
          %mul3A_472 = arith.mulf %get3A_467, %get3A_471 : vector<16xf32>
          %get3A_473 = arith.index_cast %add3A_463 : i32 to index
          %get3A_474 = arith.constant 16 : index
          %get3A_475 = tpu.vector_load %arg8[%get3A_473, %get3A_474] {strides = array<i32>} : memref<96x128xf32, #tpu.memory_space<vmem>>, vector<1x16xf32>,
          %get3A_476 = vector.shape_cast %get3A_475 : vector<1x16xf32> to vector<16xf32>
          %get3A_477 = arith.index_cast %add3A_463 : i32 to index
          %get3A_478 = arith.constant 16 : index
          %get3A_479 = tpu.vector_load %arg9[%get3A_477, %get3A_478] {strides = array<i32>} : memref<96x128xf32, #tpu.memory_space<vmem>>, vector<1x16xf32>,
          %get3A_480 = vector.shape_cast %get3A_479 : vector<1x16xf32> to vector<16xf32>
          %mul3A_481 = arith.mulf %get3A_476, %get3A_480 : vector<16xf32>
          %add3A_482 = arith.addf %mul3A_472, %mul3A_481 : vector<16xf32>
          %get3A_483 = arith.index_cast %add3A_463 : i32 to index
          %get3A_484 = arith.constant 32 : index
          %get3A_485 = tpu.vector_load %arg8[%get3A_483, %get3A_484] {strides = array<i32>} : memref<96x128xf32, #tpu.memory_space<vmem>>, vector<1x16xf32>,
          %get3A_486 = vector.shape_cast %get3A_485 : vector<1x16xf32> to vector<16xf32>
          %get3A_487 = arith.index_cast %add3A_463 : i32 to index
          %get3A_488 = arith.constant 32 : index
          %get3A_489 = tpu.vector_load %arg9[%get3A_487, %get3A_488] {strides = array<i32>} : memref<96x128xf32, #tpu.memory_space<vmem>>, vector<1x16xf32>,
          %get3A_490 = vector.shape_cast %get3A_489 : vector<1x16xf32> to vector<16xf32>
          %mul3A_491 = arith.mulf %get3A_486, %get3A_490 : vector<16xf32>
          %add3A_492 = arith.addf %add3A_482, %mul3A_491 : vector<16xf32>
          %get3A_493 = arith.index_cast %add3A_463 : i32 to index
          %get3A_494 = arith.constant 48 : index
          %get3A_495 = tpu.vector_load %arg8[%get3A_493, %get3A_494] {strides = array<i32>} : memref<96x128xf32, #tpu.memory_space<vmem>>, vector<1x16xf32>,
          %get3A_496 = vector.shape_cast %get3A_495 : vector<1x16xf32> to vector<16xf32>
          %get3A_497 = arith.index_cast %add3A_463 : i32 to index
          %get3A_498 = arith.constant 48 : index
          %get3A_499 = tpu.vector_load %arg9[%get3A_497, %get3A_498] {strides = array<i32>} : memref<96x128xf32, #tpu.memory_space<vmem>>, vector<1x16xf32>,
          %get3A_500 = vector.shape_cast %get3A_499 : vector<1x16xf32> to vector<16xf32>
          %mul3A_501 = arith.mulf %get3A_496, %get3A_500 : vector<16xf32>
          %add3A_502 = arith.addf %add3A_492, %mul3A_501 : vector<16xf32>
          %get3A_503 = arith.index_cast %add3A_463 : i32 to index
          %get3A_504 = arith.constant 64 : index
          %get3A_505 = tpu.vector_load %arg8[%get3A_503, %get3A_504] {strides = array<i32>} : memref<96x128xf32, #tpu.memory_space<vmem>>, vector<1x16xf32>,
          %get3A_506 = vector.shape_cast %get3A_505 : vector<1x16xf32> to vector<16xf32>
          %get3A_507 = arith.index_cast %add3A_463 : i32 to index
          %get3A_508 = arith.constant 64 : index
          %get3A_509 = tpu.vector_load %arg9[%get3A_507, %get3A_508] {strides = array<i32>} : memref<96x128xf32, #tpu.memory_space<vmem>>, vector<1x16xf32>,
          %get3A_510 = vector.shape_cast %get3A_509 : vector<1x16xf32> to vector<16xf32>
          %mul3A_511 = arith.mulf %get3A_506, %get3A_510 : vector<16xf32>
          %add3A_512 = arith.addf %add3A_502, %mul3A_511 : vector<16xf32>
          %get3A_513 = arith.index_cast %add3A_463 : i32 to index
          %get3A_514 = arith.constant 80 : index
          %get3A_515 = tpu.vector_load %arg8[%get3A_513, %get3A_514] {strides = array<i32>} : memref<96x128xf32, #tpu.memory_space<vmem>>, vector<1x16xf32>,
          %get3A_516 = vector.shape_cast %get3A_515 : vector<1x16xf32> to vector<16xf32>
          %get3A_517 = arith.index_cast %add3A_463 : i32 to index
          %get3A_518 = arith.constant 80 : index
          %get3A_519 = tpu.vector_load %arg9[%get3A_517, %get3A_518] {strides = array<i32>} : memref<96x128xf32, #tpu.memory_space<vmem>>, vector<1x16xf32>,
          %get3A_520 = vector.shape_cast %get3A_519 : vector<1x16xf32> to vector<16xf32>
          %mul3A_521 = arith.mulf %get3A_516, %get3A_520 : vector<16xf32>
          %add3A_522 = arith.addf %add3A_512, %mul3A_521 : vector<16xf32>
          %get3A_523 = arith.index_cast %add3A_463 : i32 to index
          %get3A_524 = arith.constant 96 : index
          %get3A_525 = tpu.vector_load %arg8[%get3A_523, %get3A_524] {strides = array<i32>} : memref<96x128xf32, #tpu.memory_space<vmem>>, vector<1x16xf32>,
          %get3A_526 = vector.shape_cast %get3A_525 : vector<1x16xf32> to vector<16xf32>
          %get3A_527 = arith.index_cast %add3A_463 : i32 to index
          %get3A_528 = arith.constant 96 : index
          %get3A_529 = tpu.vector_load %arg9[%get3A_527, %get3A_528] {strides = array<i32>} : memref<96x128xf32, #tpu.memory_space<vmem>>, vector<1x16xf32>,
          %get3A_530 = vector.shape_cast %get3A_529 : vector<1x16xf32> to vector<16xf32>
          %mul3A_531 = arith.mulf %get3A_526, %get3A_530 : vector<16xf32>
          %add3A_532 = arith.addf %add3A_522, %mul3A_531 : vector<16xf32>
          %get3A_533 = arith.index_cast %add3A_463 : i32 to index
          %get3A_534 = arith.constant 112 : index
          %get3A_535 = tpu.vector_load %arg8[%get3A_533, %get3A_534] {strides = array<i32>} : memref<96x128xf32, #tpu.memory_space<vmem>>, vector<1x16xf32>,
          %get3A_536 = vector.shape_cast %get3A_535 : vector<1x16xf32> to vector<16xf32>
          %get3A_537 = arith.index_cast %add3A_463 : i32 to index
          %get3A_538 = arith.constant 112 : index
          %get3A_539 = tpu.vector_load %arg9[%get3A_537, %get3A_538] {strides = array<i32>} : memref<96x128xf32, #tpu.memory_space<vmem>>, vector<1x16xf32>,
          %get3A_540 = vector.shape_cast %get3A_539 : vector<1x16xf32> to vector<16xf32>
          %mul3A_541 = arith.mulf %get3A_536, %get3A_540 : vector<16xf32>
          %add3A_542 = arith.addf %add3A_532, %mul3A_541 : vector<16xf32>
          %broadcast_in_dim3A_543 = vector.shape_cast %xor3A_4 : vector<16xi32> to vector<16x1xi32>
          %gather3A_544 = vector.shape_cast %broadcast_in_dim3A_543 : vector<16x1xi32> to vector<16xi32>
          %gather3A_545 = tpu.dynamic_gather %add3A_542[%gather3A_544] in [0] : vector<16xf32>, vector<16xi32> -> vector<16xf32>
          %add3A_546 = arith.addf %add3A_542, %gather3A_545 : vector<16xf32>
          %broadcast_in_dim3A_547 = vector.shape_cast %xor3A_7 : vector<16xi32> to vector<16x1xi32>
          %gather3A_548 = vector.shape_cast %broadcast_in_dim3A_547 : vector<16x1xi32> to vector<16xi32>
          %gather3A_549 = tpu.dynamic_gather %add3A_546[%gather3A_548] in [0] : vector<16xf32>, vector<16xi32> -> vector<16xf32>
          %add3A_550 = arith.addf %add3A_546, %gather3A_549 : vector<16xf32>
          %broadcast_in_dim3A_551 = vector.shape_cast %xor3A_10 : vector<16xi32> to vector<16x1xi32>
          %gather3A_552 = vector.shape_cast %broadcast_in_dim3A_551 : vector<16x1xi32> to vector<16xi32>
          %gather3A_553 = tpu.dynamic_gather %add3A_550[%gather3A_552] in [0] : vector<16xf32>, vector<16xi32> -> vector<16xf32>
          %add3A_554 = arith.addf %add3A_550, %gather3A_553 : vector<16xf32>
          %broadcast_in_dim3A_555 = vector.shape_cast %xor3A_13 : vector<16xi32> to vector<16x1xi32>
          %gather3A_556 = vector.shape_cast %broadcast_in_dim3A_555 : vector<16x1xi32> to vector<16xi32>
          %gather3A_557 = tpu.dynamic_gather %add3A_554[%gather3A_556] in [0] : vector<16xf32>, vector<16xi32> -> vector<16xf32>
          %add3A_558 = arith.addf %add3A_554, %gather3A_557 : vector<16xf32>
          %eq3A_559 = vector.broadcast %scan3A_460 : i32 to vector<16xi32>
          %eq3A_560 = arith.cmpi eq, %iota3A, %eq3A_559 : vector<16xi32>
          %select_n3A_561 = arith.select %eq3A_560, %add3A_558, %select_n3A : vector<16xi1>, vector<16xf32>
          %scan3A_562 = arith.constant 2 : i32
          %scan3A_563 = arith.addi %scan3A_360, %scan3A_562 : i32
          %mul3A_564 = arith.constant 16 : i32
          %mul3A_565 = arith.muli %scan3A_344, %mul3A_564 : i32
          %add3A_566 = arith.addi %mul3A_565, %scan3A_563 : i32
          %get3A_567 = arith.index_cast %add3A_566 : i32 to index
          %get3A_568 = arith.constant 0 : index
          %get3A_569 = tpu.vector_load %arg8[%get3A_567, %get3A_568] {strides = array<i32>} : memref<96x128xf32, #tpu.memory_space<vmem>>, vector<1x16xf32>,
          %get3A_570 = vector.shape_cast %get3A_569 : vector<1x16xf32> to vector<16xf32>
          %get3A_571 = arith.index_cast %add3A_566 : i32 to index
          %get3A_572 = arith.constant 0 : index
          %get3A_573 = tpu.vector_load %arg9[%get3A_571, %get3A_572] {strides = array<i32>} : memref<96x128xf32, #tpu.memory_space<vmem>>, vector<1x16xf32>,
          %get3A_574 = vector.shape_cast %get3A_573 : vector<1x16xf32> to vector<16xf32>
          %mul3A_575 = arith.mulf %get3A_570, %get3A_574 : vector<16xf32>
          %get3A_576 = arith.index_cast %add3A_566 : i32 to index
          %get3A_577 = arith.constant 16 : index
          %get3A_578 = tpu.vector_load %arg8[%get3A_576, %get3A_577] {strides = array<i32>} : memref<96x128xf32, #tpu.memory_space<vmem>>, vector<1x16xf32>,
          %get3A_579 = vector.shape_cast %get3A_578 : vector<1x16xf32> to vector<16xf32>
          %get3A_580 = arith.index_cast %add3A_566 : i32 to index
          %get3A_581 = arith.constant 16 : index
          %get3A_582 = tpu.vector_load %arg9[%get3A_580, %get3A_581] {strides = array<i32>} : memref<96x128xf32, #tpu.memory_space<vmem>>, vector<1x16xf32>,
          %get3A_583 = vector.shape_cast %get3A_582 : vector<1x16xf32> to vector<16xf32>
          %mul3A_584 = arith.mulf %get3A_579, %get3A_583 : vector<16xf32>
          %add3A_585 = arith.addf %mul3A_575, %mul3A_584 : vector<16xf32>
          %get3A_586 = arith.index_cast %add3A_566 : i32 to index
          %get3A_587 = arith.constant 32 : index
          %get3A_588 = tpu.vector_load %arg8[%get3A_586, %get3A_587] {strides = array<i32>} : memref<96x128xf32, #tpu.memory_space<vmem>>, vector<1x16xf32>,
          %get3A_589 = vector.shape_cast %get3A_588 : vector<1x16xf32> to vector<16xf32>
          %get3A_590 = arith.index_cast %add3A_566 : i32 to index
          %get3A_591 = arith.constant 32 : index
          %get3A_592 = tpu.vector_load %arg9[%get3A_590, %get3A_591] {strides = array<i32>} : memref<96x128xf32, #tpu.memory_space<vmem>>, vector<1x16xf32>,
          %get3A_593 = vector.shape_cast %get3A_592 : vector<1x16xf32> to vector<16xf32>
          %mul3A_594 = arith.mulf %get3A_589, %get3A_593 : vector<16xf32>
          %add3A_595 = arith.addf %add3A_585, %mul3A_594 : vector<16xf32>
          %get3A_596 = arith.index_cast %add3A_566 : i32 to index
          %get3A_597 = arith.constant 48 : index
          %get3A_598 = tpu.vector_load %arg8[%get3A_596, %get3A_597] {strides = array<i32>} : memref<96x128xf32, #tpu.memory_space<vmem>>, vector<1x16xf32>,
          %get3A_599 = vector.shape_cast %get3A_598 : vector<1x16xf32> to vector<16xf32>
          %get3A_600 = arith.index_cast %add3A_566 : i32 to index
          %get3A_601 = arith.constant 48 : index
          %get3A_602 = tpu.vector_load %arg9[%get3A_600, %get3A_601] {strides = array<i32>} : memref<96x128xf32, #tpu.memory_space<vmem>>, vector<1x16xf32>,
          %get3A_603 = vector.shape_cast %get3A_602 : vector<1x16xf32> to vector<16xf32>
          %mul3A_604 = arith.mulf %get3A_599, %get3A_603 : vector<16xf32>
          %add3A_605 = arith.addf %add3A_595, %mul3A_604 : vector<16xf32>
          %get3A_606 = arith.index_cast %add3A_566 : i32 to index
          %get3A_607 = arith.constant 64 : index
          %get3A_608 = tpu.vector_load %arg8[%get3A_606, %get3A_607] {strides = array<i32>} : memref<96x128xf32, #tpu.memory_space<vmem>>, vector<1x16xf32>,
          %get3A_609 = vector.shape_cast %get3A_608 : vector<1x16xf32> to vector<16xf32>
          %get3A_610 = arith.index_cast %add3A_566 : i32 to index
          %get3A_611 = arith.constant 64 : index
          %get3A_612 = tpu.vector_load %arg9[%get3A_610, %get3A_611] {strides = array<i32>} : memref<96x128xf32, #tpu.memory_space<vmem>>, vector<1x16xf32>,
          %get3A_613 = vector.shape_cast %get3A_612 : vector<1x16xf32> to vector<16xf32>
          %mul3A_614 = arith.mulf %get3A_609, %get3A_613 : vector<16xf32>
          %add3A_615 = arith.addf %add3A_605, %mul3A_614 : vector<16xf32>
          %get3A_616 = arith.index_cast %add3A_566 : i32 to index
          %get3A_617 = arith.constant 80 : index
          %get3A_618 = tpu.vector_load %arg8[%get3A_616, %get3A_617] {strides = array<i32>} : memref<96x128xf32, #tpu.memory_space<vmem>>, vector<1x16xf32>,
          %get3A_619 = vector.shape_cast %get3A_618 : vector<1x16xf32> to vector<16xf32>
          %get3A_620 = arith.index_cast %add3A_566 : i32 to index
          %get3A_621 = arith.constant 80 : index
          %get3A_622 = tpu.vector_load %arg9[%get3A_620, %get3A_621] {strides = array<i32>} : memref<96x128xf32, #tpu.memory_space<vmem>>, vector<1x16xf32>,
          %get3A_623 = vector.shape_cast %get3A_622 : vector<1x16xf32> to vector<16xf32>
          %mul3A_624 = arith.mulf %get3A_619, %get3A_623 : vector<16xf32>
          %add3A_625 = arith.addf %add3A_615, %mul3A_624 : vector<16xf32>
          %get3A_626 = arith.index_cast %add3A_566 : i32 to index
          %get3A_627 = arith.constant 96 : index
          %get3A_628 = tpu.vector_load %arg8[%get3A_626, %get3A_627] {strides = array<i32>} : memref<96x128xf32, #tpu.memory_space<vmem>>, vector<1x16xf32>,
          %get3A_629 = vector.shape_cast %get3A_628 : vector<1x16xf32> to vector<16xf32>
          %get3A_630 = arith.index_cast %add3A_566 : i32 to index
          %get3A_631 = arith.constant 96 : index
          %get3A_632 = tpu.vector_load %arg9[%get3A_630, %get3A_631] {strides = array<i32>} : memref<96x128xf32, #tpu.memory_space<vmem>>, vector<1x16xf32>,
          %get3A_633 = vector.shape_cast %get3A_632 : vector<1x16xf32> to vector<16xf32>
          %mul3A_634 = arith.mulf %get3A_629, %get3A_633 : vector<16xf32>
          %add3A_635 = arith.addf %add3A_625, %mul3A_634 : vector<16xf32>
          %get3A_636 = arith.index_cast %add3A_566 : i32 to index
          %get3A_637 = arith.constant 112 : index
          %get3A_638 = tpu.vector_load %arg8[%get3A_636, %get3A_637] {strides = array<i32>} : memref<96x128xf32, #tpu.memory_space<vmem>>, vector<1x16xf32>,
          %get3A_639 = vector.shape_cast %get3A_638 : vector<1x16xf32> to vector<16xf32>
          %get3A_640 = arith.index_cast %add3A_566 : i32 to index
          %get3A_641 = arith.constant 112 : index
          %get3A_642 = tpu.vector_load %arg9[%get3A_640, %get3A_641] {strides = array<i32>} : memref<96x128xf32, #tpu.memory_space<vmem>>, vector<1x16xf32>,
          %get3A_643 = vector.shape_cast %get3A_642 : vector<1x16xf32> to vector<16xf32>
          %mul3A_644 = arith.mulf %get3A_639, %get3A_643 : vector<16xf32>
          %add3A_645 = arith.addf %add3A_635, %mul3A_644 : vector<16xf32>
          %broadcast_in_dim3A_646 = vector.shape_cast %xor3A_4 : vector<16xi32> to vector<16x1xi32>
          %gather3A_647 = vector.shape_cast %broadcast_in_dim3A_646 : vector<16x1xi32> to vector<16xi32>
          %gather3A_648 = tpu.dynamic_gather %add3A_645[%gather3A_647] in [0] : vector<16xf32>, vector<16xi32> -> vector<16xf32>
          %add3A_649 = arith.addf %add3A_645, %gather3A_648 : vector<16xf32>
          %broadcast_in_dim3A_650 = vector.shape_cast %xor3A_7 : vector<16xi32> to vector<16x1xi32>
          %gather3A_651 = vector.shape_cast %broadcast_in_dim3A_650 : vector<16x1xi32> to vector<16xi32>
          %gather3A_652 = tpu.dynamic_gather %add3A_649[%gather3A_651] in [0] : vector<16xf32>, vector<16xi32> -> vector<16xf32>
          %add3A_653 = arith.addf %add3A_649, %gather3A_652 : vector<16xf32>
          %broadcast_in_dim3A_654 = vector.shape_cast %xor3A_10 : vector<16xi32> to vector<16x1xi32>
          %gather3A_655 = vector.shape_cast %broadcast_in_dim3A_654 : vector<16x1xi32> to vector<16xi32>
          %gather3A_656 = tpu.dynamic_gather %add3A_653[%gather3A_655] in [0] : vector<16xf32>, vector<16xi32> -> vector<16xf32>
          %add3A_657 = arith.addf %add3A_653, %gather3A_656 : vector<16xf32>
          %broadcast_in_dim3A_658 = vector.shape_cast %xor3A_13 : vector<16xi32> to vector<16x1xi32>
          %gather3A_659 = vector.shape_cast %broadcast_in_dim3A_658 : vector<16x1xi32> to vector<16xi32>
          %gather3A_660 = tpu.dynamic_gather %add3A_657[%gather3A_659] in [0] : vector<16xf32>, vector<16xi32> -> vector<16xf32>
          %add3A_661 = arith.addf %add3A_657, %gather3A_660 : vector<16xf32>
          %eq3A_662 = vector.broadcast %scan3A_563 : i32 to vector<16xi32>
          %eq3A_663 = arith.cmpi eq, %iota3A, %eq3A_662 : vector<16xi32>
          %select_n3A_664 = arith.select %eq3A_663, %add3A_661, %select_n3A_561 : vector<16xi1>, vector<16xf32>
          %scan3A_665 = arith.constant 3 : i32
          %scan3A_666 = arith.addi %scan3A_360, %scan3A_665 : i32
          %mul3A_667 = arith.constant 16 : i32
          %mul3A_668 = arith.muli %scan3A_344, %mul3A_667 : i32
          %add3A_669 = arith.addi %mul3A_668, %scan3A_666 : i32
          %get3A_670 = arith.index_cast %add3A_669 : i32 to index
          %get3A_671 = arith.constant 0 : index
          %get3A_672 = tpu.vector_load %arg8[%get3A_670, %get3A_671] {strides = array<i32>} : memref<96x128xf32, #tpu.memory_space<vmem>>, vector<1x16xf32>,
          %get3A_673 = vector.shape_cast %get3A_672 : vector<1x16xf32> to vector<16xf32>
          %get3A_674 = arith.index_cast %add3A_669 : i32 to index
          %get3A_675 = arith.constant 0 : index
          %get3A_676 = tpu.vector_load %arg9[%get3A_674, %get3A_675] {strides = array<i32>} : memref<96x128xf32, #tpu.memory_space<vmem>>, vector<1x16xf32>,
          %get3A_677 = vector.shape_cast %get3A_676 : vector<1x16xf32> to vector<16xf32>
          %mul3A_678 = arith.mulf %get3A_673, %get3A_677 : vector<16xf32>
          %get3A_679 = arith.index_cast %add3A_669 : i32 to index
          %get3A_680 = arith.constant 16 : index
          %get3A_681 = tpu.vector_load %arg8[%get3A_679, %get3A_680] {strides = array<i32>} : memref<96x128xf32, #tpu.memory_space<vmem>>, vector<1x16xf32>,
          %get3A_682 = vector.shape_cast %get3A_681 : vector<1x16xf32> to vector<16xf32>
          %get3A_683 = arith.index_cast %add3A_669 : i32 to index
          %get3A_684 = arith.constant 16 : index
          %get3A_685 = tpu.vector_load %arg9[%get3A_683, %get3A_684] {strides = array<i32>} : memref<96x128xf32, #tpu.memory_space<vmem>>, vector<1x16xf32>,
          %get3A_686 = vector.shape_cast %get3A_685 : vector<1x16xf32> to vector<16xf32>
          %mul3A_687 = arith.mulf %get3A_682, %get3A_686 : vector<16xf32>
          %add3A_688 = arith.addf %mul3A_678, %mul3A_687 : vector<16xf32>
          %get3A_689 = arith.index_cast %add3A_669 : i32 to index
          %get3A_690 = arith.constant 32 : index
          %get3A_691 = tpu.vector_load %arg8[%get3A_689, %get3A_690] {strides = array<i32>} : memref<96x128xf32, #tpu.memory_space<vmem>>, vector<1x16xf32>,
          %get3A_692 = vector.shape_cast %get3A_691 : vector<1x16xf32> to vector<16xf32>
          %get3A_693 = arith.index_cast %add3A_669 : i32 to index
          %get3A_694 = arith.constant 32 : index
          %get3A_695 = tpu.vector_load %arg9[%get3A_693, %get3A_694] {strides = array<i32>} : memref<96x128xf32, #tpu.memory_space<vmem>>, vector<1x16xf32>,
          %get3A_696 = vector.shape_cast %get3A_695 : vector<1x16xf32> to vector<16xf32>
          %mul3A_697 = arith.mulf %get3A_692, %get3A_696 : vector<16xf32>
          %add3A_698 = arith.addf %add3A_688, %mul3A_697 : vector<16xf32>
          %get3A_699 = arith.index_cast %add3A_669 : i32 to index
          %get3A_700 = arith.constant 48 : index
          %get3A_701 = tpu.vector_load %arg8[%get3A_699, %get3A_700] {strides = array<i32>} : memref<96x128xf32, #tpu.memory_space<vmem>>, vector<1x16xf32>,
          %get3A_702 = vector.shape_cast %get3A_701 : vector<1x16xf32> to vector<16xf32>
          %get3A_703 = arith.index_cast %add3A_669 : i32 to index
          %get3A_704 = arith.constant 48 : index
          %get3A_705 = tpu.vector_load %arg9[%get3A_703, %get3A_704] {strides = array<i32>} : memref<96x128xf32, #tpu.memory_space<vmem>>, vector<1x16xf32>,
          %get3A_706 = vector.shape_cast %get3A_705 : vector<1x16xf32> to vector<16xf32>
          %mul3A_707 = arith.mulf %get3A_702, %get3A_706 : vector<16xf32>
          %add3A_708 = arith.addf %add3A_698, %mul3A_707 : vector<16xf32>
          %get3A_709 = arith.index_cast %add3A_669 : i32 to index
          %get3A_710 = arith.constant 64 : index
          %get3A_711 = tpu.vector_load %arg8[%get3A_709, %get3A_710] {strides = array<i32>} : memref<96x128xf32, #tpu.memory_space<vmem>>, vector<1x16xf32>,
          %get3A_712 = vector.shape_cast %get3A_711 : vector<1x16xf32> to vector<16xf32>
          %get3A_713 = arith.index_cast %add3A_669 : i32 to index
          %get3A_714 = arith.constant 64 : index
          %get3A_715 = tpu.vector_load %arg9[%get3A_713, %get3A_714] {strides = array<i32>} : memref<96x128xf32, #tpu.memory_space<vmem>>, vector<1x16xf32>,
          %get3A_716 = vector.shape_cast %get3A_715 : vector<1x16xf32> to vector<16xf32>
          %mul3A_717 = arith.mulf %get3A_712, %get3A_716 : vector<16xf32>
          %add3A_718 = arith.addf %add3A_708, %mul3A_717 : vector<16xf32>
          %get3A_719 = arith.index_cast %add3A_669 : i32 to index
          %get3A_720 = arith.constant 80 : index
          %get3A_721 = tpu.vector_load %arg8[%get3A_719, %get3A_720] {strides = array<i32>} : memref<96x128xf32, #tpu.memory_space<vmem>>, vector<1x16xf32>,
          %get3A_722 = vector.shape_cast %get3A_721 : vector<1x16xf32> to vector<16xf32>
          %get3A_723 = arith.index_cast %add3A_669 : i32 to index
          %get3A_724 = arith.constant 80 : index
          %get3A_725 = tpu.vector_load %arg9[%get3A_723, %get3A_724] {strides = array<i32>} : memref<96x128xf32, #tpu.memory_space<vmem>>, vector<1x16xf32>,
          %get3A_726 = vector.shape_cast %get3A_725 : vector<1x16xf32> to vector<16xf32>
          %mul3A_727 = arith.mulf %get3A_722, %get3A_726 : vector<16xf32>
          %add3A_728 = arith.addf %add3A_718, %mul3A_727 : vector<16xf32>
          %get3A_729 = arith.index_cast %add3A_669 : i32 to index
          %get3A_730 = arith.constant 96 : index
          %get3A_731 = tpu.vector_load %arg8[%get3A_729, %get3A_730] {strides = array<i32>} : memref<96x128xf32, #tpu.memory_space<vmem>>, vector<1x16xf32>,
          %get3A_732 = vector.shape_cast %get3A_731 : vector<1x16xf32> to vector<16xf32>
          %get3A_733 = arith.index_cast %add3A_669 : i32 to index
          %get3A_734 = arith.constant 96 : index
          %get3A_735 = tpu.vector_load %arg9[%get3A_733, %get3A_734] {strides = array<i32>} : memref<96x128xf32, #tpu.memory_space<vmem>>, vector<1x16xf32>,
          %get3A_736 = vector.shape_cast %get3A_735 : vector<1x16xf32> to vector<16xf32>
          %mul3A_737 = arith.mulf %get3A_732, %get3A_736 : vector<16xf32>
          %add3A_738 = arith.addf %add3A_728, %mul3A_737 : vector<16xf32>
          %get3A_739 = arith.index_cast %add3A_669 : i32 to index
          %get3A_740 = arith.constant 112 : index
          %get3A_741 = tpu.vector_load %arg8[%get3A_739, %get3A_740] {strides = array<i32>} : memref<96x128xf32, #tpu.memory_space<vmem>>, vector<1x16xf32>,
          %get3A_742 = vector.shape_cast %get3A_741 : vector<1x16xf32> to vector<16xf32>
          %get3A_743 = arith.index_cast %add3A_669 : i32 to index
          %get3A_744 = arith.constant 112 : index
          %get3A_745 = tpu.vector_load %arg9[%get3A_743, %get3A_744] {strides = array<i32>} : memref<96x128xf32, #tpu.memory_space<vmem>>, vector<1x16xf32>,
          %get3A_746 = vector.shape_cast %get3A_745 : vector<1x16xf32> to vector<16xf32>
          %mul3A_747 = arith.mulf %get3A_742, %get3A_746 : vector<16xf32>
          %add3A_748 = arith.addf %add3A_738, %mul3A_747 : vector<16xf32>
          %broadcast_in_dim3A_749 = vector.shape_cast %xor3A_4 : vector<16xi32> to vector<16x1xi32>
          %gather3A_750 = vector.shape_cast %broadcast_in_dim3A_749 : vector<16x1xi32> to vector<16xi32>
          %gather3A_751 = tpu.dynamic_gather %add3A_748[%gather3A_750] in [0] : vector<16xf32>, vector<16xi32> -> vector<16xf32>
          %add3A_752 = arith.addf %add3A_748, %gather3A_751 : vector<16xf32>
          %broadcast_in_dim3A_753 = vector.shape_cast %xor3A_7 : vector<16xi32> to vector<16x1xi32>
          %gather3A_754 = vector.shape_cast %broadcast_in_dim3A_753 : vector<16x1xi32> to vector<16xi32>
          %gather3A_755 = tpu.dynamic_gather %add3A_752[%gather3A_754] in [0] : vector<16xf32>, vector<16xi32> -> vector<16xf32>
          %add3A_756 = arith.addf %add3A_752, %gather3A_755 : vector<16xf32>
          %broadcast_in_dim3A_757 = vector.shape_cast %xor3A_10 : vector<16xi32> to vector<16x1xi32>
          %gather3A_758 = vector.shape_cast %broadcast_in_dim3A_757 : vector<16x1xi32> to vector<16xi32>
          %gather3A_759 = tpu.dynamic_gather %add3A_756[%gather3A_758] in [0] : vector<16xf32>, vector<16xi32> -> vector<16xf32>
          %add3A_760 = arith.addf %add3A_756, %gather3A_759 : vector<16xf32>
          %broadcast_in_dim3A_761 = vector.shape_cast %xor3A_13 : vector<16xi32> to vector<16x1xi32>
          %gather3A_762 = vector.shape_cast %broadcast_in_dim3A_761 : vector<16x1xi32> to vector<16xi32>
          %gather3A_763 = tpu.dynamic_gather %add3A_760[%gather3A_762] in [0] : vector<16xf32>, vector<16xi32> -> vector<16xf32>
          %add3A_764 = arith.addf %add3A_760, %gather3A_763 : vector<16xf32>
          %eq3A_765 = vector.broadcast %scan3A_666 : i32 to vector<16xi32>
          %eq3A_766 = arith.cmpi eq, %iota3A, %eq3A_765 : vector<16xi32>
          %select_n3A_767 = arith.select %eq3A_766, %add3A_764, %select_n3A_664 : vector<16xi1>, vector<16xf32>
          scf.yield %select_n3A_767 : vector<16xf32>
        }
        %scan3A_352 = arith.constant 16 : i32
        %mul3A_353 = arith.constant 16 : i32
        %mul3A_354 = arith.muli %scan3A_344, %mul3A_353 : i32
        %add3A_355 = arith.addi %min3A_212, %mul3A_354 : i32
        %swap3A = arith.index_cast %add3A_355 : i32 to index
        %swap3A_356 = tpu.vector_load %arg16[%swap3A] {strides = array<i32>} : memref<10000xf32, #tpu.memory_space<vmem>>, vector<16xf32>,
        %swap3A_357 = vector.shape_cast %swap3A_356 : vector<16xf32> to vector<16xf32>
        %swap3A_358 = vector.shape_cast %scan3A_351 : vector<16xf32> to vector<16xf32>
        tpu.vector_store %arg16[%swap3A], %swap3A_358 {strides = array<i32>} : memref<10000xf32, #tpu.memory_space<vmem>>, vector<16xf32>,
        %scan3A_359 = arith.constant 0 : i32
        scf.yield %scan3A_359 : i32
      }
      %scan3A_219 = arith.constant 6 : i32
      %mul3A_220 = arith.constant 4 : i32
      %mul3A_221 = arith.muli %scan3A_177, %mul3A_220 : i32
      %add3A_222 = arith.constant 1 : i32
      %add3A_223 = arith.addi %mul3A_221, %add3A_222 : i32
      %add3A_224 = arith.constant 3 : i32
      %add3A_225 = arith.addi %add3A_223, %add3A_224 : i32
      %mul3A_226 = arith.constant 96 : i32
      %mul3A_227 = arith.muli %add3A_225, %mul3A_226 : i32
      %min3A_228 = arith.constant 9904 : i32
      %min3A_229 = arith.minsi %mul3A_227, %min3A_228 : i32
      %dma_start3A_230 = tpu.memref_slice %arg6[%min3A_229] : memref<10000xi32, #tpu.memory_space<vmem>> -> memref<96xi32, #tpu.memory_space<vmem>>
      %dma_start3A_231 = arith.constant 0 : i32
      %dma_start3A_232 = arith.constant 0 : i32
      %dma_start3A_233 = tpu.memref_slice %arg2[%dma_start3A_231, %dma_start3A_232] : memref<10000x128xf32, #tpu.memory_space<hbm>> -> memref<10000x128xf32, #tpu.memory_space<hbm>>
      tpu.enqueue_indirect_dma source(%dma_start3A_233 : memref<10000x128xf32, #tpu.memory_space<hbm>>) target(%arg8 : memref<96x128xf32, #tpu.memory_space<vmem>>) offsets(%dma_start3A_230 : memref<96xi32, #tpu.memory_space<vmem>>) semaphore(%arg17 : memref<!tpu.dma_semaphore, #tpu.memory_space<semaphore_mem>>)
      %dma_start3A_234 = tpu.memref_slice %arg7[%min3A_229] : memref<10000xi32, #tpu.memory_space<vmem>> -> memref<96xi32, #tpu.memory_space<vmem>>
      %dma_start3A_235 = arith.constant 0 : i32
      %dma_start3A_236 = arith.constant 0 : i32
      %dma_start3A_237 = tpu.memref_slice %arg2[%dma_start3A_235, %dma_start3A_236] : memref<10000x128xf32, #tpu.memory_space<hbm>> -> memref<10000x128xf32, #tpu.memory_space<hbm>>
      tpu.enqueue_indirect_dma source(%dma_start3A_237 : memref<10000x128xf32, #tpu.memory_space<hbm>>) target(%arg9 : memref<96x128xf32, #tpu.memory_space<vmem>>) offsets(%dma_start3A_234 : memref<96xi32, #tpu.memory_space<vmem>>) semaphore(%arg17 : memref<!tpu.dma_semaphore, #tpu.memory_space<semaphore_mem>>)
      %mul3A_238 = arith.constant 96 : i32
      %mul3A_239 = arith.muli %add3A_223, %mul3A_238 : i32
      %min3A_240 = arith.constant 9904 : i32
      %min3A_241 = arith.minsi %mul3A_239, %min3A_240 : i32
      %dma_wait3A_242 = tpu.memref_slice %arg6[%min3A_241] : memref<10000xi32, #tpu.memory_space<vmem>> -> memref<96xi32, #tpu.memory_space<vmem>>
      %dma_wait3A_243 = arith.constant 0 : i32
      %dma_wait3A_244 = arith.constant 0 : i32
      %dma_wait3A_245 = tpu.memref_slice %arg2[%dma_wait3A_243, %dma_wait3A_244] : memref<10000x128xf32, #tpu.memory_space<hbm>> -> memref<10000x128xf32, #tpu.memory_space<hbm>>
      tpu.wait_indirect_dma semaphore(%arg18 : memref<!tpu.dma_semaphore, #tpu.memory_space<semaphore_mem>>) src(%dma_wait3A_245 : memref<10000x128xf32, #tpu.memory_space<hbm>>) dst(%arg10 : memref<96x128xf32, #tpu.memory_space<vmem>>)
      %dma_wait3A_246 = tpu.memref_slice %arg7[%min3A_241] : memref<10000xi32, #tpu.memory_space<vmem>> -> memref<96xi32, #tpu.memory_space<vmem>>
      %dma_wait3A_247 = arith.constant 0 : i32
      %dma_wait3A_248 = arith.constant 0 : i32
      %dma_wait3A_249 = tpu.memref_slice %arg2[%dma_wait3A_247, %dma_wait3A_248] : memref<10000x128xf32, #tpu.memory_space<hbm>> -> memref<10000x128xf32, #tpu.memory_space<hbm>>
      tpu.wait_indirect_dma semaphore(%arg18 : memref<!tpu.dma_semaphore, #tpu.memory_space<semaphore_mem>>) src(%dma_wait3A_249 : memref<10000x128xf32, #tpu.memory_space<hbm>>) dst(%arg11 : memref<96x128xf32, #tpu.memory_space<vmem>>)
      %mul3A_250 = arith.constant 96 : i32
      %mul3A_251 = arith.muli %add3A_223, %mul3A_250 : i32
      %min3A_252 = arith.constant 9904 : i32
      %min3A_253 = arith.minsi %mul3A_251, %min3A_252 : i32
      %scan3A_254 = arith.constant 0 : i32
      %scan3A_255 = arith.constant 0 : i32
      %scan3A_256 = arith.constant 6 : i32
      %scan3A_257 = arith.addi %scan3A_255, %scan3A_256 : i32
      %scan3A_258 = arith.constant 1 : i32
      %scan3A_259 = scf.for %scan3A_344 = %scan3A_255 to %scan3A_257 step %scan3A_258 iter_args(%scan3A_345 = %scan3A_254) -> (i32)  : i32 {
        %broadcast_in_dim3A = arith.constant 0.000000e+00 : f32
        %broadcast_in_dim3A_346 = vector.broadcast %broadcast_in_dim3A : f32 to vector<16xf32>
        %scan3A_347 = arith.constant 0 : i32
        %scan3A_348 = arith.constant 16 : i32
        %scan3A_349 = arith.addi %scan3A_347, %scan3A_348 : i32
        %scan3A_350 = arith.constant 4 : i32
        %scan3A_351 = scf.for %scan3A_360 = %scan3A_347 to %scan3A_349 step %scan3A_350 iter_args(%scan3A_361 = %broadcast_in_dim3A_346) -> (vector<16xf32>)  : i32 {
          %mul3A_362 = arith.constant 16 : i32
          %mul3A_363 = arith.muli %scan3A_344, %mul3A_362 : i32
          %add3A_364 = arith.addi %mul3A_363, %scan3A_360 : i32
          %get3A = arith.index_cast %add3A_364 : i32 to index
          %get3A_365 = arith.constant 0 : index
          %get3A_366 = tpu.vector_load %arg10[%get3A, %get3A_365] {strides = array<i32>} : memref<96x128xf32, #tpu.memory_space<vmem>>, vector<1x16xf32>,
          %get3A_367 = vector.shape_cast %get3A_366 : vector<1x16xf32> to vector<16xf32>
          %get3A_368 = arith.index_cast %add3A_364 : i32 to index
          %get3A_369 = arith.constant 0 : index
          %get3A_370 = tpu.vector_load %arg11[%get3A_368, %get3A_369] {strides = array<i32>} : memref<96x128xf32, #tpu.memory_space<vmem>>, vector<1x16xf32>,
          %get3A_371 = vector.shape_cast %get3A_370 : vector<1x16xf32> to vector<16xf32>
          %mul3A_372 = arith.mulf %get3A_367, %get3A_371 : vector<16xf32>
          %get3A_373 = arith.index_cast %add3A_364 : i32 to index
          %get3A_374 = arith.constant 16 : index
          %get3A_375 = tpu.vector_load %arg10[%get3A_373, %get3A_374] {strides = array<i32>} : memref<96x128xf32, #tpu.memory_space<vmem>>, vector<1x16xf32>,
          %get3A_376 = vector.shape_cast %get3A_375 : vector<1x16xf32> to vector<16xf32>
          %get3A_377 = arith.index_cast %add3A_364 : i32 to index
          %get3A_378 = arith.constant 16 : index
          %get3A_379 = tpu.vector_load %arg11[%get3A_377, %get3A_378] {strides = array<i32>} : memref<96x128xf32, #tpu.memory_space<vmem>>, vector<1x16xf32>,
          %get3A_380 = vector.shape_cast %get3A_379 : vector<1x16xf32> to vector<16xf32>
          %mul3A_381 = arith.mulf %get3A_376, %get3A_380 : vector<16xf32>
          %add3A_382 = arith.addf %mul3A_372, %mul3A_381 : vector<16xf32>
          %get3A_383 = arith.index_cast %add3A_364 : i32 to index
          %get3A_384 = arith.constant 32 : index
          %get3A_385 = tpu.vector_load %arg10[%get3A_383, %get3A_384] {strides = array<i32>} : memref<96x128xf32, #tpu.memory_space<vmem>>, vector<1x16xf32>,
          %get3A_386 = vector.shape_cast %get3A_385 : vector<1x16xf32> to vector<16xf32>
          %get3A_387 = arith.index_cast %add3A_364 : i32 to index
          %get3A_388 = arith.constant 32 : index
          %get3A_389 = tpu.vector_load %arg11[%get3A_387, %get3A_388] {strides = array<i32>} : memref<96x128xf32, #tpu.memory_space<vmem>>, vector<1x16xf32>,
          %get3A_390 = vector.shape_cast %get3A_389 : vector<1x16xf32> to vector<16xf32>
          %mul3A_391 = arith.mulf %get3A_386, %get3A_390 : vector<16xf32>
          %add3A_392 = arith.addf %add3A_382, %mul3A_391 : vector<16xf32>
          %get3A_393 = arith.index_cast %add3A_364 : i32 to index
          %get3A_394 = arith.constant 48 : index
          %get3A_395 = tpu.vector_load %arg10[%get3A_393, %get3A_394] {strides = array<i32>} : memref<96x128xf32, #tpu.memory_space<vmem>>, vector<1x16xf32>,
          %get3A_396 = vector.shape_cast %get3A_395 : vector<1x16xf32> to vector<16xf32>
          %get3A_397 = arith.index_cast %add3A_364 : i32 to index
          %get3A_398 = arith.constant 48 : index
          %get3A_399 = tpu.vector_load %arg11[%get3A_397, %get3A_398] {strides = array<i32>} : memref<96x128xf32, #tpu.memory_space<vmem>>, vector<1x16xf32>,
          %get3A_400 = vector.shape_cast %get3A_399 : vector<1x16xf32> to vector<16xf32>
          %mul3A_401 = arith.mulf %get3A_396, %get3A_400 : vector<16xf32>
          %add3A_402 = arith.addf %add3A_392, %mul3A_401 : vector<16xf32>
          %get3A_403 = arith.index_cast %add3A_364 : i32 to index
          %get3A_404 = arith.constant 64 : index
          %get3A_405 = tpu.vector_load %arg10[%get3A_403, %get3A_404] {strides = array<i32>} : memref<96x128xf32, #tpu.memory_space<vmem>>, vector<1x16xf32>,
          %get3A_406 = vector.shape_cast %get3A_405 : vector<1x16xf32> to vector<16xf32>
          %get3A_407 = arith.index_cast %add3A_364 : i32 to index
          %get3A_408 = arith.constant 64 : index
          %get3A_409 = tpu.vector_load %arg11[%get3A_407, %get3A_408] {strides = array<i32>} : memref<96x128xf32, #tpu.memory_space<vmem>>, vector<1x16xf32>,
          %get3A_410 = vector.shape_cast %get3A_409 : vector<1x16xf32> to vector<16xf32>
          %mul3A_411 = arith.mulf %get3A_406, %get3A_410 : vector<16xf32>
          %add3A_412 = arith.addf %add3A_402, %mul3A_411 : vector<16xf32>
          %get3A_413 = arith.index_cast %add3A_364 : i32 to index
          %get3A_414 = arith.constant 80 : index
          %get3A_415 = tpu.vector_load %arg10[%get3A_413, %get3A_414] {strides = array<i32>} : memref<96x128xf32, #tpu.memory_space<vmem>>, vector<1x16xf32>,
          %get3A_416 = vector.shape_cast %get3A_415 : vector<1x16xf32> to vector<16xf32>
          %get3A_417 = arith.index_cast %add3A_364 : i32 to index
          %get3A_418 = arith.constant 80 : index
          %get3A_419 = tpu.vector_load %arg11[%get3A_417, %get3A_418] {strides = array<i32>} : memref<96x128xf32, #tpu.memory_space<vmem>>, vector<1x16xf32>,
          %get3A_420 = vector.shape_cast %get3A_419 : vector<1x16xf32> to vector<16xf32>
          %mul3A_421 = arith.mulf %get3A_416, %get3A_420 : vector<16xf32>
          %add3A_422 = arith.addf %add3A_412, %mul3A_421 : vector<16xf32>
          %get3A_423 = arith.index_cast %add3A_364 : i32 to index
          %get3A_424 = arith.constant 96 : index
          %get3A_425 = tpu.vector_load %arg10[%get3A_423, %get3A_424] {strides = array<i32>} : memref<96x128xf32, #tpu.memory_space<vmem>>, vector<1x16xf32>,
          %get3A_426 = vector.shape_cast %get3A_425 : vector<1x16xf32> to vector<16xf32>
          %get3A_427 = arith.index_cast %add3A_364 : i32 to index
          %get3A_428 = arith.constant 96 : index
          %get3A_429 = tpu.vector_load %arg11[%get3A_427, %get3A_428] {strides = array<i32>} : memref<96x128xf32, #tpu.memory_space<vmem>>, vector<1x16xf32>,
          %get3A_430 = vector.shape_cast %get3A_429 : vector<1x16xf32> to vector<16xf32>
          %mul3A_431 = arith.mulf %get3A_426, %get3A_430 : vector<16xf32>
          %add3A_432 = arith.addf %add3A_422, %mul3A_431 : vector<16xf32>
          %get3A_433 = arith.index_cast %add3A_364 : i32 to index
          %get3A_434 = arith.constant 112 : index
          %get3A_435 = tpu.vector_load %arg10[%get3A_433, %get3A_434] {strides = array<i32>} : memref<96x128xf32, #tpu.memory_space<vmem>>, vector<1x16xf32>,
          %get3A_436 = vector.shape_cast %get3A_435 : vector<1x16xf32> to vector<16xf32>
          %get3A_437 = arith.index_cast %add3A_364 : i32 to index
          %get3A_438 = arith.constant 112 : index
          %get3A_439 = tpu.vector_load %arg11[%get3A_437, %get3A_438] {strides = array<i32>} : memref<96x128xf32, #tpu.memory_space<vmem>>, vector<1x16xf32>,
          %get3A_440 = vector.shape_cast %get3A_439 : vector<1x16xf32> to vector<16xf32>
          %mul3A_441 = arith.mulf %get3A_436, %get3A_440 : vector<16xf32>
          %add3A_442 = arith.addf %add3A_432, %mul3A_441 : vector<16xf32>
          %broadcast_in_dim3A_443 = vector.shape_cast %xor3A_4 : vector<16xi32> to vector<16x1xi32>
          %gather3A = vector.shape_cast %broadcast_in_dim3A_443 : vector<16x1xi32> to vector<16xi32>
          %gather3A_444 = tpu.dynamic_gather %add3A_442[%gather3A] in [0] : vector<16xf32>, vector<16xi32> -> vector<16xf32>
          %add3A_445 = arith.addf %add3A_442, %gather3A_444 : vector<16xf32>
          %broadcast_in_dim3A_446 = vector.shape_cast %xor3A_7 : vector<16xi32> to vector<16x1xi32>
          %gather3A_447 = vector.shape_cast %broadcast_in_dim3A_446 : vector<16x1xi32> to vector<16xi32>
          %gather3A_448 = tpu.dynamic_gather %add3A_445[%gather3A_447] in [0] : vector<16xf32>, vector<16xi32> -> vector<16xf32>
          %add3A_449 = arith.addf %add3A_445, %gather3A_448 : vector<16xf32>
          %broadcast_in_dim3A_450 = vector.shape_cast %xor3A_10 : vector<16xi32> to vector<16x1xi32>
          %gather3A_451 = vector.shape_cast %broadcast_in_dim3A_450 : vector<16x1xi32> to vector<16xi32>
          %gather3A_452 = tpu.dynamic_gather %add3A_449[%gather3A_451] in [0] : vector<16xf32>, vector<16xi32> -> vector<16xf32>
          %add3A_453 = arith.addf %add3A_449, %gather3A_452 : vector<16xf32>
          %broadcast_in_dim3A_454 = vector.shape_cast %xor3A_13 : vector<16xi32> to vector<16x1xi32>
          %gather3A_455 = vector.shape_cast %broadcast_in_dim3A_454 : vector<16x1xi32> to vector<16xi32>
          %gather3A_456 = tpu.dynamic_gather %add3A_453[%gather3A_455] in [0] : vector<16xf32>, vector<16xi32> -> vector<16xf32>
          %add3A_457 = arith.addf %add3A_453, %gather3A_456 : vector<16xf32>
          %eq3A = vector.broadcast %scan3A_360 : i32 to vector<16xi32>
          %eq3A_458 = arith.cmpi eq, %iota3A, %eq3A : vector<16xi32>
          %select_n3A = arith.select %eq3A_458, %add3A_457, %scan3A_361 : vector<16xi1>, vector<16xf32>
          %scan3A_459 = arith.constant 1 : i32
          %scan3A_460 = arith.addi %scan3A_360, %scan3A_459 : i32
          %mul3A_461 = arith.constant 16 : i32
          %mul3A_462 = arith.muli %scan3A_344, %mul3A_461 : i32
          %add3A_463 = arith.addi %mul3A_462, %scan3A_460 : i32
          %get3A_464 = arith.index_cast %add3A_463 : i32 to index
          %get3A_465 = arith.constant 0 : index
          %get3A_466 = tpu.vector_load %arg10[%get3A_464, %get3A_465] {strides = array<i32>} : memref<96x128xf32, #tpu.memory_space<vmem>>, vector<1x16xf32>,
          %get3A_467 = vector.shape_cast %get3A_466 : vector<1x16xf32> to vector<16xf32>
          %get3A_468 = arith.index_cast %add3A_463 : i32 to index
          %get3A_469 = arith.constant 0 : index
          %get3A_470 = tpu.vector_load %arg11[%get3A_468, %get3A_469] {strides = array<i32>} : memref<96x128xf32, #tpu.memory_space<vmem>>, vector<1x16xf32>,
          %get3A_471 = vector.shape_cast %get3A_470 : vector<1x16xf32> to vector<16xf32>
          %mul3A_472 = arith.mulf %get3A_467, %get3A_471 : vector<16xf32>
          %get3A_473 = arith.index_cast %add3A_463 : i32 to index
          %get3A_474 = arith.constant 16 : index
          %get3A_475 = tpu.vector_load %arg10[%get3A_473, %get3A_474] {strides = array<i32>} : memref<96x128xf32, #tpu.memory_space<vmem>>, vector<1x16xf32>,
          %get3A_476 = vector.shape_cast %get3A_475 : vector<1x16xf32> to vector<16xf32>
          %get3A_477 = arith.index_cast %add3A_463 : i32 to index
          %get3A_478 = arith.constant 16 : index
          %get3A_479 = tpu.vector_load %arg11[%get3A_477, %get3A_478] {strides = array<i32>} : memref<96x128xf32, #tpu.memory_space<vmem>>, vector<1x16xf32>,
          %get3A_480 = vector.shape_cast %get3A_479 : vector<1x16xf32> to vector<16xf32>
          %mul3A_481 = arith.mulf %get3A_476, %get3A_480 : vector<16xf32>
          %add3A_482 = arith.addf %mul3A_472, %mul3A_481 : vector<16xf32>
          %get3A_483 = arith.index_cast %add3A_463 : i32 to index
          %get3A_484 = arith.constant 32 : index
          %get3A_485 = tpu.vector_load %arg10[%get3A_483, %get3A_484] {strides = array<i32>} : memref<96x128xf32, #tpu.memory_space<vmem>>, vector<1x16xf32>,
          %get3A_486 = vector.shape_cast %get3A_485 : vector<1x16xf32> to vector<16xf32>
          %get3A_487 = arith.index_cast %add3A_463 : i32 to index
          %get3A_488 = arith.constant 32 : index
          %get3A_489 = tpu.vector_load %arg11[%get3A_487, %get3A_488] {strides = array<i32>} : memref<96x128xf32, #tpu.memory_space<vmem>>, vector<1x16xf32>,
          %get3A_490 = vector.shape_cast %get3A_489 : vector<1x16xf32> to vector<16xf32>
          %mul3A_491 = arith.mulf %get3A_486, %get3A_490 : vector<16xf32>
          %add3A_492 = arith.addf %add3A_482, %mul3A_491 : vector<16xf32>
          %get3A_493 = arith.index_cast %add3A_463 : i32 to index
          %get3A_494 = arith.constant 48 : index
          %get3A_495 = tpu.vector_load %arg10[%get3A_493, %get3A_494] {strides = array<i32>} : memref<96x128xf32, #tpu.memory_space<vmem>>, vector<1x16xf32>,
          %get3A_496 = vector.shape_cast %get3A_495 : vector<1x16xf32> to vector<16xf32>
          %get3A_497 = arith.index_cast %add3A_463 : i32 to index
          %get3A_498 = arith.constant 48 : index
          %get3A_499 = tpu.vector_load %arg11[%get3A_497, %get3A_498] {strides = array<i32>} : memref<96x128xf32, #tpu.memory_space<vmem>>, vector<1x16xf32>,
          %get3A_500 = vector.shape_cast %get3A_499 : vector<1x16xf32> to vector<16xf32>
          %mul3A_501 = arith.mulf %get3A_496, %get3A_500 : vector<16xf32>
          %add3A_502 = arith.addf %add3A_492, %mul3A_501 : vector<16xf32>
          %get3A_503 = arith.index_cast %add3A_463 : i32 to index
          %get3A_504 = arith.constant 64 : index
          %get3A_505 = tpu.vector_load %arg10[%get3A_503, %get3A_504] {strides = array<i32>} : memref<96x128xf32, #tpu.memory_space<vmem>>, vector<1x16xf32>,
          %get3A_506 = vector.shape_cast %get3A_505 : vector<1x16xf32> to vector<16xf32>
          %get3A_507 = arith.index_cast %add3A_463 : i32 to index
          %get3A_508 = arith.constant 64 : index
          %get3A_509 = tpu.vector_load %arg11[%get3A_507, %get3A_508] {strides = array<i32>} : memref<96x128xf32, #tpu.memory_space<vmem>>, vector<1x16xf32>,
          %get3A_510 = vector.shape_cast %get3A_509 : vector<1x16xf32> to vector<16xf32>
          %mul3A_511 = arith.mulf %get3A_506, %get3A_510 : vector<16xf32>
          %add3A_512 = arith.addf %add3A_502, %mul3A_511 : vector<16xf32>
          %get3A_513 = arith.index_cast %add3A_463 : i32 to index
          %get3A_514 = arith.constant 80 : index
          %get3A_515 = tpu.vector_load %arg10[%get3A_513, %get3A_514] {strides = array<i32>} : memref<96x128xf32, #tpu.memory_space<vmem>>, vector<1x16xf32>,
          %get3A_516 = vector.shape_cast %get3A_515 : vector<1x16xf32> to vector<16xf32>
          %get3A_517 = arith.index_cast %add3A_463 : i32 to index
          %get3A_518 = arith.constant 80 : index
          %get3A_519 = tpu.vector_load %arg11[%get3A_517, %get3A_518] {strides = array<i32>} : memref<96x128xf32, #tpu.memory_space<vmem>>, vector<1x16xf32>,
          %get3A_520 = vector.shape_cast %get3A_519 : vector<1x16xf32> to vector<16xf32>
          %mul3A_521 = arith.mulf %get3A_516, %get3A_520 : vector<16xf32>
          %add3A_522 = arith.addf %add3A_512, %mul3A_521 : vector<16xf32>
          %get3A_523 = arith.index_cast %add3A_463 : i32 to index
          %get3A_524 = arith.constant 96 : index
          %get3A_525 = tpu.vector_load %arg10[%get3A_523, %get3A_524] {strides = array<i32>} : memref<96x128xf32, #tpu.memory_space<vmem>>, vector<1x16xf32>,
          %get3A_526 = vector.shape_cast %get3A_525 : vector<1x16xf32> to vector<16xf32>
          %get3A_527 = arith.index_cast %add3A_463 : i32 to index
          %get3A_528 = arith.constant 96 : index
          %get3A_529 = tpu.vector_load %arg11[%get3A_527, %get3A_528] {strides = array<i32>} : memref<96x128xf32, #tpu.memory_space<vmem>>, vector<1x16xf32>,
          %get3A_530 = vector.shape_cast %get3A_529 : vector<1x16xf32> to vector<16xf32>
          %mul3A_531 = arith.mulf %get3A_526, %get3A_530 : vector<16xf32>
          %add3A_532 = arith.addf %add3A_522, %mul3A_531 : vector<16xf32>
          %get3A_533 = arith.index_cast %add3A_463 : i32 to index
          %get3A_534 = arith.constant 112 : index
          %get3A_535 = tpu.vector_load %arg10[%get3A_533, %get3A_534] {strides = array<i32>} : memref<96x128xf32, #tpu.memory_space<vmem>>, vector<1x16xf32>,
          %get3A_536 = vector.shape_cast %get3A_535 : vector<1x16xf32> to vector<16xf32>
          %get3A_537 = arith.index_cast %add3A_463 : i32 to index
          %get3A_538 = arith.constant 112 : index
          %get3A_539 = tpu.vector_load %arg11[%get3A_537, %get3A_538] {strides = array<i32>} : memref<96x128xf32, #tpu.memory_space<vmem>>, vector<1x16xf32>,
          %get3A_540 = vector.shape_cast %get3A_539 : vector<1x16xf32> to vector<16xf32>
          %mul3A_541 = arith.mulf %get3A_536, %get3A_540 : vector<16xf32>
          %add3A_542 = arith.addf %add3A_532, %mul3A_541 : vector<16xf32>
          %broadcast_in_dim3A_543 = vector.shape_cast %xor3A_4 : vector<16xi32> to vector<16x1xi32>
          %gather3A_544 = vector.shape_cast %broadcast_in_dim3A_543 : vector<16x1xi32> to vector<16xi32>
          %gather3A_545 = tpu.dynamic_gather %add3A_542[%gather3A_544] in [0] : vector<16xf32>, vector<16xi32> -> vector<16xf32>
          %add3A_546 = arith.addf %add3A_542, %gather3A_545 : vector<16xf32>
          %broadcast_in_dim3A_547 = vector.shape_cast %xor3A_7 : vector<16xi32> to vector<16x1xi32>
          %gather3A_548 = vector.shape_cast %broadcast_in_dim3A_547 : vector<16x1xi32> to vector<16xi32>
          %gather3A_549 = tpu.dynamic_gather %add3A_546[%gather3A_548] in [0] : vector<16xf32>, vector<16xi32> -> vector<16xf32>
          %add3A_550 = arith.addf %add3A_546, %gather3A_549 : vector<16xf32>
          %broadcast_in_dim3A_551 = vector.shape_cast %xor3A_10 : vector<16xi32> to vector<16x1xi32>
          %gather3A_552 = vector.shape_cast %broadcast_in_dim3A_551 : vector<16x1xi32> to vector<16xi32>
          %gather3A_553 = tpu.dynamic_gather %add3A_550[%gather3A_552] in [0] : vector<16xf32>, vector<16xi32> -> vector<16xf32>
          %add3A_554 = arith.addf %add3A_550, %gather3A_553 : vector<16xf32>
          %broadcast_in_dim3A_555 = vector.shape_cast %xor3A_13 : vector<16xi32> to vector<16x1xi32>
          %gather3A_556 = vector.shape_cast %broadcast_in_dim3A_555 : vector<16x1xi32> to vector<16xi32>
          %gather3A_557 = tpu.dynamic_gather %add3A_554[%gather3A_556] in [0] : vector<16xf32>, vector<16xi32> -> vector<16xf32>
          %add3A_558 = arith.addf %add3A_554, %gather3A_557 : vector<16xf32>
          %eq3A_559 = vector.broadcast %scan3A_460 : i32 to vector<16xi32>
          %eq3A_560 = arith.cmpi eq, %iota3A, %eq3A_559 : vector<16xi32>
          %select_n3A_561 = arith.select %eq3A_560, %add3A_558, %select_n3A : vector<16xi1>, vector<16xf32>
          %scan3A_562 = arith.constant 2 : i32
          %scan3A_563 = arith.addi %scan3A_360, %scan3A_562 : i32
          %mul3A_564 = arith.constant 16 : i32
          %mul3A_565 = arith.muli %scan3A_344, %mul3A_564 : i32
          %add3A_566 = arith.addi %mul3A_565, %scan3A_563 : i32
          %get3A_567 = arith.index_cast %add3A_566 : i32 to index
          %get3A_568 = arith.constant 0 : index
          %get3A_569 = tpu.vector_load %arg10[%get3A_567, %get3A_568] {strides = array<i32>} : memref<96x128xf32, #tpu.memory_space<vmem>>, vector<1x16xf32>,
          %get3A_570 = vector.shape_cast %get3A_569 : vector<1x16xf32> to vector<16xf32>
          %get3A_571 = arith.index_cast %add3A_566 : i32 to index
          %get3A_572 = arith.constant 0 : index
          %get3A_573 = tpu.vector_load %arg11[%get3A_571, %get3A_572] {strides = array<i32>} : memref<96x128xf32, #tpu.memory_space<vmem>>, vector<1x16xf32>,
          %get3A_574 = vector.shape_cast %get3A_573 : vector<1x16xf32> to vector<16xf32>
          %mul3A_575 = arith.mulf %get3A_570, %get3A_574 : vector<16xf32>
          %get3A_576 = arith.index_cast %add3A_566 : i32 to index
          %get3A_577 = arith.constant 16 : index
          %get3A_578 = tpu.vector_load %arg10[%get3A_576, %get3A_577] {strides = array<i32>} : memref<96x128xf32, #tpu.memory_space<vmem>>, vector<1x16xf32>,
          %get3A_579 = vector.shape_cast %get3A_578 : vector<1x16xf32> to vector<16xf32>
          %get3A_580 = arith.index_cast %add3A_566 : i32 to index
          %get3A_581 = arith.constant 16 : index
          %get3A_582 = tpu.vector_load %arg11[%get3A_580, %get3A_581] {strides = array<i32>} : memref<96x128xf32, #tpu.memory_space<vmem>>, vector<1x16xf32>,
          %get3A_583 = vector.shape_cast %get3A_582 : vector<1x16xf32> to vector<16xf32>
          %mul3A_584 = arith.mulf %get3A_579, %get3A_583 : vector<16xf32>
          %add3A_585 = arith.addf %mul3A_575, %mul3A_584 : vector<16xf32>
          %get3A_586 = arith.index_cast %add3A_566 : i32 to index
          %get3A_587 = arith.constant 32 : index
          %get3A_588 = tpu.vector_load %arg10[%get3A_586, %get3A_587] {strides = array<i32>} : memref<96x128xf32, #tpu.memory_space<vmem>>, vector<1x16xf32>,
          %get3A_589 = vector.shape_cast %get3A_588 : vector<1x16xf32> to vector<16xf32>
          %get3A_590 = arith.index_cast %add3A_566 : i32 to index
          %get3A_591 = arith.constant 32 : index
          %get3A_592 = tpu.vector_load %arg11[%get3A_590, %get3A_591] {strides = array<i32>} : memref<96x128xf32, #tpu.memory_space<vmem>>, vector<1x16xf32>,
          %get3A_593 = vector.shape_cast %get3A_592 : vector<1x16xf32> to vector<16xf32>
          %mul3A_594 = arith.mulf %get3A_589, %get3A_593 : vector<16xf32>
          %add3A_595 = arith.addf %add3A_585, %mul3A_594 : vector<16xf32>
          %get3A_596 = arith.index_cast %add3A_566 : i32 to index
          %get3A_597 = arith.constant 48 : index
          %get3A_598 = tpu.vector_load %arg10[%get3A_596, %get3A_597] {strides = array<i32>} : memref<96x128xf32, #tpu.memory_space<vmem>>, vector<1x16xf32>,
          %get3A_599 = vector.shape_cast %get3A_598 : vector<1x16xf32> to vector<16xf32>
          %get3A_600 = arith.index_cast %add3A_566 : i32 to index
          %get3A_601 = arith.constant 48 : index
          %get3A_602 = tpu.vector_load %arg11[%get3A_600, %get3A_601] {strides = array<i32>} : memref<96x128xf32, #tpu.memory_space<vmem>>, vector<1x16xf32>,
          %get3A_603 = vector.shape_cast %get3A_602 : vector<1x16xf32> to vector<16xf32>
          %mul3A_604 = arith.mulf %get3A_599, %get3A_603 : vector<16xf32>
          %add3A_605 = arith.addf %add3A_595, %mul3A_604 : vector<16xf32>
          %get3A_606 = arith.index_cast %add3A_566 : i32 to index
          %get3A_607 = arith.constant 64 : index
          %get3A_608 = tpu.vector_load %arg10[%get3A_606, %get3A_607] {strides = array<i32>} : memref<96x128xf32, #tpu.memory_space<vmem>>, vector<1x16xf32>,
          %get3A_609 = vector.shape_cast %get3A_608 : vector<1x16xf32> to vector<16xf32>
          %get3A_610 = arith.index_cast %add3A_566 : i32 to index
          %get3A_611 = arith.constant 64 : index
          %get3A_612 = tpu.vector_load %arg11[%get3A_610, %get3A_611] {strides = array<i32>} : memref<96x128xf32, #tpu.memory_space<vmem>>, vector<1x16xf32>,
          %get3A_613 = vector.shape_cast %get3A_612 : vector<1x16xf32> to vector<16xf32>
          %mul3A_614 = arith.mulf %get3A_609, %get3A_613 : vector<16xf32>
          %add3A_615 = arith.addf %add3A_605, %mul3A_614 : vector<16xf32>
          %get3A_616 = arith.index_cast %add3A_566 : i32 to index
          %get3A_617 = arith.constant 80 : index
          %get3A_618 = tpu.vector_load %arg10[%get3A_616, %get3A_617] {strides = array<i32>} : memref<96x128xf32, #tpu.memory_space<vmem>>, vector<1x16xf32>,
          %get3A_619 = vector.shape_cast %get3A_618 : vector<1x16xf32> to vector<16xf32>
          %get3A_620 = arith.index_cast %add3A_566 : i32 to index
          %get3A_621 = arith.constant 80 : index
          %get3A_622 = tpu.vector_load %arg11[%get3A_620, %get3A_621] {strides = array<i32>} : memref<96x128xf32, #tpu.memory_space<vmem>>, vector<1x16xf32>,
          %get3A_623 = vector.shape_cast %get3A_622 : vector<1x16xf32> to vector<16xf32>
          %mul3A_624 = arith.mulf %get3A_619, %get3A_623 : vector<16xf32>
          %add3A_625 = arith.addf %add3A_615, %mul3A_624 : vector<16xf32>
          %get3A_626 = arith.index_cast %add3A_566 : i32 to index
          %get3A_627 = arith.constant 96 : index
          %get3A_628 = tpu.vector_load %arg10[%get3A_626, %get3A_627] {strides = array<i32>} : memref<96x128xf32, #tpu.memory_space<vmem>>, vector<1x16xf32>,
          %get3A_629 = vector.shape_cast %get3A_628 : vector<1x16xf32> to vector<16xf32>
          %get3A_630 = arith.index_cast %add3A_566 : i32 to index
          %get3A_631 = arith.constant 96 : index
          %get3A_632 = tpu.vector_load %arg11[%get3A_630, %get3A_631] {strides = array<i32>} : memref<96x128xf32, #tpu.memory_space<vmem>>, vector<1x16xf32>,
          %get3A_633 = vector.shape_cast %get3A_632 : vector<1x16xf32> to vector<16xf32>
          %mul3A_634 = arith.mulf %get3A_629, %get3A_633 : vector<16xf32>
          %add3A_635 = arith.addf %add3A_625, %mul3A_634 : vector<16xf32>
          %get3A_636 = arith.index_cast %add3A_566 : i32 to index
          %get3A_637 = arith.constant 112 : index
          %get3A_638 = tpu.vector_load %arg10[%get3A_636, %get3A_637] {strides = array<i32>} : memref<96x128xf32, #tpu.memory_space<vmem>>, vector<1x16xf32>,
          %get3A_639 = vector.shape_cast %get3A_638 : vector<1x16xf32> to vector<16xf32>
          %get3A_640 = arith.index_cast %add3A_566 : i32 to index
          %get3A_641 = arith.constant 112 : index
          %get3A_642 = tpu.vector_load %arg11[%get3A_640, %get3A_641] {strides = array<i32>} : memref<96x128xf32, #tpu.memory_space<vmem>>, vector<1x16xf32>,
          %get3A_643 = vector.shape_cast %get3A_642 : vector<1x16xf32> to vector<16xf32>
          %mul3A_644 = arith.mulf %get3A_639, %get3A_643 : vector<16xf32>
          %add3A_645 = arith.addf %add3A_635, %mul3A_644 : vector<16xf32>
          %broadcast_in_dim3A_646 = vector.shape_cast %xor3A_4 : vector<16xi32> to vector<16x1xi32>
          %gather3A_647 = vector.shape_cast %broadcast_in_dim3A_646 : vector<16x1xi32> to vector<16xi32>
          %gather3A_648 = tpu.dynamic_gather %add3A_645[%gather3A_647] in [0] : vector<16xf32>, vector<16xi32> -> vector<16xf32>
          %add3A_649 = arith.addf %add3A_645, %gather3A_648 : vector<16xf32>
          %broadcast_in_dim3A_650 = vector.shape_cast %xor3A_7 : vector<16xi32> to vector<16x1xi32>
          %gather3A_651 = vector.shape_cast %broadcast_in_dim3A_650 : vector<16x1xi32> to vector<16xi32>
          %gather3A_652 = tpu.dynamic_gather %add3A_649[%gather3A_651] in [0] : vector<16xf32>, vector<16xi32> -> vector<16xf32>
          %add3A_653 = arith.addf %add3A_649, %gather3A_652 : vector<16xf32>
          %broadcast_in_dim3A_654 = vector.shape_cast %xor3A_10 : vector<16xi32> to vector<16x1xi32>
          %gather3A_655 = vector.shape_cast %broadcast_in_dim3A_654 : vector<16x1xi32> to vector<16xi32>
          %gather3A_656 = tpu.dynamic_gather %add3A_653[%gather3A_655] in [0] : vector<16xf32>, vector<16xi32> -> vector<16xf32>
          %add3A_657 = arith.addf %add3A_653, %gather3A_656 : vector<16xf32>
          %broadcast_in_dim3A_658 = vector.shape_cast %xor3A_13 : vector<16xi32> to vector<16x1xi32>
          %gather3A_659 = vector.shape_cast %broadcast_in_dim3A_658 : vector<16x1xi32> to vector<16xi32>
          %gather3A_660 = tpu.dynamic_gather %add3A_657[%gather3A_659] in [0] : vector<16xf32>, vector<16xi32> -> vector<16xf32>
          %add3A_661 = arith.addf %add3A_657, %gather3A_660 : vector<16xf32>
          %eq3A_662 = vector.broadcast %scan3A_563 : i32 to vector<16xi32>
          %eq3A_663 = arith.cmpi eq, %iota3A, %eq3A_662 : vector<16xi32>
          %select_n3A_664 = arith.select %eq3A_663, %add3A_661, %select_n3A_561 : vector<16xi1>, vector<16xf32>
          %scan3A_665 = arith.constant 3 : i32
          %scan3A_666 = arith.addi %scan3A_360, %scan3A_665 : i32
          %mul3A_667 = arith.constant 16 : i32
          %mul3A_668 = arith.muli %scan3A_344, %mul3A_667 : i32
          %add3A_669 = arith.addi %mul3A_668, %scan3A_666 : i32
          %get3A_670 = arith.index_cast %add3A_669 : i32 to index
          %get3A_671 = arith.constant 0 : index
          %get3A_672 = tpu.vector_load %arg10[%get3A_670, %get3A_671] {strides = array<i32>} : memref<96x128xf32, #tpu.memory_space<vmem>>, vector<1x16xf32>,
          %get3A_673 = vector.shape_cast %get3A_672 : vector<1x16xf32> to vector<16xf32>
          %get3A_674 = arith.index_cast %add3A_669 : i32 to index
          %get3A_675 = arith.constant 0 : index
          %get3A_676 = tpu.vector_load %arg11[%get3A_674, %get3A_675] {strides = array<i32>} : memref<96x128xf32, #tpu.memory_space<vmem>>, vector<1x16xf32>,
          %get3A_677 = vector.shape_cast %get3A_676 : vector<1x16xf32> to vector<16xf32>
          %mul3A_678 = arith.mulf %get3A_673, %get3A_677 : vector<16xf32>
          %get3A_679 = arith.index_cast %add3A_669 : i32 to index
          %get3A_680 = arith.constant 16 : index
          %get3A_681 = tpu.vector_load %arg10[%get3A_679, %get3A_680] {strides = array<i32>} : memref<96x128xf32, #tpu.memory_space<vmem>>, vector<1x16xf32>,
          %get3A_682 = vector.shape_cast %get3A_681 : vector<1x16xf32> to vector<16xf32>
          %get3A_683 = arith.index_cast %add3A_669 : i32 to index
          %get3A_684 = arith.constant 16 : index
          %get3A_685 = tpu.vector_load %arg11[%get3A_683, %get3A_684] {strides = array<i32>} : memref<96x128xf32, #tpu.memory_space<vmem>>, vector<1x16xf32>,
          %get3A_686 = vector.shape_cast %get3A_685 : vector<1x16xf32> to vector<16xf32>
          %mul3A_687 = arith.mulf %get3A_682, %get3A_686 : vector<16xf32>
          %add3A_688 = arith.addf %mul3A_678, %mul3A_687 : vector<16xf32>
          %get3A_689 = arith.index_cast %add3A_669 : i32 to index
          %get3A_690 = arith.constant 32 : index
          %get3A_691 = tpu.vector_load %arg10[%get3A_689, %get3A_690] {strides = array<i32>} : memref<96x128xf32, #tpu.memory_space<vmem>>, vector<1x16xf32>,
          %get3A_692 = vector.shape_cast %get3A_691 : vector<1x16xf32> to vector<16xf32>
          %get3A_693 = arith.index_cast %add3A_669 : i32 to index
          %get3A_694 = arith.constant 32 : index
          %get3A_695 = tpu.vector_load %arg11[%get3A_693, %get3A_694] {strides = array<i32>} : memref<96x128xf32, #tpu.memory_space<vmem>>, vector<1x16xf32>,
          %get3A_696 = vector.shape_cast %get3A_695 : vector<1x16xf32> to vector<16xf32>
          %mul3A_697 = arith.mulf %get3A_692, %get3A_696 : vector<16xf32>
          %add3A_698 = arith.addf %add3A_688, %mul3A_697 : vector<16xf32>
          %get3A_699 = arith.index_cast %add3A_669 : i32 to index
          %get3A_700 = arith.constant 48 : index
          %get3A_701 = tpu.vector_load %arg10[%get3A_699, %get3A_700] {strides = array<i32>} : memref<96x128xf32, #tpu.memory_space<vmem>>, vector<1x16xf32>,
          %get3A_702 = vector.shape_cast %get3A_701 : vector<1x16xf32> to vector<16xf32>
          %get3A_703 = arith.index_cast %add3A_669 : i32 to index
          %get3A_704 = arith.constant 48 : index
          %get3A_705 = tpu.vector_load %arg11[%get3A_703, %get3A_704] {strides = array<i32>} : memref<96x128xf32, #tpu.memory_space<vmem>>, vector<1x16xf32>,
          %get3A_706 = vector.shape_cast %get3A_705 : vector<1x16xf32> to vector<16xf32>
          %mul3A_707 = arith.mulf %get3A_702, %get3A_706 : vector<16xf32>
          %add3A_708 = arith.addf %add3A_698, %mul3A_707 : vector<16xf32>
          %get3A_709 = arith.index_cast %add3A_669 : i32 to index
          %get3A_710 = arith.constant 64 : index
          %get3A_711 = tpu.vector_load %arg10[%get3A_709, %get3A_710] {strides = array<i32>} : memref<96x128xf32, #tpu.memory_space<vmem>>, vector<1x16xf32>,
          %get3A_712 = vector.shape_cast %get3A_711 : vector<1x16xf32> to vector<16xf32>
          %get3A_713 = arith.index_cast %add3A_669 : i32 to index
          %get3A_714 = arith.constant 64 : index
          %get3A_715 = tpu.vector_load %arg11[%get3A_713, %get3A_714] {strides = array<i32>} : memref<96x128xf32, #tpu.memory_space<vmem>>, vector<1x16xf32>,
          %get3A_716 = vector.shape_cast %get3A_715 : vector<1x16xf32> to vector<16xf32>
          %mul3A_717 = arith.mulf %get3A_712, %get3A_716 : vector<16xf32>
          %add3A_718 = arith.addf %add3A_708, %mul3A_717 : vector<16xf32>
          %get3A_719 = arith.index_cast %add3A_669 : i32 to index
          %get3A_720 = arith.constant 80 : index
          %get3A_721 = tpu.vector_load %arg10[%get3A_719, %get3A_720] {strides = array<i32>} : memref<96x128xf32, #tpu.memory_space<vmem>>, vector<1x16xf32>,
          %get3A_722 = vector.shape_cast %get3A_721 : vector<1x16xf32> to vector<16xf32>
          %get3A_723 = arith.index_cast %add3A_669 : i32 to index
          %get3A_724 = arith.constant 80 : index
          %get3A_725 = tpu.vector_load %arg11[%get3A_723, %get3A_724] {strides = array<i32>} : memref<96x128xf32, #tpu.memory_space<vmem>>, vector<1x16xf32>,
          %get3A_726 = vector.shape_cast %get3A_725 : vector<1x16xf32> to vector<16xf32>
          %mul3A_727 = arith.mulf %get3A_722, %get3A_726 : vector<16xf32>
          %add3A_728 = arith.addf %add3A_718, %mul3A_727 : vector<16xf32>
          %get3A_729 = arith.index_cast %add3A_669 : i32 to index
          %get3A_730 = arith.constant 96 : index
          %get3A_731 = tpu.vector_load %arg10[%get3A_729, %get3A_730] {strides = array<i32>} : memref<96x128xf32, #tpu.memory_space<vmem>>, vector<1x16xf32>,
          %get3A_732 = vector.shape_cast %get3A_731 : vector<1x16xf32> to vector<16xf32>
          %get3A_733 = arith.index_cast %add3A_669 : i32 to index
          %get3A_734 = arith.constant 96 : index
          %get3A_735 = tpu.vector_load %arg11[%get3A_733, %get3A_734] {strides = array<i32>} : memref<96x128xf32, #tpu.memory_space<vmem>>, vector<1x16xf32>,
          %get3A_736 = vector.shape_cast %get3A_735 : vector<1x16xf32> to vector<16xf32>
          %mul3A_737 = arith.mulf %get3A_732, %get3A_736 : vector<16xf32>
          %add3A_738 = arith.addf %add3A_728, %mul3A_737 : vector<16xf32>
          %get3A_739 = arith.index_cast %add3A_669 : i32 to index
          %get3A_740 = arith.constant 112 : index
          %get3A_741 = tpu.vector_load %arg10[%get3A_739, %get3A_740] {strides = array<i32>} : memref<96x128xf32, #tpu.memory_space<vmem>>, vector<1x16xf32>,
          %get3A_742 = vector.shape_cast %get3A_741 : vector<1x16xf32> to vector<16xf32>
          %get3A_743 = arith.index_cast %add3A_669 : i32 to index
          %get3A_744 = arith.constant 112 : index
          %get3A_745 = tpu.vector_load %arg11[%get3A_743, %get3A_744] {strides = array<i32>} : memref<96x128xf32, #tpu.memory_space<vmem>>, vector<1x16xf32>,
          %get3A_746 = vector.shape_cast %get3A_745 : vector<1x16xf32> to vector<16xf32>
          %mul3A_747 = arith.mulf %get3A_742, %get3A_746 : vector<16xf32>
          %add3A_748 = arith.addf %add3A_738, %mul3A_747 : vector<16xf32>
          %broadcast_in_dim3A_749 = vector.shape_cast %xor3A_4 : vector<16xi32> to vector<16x1xi32>
          %gather3A_750 = vector.shape_cast %broadcast_in_dim3A_749 : vector<16x1xi32> to vector<16xi32>
          %gather3A_751 = tpu.dynamic_gather %add3A_748[%gather3A_750] in [0] : vector<16xf32>, vector<16xi32> -> vector<16xf32>
          %add3A_752 = arith.addf %add3A_748, %gather3A_751 : vector<16xf32>
          %broadcast_in_dim3A_753 = vector.shape_cast %xor3A_7 : vector<16xi32> to vector<16x1xi32>
          %gather3A_754 = vector.shape_cast %broadcast_in_dim3A_753 : vector<16x1xi32> to vector<16xi32>
          %gather3A_755 = tpu.dynamic_gather %add3A_752[%gather3A_754] in [0] : vector<16xf32>, vector<16xi32> -> vector<16xf32>
          %add3A_756 = arith.addf %add3A_752, %gather3A_755 : vector<16xf32>
          %broadcast_in_dim3A_757 = vector.shape_cast %xor3A_10 : vector<16xi32> to vector<16x1xi32>
          %gather3A_758 = vector.shape_cast %broadcast_in_dim3A_757 : vector<16x1xi32> to vector<16xi32>
          %gather3A_759 = tpu.dynamic_gather %add3A_756[%gather3A_758] in [0] : vector<16xf32>, vector<16xi32> -> vector<16xf32>
          %add3A_760 = arith.addf %add3A_756, %gather3A_759 : vector<16xf32>
          %broadcast_in_dim3A_761 = vector.shape_cast %xor3A_13 : vector<16xi32> to vector<16x1xi32>
          %gather3A_762 = vector.shape_cast %broadcast_in_dim3A_761 : vector<16x1xi32> to vector<16xi32>
          %gather3A_763 = tpu.dynamic_gather %add3A_760[%gather3A_762] in [0] : vector<16xf32>, vector<16xi32> -> vector<16xf32>
          %add3A_764 = arith.addf %add3A_760, %gather3A_763 : vector<16xf32>
          %eq3A_765 = vector.broadcast %scan3A_666 : i32 to vector<16xi32>
          %eq3A_766 = arith.cmpi eq, %iota3A, %eq3A_765 : vector<16xi32>
          %select_n3A_767 = arith.select %eq3A_766, %add3A_764, %select_n3A_664 : vector<16xi1>, vector<16xf32>
          scf.yield %select_n3A_767 : vector<16xf32>
        }
        %scan3A_352 = arith.constant 16 : i32
        %mul3A_353 = arith.constant 16 : i32
        %mul3A_354 = arith.muli %scan3A_344, %mul3A_353 : i32
        %add3A_355 = arith.addi %min3A_253, %mul3A_354 : i32
        %swap3A = arith.index_cast %add3A_355 : i32 to index
        %swap3A_356 = tpu.vector_load %arg16[%swap3A] {strides = array<i32>} : memref<10000xf32, #tpu.memory_space<vmem>>, vector<16xf32>,
        %swap3A_357 = vector.shape_cast %swap3A_356 : vector<16xf32> to vector<16xf32>
        %swap3A_358 = vector.shape_cast %scan3A_351 : vector<16xf32> to vector<16xf32>
        tpu.vector_store %arg16[%swap3A], %swap3A_358 {strides = array<i32>} : memref<10000xf32, #tpu.memory_space<vmem>>, vector<16xf32>,
        %scan3A_359 = arith.constant 0 : i32
        scf.yield %scan3A_359 : i32
      }
      %scan3A_260 = arith.constant 6 : i32
      %mul3A_261 = arith.constant 4 : i32
      %mul3A_262 = arith.muli %scan3A_177, %mul3A_261 : i32
      %add3A_263 = arith.constant 2 : i32
      %add3A_264 = arith.addi %mul3A_262, %add3A_263 : i32
      %add3A_265 = arith.constant 3 : i32
      %add3A_266 = arith.addi %add3A_264, %add3A_265 : i32
      %mul3A_267 = arith.constant 96 : i32
      %mul3A_268 = arith.muli %add3A_266, %mul3A_267 : i32
      %min3A_269 = arith.constant 9904 : i32
      %min3A_270 = arith.minsi %mul3A_268, %min3A_269 : i32
      %dma_start3A_271 = tpu.memref_slice %arg6[%min3A_270] : memref<10000xi32, #tpu.memory_space<vmem>> -> memref<96xi32, #tpu.memory_space<vmem>>
      %dma_start3A_272 = arith.constant 0 : i32
      %dma_start3A_273 = arith.constant 0 : i32
      %dma_start3A_274 = tpu.memref_slice %arg2[%dma_start3A_272, %dma_start3A_273] : memref<10000x128xf32, #tpu.memory_space<hbm>> -> memref<10000x128xf32, #tpu.memory_space<hbm>>
      tpu.enqueue_indirect_dma source(%dma_start3A_274 : memref<10000x128xf32, #tpu.memory_space<hbm>>) target(%arg10 : memref<96x128xf32, #tpu.memory_space<vmem>>) offsets(%dma_start3A_271 : memref<96xi32, #tpu.memory_space<vmem>>) semaphore(%arg18 : memref<!tpu.dma_semaphore, #tpu.memory_space<semaphore_mem>>)
      %dma_start3A_275 = tpu.memref_slice %arg7[%min3A_270] : memref<10000xi32, #tpu.memory_space<vmem>> -> memref<96xi32, #tpu.memory_space<vmem>>
      %dma_start3A_276 = arith.constant 0 : i32
      %dma_start3A_277 = arith.constant 0 : i32
      %dma_start3A_278 = tpu.memref_slice %arg2[%dma_start3A_276, %dma_start3A_277] : memref<10000x128xf32, #tpu.memory_space<hbm>> -> memref<10000x128xf32, #tpu.memory_space<hbm>>
      tpu.enqueue_indirect_dma source(%dma_start3A_278 : memref<10000x128xf32, #tpu.memory_space<hbm>>) target(%arg11 : memref<96x128xf32, #tpu.memory_space<vmem>>) offsets(%dma_start3A_275 : memref<96xi32, #tpu.memory_space<vmem>>) semaphore(%arg18 : memref<!tpu.dma_semaphore, #tpu.memory_space<semaphore_mem>>)
      %mul3A_279 = arith.constant 96 : i32
      %mul3A_280 = arith.muli %add3A_264, %mul3A_279 : i32
      %min3A_281 = arith.constant 9904 : i32
      %min3A_282 = arith.minsi %mul3A_280, %min3A_281 : i32
      %dma_wait3A_283 = tpu.memref_slice %arg6[%min3A_282] : memref<10000xi32, #tpu.memory_space<vmem>> -> memref<96xi32, #tpu.memory_space<vmem>>
      %dma_wait3A_284 = arith.constant 0 : i32
      %dma_wait3A_285 = arith.constant 0 : i32
      %dma_wait3A_286 = tpu.memref_slice %arg2[%dma_wait3A_284, %dma_wait3A_285] : memref<10000x128xf32, #tpu.memory_space<hbm>> -> memref<10000x128xf32, #tpu.memory_space<hbm>>
      tpu.wait_indirect_dma semaphore(%arg19 : memref<!tpu.dma_semaphore, #tpu.memory_space<semaphore_mem>>) src(%dma_wait3A_286 : memref<10000x128xf32, #tpu.memory_space<hbm>>) dst(%arg12 : memref<96x128xf32, #tpu.memory_space<vmem>>)
      %dma_wait3A_287 = tpu.memref_slice %arg7[%min3A_282] : memref<10000xi32, #tpu.memory_space<vmem>> -> memref<96xi32, #tpu.memory_space<vmem>>
      %dma_wait3A_288 = arith.constant 0 : i32
      %dma_wait3A_289 = arith.constant 0 : i32
      %dma_wait3A_290 = tpu.memref_slice %arg2[%dma_wait3A_288, %dma_wait3A_289] : memref<10000x128xf32, #tpu.memory_space<hbm>> -> memref<10000x128xf32, #tpu.memory_space<hbm>>
      tpu.wait_indirect_dma semaphore(%arg19 : memref<!tpu.dma_semaphore, #tpu.memory_space<semaphore_mem>>) src(%dma_wait3A_290 : memref<10000x128xf32, #tpu.memory_space<hbm>>) dst(%arg13 : memref<96x128xf32, #tpu.memory_space<vmem>>)
      %mul3A_291 = arith.constant 96 : i32
      %mul3A_292 = arith.muli %add3A_264, %mul3A_291 : i32
      %min3A_293 = arith.constant 9904 : i32
      %min3A_294 = arith.minsi %mul3A_292, %min3A_293 : i32
      %scan3A_295 = arith.constant 0 : i32
      %scan3A_296 = arith.constant 0 : i32
      %scan3A_297 = arith.constant 6 : i32
      %scan3A_298 = arith.addi %scan3A_296, %scan3A_297 : i32
      %scan3A_299 = arith.constant 1 : i32
      %scan3A_300 = scf.for %scan3A_344 = %scan3A_296 to %scan3A_298 step %scan3A_299 iter_args(%scan3A_345 = %scan3A_295) -> (i32)  : i32 {
        %broadcast_in_dim3A = arith.constant 0.000000e+00 : f32
        %broadcast_in_dim3A_346 = vector.broadcast %broadcast_in_dim3A : f32 to vector<16xf32>
        %scan3A_347 = arith.constant 0 : i32
        %scan3A_348 = arith.constant 16 : i32
        %scan3A_349 = arith.addi %scan3A_347, %scan3A_348 : i32
        %scan3A_350 = arith.constant 4 : i32
        %scan3A_351 = scf.for %scan3A_360 = %scan3A_347 to %scan3A_349 step %scan3A_350 iter_args(%scan3A_361 = %broadcast_in_dim3A_346) -> (vector<16xf32>)  : i32 {
          %mul3A_362 = arith.constant 16 : i32
          %mul3A_363 = arith.muli %scan3A_344, %mul3A_362 : i32
          %add3A_364 = arith.addi %mul3A_363, %scan3A_360 : i32
          %get3A = arith.index_cast %add3A_364 : i32 to index
          %get3A_365 = arith.constant 0 : index
          %get3A_366 = tpu.vector_load %arg12[%get3A, %get3A_365] {strides = array<i32>} : memref<96x128xf32, #tpu.memory_space<vmem>>, vector<1x16xf32>,
          %get3A_367 = vector.shape_cast %get3A_366 : vector<1x16xf32> to vector<16xf32>
          %get3A_368 = arith.index_cast %add3A_364 : i32 to index
          %get3A_369 = arith.constant 0 : index
          %get3A_370 = tpu.vector_load %arg13[%get3A_368, %get3A_369] {strides = array<i32>} : memref<96x128xf32, #tpu.memory_space<vmem>>, vector<1x16xf32>,
          %get3A_371 = vector.shape_cast %get3A_370 : vector<1x16xf32> to vector<16xf32>
          %mul3A_372 = arith.mulf %get3A_367, %get3A_371 : vector<16xf32>
          %get3A_373 = arith.index_cast %add3A_364 : i32 to index
          %get3A_374 = arith.constant 16 : index
          %get3A_375 = tpu.vector_load %arg12[%get3A_373, %get3A_374] {strides = array<i32>} : memref<96x128xf32, #tpu.memory_space<vmem>>, vector<1x16xf32>,
          %get3A_376 = vector.shape_cast %get3A_375 : vector<1x16xf32> to vector<16xf32>
          %get3A_377 = arith.index_cast %add3A_364 : i32 to index
          %get3A_378 = arith.constant 16 : index
          %get3A_379 = tpu.vector_load %arg13[%get3A_377, %get3A_378] {strides = array<i32>} : memref<96x128xf32, #tpu.memory_space<vmem>>, vector<1x16xf32>,
          %get3A_380 = vector.shape_cast %get3A_379 : vector<1x16xf32> to vector<16xf32>
          %mul3A_381 = arith.mulf %get3A_376, %get3A_380 : vector<16xf32>
          %add3A_382 = arith.addf %mul3A_372, %mul3A_381 : vector<16xf32>
          %get3A_383 = arith.index_cast %add3A_364 : i32 to index
          %get3A_384 = arith.constant 32 : index
          %get3A_385 = tpu.vector_load %arg12[%get3A_383, %get3A_384] {strides = array<i32>} : memref<96x128xf32, #tpu.memory_space<vmem>>, vector<1x16xf32>,
          %get3A_386 = vector.shape_cast %get3A_385 : vector<1x16xf32> to vector<16xf32>
          %get3A_387 = arith.index_cast %add3A_364 : i32 to index
          %get3A_388 = arith.constant 32 : index
          %get3A_389 = tpu.vector_load %arg13[%get3A_387, %get3A_388] {strides = array<i32>} : memref<96x128xf32, #tpu.memory_space<vmem>>, vector<1x16xf32>,
          %get3A_390 = vector.shape_cast %get3A_389 : vector<1x16xf32> to vector<16xf32>
          %mul3A_391 = arith.mulf %get3A_386, %get3A_390 : vector<16xf32>
          %add3A_392 = arith.addf %add3A_382, %mul3A_391 : vector<16xf32>
          %get3A_393 = arith.index_cast %add3A_364 : i32 to index
          %get3A_394 = arith.constant 48 : index
          %get3A_395 = tpu.vector_load %arg12[%get3A_393, %get3A_394] {strides = array<i32>} : memref<96x128xf32, #tpu.memory_space<vmem>>, vector<1x16xf32>,
          %get3A_396 = vector.shape_cast %get3A_395 : vector<1x16xf32> to vector<16xf32>
          %get3A_397 = arith.index_cast %add3A_364 : i32 to index
          %get3A_398 = arith.constant 48 : index
          %get3A_399 = tpu.vector_load %arg13[%get3A_397, %get3A_398] {strides = array<i32>} : memref<96x128xf32, #tpu.memory_space<vmem>>, vector<1x16xf32>,
          %get3A_400 = vector.shape_cast %get3A_399 : vector<1x16xf32> to vector<16xf32>
          %mul3A_401 = arith.mulf %get3A_396, %get3A_400 : vector<16xf32>
          %add3A_402 = arith.addf %add3A_392, %mul3A_401 : vector<16xf32>
          %get3A_403 = arith.index_cast %add3A_364 : i32 to index
          %get3A_404 = arith.constant 64 : index
          %get3A_405 = tpu.vector_load %arg12[%get3A_403, %get3A_404] {strides = array<i32>} : memref<96x128xf32, #tpu.memory_space<vmem>>, vector<1x16xf32>,
          %get3A_406 = vector.shape_cast %get3A_405 : vector<1x16xf32> to vector<16xf32>
          %get3A_407 = arith.index_cast %add3A_364 : i32 to index
          %get3A_408 = arith.constant 64 : index
          %get3A_409 = tpu.vector_load %arg13[%get3A_407, %get3A_408] {strides = array<i32>} : memref<96x128xf32, #tpu.memory_space<vmem>>, vector<1x16xf32>,
          %get3A_410 = vector.shape_cast %get3A_409 : vector<1x16xf32> to vector<16xf32>
          %mul3A_411 = arith.mulf %get3A_406, %get3A_410 : vector<16xf32>
          %add3A_412 = arith.addf %add3A_402, %mul3A_411 : vector<16xf32>
          %get3A_413 = arith.index_cast %add3A_364 : i32 to index
          %get3A_414 = arith.constant 80 : index
          %get3A_415 = tpu.vector_load %arg12[%get3A_413, %get3A_414] {strides = array<i32>} : memref<96x128xf32, #tpu.memory_space<vmem>>, vector<1x16xf32>,
          %get3A_416 = vector.shape_cast %get3A_415 : vector<1x16xf32> to vector<16xf32>
          %get3A_417 = arith.index_cast %add3A_364 : i32 to index
          %get3A_418 = arith.constant 80 : index
          %get3A_419 = tpu.vector_load %arg13[%get3A_417, %get3A_418] {strides = array<i32>} : memref<96x128xf32, #tpu.memory_space<vmem>>, vector<1x16xf32>,
          %get3A_420 = vector.shape_cast %get3A_419 : vector<1x16xf32> to vector<16xf32>
          %mul3A_421 = arith.mulf %get3A_416, %get3A_420 : vector<16xf32>
          %add3A_422 = arith.addf %add3A_412, %mul3A_421 : vector<16xf32>
          %get3A_423 = arith.index_cast %add3A_364 : i32 to index
          %get3A_424 = arith.constant 96 : index
          %get3A_425 = tpu.vector_load %arg12[%get3A_423, %get3A_424] {strides = array<i32>} : memref<96x128xf32, #tpu.memory_space<vmem>>, vector<1x16xf32>,
          %get3A_426 = vector.shape_cast %get3A_425 : vector<1x16xf32> to vector<16xf32>
          %get3A_427 = arith.index_cast %add3A_364 : i32 to index
          %get3A_428 = arith.constant 96 : index
          %get3A_429 = tpu.vector_load %arg13[%get3A_427, %get3A_428] {strides = array<i32>} : memref<96x128xf32, #tpu.memory_space<vmem>>, vector<1x16xf32>,
          %get3A_430 = vector.shape_cast %get3A_429 : vector<1x16xf32> to vector<16xf32>
          %mul3A_431 = arith.mulf %get3A_426, %get3A_430 : vector<16xf32>
          %add3A_432 = arith.addf %add3A_422, %mul3A_431 : vector<16xf32>
          %get3A_433 = arith.index_cast %add3A_364 : i32 to index
          %get3A_434 = arith.constant 112 : index
          %get3A_435 = tpu.vector_load %arg12[%get3A_433, %get3A_434] {strides = array<i32>} : memref<96x128xf32, #tpu.memory_space<vmem>>, vector<1x16xf32>,
          %get3A_436 = vector.shape_cast %get3A_435 : vector<1x16xf32> to vector<16xf32>
          %get3A_437 = arith.index_cast %add3A_364 : i32 to index
          %get3A_438 = arith.constant 112 : index
          %get3A_439 = tpu.vector_load %arg13[%get3A_437, %get3A_438] {strides = array<i32>} : memref<96x128xf32, #tpu.memory_space<vmem>>, vector<1x16xf32>,
          %get3A_440 = vector.shape_cast %get3A_439 : vector<1x16xf32> to vector<16xf32>
          %mul3A_441 = arith.mulf %get3A_436, %get3A_440 : vector<16xf32>
          %add3A_442 = arith.addf %add3A_432, %mul3A_441 : vector<16xf32>
          %broadcast_in_dim3A_443 = vector.shape_cast %xor3A_4 : vector<16xi32> to vector<16x1xi32>
          %gather3A = vector.shape_cast %broadcast_in_dim3A_443 : vector<16x1xi32> to vector<16xi32>
          %gather3A_444 = tpu.dynamic_gather %add3A_442[%gather3A] in [0] : vector<16xf32>, vector<16xi32> -> vector<16xf32>
          %add3A_445 = arith.addf %add3A_442, %gather3A_444 : vector<16xf32>
          %broadcast_in_dim3A_446 = vector.shape_cast %xor3A_7 : vector<16xi32> to vector<16x1xi32>
          %gather3A_447 = vector.shape_cast %broadcast_in_dim3A_446 : vector<16x1xi32> to vector<16xi32>
          %gather3A_448 = tpu.dynamic_gather %add3A_445[%gather3A_447] in [0] : vector<16xf32>, vector<16xi32> -> vector<16xf32>
          %add3A_449 = arith.addf %add3A_445, %gather3A_448 : vector<16xf32>
          %broadcast_in_dim3A_450 = vector.shape_cast %xor3A_10 : vector<16xi32> to vector<16x1xi32>
          %gather3A_451 = vector.shape_cast %broadcast_in_dim3A_450 : vector<16x1xi32> to vector<16xi32>
          %gather3A_452 = tpu.dynamic_gather %add3A_449[%gather3A_451] in [0] : vector<16xf32>, vector<16xi32> -> vector<16xf32>
          %add3A_453 = arith.addf %add3A_449, %gather3A_452 : vector<16xf32>
          %broadcast_in_dim3A_454 = vector.shape_cast %xor3A_13 : vector<16xi32> to vector<16x1xi32>
          %gather3A_455 = vector.shape_cast %broadcast_in_dim3A_454 : vector<16x1xi32> to vector<16xi32>
          %gather3A_456 = tpu.dynamic_gather %add3A_453[%gather3A_455] in [0] : vector<16xf32>, vector<16xi32> -> vector<16xf32>
          %add3A_457 = arith.addf %add3A_453, %gather3A_456 : vector<16xf32>
          %eq3A = vector.broadcast %scan3A_360 : i32 to vector<16xi32>
          %eq3A_458 = arith.cmpi eq, %iota3A, %eq3A : vector<16xi32>
          %select_n3A = arith.select %eq3A_458, %add3A_457, %scan3A_361 : vector<16xi1>, vector<16xf32>
          %scan3A_459 = arith.constant 1 : i32
          %scan3A_460 = arith.addi %scan3A_360, %scan3A_459 : i32
          %mul3A_461 = arith.constant 16 : i32
          %mul3A_462 = arith.muli %scan3A_344, %mul3A_461 : i32
          %add3A_463 = arith.addi %mul3A_462, %scan3A_460 : i32
          %get3A_464 = arith.index_cast %add3A_463 : i32 to index
          %get3A_465 = arith.constant 0 : index
          %get3A_466 = tpu.vector_load %arg12[%get3A_464, %get3A_465] {strides = array<i32>} : memref<96x128xf32, #tpu.memory_space<vmem>>, vector<1x16xf32>,
          %get3A_467 = vector.shape_cast %get3A_466 : vector<1x16xf32> to vector<16xf32>
          %get3A_468 = arith.index_cast %add3A_463 : i32 to index
          %get3A_469 = arith.constant 0 : index
          %get3A_470 = tpu.vector_load %arg13[%get3A_468, %get3A_469] {strides = array<i32>} : memref<96x128xf32, #tpu.memory_space<vmem>>, vector<1x16xf32>,
          %get3A_471 = vector.shape_cast %get3A_470 : vector<1x16xf32> to vector<16xf32>
          %mul3A_472 = arith.mulf %get3A_467, %get3A_471 : vector<16xf32>
          %get3A_473 = arith.index_cast %add3A_463 : i32 to index
          %get3A_474 = arith.constant 16 : index
          %get3A_475 = tpu.vector_load %arg12[%get3A_473, %get3A_474] {strides = array<i32>} : memref<96x128xf32, #tpu.memory_space<vmem>>, vector<1x16xf32>,
          %get3A_476 = vector.shape_cast %get3A_475 : vector<1x16xf32> to vector<16xf32>
          %get3A_477 = arith.index_cast %add3A_463 : i32 to index
          %get3A_478 = arith.constant 16 : index
          %get3A_479 = tpu.vector_load %arg13[%get3A_477, %get3A_478] {strides = array<i32>} : memref<96x128xf32, #tpu.memory_space<vmem>>, vector<1x16xf32>,
          %get3A_480 = vector.shape_cast %get3A_479 : vector<1x16xf32> to vector<16xf32>
          %mul3A_481 = arith.mulf %get3A_476, %get3A_480 : vector<16xf32>
          %add3A_482 = arith.addf %mul3A_472, %mul3A_481 : vector<16xf32>
          %get3A_483 = arith.index_cast %add3A_463 : i32 to index
          %get3A_484 = arith.constant 32 : index
          %get3A_485 = tpu.vector_load %arg12[%get3A_483, %get3A_484] {strides = array<i32>} : memref<96x128xf32, #tpu.memory_space<vmem>>, vector<1x16xf32>,
          %get3A_486 = vector.shape_cast %get3A_485 : vector<1x16xf32> to vector<16xf32>
          %get3A_487 = arith.index_cast %add3A_463 : i32 to index
          %get3A_488 = arith.constant 32 : index
          %get3A_489 = tpu.vector_load %arg13[%get3A_487, %get3A_488] {strides = array<i32>} : memref<96x128xf32, #tpu.memory_space<vmem>>, vector<1x16xf32>,
          %get3A_490 = vector.shape_cast %get3A_489 : vector<1x16xf32> to vector<16xf32>
          %mul3A_491 = arith.mulf %get3A_486, %get3A_490 : vector<16xf32>
          %add3A_492 = arith.addf %add3A_482, %mul3A_491 : vector<16xf32>
          %get3A_493 = arith.index_cast %add3A_463 : i32 to index
          %get3A_494 = arith.constant 48 : index
          %get3A_495 = tpu.vector_load %arg12[%get3A_493, %get3A_494] {strides = array<i32>} : memref<96x128xf32, #tpu.memory_space<vmem>>, vector<1x16xf32>,
          %get3A_496 = vector.shape_cast %get3A_495 : vector<1x16xf32> to vector<16xf32>
          %get3A_497 = arith.index_cast %add3A_463 : i32 to index
          %get3A_498 = arith.constant 48 : index
          %get3A_499 = tpu.vector_load %arg13[%get3A_497, %get3A_498] {strides = array<i32>} : memref<96x128xf32, #tpu.memory_space<vmem>>, vector<1x16xf32>,
          %get3A_500 = vector.shape_cast %get3A_499 : vector<1x16xf32> to vector<16xf32>
          %mul3A_501 = arith.mulf %get3A_496, %get3A_500 : vector<16xf32>
          %add3A_502 = arith.addf %add3A_492, %mul3A_501 : vector<16xf32>
          %get3A_503 = arith.index_cast %add3A_463 : i32 to index
          %get3A_504 = arith.constant 64 : index
          %get3A_505 = tpu.vector_load %arg12[%get3A_503, %get3A_504] {strides = array<i32>} : memref<96x128xf32, #tpu.memory_space<vmem>>, vector<1x16xf32>,
          %get3A_506 = vector.shape_cast %get3A_505 : vector<1x16xf32> to vector<16xf32>
          %get3A_507 = arith.index_cast %add3A_463 : i32 to index
          %get3A_508 = arith.constant 64 : index
          %get3A_509 = tpu.vector_load %arg13[%get3A_507, %get3A_508] {strides = array<i32>} : memref<96x128xf32, #tpu.memory_space<vmem>>, vector<1x16xf32>,
          %get3A_510 = vector.shape_cast %get3A_509 : vector<1x16xf32> to vector<16xf32>
          %mul3A_511 = arith.mulf %get3A_506, %get3A_510 : vector<16xf32>
          %add3A_512 = arith.addf %add3A_502, %mul3A_511 : vector<16xf32>
          %get3A_513 = arith.index_cast %add3A_463 : i32 to index
          %get3A_514 = arith.constant 80 : index
          %get3A_515 = tpu.vector_load %arg12[%get3A_513, %get3A_514] {strides = array<i32>} : memref<96x128xf32, #tpu.memory_space<vmem>>, vector<1x16xf32>,
          %get3A_516 = vector.shape_cast %get3A_515 : vector<1x16xf32> to vector<16xf32>
          %get3A_517 = arith.index_cast %add3A_463 : i32 to index
          %get3A_518 = arith.constant 80 : index
          %get3A_519 = tpu.vector_load %arg13[%get3A_517, %get3A_518] {strides = array<i32>} : memref<96x128xf32, #tpu.memory_space<vmem>>, vector<1x16xf32>,
          %get3A_520 = vector.shape_cast %get3A_519 : vector<1x16xf32> to vector<16xf32>
          %mul3A_521 = arith.mulf %get3A_516, %get3A_520 : vector<16xf32>
          %add3A_522 = arith.addf %add3A_512, %mul3A_521 : vector<16xf32>
          %get3A_523 = arith.index_cast %add3A_463 : i32 to index
          %get3A_524 = arith.constant 96 : index
          %get3A_525 = tpu.vector_load %arg12[%get3A_523, %get3A_524] {strides = array<i32>} : memref<96x128xf32, #tpu.memory_space<vmem>>, vector<1x16xf32>,
          %get3A_526 = vector.shape_cast %get3A_525 : vector<1x16xf32> to vector<16xf32>
          %get3A_527 = arith.index_cast %add3A_463 : i32 to index
          %get3A_528 = arith.constant 96 : index
          %get3A_529 = tpu.vector_load %arg13[%get3A_527, %get3A_528] {strides = array<i32>} : memref<96x128xf32, #tpu.memory_space<vmem>>, vector<1x16xf32>,
          %get3A_530 = vector.shape_cast %get3A_529 : vector<1x16xf32> to vector<16xf32>
          %mul3A_531 = arith.mulf %get3A_526, %get3A_530 : vector<16xf32>
          %add3A_532 = arith.addf %add3A_522, %mul3A_531 : vector<16xf32>
          %get3A_533 = arith.index_cast %add3A_463 : i32 to index
          %get3A_534 = arith.constant 112 : index
          %get3A_535 = tpu.vector_load %arg12[%get3A_533, %get3A_534] {strides = array<i32>} : memref<96x128xf32, #tpu.memory_space<vmem>>, vector<1x16xf32>,
          %get3A_536 = vector.shape_cast %get3A_535 : vector<1x16xf32> to vector<16xf32>
          %get3A_537 = arith.index_cast %add3A_463 : i32 to index
          %get3A_538 = arith.constant 112 : index
          %get3A_539 = tpu.vector_load %arg13[%get3A_537, %get3A_538] {strides = array<i32>} : memref<96x128xf32, #tpu.memory_space<vmem>>, vector<1x16xf32>,
          %get3A_540 = vector.shape_cast %get3A_539 : vector<1x16xf32> to vector<16xf32>
          %mul3A_541 = arith.mulf %get3A_536, %get3A_540 : vector<16xf32>
          %add3A_542 = arith.addf %add3A_532, %mul3A_541 : vector<16xf32>
          %broadcast_in_dim3A_543 = vector.shape_cast %xor3A_4 : vector<16xi32> to vector<16x1xi32>
          %gather3A_544 = vector.shape_cast %broadcast_in_dim3A_543 : vector<16x1xi32> to vector<16xi32>
          %gather3A_545 = tpu.dynamic_gather %add3A_542[%gather3A_544] in [0] : vector<16xf32>, vector<16xi32> -> vector<16xf32>
          %add3A_546 = arith.addf %add3A_542, %gather3A_545 : vector<16xf32>
          %broadcast_in_dim3A_547 = vector.shape_cast %xor3A_7 : vector<16xi32> to vector<16x1xi32>
          %gather3A_548 = vector.shape_cast %broadcast_in_dim3A_547 : vector<16x1xi32> to vector<16xi32>
          %gather3A_549 = tpu.dynamic_gather %add3A_546[%gather3A_548] in [0] : vector<16xf32>, vector<16xi32> -> vector<16xf32>
          %add3A_550 = arith.addf %add3A_546, %gather3A_549 : vector<16xf32>
          %broadcast_in_dim3A_551 = vector.shape_cast %xor3A_10 : vector<16xi32> to vector<16x1xi32>
          %gather3A_552 = vector.shape_cast %broadcast_in_dim3A_551 : vector<16x1xi32> to vector<16xi32>
          %gather3A_553 = tpu.dynamic_gather %add3A_550[%gather3A_552] in [0] : vector<16xf32>, vector<16xi32> -> vector<16xf32>
          %add3A_554 = arith.addf %add3A_550, %gather3A_553 : vector<16xf32>
          %broadcast_in_dim3A_555 = vector.shape_cast %xor3A_13 : vector<16xi32> to vector<16x1xi32>
          %gather3A_556 = vector.shape_cast %broadcast_in_dim3A_555 : vector<16x1xi32> to vector<16xi32>
          %gather3A_557 = tpu.dynamic_gather %add3A_554[%gather3A_556] in [0] : vector<16xf32>, vector<16xi32> -> vector<16xf32>
          %add3A_558 = arith.addf %add3A_554, %gather3A_557 : vector<16xf32>
          %eq3A_559 = vector.broadcast %scan3A_460 : i32 to vector<16xi32>
          %eq3A_560 = arith.cmpi eq, %iota3A, %eq3A_559 : vector<16xi32>
          %select_n3A_561 = arith.select %eq3A_560, %add3A_558, %select_n3A : vector<16xi1>, vector<16xf32>
          %scan3A_562 = arith.constant 2 : i32
          %scan3A_563 = arith.addi %scan3A_360, %scan3A_562 : i32
          %mul3A_564 = arith.constant 16 : i32
          %mul3A_565 = arith.muli %scan3A_344, %mul3A_564 : i32
          %add3A_566 = arith.addi %mul3A_565, %scan3A_563 : i32
          %get3A_567 = arith.index_cast %add3A_566 : i32 to index
          %get3A_568 = arith.constant 0 : index
          %get3A_569 = tpu.vector_load %arg12[%get3A_567, %get3A_568] {strides = array<i32>} : memref<96x128xf32, #tpu.memory_space<vmem>>, vector<1x16xf32>,
          %get3A_570 = vector.shape_cast %get3A_569 : vector<1x16xf32> to vector<16xf32>
          %get3A_571 = arith.index_cast %add3A_566 : i32 to index
          %get3A_572 = arith.constant 0 : index
          %get3A_573 = tpu.vector_load %arg13[%get3A_571, %get3A_572] {strides = array<i32>} : memref<96x128xf32, #tpu.memory_space<vmem>>, vector<1x16xf32>,
          %get3A_574 = vector.shape_cast %get3A_573 : vector<1x16xf32> to vector<16xf32>
          %mul3A_575 = arith.mulf %get3A_570, %get3A_574 : vector<16xf32>
          %get3A_576 = arith.index_cast %add3A_566 : i32 to index
          %get3A_577 = arith.constant 16 : index
          %get3A_578 = tpu.vector_load %arg12[%get3A_576, %get3A_577] {strides = array<i32>} : memref<96x128xf32, #tpu.memory_space<vmem>>, vector<1x16xf32>,
          %get3A_579 = vector.shape_cast %get3A_578 : vector<1x16xf32> to vector<16xf32>
          %get3A_580 = arith.index_cast %add3A_566 : i32 to index
          %get3A_581 = arith.constant 16 : index
          %get3A_582 = tpu.vector_load %arg13[%get3A_580, %get3A_581] {strides = array<i32>} : memref<96x128xf32, #tpu.memory_space<vmem>>, vector<1x16xf32>,
          %get3A_583 = vector.shape_cast %get3A_582 : vector<1x16xf32> to vector<16xf32>
          %mul3A_584 = arith.mulf %get3A_579, %get3A_583 : vector<16xf32>
          %add3A_585 = arith.addf %mul3A_575, %mul3A_584 : vector<16xf32>
          %get3A_586 = arith.index_cast %add3A_566 : i32 to index
          %get3A_587 = arith.constant 32 : index
          %get3A_588 = tpu.vector_load %arg12[%get3A_586, %get3A_587] {strides = array<i32>} : memref<96x128xf32, #tpu.memory_space<vmem>>, vector<1x16xf32>,
          %get3A_589 = vector.shape_cast %get3A_588 : vector<1x16xf32> to vector<16xf32>
          %get3A_590 = arith.index_cast %add3A_566 : i32 to index
          %get3A_591 = arith.constant 32 : index
          %get3A_592 = tpu.vector_load %arg13[%get3A_590, %get3A_591] {strides = array<i32>} : memref<96x128xf32, #tpu.memory_space<vmem>>, vector<1x16xf32>,
          %get3A_593 = vector.shape_cast %get3A_592 : vector<1x16xf32> to vector<16xf32>
          %mul3A_594 = arith.mulf %get3A_589, %get3A_593 : vector<16xf32>
          %add3A_595 = arith.addf %add3A_585, %mul3A_594 : vector<16xf32>
          %get3A_596 = arith.index_cast %add3A_566 : i32 to index
          %get3A_597 = arith.constant 48 : index
          %get3A_598 = tpu.vector_load %arg12[%get3A_596, %get3A_597] {strides = array<i32>} : memref<96x128xf32, #tpu.memory_space<vmem>>, vector<1x16xf32>,
          %get3A_599 = vector.shape_cast %get3A_598 : vector<1x16xf32> to vector<16xf32>
          %get3A_600 = arith.index_cast %add3A_566 : i32 to index
          %get3A_601 = arith.constant 48 : index
          %get3A_602 = tpu.vector_load %arg13[%get3A_600, %get3A_601] {strides = array<i32>} : memref<96x128xf32, #tpu.memory_space<vmem>>, vector<1x16xf32>,
          %get3A_603 = vector.shape_cast %get3A_602 : vector<1x16xf32> to vector<16xf32>
          %mul3A_604 = arith.mulf %get3A_599, %get3A_603 : vector<16xf32>
          %add3A_605 = arith.addf %add3A_595, %mul3A_604 : vector<16xf32>
          %get3A_606 = arith.index_cast %add3A_566 : i32 to index
          %get3A_607 = arith.constant 64 : index
          %get3A_608 = tpu.vector_load %arg12[%get3A_606, %get3A_607] {strides = array<i32>} : memref<96x128xf32, #tpu.memory_space<vmem>>, vector<1x16xf32>,
          %get3A_609 = vector.shape_cast %get3A_608 : vector<1x16xf32> to vector<16xf32>
          %get3A_610 = arith.index_cast %add3A_566 : i32 to index
          %get3A_611 = arith.constant 64 : index
          %get3A_612 = tpu.vector_load %arg13[%get3A_610, %get3A_611] {strides = array<i32>} : memref<96x128xf32, #tpu.memory_space<vmem>>, vector<1x16xf32>,
          %get3A_613 = vector.shape_cast %get3A_612 : vector<1x16xf32> to vector<16xf32>
          %mul3A_614 = arith.mulf %get3A_609, %get3A_613 : vector<16xf32>
          %add3A_615 = arith.addf %add3A_605, %mul3A_614 : vector<16xf32>
          %get3A_616 = arith.index_cast %add3A_566 : i32 to index
          %get3A_617 = arith.constant 80 : index
          %get3A_618 = tpu.vector_load %arg12[%get3A_616, %get3A_617] {strides = array<i32>} : memref<96x128xf32, #tpu.memory_space<vmem>>, vector<1x16xf32>,
          %get3A_619 = vector.shape_cast %get3A_618 : vector<1x16xf32> to vector<16xf32>
          %get3A_620 = arith.index_cast %add3A_566 : i32 to index
          %get3A_621 = arith.constant 80 : index
          %get3A_622 = tpu.vector_load %arg13[%get3A_620, %get3A_621] {strides = array<i32>} : memref<96x128xf32, #tpu.memory_space<vmem>>, vector<1x16xf32>,
          %get3A_623 = vector.shape_cast %get3A_622 : vector<1x16xf32> to vector<16xf32>
          %mul3A_624 = arith.mulf %get3A_619, %get3A_623 : vector<16xf32>
          %add3A_625 = arith.addf %add3A_615, %mul3A_624 : vector<16xf32>
          %get3A_626 = arith.index_cast %add3A_566 : i32 to index
          %get3A_627 = arith.constant 96 : index
          %get3A_628 = tpu.vector_load %arg12[%get3A_626, %get3A_627] {strides = array<i32>} : memref<96x128xf32, #tpu.memory_space<vmem>>, vector<1x16xf32>,
          %get3A_629 = vector.shape_cast %get3A_628 : vector<1x16xf32> to vector<16xf32>
          %get3A_630 = arith.index_cast %add3A_566 : i32 to index
          %get3A_631 = arith.constant 96 : index
          %get3A_632 = tpu.vector_load %arg13[%get3A_630, %get3A_631] {strides = array<i32>} : memref<96x128xf32, #tpu.memory_space<vmem>>, vector<1x16xf32>,
          %get3A_633 = vector.shape_cast %get3A_632 : vector<1x16xf32> to vector<16xf32>
          %mul3A_634 = arith.mulf %get3A_629, %get3A_633 : vector<16xf32>
          %add3A_635 = arith.addf %add3A_625, %mul3A_634 : vector<16xf32>
          %get3A_636 = arith.index_cast %add3A_566 : i32 to index
          %get3A_637 = arith.constant 112 : index
          %get3A_638 = tpu.vector_load %arg12[%get3A_636, %get3A_637] {strides = array<i32>} : memref<96x128xf32, #tpu.memory_space<vmem>>, vector<1x16xf32>,
          %get3A_639 = vector.shape_cast %get3A_638 : vector<1x16xf32> to vector<16xf32>
          %get3A_640 = arith.index_cast %add3A_566 : i32 to index
          %get3A_641 = arith.constant 112 : index
          %get3A_642 = tpu.vector_load %arg13[%get3A_640, %get3A_641] {strides = array<i32>} : memref<96x128xf32, #tpu.memory_space<vmem>>, vector<1x16xf32>,
          %get3A_643 = vector.shape_cast %get3A_642 : vector<1x16xf32> to vector<16xf32>
          %mul3A_644 = arith.mulf %get3A_639, %get3A_643 : vector<16xf32>
          %add3A_645 = arith.addf %add3A_635, %mul3A_644 : vector<16xf32>
          %broadcast_in_dim3A_646 = vector.shape_cast %xor3A_4 : vector<16xi32> to vector<16x1xi32>
          %gather3A_647 = vector.shape_cast %broadcast_in_dim3A_646 : vector<16x1xi32> to vector<16xi32>
          %gather3A_648 = tpu.dynamic_gather %add3A_645[%gather3A_647] in [0] : vector<16xf32>, vector<16xi32> -> vector<16xf32>
          %add3A_649 = arith.addf %add3A_645, %gather3A_648 : vector<16xf32>
          %broadcast_in_dim3A_650 = vector.shape_cast %xor3A_7 : vector<16xi32> to vector<16x1xi32>
          %gather3A_651 = vector.shape_cast %broadcast_in_dim3A_650 : vector<16x1xi32> to vector<16xi32>
          %gather3A_652 = tpu.dynamic_gather %add3A_649[%gather3A_651] in [0] : vector<16xf32>, vector<16xi32> -> vector<16xf32>
          %add3A_653 = arith.addf %add3A_649, %gather3A_652 : vector<16xf32>
          %broadcast_in_dim3A_654 = vector.shape_cast %xor3A_10 : vector<16xi32> to vector<16x1xi32>
          %gather3A_655 = vector.shape_cast %broadcast_in_dim3A_654 : vector<16x1xi32> to vector<16xi32>
          %gather3A_656 = tpu.dynamic_gather %add3A_653[%gather3A_655] in [0] : vector<16xf32>, vector<16xi32> -> vector<16xf32>
          %add3A_657 = arith.addf %add3A_653, %gather3A_656 : vector<16xf32>
          %broadcast_in_dim3A_658 = vector.shape_cast %xor3A_13 : vector<16xi32> to vector<16x1xi32>
          %gather3A_659 = vector.shape_cast %broadcast_in_dim3A_658 : vector<16x1xi32> to vector<16xi32>
          %gather3A_660 = tpu.dynamic_gather %add3A_657[%gather3A_659] in [0] : vector<16xf32>, vector<16xi32> -> vector<16xf32>
          %add3A_661 = arith.addf %add3A_657, %gather3A_660 : vector<16xf32>
          %eq3A_662 = vector.broadcast %scan3A_563 : i32 to vector<16xi32>
          %eq3A_663 = arith.cmpi eq, %iota3A, %eq3A_662 : vector<16xi32>
          %select_n3A_664 = arith.select %eq3A_663, %add3A_661, %select_n3A_561 : vector<16xi1>, vector<16xf32>
          %scan3A_665 = arith.constant 3 : i32
          %scan3A_666 = arith.addi %scan3A_360, %scan3A_665 : i32
          %mul3A_667 = arith.constant 16 : i32
          %mul3A_668 = arith.muli %scan3A_344, %mul3A_667 : i32
          %add3A_669 = arith.addi %mul3A_668, %scan3A_666 : i32
          %get3A_670 = arith.index_cast %add3A_669 : i32 to index
          %get3A_671 = arith.constant 0 : index
          %get3A_672 = tpu.vector_load %arg12[%get3A_670, %get3A_671] {strides = array<i32>} : memref<96x128xf32, #tpu.memory_space<vmem>>, vector<1x16xf32>,
          %get3A_673 = vector.shape_cast %get3A_672 : vector<1x16xf32> to vector<16xf32>
          %get3A_674 = arith.index_cast %add3A_669 : i32 to index
          %get3A_675 = arith.constant 0 : index
          %get3A_676 = tpu.vector_load %arg13[%get3A_674, %get3A_675] {strides = array<i32>} : memref<96x128xf32, #tpu.memory_space<vmem>>, vector<1x16xf32>,
          %get3A_677 = vector.shape_cast %get3A_676 : vector<1x16xf32> to vector<16xf32>
          %mul3A_678 = arith.mulf %get3A_673, %get3A_677 : vector<16xf32>
          %get3A_679 = arith.index_cast %add3A_669 : i32 to index
          %get3A_680 = arith.constant 16 : index
          %get3A_681 = tpu.vector_load %arg12[%get3A_679, %get3A_680] {strides = array<i32>} : memref<96x128xf32, #tpu.memory_space<vmem>>, vector<1x16xf32>,
          %get3A_682 = vector.shape_cast %get3A_681 : vector<1x16xf32> to vector<16xf32>
          %get3A_683 = arith.index_cast %add3A_669 : i32 to index
          %get3A_684 = arith.constant 16 : index
          %get3A_685 = tpu.vector_load %arg13[%get3A_683, %get3A_684] {strides = array<i32>} : memref<96x128xf32, #tpu.memory_space<vmem>>, vector<1x16xf32>,
          %get3A_686 = vector.shape_cast %get3A_685 : vector<1x16xf32> to vector<16xf32>
          %mul3A_687 = arith.mulf %get3A_682, %get3A_686 : vector<16xf32>
          %add3A_688 = arith.addf %mul3A_678, %mul3A_687 : vector<16xf32>
          %get3A_689 = arith.index_cast %add3A_669 : i32 to index
          %get3A_690 = arith.constant 32 : index
          %get3A_691 = tpu.vector_load %arg12[%get3A_689, %get3A_690] {strides = array<i32>} : memref<96x128xf32, #tpu.memory_space<vmem>>, vector<1x16xf32>,
          %get3A_692 = vector.shape_cast %get3A_691 : vector<1x16xf32> to vector<16xf32>
          %get3A_693 = arith.index_cast %add3A_669 : i32 to index
          %get3A_694 = arith.constant 32 : index
          %get3A_695 = tpu.vector_load %arg13[%get3A_693, %get3A_694] {strides = array<i32>} : memref<96x128xf32, #tpu.memory_space<vmem>>, vector<1x16xf32>,
          %get3A_696 = vector.shape_cast %get3A_695 : vector<1x16xf32> to vector<16xf32>
          %mul3A_697 = arith.mulf %get3A_692, %get3A_696 : vector<16xf32>
          %add3A_698 = arith.addf %add3A_688, %mul3A_697 : vector<16xf32>
          %get3A_699 = arith.index_cast %add3A_669 : i32 to index
          %get3A_700 = arith.constant 48 : index
          %get3A_701 = tpu.vector_load %arg12[%get3A_699, %get3A_700] {strides = array<i32>} : memref<96x128xf32, #tpu.memory_space<vmem>>, vector<1x16xf32>,
          %get3A_702 = vector.shape_cast %get3A_701 : vector<1x16xf32> to vector<16xf32>
          %get3A_703 = arith.index_cast %add3A_669 : i32 to index
          %get3A_704 = arith.constant 48 : index
          %get3A_705 = tpu.vector_load %arg13[%get3A_703, %get3A_704] {strides = array<i32>} : memref<96x128xf32, #tpu.memory_space<vmem>>, vector<1x16xf32>,
          %get3A_706 = vector.shape_cast %get3A_705 : vector<1x16xf32> to vector<16xf32>
          %mul3A_707 = arith.mulf %get3A_702, %get3A_706 : vector<16xf32>
          %add3A_708 = arith.addf %add3A_698, %mul3A_707 : vector<16xf32>
          %get3A_709 = arith.index_cast %add3A_669 : i32 to index
          %get3A_710 = arith.constant 64 : index
          %get3A_711 = tpu.vector_load %arg12[%get3A_709, %get3A_710] {strides = array<i32>} : memref<96x128xf32, #tpu.memory_space<vmem>>, vector<1x16xf32>,
          %get3A_712 = vector.shape_cast %get3A_711 : vector<1x16xf32> to vector<16xf32>
          %get3A_713 = arith.index_cast %add3A_669 : i32 to index
          %get3A_714 = arith.constant 64 : index
          %get3A_715 = tpu.vector_load %arg13[%get3A_713, %get3A_714] {strides = array<i32>} : memref<96x128xf32, #tpu.memory_space<vmem>>, vector<1x16xf32>,
          %get3A_716 = vector.shape_cast %get3A_715 : vector<1x16xf32> to vector<16xf32>
          %mul3A_717 = arith.mulf %get3A_712, %get3A_716 : vector<16xf32>
          %add3A_718 = arith.addf %add3A_708, %mul3A_717 : vector<16xf32>
          %get3A_719 = arith.index_cast %add3A_669 : i32 to index
          %get3A_720 = arith.constant 80 : index
          %get3A_721 = tpu.vector_load %arg12[%get3A_719, %get3A_720] {strides = array<i32>} : memref<96x128xf32, #tpu.memory_space<vmem>>, vector<1x16xf32>,
          %get3A_722 = vector.shape_cast %get3A_721 : vector<1x16xf32> to vector<16xf32>
          %get3A_723 = arith.index_cast %add3A_669 : i32 to index
          %get3A_724 = arith.constant 80 : index
          %get3A_725 = tpu.vector_load %arg13[%get3A_723, %get3A_724] {strides = array<i32>} : memref<96x128xf32, #tpu.memory_space<vmem>>, vector<1x16xf32>,
          %get3A_726 = vector.shape_cast %get3A_725 : vector<1x16xf32> to vector<16xf32>
          %mul3A_727 = arith.mulf %get3A_722, %get3A_726 : vector<16xf32>
          %add3A_728 = arith.addf %add3A_718, %mul3A_727 : vector<16xf32>
          %get3A_729 = arith.index_cast %add3A_669 : i32 to index
          %get3A_730 = arith.constant 96 : index
          %get3A_731 = tpu.vector_load %arg12[%get3A_729, %get3A_730] {strides = array<i32>} : memref<96x128xf32, #tpu.memory_space<vmem>>, vector<1x16xf32>,
          %get3A_732 = vector.shape_cast %get3A_731 : vector<1x16xf32> to vector<16xf32>
          %get3A_733 = arith.index_cast %add3A_669 : i32 to index
          %get3A_734 = arith.constant 96 : index
          %get3A_735 = tpu.vector_load %arg13[%get3A_733, %get3A_734] {strides = array<i32>} : memref<96x128xf32, #tpu.memory_space<vmem>>, vector<1x16xf32>,
          %get3A_736 = vector.shape_cast %get3A_735 : vector<1x16xf32> to vector<16xf32>
          %mul3A_737 = arith.mulf %get3A_732, %get3A_736 : vector<16xf32>
          %add3A_738 = arith.addf %add3A_728, %mul3A_737 : vector<16xf32>
          %get3A_739 = arith.index_cast %add3A_669 : i32 to index
          %get3A_740 = arith.constant 112 : index
          %get3A_741 = tpu.vector_load %arg12[%get3A_739, %get3A_740] {strides = array<i32>} : memref<96x128xf32, #tpu.memory_space<vmem>>, vector<1x16xf32>,
          %get3A_742 = vector.shape_cast %get3A_741 : vector<1x16xf32> to vector<16xf32>
          %get3A_743 = arith.index_cast %add3A_669 : i32 to index
          %get3A_744 = arith.constant 112 : index
          %get3A_745 = tpu.vector_load %arg13[%get3A_743, %get3A_744] {strides = array<i32>} : memref<96x128xf32, #tpu.memory_space<vmem>>, vector<1x16xf32>,
          %get3A_746 = vector.shape_cast %get3A_745 : vector<1x16xf32> to vector<16xf32>
          %mul3A_747 = arith.mulf %get3A_742, %get3A_746 : vector<16xf32>
          %add3A_748 = arith.addf %add3A_738, %mul3A_747 : vector<16xf32>
          %broadcast_in_dim3A_749 = vector.shape_cast %xor3A_4 : vector<16xi32> to vector<16x1xi32>
          %gather3A_750 = vector.shape_cast %broadcast_in_dim3A_749 : vector<16x1xi32> to vector<16xi32>
          %gather3A_751 = tpu.dynamic_gather %add3A_748[%gather3A_750] in [0] : vector<16xf32>, vector<16xi32> -> vector<16xf32>
          %add3A_752 = arith.addf %add3A_748, %gather3A_751 : vector<16xf32>
          %broadcast_in_dim3A_753 = vector.shape_cast %xor3A_7 : vector<16xi32> to vector<16x1xi32>
          %gather3A_754 = vector.shape_cast %broadcast_in_dim3A_753 : vector<16x1xi32> to vector<16xi32>
          %gather3A_755 = tpu.dynamic_gather %add3A_752[%gather3A_754] in [0] : vector<16xf32>, vector<16xi32> -> vector<16xf32>
          %add3A_756 = arith.addf %add3A_752, %gather3A_755 : vector<16xf32>
          %broadcast_in_dim3A_757 = vector.shape_cast %xor3A_10 : vector<16xi32> to vector<16x1xi32>
          %gather3A_758 = vector.shape_cast %broadcast_in_dim3A_757 : vector<16x1xi32> to vector<16xi32>
          %gather3A_759 = tpu.dynamic_gather %add3A_756[%gather3A_758] in [0] : vector<16xf32>, vector<16xi32> -> vector<16xf32>
          %add3A_760 = arith.addf %add3A_756, %gather3A_759 : vector<16xf32>
          %broadcast_in_dim3A_761 = vector.shape_cast %xor3A_13 : vector<16xi32> to vector<16x1xi32>
          %gather3A_762 = vector.shape_cast %broadcast_in_dim3A_761 : vector<16x1xi32> to vector<16xi32>
          %gather3A_763 = tpu.dynamic_gather %add3A_760[%gather3A_762] in [0] : vector<16xf32>, vector<16xi32> -> vector<16xf32>
          %add3A_764 = arith.addf %add3A_760, %gather3A_763 : vector<16xf32>
          %eq3A_765 = vector.broadcast %scan3A_666 : i32 to vector<16xi32>
          %eq3A_766 = arith.cmpi eq, %iota3A, %eq3A_765 : vector<16xi32>
          %select_n3A_767 = arith.select %eq3A_766, %add3A_764, %select_n3A_664 : vector<16xi1>, vector<16xf32>
          scf.yield %select_n3A_767 : vector<16xf32>
        }
        %scan3A_352 = arith.constant 16 : i32
        %mul3A_353 = arith.constant 16 : i32
        %mul3A_354 = arith.muli %scan3A_344, %mul3A_353 : i32
        %add3A_355 = arith.addi %min3A_294, %mul3A_354 : i32
        %swap3A = arith.index_cast %add3A_355 : i32 to index
        %swap3A_356 = tpu.vector_load %arg16[%swap3A] {strides = array<i32>} : memref<10000xf32, #tpu.memory_space<vmem>>, vector<16xf32>,
        %swap3A_357 = vector.shape_cast %swap3A_356 : vector<16xf32> to vector<16xf32>
        %swap3A_358 = vector.shape_cast %scan3A_351 : vector<16xf32> to vector<16xf32>
        tpu.vector_store %arg16[%swap3A], %swap3A_358 {strides = array<i32>} : memref<10000xf32, #tpu.memory_space<vmem>>, vector<16xf32>,
        %scan3A_359 = arith.constant 0 : i32
        scf.yield %scan3A_359 : i32
      }
      %scan3A_301 = arith.constant 6 : i32
      %mul3A_302 = arith.constant 4 : i32
      %mul3A_303 = arith.muli %scan3A_177, %mul3A_302 : i32
      %add3A_304 = arith.constant 3 : i32
      %add3A_305 = arith.addi %mul3A_303, %add3A_304 : i32
      %add3A_306 = arith.constant 3 : i32
      %add3A_307 = arith.addi %add3A_305, %add3A_306 : i32
      %mul3A_308 = arith.constant 96 : i32
      %mul3A_309 = arith.muli %add3A_307, %mul3A_308 : i32
      %min3A_310 = arith.constant 9904 : i32
      %min3A_311 = arith.minsi %mul3A_309, %min3A_310 : i32
      %dma_start3A_312 = tpu.memref_slice %arg6[%min3A_311] : memref<10000xi32, #tpu.memory_space<vmem>> -> memref<96xi32, #tpu.memory_space<vmem>>
      %dma_start3A_313 = arith.constant 0 : i32
      %dma_start3A_314 = arith.constant 0 : i32
      %dma_start3A_315 = tpu.memref_slice %arg2[%dma_start3A_313, %dma_start3A_314] : memref<10000x128xf32, #tpu.memory_space<hbm>> -> memref<10000x128xf32, #tpu.memory_space<hbm>>
      tpu.enqueue_indirect_dma source(%dma_start3A_315 : memref<10000x128xf32, #tpu.memory_space<hbm>>) target(%arg12 : memref<96x128xf32, #tpu.memory_space<vmem>>) offsets(%dma_start3A_312 : memref<96xi32, #tpu.memory_space<vmem>>) semaphore(%arg19 : memref<!tpu.dma_semaphore, #tpu.memory_space<semaphore_mem>>)
      %dma_start3A_316 = tpu.memref_slice %arg7[%min3A_311] : memref<10000xi32, #tpu.memory_space<vmem>> -> memref<96xi32, #tpu.memory_space<vmem>>
      %dma_start3A_317 = arith.constant 0 : i32
      %dma_start3A_318 = arith.constant 0 : i32
      %dma_start3A_319 = tpu.memref_slice %arg2[%dma_start3A_317, %dma_start3A_318] : memref<10000x128xf32, #tpu.memory_space<hbm>> -> memref<10000x128xf32, #tpu.memory_space<hbm>>
      tpu.enqueue_indirect_dma source(%dma_start3A_319 : memref<10000x128xf32, #tpu.memory_space<hbm>>) target(%arg13 : memref<96x128xf32, #tpu.memory_space<vmem>>) offsets(%dma_start3A_316 : memref<96xi32, #tpu.memory_space<vmem>>) semaphore(%arg19 : memref<!tpu.dma_semaphore, #tpu.memory_space<semaphore_mem>>)
      %mul3A_320 = arith.constant 96 : i32
      %mul3A_321 = arith.muli %add3A_305, %mul3A_320 : i32
      %min3A_322 = arith.constant 9904 : i32
      %min3A_323 = arith.minsi %mul3A_321, %min3A_322 : i32
      %dma_wait3A_324 = tpu.memref_slice %arg6[%min3A_323] : memref<10000xi32, #tpu.memory_space<vmem>> -> memref<96xi32, #tpu.memory_space<vmem>>
      %dma_wait3A_325 = arith.constant 0 : i32
      %dma_wait3A_326 = arith.constant 0 : i32
      %dma_wait3A_327 = tpu.memref_slice %arg2[%dma_wait3A_325, %dma_wait3A_326] : memref<10000x128xf32, #tpu.memory_space<hbm>> -> memref<10000x128xf32, #tpu.memory_space<hbm>>
      tpu.wait_indirect_dma semaphore(%arg20 : memref<!tpu.dma_semaphore, #tpu.memory_space<semaphore_mem>>) src(%dma_wait3A_327 : memref<10000x128xf32, #tpu.memory_space<hbm>>) dst(%arg14 : memref<96x128xf32, #tpu.memory_space<vmem>>)
      %dma_wait3A_328 = tpu.memref_slice %arg7[%min3A_323] : memref<10000xi32, #tpu.memory_space<vmem>> -> memref<96xi32, #tpu.memory_space<vmem>>
      %dma_wait3A_329 = arith.constant 0 : i32
      %dma_wait3A_330 = arith.constant 0 : i32
      %dma_wait3A_331 = tpu.memref_slice %arg2[%dma_wait3A_329, %dma_wait3A_330] : memref<10000x128xf32, #tpu.memory_space<hbm>> -> memref<10000x128xf32, #tpu.memory_space<hbm>>
      tpu.wait_indirect_dma semaphore(%arg20 : memref<!tpu.dma_semaphore, #tpu.memory_space<semaphore_mem>>) src(%dma_wait3A_331 : memref<10000x128xf32, #tpu.memory_space<hbm>>) dst(%arg15 : memref<96x128xf32, #tpu.memory_space<vmem>>)
      %mul3A_332 = arith.constant 96 : i32
      %mul3A_333 = arith.muli %add3A_305, %mul3A_332 : i32
      %min3A_334 = arith.constant 9904 : i32
      %min3A_335 = arith.minsi %mul3A_333, %min3A_334 : i32
      %scan3A_336 = arith.constant 0 : i32
      %scan3A_337 = arith.constant 0 : i32
      %scan3A_338 = arith.constant 6 : i32
      %scan3A_339 = arith.addi %scan3A_337, %scan3A_338 : i32
      %scan3A_340 = arith.constant 1 : i32
      %scan3A_341 = scf.for %scan3A_344 = %scan3A_337 to %scan3A_339 step %scan3A_340 iter_args(%scan3A_345 = %scan3A_336) -> (i32)  : i32 {
        %broadcast_in_dim3A = arith.constant 0.000000e+00 : f32
        %broadcast_in_dim3A_346 = vector.broadcast %broadcast_in_dim3A : f32 to vector<16xf32>
        %scan3A_347 = arith.constant 0 : i32
        %scan3A_348 = arith.constant 16 : i32
        %scan3A_349 = arith.addi %scan3A_347, %scan3A_348 : i32
        %scan3A_350 = arith.constant 4 : i32
        %scan3A_351 = scf.for %scan3A_360 = %scan3A_347 to %scan3A_349 step %scan3A_350 iter_args(%scan3A_361 = %broadcast_in_dim3A_346) -> (vector<16xf32>)  : i32 {
          %mul3A_362 = arith.constant 16 : i32
          %mul3A_363 = arith.muli %scan3A_344, %mul3A_362 : i32
          %add3A_364 = arith.addi %mul3A_363, %scan3A_360 : i32
          %get3A = arith.index_cast %add3A_364 : i32 to index
          %get3A_365 = arith.constant 0 : index
          %get3A_366 = tpu.vector_load %arg14[%get3A, %get3A_365] {strides = array<i32>} : memref<96x128xf32, #tpu.memory_space<vmem>>, vector<1x16xf32>,
          %get3A_367 = vector.shape_cast %get3A_366 : vector<1x16xf32> to vector<16xf32>
          %get3A_368 = arith.index_cast %add3A_364 : i32 to index
          %get3A_369 = arith.constant 0 : index
          %get3A_370 = tpu.vector_load %arg15[%get3A_368, %get3A_369] {strides = array<i32>} : memref<96x128xf32, #tpu.memory_space<vmem>>, vector<1x16xf32>,
          %get3A_371 = vector.shape_cast %get3A_370 : vector<1x16xf32> to vector<16xf32>
          %mul3A_372 = arith.mulf %get3A_367, %get3A_371 : vector<16xf32>
          %get3A_373 = arith.index_cast %add3A_364 : i32 to index
          %get3A_374 = arith.constant 16 : index
          %get3A_375 = tpu.vector_load %arg14[%get3A_373, %get3A_374] {strides = array<i32>} : memref<96x128xf32, #tpu.memory_space<vmem>>, vector<1x16xf32>,
          %get3A_376 = vector.shape_cast %get3A_375 : vector<1x16xf32> to vector<16xf32>
          %get3A_377 = arith.index_cast %add3A_364 : i32 to index
          %get3A_378 = arith.constant 16 : index
          %get3A_379 = tpu.vector_load %arg15[%get3A_377, %get3A_378] {strides = array<i32>} : memref<96x128xf32, #tpu.memory_space<vmem>>, vector<1x16xf32>,
          %get3A_380 = vector.shape_cast %get3A_379 : vector<1x16xf32> to vector<16xf32>
          %mul3A_381 = arith.mulf %get3A_376, %get3A_380 : vector<16xf32>
          %add3A_382 = arith.addf %mul3A_372, %mul3A_381 : vector<16xf32>
          %get3A_383 = arith.index_cast %add3A_364 : i32 to index
          %get3A_384 = arith.constant 32 : index
          %get3A_385 = tpu.vector_load %arg14[%get3A_383, %get3A_384] {strides = array<i32>} : memref<96x128xf32, #tpu.memory_space<vmem>>, vector<1x16xf32>,
          %get3A_386 = vector.shape_cast %get3A_385 : vector<1x16xf32> to vector<16xf32>
          %get3A_387 = arith.index_cast %add3A_364 : i32 to index
          %get3A_388 = arith.constant 32 : index
          %get3A_389 = tpu.vector_load %arg15[%get3A_387, %get3A_388] {strides = array<i32>} : memref<96x128xf32, #tpu.memory_space<vmem>>, vector<1x16xf32>,
          %get3A_390 = vector.shape_cast %get3A_389 : vector<1x16xf32> to vector<16xf32>
          %mul3A_391 = arith.mulf %get3A_386, %get3A_390 : vector<16xf32>
          %add3A_392 = arith.addf %add3A_382, %mul3A_391 : vector<16xf32>
          %get3A_393 = arith.index_cast %add3A_364 : i32 to index
          %get3A_394 = arith.constant 48 : index
          %get3A_395 = tpu.vector_load %arg14[%get3A_393, %get3A_394] {strides = array<i32>} : memref<96x128xf32, #tpu.memory_space<vmem>>, vector<1x16xf32>,
          %get3A_396 = vector.shape_cast %get3A_395 : vector<1x16xf32> to vector<16xf32>
          %get3A_397 = arith.index_cast %add3A_364 : i32 to index
          %get3A_398 = arith.constant 48 : index
          %get3A_399 = tpu.vector_load %arg15[%get3A_397, %get3A_398] {strides = array<i32>} : memref<96x128xf32, #tpu.memory_space<vmem>>, vector<1x16xf32>,
          %get3A_400 = vector.shape_cast %get3A_399 : vector<1x16xf32> to vector<16xf32>
          %mul3A_401 = arith.mulf %get3A_396, %get3A_400 : vector<16xf32>
          %add3A_402 = arith.addf %add3A_392, %mul3A_401 : vector<16xf32>
          %get3A_403 = arith.index_cast %add3A_364 : i32 to index
          %get3A_404 = arith.constant 64 : index
          %get3A_405 = tpu.vector_load %arg14[%get3A_403, %get3A_404] {strides = array<i32>} : memref<96x128xf32, #tpu.memory_space<vmem>>, vector<1x16xf32>,
          %get3A_406 = vector.shape_cast %get3A_405 : vector<1x16xf32> to vector<16xf32>
          %get3A_407 = arith.index_cast %add3A_364 : i32 to index
          %get3A_408 = arith.constant 64 : index
          %get3A_409 = tpu.vector_load %arg15[%get3A_407, %get3A_408] {strides = array<i32>} : memref<96x128xf32, #tpu.memory_space<vmem>>, vector<1x16xf32>,
          %get3A_410 = vector.shape_cast %get3A_409 : vector<1x16xf32> to vector<16xf32>
          %mul3A_411 = arith.mulf %get3A_406, %get3A_410 : vector<16xf32>
          %add3A_412 = arith.addf %add3A_402, %mul3A_411 : vector<16xf32>
          %get3A_413 = arith.index_cast %add3A_364 : i32 to index
          %get3A_414 = arith.constant 80 : index
          %get3A_415 = tpu.vector_load %arg14[%get3A_413, %get3A_414] {strides = array<i32>} : memref<96x128xf32, #tpu.memory_space<vmem>>, vector<1x16xf32>,
          %get3A_416 = vector.shape_cast %get3A_415 : vector<1x16xf32> to vector<16xf32>
          %get3A_417 = arith.index_cast %add3A_364 : i32 to index
          %get3A_418 = arith.constant 80 : index
          %get3A_419 = tpu.vector_load %arg15[%get3A_417, %get3A_418] {strides = array<i32>} : memref<96x128xf32, #tpu.memory_space<vmem>>, vector<1x16xf32>,
          %get3A_420 = vector.shape_cast %get3A_419 : vector<1x16xf32> to vector<16xf32>
          %mul3A_421 = arith.mulf %get3A_416, %get3A_420 : vector<16xf32>
          %add3A_422 = arith.addf %add3A_412, %mul3A_421 : vector<16xf32>
          %get3A_423 = arith.index_cast %add3A_364 : i32 to index
          %get3A_424 = arith.constant 96 : index
          %get3A_425 = tpu.vector_load %arg14[%get3A_423, %get3A_424] {strides = array<i32>} : memref<96x128xf32, #tpu.memory_space<vmem>>, vector<1x16xf32>,
          %get3A_426 = vector.shape_cast %get3A_425 : vector<1x16xf32> to vector<16xf32>
          %get3A_427 = arith.index_cast %add3A_364 : i32 to index
          %get3A_428 = arith.constant 96 : index
          %get3A_429 = tpu.vector_load %arg15[%get3A_427, %get3A_428] {strides = array<i32>} : memref<96x128xf32, #tpu.memory_space<vmem>>, vector<1x16xf32>,
          %get3A_430 = vector.shape_cast %get3A_429 : vector<1x16xf32> to vector<16xf32>
          %mul3A_431 = arith.mulf %get3A_426, %get3A_430 : vector<16xf32>
          %add3A_432 = arith.addf %add3A_422, %mul3A_431 : vector<16xf32>
          %get3A_433 = arith.index_cast %add3A_364 : i32 to index
          %get3A_434 = arith.constant 112 : index
          %get3A_435 = tpu.vector_load %arg14[%get3A_433, %get3A_434] {strides = array<i32>} : memref<96x128xf32, #tpu.memory_space<vmem>>, vector<1x16xf32>,
          %get3A_436 = vector.shape_cast %get3A_435 : vector<1x16xf32> to vector<16xf32>
          %get3A_437 = arith.index_cast %add3A_364 : i32 to index
          %get3A_438 = arith.constant 112 : index
          %get3A_439 = tpu.vector_load %arg15[%get3A_437, %get3A_438] {strides = array<i32>} : memref<96x128xf32, #tpu.memory_space<vmem>>, vector<1x16xf32>,
          %get3A_440 = vector.shape_cast %get3A_439 : vector<1x16xf32> to vector<16xf32>
          %mul3A_441 = arith.mulf %get3A_436, %get3A_440 : vector<16xf32>
          %add3A_442 = arith.addf %add3A_432, %mul3A_441 : vector<16xf32>
          %broadcast_in_dim3A_443 = vector.shape_cast %xor3A_4 : vector<16xi32> to vector<16x1xi32>
          %gather3A = vector.shape_cast %broadcast_in_dim3A_443 : vector<16x1xi32> to vector<16xi32>
          %gather3A_444 = tpu.dynamic_gather %add3A_442[%gather3A] in [0] : vector<16xf32>, vector<16xi32> -> vector<16xf32>
          %add3A_445 = arith.addf %add3A_442, %gather3A_444 : vector<16xf32>
          %broadcast_in_dim3A_446 = vector.shape_cast %xor3A_7 : vector<16xi32> to vector<16x1xi32>
          %gather3A_447 = vector.shape_cast %broadcast_in_dim3A_446 : vector<16x1xi32> to vector<16xi32>
          %gather3A_448 = tpu.dynamic_gather %add3A_445[%gather3A_447] in [0] : vector<16xf32>, vector<16xi32> -> vector<16xf32>
          %add3A_449 = arith.addf %add3A_445, %gather3A_448 : vector<16xf32>
          %broadcast_in_dim3A_450 = vector.shape_cast %xor3A_10 : vector<16xi32> to vector<16x1xi32>
          %gather3A_451 = vector.shape_cast %broadcast_in_dim3A_450 : vector<16x1xi32> to vector<16xi32>
          %gather3A_452 = tpu.dynamic_gather %add3A_449[%gather3A_451] in [0] : vector<16xf32>, vector<16xi32> -> vector<16xf32>
          %add3A_453 = arith.addf %add3A_449, %gather3A_452 : vector<16xf32>
          %broadcast_in_dim3A_454 = vector.shape_cast %xor3A_13 : vector<16xi32> to vector<16x1xi32>
          %gather3A_455 = vector.shape_cast %broadcast_in_dim3A_454 : vector<16x1xi32> to vector<16xi32>
          %gather3A_456 = tpu.dynamic_gather %add3A_453[%gather3A_455] in [0] : vector<16xf32>, vector<16xi32> -> vector<16xf32>
          %add3A_457 = arith.addf %add3A_453, %gather3A_456 : vector<16xf32>
          %eq3A = vector.broadcast %scan3A_360 : i32 to vector<16xi32>
          %eq3A_458 = arith.cmpi eq, %iota3A, %eq3A : vector<16xi32>
          %select_n3A = arith.select %eq3A_458, %add3A_457, %scan3A_361 : vector<16xi1>, vector<16xf32>
          %scan3A_459 = arith.constant 1 : i32
          %scan3A_460 = arith.addi %scan3A_360, %scan3A_459 : i32
          %mul3A_461 = arith.constant 16 : i32
          %mul3A_462 = arith.muli %scan3A_344, %mul3A_461 : i32
          %add3A_463 = arith.addi %mul3A_462, %scan3A_460 : i32
          %get3A_464 = arith.index_cast %add3A_463 : i32 to index
          %get3A_465 = arith.constant 0 : index
          %get3A_466 = tpu.vector_load %arg14[%get3A_464, %get3A_465] {strides = array<i32>} : memref<96x128xf32, #tpu.memory_space<vmem>>, vector<1x16xf32>,
          %get3A_467 = vector.shape_cast %get3A_466 : vector<1x16xf32> to vector<16xf32>
          %get3A_468 = arith.index_cast %add3A_463 : i32 to index
          %get3A_469 = arith.constant 0 : index
          %get3A_470 = tpu.vector_load %arg15[%get3A_468, %get3A_469] {strides = array<i32>} : memref<96x128xf32, #tpu.memory_space<vmem>>, vector<1x16xf32>,
          %get3A_471 = vector.shape_cast %get3A_470 : vector<1x16xf32> to vector<16xf32>
          %mul3A_472 = arith.mulf %get3A_467, %get3A_471 : vector<16xf32>
          %get3A_473 = arith.index_cast %add3A_463 : i32 to index
          %get3A_474 = arith.constant 16 : index
          %get3A_475 = tpu.vector_load %arg14[%get3A_473, %get3A_474] {strides = array<i32>} : memref<96x128xf32, #tpu.memory_space<vmem>>, vector<1x16xf32>,
          %get3A_476 = vector.shape_cast %get3A_475 : vector<1x16xf32> to vector<16xf32>
          %get3A_477 = arith.index_cast %add3A_463 : i32 to index
          %get3A_478 = arith.constant 16 : index
          %get3A_479 = tpu.vector_load %arg15[%get3A_477, %get3A_478] {strides = array<i32>} : memref<96x128xf32, #tpu.memory_space<vmem>>, vector<1x16xf32>,
          %get3A_480 = vector.shape_cast %get3A_479 : vector<1x16xf32> to vector<16xf32>
          %mul3A_481 = arith.mulf %get3A_476, %get3A_480 : vector<16xf32>
          %add3A_482 = arith.addf %mul3A_472, %mul3A_481 : vector<16xf32>
          %get3A_483 = arith.index_cast %add3A_463 : i32 to index
          %get3A_484 = arith.constant 32 : index
          %get3A_485 = tpu.vector_load %arg14[%get3A_483, %get3A_484] {strides = array<i32>} : memref<96x128xf32, #tpu.memory_space<vmem>>, vector<1x16xf32>,
          %get3A_486 = vector.shape_cast %get3A_485 : vector<1x16xf32> to vector<16xf32>
          %get3A_487 = arith.index_cast %add3A_463 : i32 to index
          %get3A_488 = arith.constant 32 : index
          %get3A_489 = tpu.vector_load %arg15[%get3A_487, %get3A_488] {strides = array<i32>} : memref<96x128xf32, #tpu.memory_space<vmem>>, vector<1x16xf32>,
          %get3A_490 = vector.shape_cast %get3A_489 : vector<1x16xf32> to vector<16xf32>
          %mul3A_491 = arith.mulf %get3A_486, %get3A_490 : vector<16xf32>
          %add3A_492 = arith.addf %add3A_482, %mul3A_491 : vector<16xf32>
          %get3A_493 = arith.index_cast %add3A_463 : i32 to index
          %get3A_494 = arith.constant 48 : index
          %get3A_495 = tpu.vector_load %arg14[%get3A_493, %get3A_494] {strides = array<i32>} : memref<96x128xf32, #tpu.memory_space<vmem>>, vector<1x16xf32>,
          %get3A_496 = vector.shape_cast %get3A_495 : vector<1x16xf32> to vector<16xf32>
          %get3A_497 = arith.index_cast %add3A_463 : i32 to index
          %get3A_498 = arith.constant 48 : index
          %get3A_499 = tpu.vector_load %arg15[%get3A_497, %get3A_498] {strides = array<i32>} : memref<96x128xf32, #tpu.memory_space<vmem>>, vector<1x16xf32>,
          %get3A_500 = vector.shape_cast %get3A_499 : vector<1x16xf32> to vector<16xf32>
          %mul3A_501 = arith.mulf %get3A_496, %get3A_500 : vector<16xf32>
          %add3A_502 = arith.addf %add3A_492, %mul3A_501 : vector<16xf32>
          %get3A_503 = arith.index_cast %add3A_463 : i32 to index
          %get3A_504 = arith.constant 64 : index
          %get3A_505 = tpu.vector_load %arg14[%get3A_503, %get3A_504] {strides = array<i32>} : memref<96x128xf32, #tpu.memory_space<vmem>>, vector<1x16xf32>,
          %get3A_506 = vector.shape_cast %get3A_505 : vector<1x16xf32> to vector<16xf32>
          %get3A_507 = arith.index_cast %add3A_463 : i32 to index
          %get3A_508 = arith.constant 64 : index
          %get3A_509 = tpu.vector_load %arg15[%get3A_507, %get3A_508] {strides = array<i32>} : memref<96x128xf32, #tpu.memory_space<vmem>>, vector<1x16xf32>,
          %get3A_510 = vector.shape_cast %get3A_509 : vector<1x16xf32> to vector<16xf32>
          %mul3A_511 = arith.mulf %get3A_506, %get3A_510 : vector<16xf32>
          %add3A_512 = arith.addf %add3A_502, %mul3A_511 : vector<16xf32>
          %get3A_513 = arith.index_cast %add3A_463 : i32 to index
          %get3A_514 = arith.constant 80 : index
          %get3A_515 = tpu.vector_load %arg14[%get3A_513, %get3A_514] {strides = array<i32>} : memref<96x128xf32, #tpu.memory_space<vmem>>, vector<1x16xf32>,
          %get3A_516 = vector.shape_cast %get3A_515 : vector<1x16xf32> to vector<16xf32>
          %get3A_517 = arith.index_cast %add3A_463 : i32 to index
          %get3A_518 = arith.constant 80 : index
          %get3A_519 = tpu.vector_load %arg15[%get3A_517, %get3A_518] {strides = array<i32>} : memref<96x128xf32, #tpu.memory_space<vmem>>, vector<1x16xf32>,
          %get3A_520 = vector.shape_cast %get3A_519 : vector<1x16xf32> to vector<16xf32>
          %mul3A_521 = arith.mulf %get3A_516, %get3A_520 : vector<16xf32>
          %add3A_522 = arith.addf %add3A_512, %mul3A_521 : vector<16xf32>
          %get3A_523 = arith.index_cast %add3A_463 : i32 to index
          %get3A_524 = arith.constant 96 : index
          %get3A_525 = tpu.vector_load %arg14[%get3A_523, %get3A_524] {strides = array<i32>} : memref<96x128xf32, #tpu.memory_space<vmem>>, vector<1x16xf32>,
          %get3A_526 = vector.shape_cast %get3A_525 : vector<1x16xf32> to vector<16xf32>
          %get3A_527 = arith.index_cast %add3A_463 : i32 to index
          %get3A_528 = arith.constant 96 : index
          %get3A_529 = tpu.vector_load %arg15[%get3A_527, %get3A_528] {strides = array<i32>} : memref<96x128xf32, #tpu.memory_space<vmem>>, vector<1x16xf32>,
          %get3A_530 = vector.shape_cast %get3A_529 : vector<1x16xf32> to vector<16xf32>
          %mul3A_531 = arith.mulf %get3A_526, %get3A_530 : vector<16xf32>
          %add3A_532 = arith.addf %add3A_522, %mul3A_531 : vector<16xf32>
          %get3A_533 = arith.index_cast %add3A_463 : i32 to index
          %get3A_534 = arith.constant 112 : index
          %get3A_535 = tpu.vector_load %arg14[%get3A_533, %get3A_534] {strides = array<i32>} : memref<96x128xf32, #tpu.memory_space<vmem>>, vector<1x16xf32>,
          %get3A_536 = vector.shape_cast %get3A_535 : vector<1x16xf32> to vector<16xf32>
          %get3A_537 = arith.index_cast %add3A_463 : i32 to index
          %get3A_538 = arith.constant 112 : index
          %get3A_539 = tpu.vector_load %arg15[%get3A_537, %get3A_538] {strides = array<i32>} : memref<96x128xf32, #tpu.memory_space<vmem>>, vector<1x16xf32>,
          %get3A_540 = vector.shape_cast %get3A_539 : vector<1x16xf32> to vector<16xf32>
          %mul3A_541 = arith.mulf %get3A_536, %get3A_540 : vector<16xf32>
          %add3A_542 = arith.addf %add3A_532, %mul3A_541 : vector<16xf32>
          %broadcast_in_dim3A_543 = vector.shape_cast %xor3A_4 : vector<16xi32> to vector<16x1xi32>
          %gather3A_544 = vector.shape_cast %broadcast_in_dim3A_543 : vector<16x1xi32> to vector<16xi32>
          %gather3A_545 = tpu.dynamic_gather %add3A_542[%gather3A_544] in [0] : vector<16xf32>, vector<16xi32> -> vector<16xf32>
          %add3A_546 = arith.addf %add3A_542, %gather3A_545 : vector<16xf32>
          %broadcast_in_dim3A_547 = vector.shape_cast %xor3A_7 : vector<16xi32> to vector<16x1xi32>
          %gather3A_548 = vector.shape_cast %broadcast_in_dim3A_547 : vector<16x1xi32> to vector<16xi32>
          %gather3A_549 = tpu.dynamic_gather %add3A_546[%gather3A_548] in [0] : vector<16xf32>, vector<16xi32> -> vector<16xf32>
          %add3A_550 = arith.addf %add3A_546, %gather3A_549 : vector<16xf32>
          %broadcast_in_dim3A_551 = vector.shape_cast %xor3A_10 : vector<16xi32> to vector<16x1xi32>
          %gather3A_552 = vector.shape_cast %broadcast_in_dim3A_551 : vector<16x1xi32> to vector<16xi32>
          %gather3A_553 = tpu.dynamic_gather %add3A_550[%gather3A_552] in [0] : vector<16xf32>, vector<16xi32> -> vector<16xf32>
          %add3A_554 = arith.addf %add3A_550, %gather3A_553 : vector<16xf32>
          %broadcast_in_dim3A_555 = vector.shape_cast %xor3A_13 : vector<16xi32> to vector<16x1xi32>
          %gather3A_556 = vector.shape_cast %broadcast_in_dim3A_555 : vector<16x1xi32> to vector<16xi32>
          %gather3A_557 = tpu.dynamic_gather %add3A_554[%gather3A_556] in [0] : vector<16xf32>, vector<16xi32> -> vector<16xf32>
          %add3A_558 = arith.addf %add3A_554, %gather3A_557 : vector<16xf32>
          %eq3A_559 = vector.broadcast %scan3A_460 : i32 to vector<16xi32>
          %eq3A_560 = arith.cmpi eq, %iota3A, %eq3A_559 : vector<16xi32>
          %select_n3A_561 = arith.select %eq3A_560, %add3A_558, %select_n3A : vector<16xi1>, vector<16xf32>
          %scan3A_562 = arith.constant 2 : i32
          %scan3A_563 = arith.addi %scan3A_360, %scan3A_562 : i32
          %mul3A_564 = arith.constant 16 : i32
          %mul3A_565 = arith.muli %scan3A_344, %mul3A_564 : i32
          %add3A_566 = arith.addi %mul3A_565, %scan3A_563 : i32
          %get3A_567 = arith.index_cast %add3A_566 : i32 to index
          %get3A_568 = arith.constant 0 : index
          %get3A_569 = tpu.vector_load %arg14[%get3A_567, %get3A_568] {strides = array<i32>} : memref<96x128xf32, #tpu.memory_space<vmem>>, vector<1x16xf32>,
          %get3A_570 = vector.shape_cast %get3A_569 : vector<1x16xf32> to vector<16xf32>
          %get3A_571 = arith.index_cast %add3A_566 : i32 to index
          %get3A_572 = arith.constant 0 : index
          %get3A_573 = tpu.vector_load %arg15[%get3A_571, %get3A_572] {strides = array<i32>} : memref<96x128xf32, #tpu.memory_space<vmem>>, vector<1x16xf32>,
          %get3A_574 = vector.shape_cast %get3A_573 : vector<1x16xf32> to vector<16xf32>
          %mul3A_575 = arith.mulf %get3A_570, %get3A_574 : vector<16xf32>
          %get3A_576 = arith.index_cast %add3A_566 : i32 to index
          %get3A_577 = arith.constant 16 : index
          %get3A_578 = tpu.vector_load %arg14[%get3A_576, %get3A_577] {strides = array<i32>} : memref<96x128xf32, #tpu.memory_space<vmem>>, vector<1x16xf32>,
          %get3A_579 = vector.shape_cast %get3A_578 : vector<1x16xf32> to vector<16xf32>
          %get3A_580 = arith.index_cast %add3A_566 : i32 to index
          %get3A_581 = arith.constant 16 : index
          %get3A_582 = tpu.vector_load %arg15[%get3A_580, %get3A_581] {strides = array<i32>} : memref<96x128xf32, #tpu.memory_space<vmem>>, vector<1x16xf32>,
          %get3A_583 = vector.shape_cast %get3A_582 : vector<1x16xf32> to vector<16xf32>
          %mul3A_584 = arith.mulf %get3A_579, %get3A_583 : vector<16xf32>
          %add3A_585 = arith.addf %mul3A_575, %mul3A_584 : vector<16xf32>
          %get3A_586 = arith.index_cast %add3A_566 : i32 to index
          %get3A_587 = arith.constant 32 : index
          %get3A_588 = tpu.vector_load %arg14[%get3A_586, %get3A_587] {strides = array<i32>} : memref<96x128xf32, #tpu.memory_space<vmem>>, vector<1x16xf32>,
          %get3A_589 = vector.shape_cast %get3A_588 : vector<1x16xf32> to vector<16xf32>
          %get3A_590 = arith.index_cast %add3A_566 : i32 to index
          %get3A_591 = arith.constant 32 : index
          %get3A_592 = tpu.vector_load %arg15[%get3A_590, %get3A_591] {strides = array<i32>} : memref<96x128xf32, #tpu.memory_space<vmem>>, vector<1x16xf32>,
          %get3A_593 = vector.shape_cast %get3A_592 : vector<1x16xf32> to vector<16xf32>
          %mul3A_594 = arith.mulf %get3A_589, %get3A_593 : vector<16xf32>
          %add3A_595 = arith.addf %add3A_585, %mul3A_594 : vector<16xf32>
          %get3A_596 = arith.index_cast %add3A_566 : i32 to index
          %get3A_597 = arith.constant 48 : index
          %get3A_598 = tpu.vector_load %arg14[%get3A_596, %get3A_597] {strides = array<i32>} : memref<96x128xf32, #tpu.memory_space<vmem>>, vector<1x16xf32>,
          %get3A_599 = vector.shape_cast %get3A_598 : vector<1x16xf32> to vector<16xf32>
          %get3A_600 = arith.index_cast %add3A_566 : i32 to index
          %get3A_601 = arith.constant 48 : index
          %get3A_602 = tpu.vector_load %arg15[%get3A_600, %get3A_601] {strides = array<i32>} : memref<96x128xf32, #tpu.memory_space<vmem>>, vector<1x16xf32>,
          %get3A_603 = vector.shape_cast %get3A_602 : vector<1x16xf32> to vector<16xf32>
          %mul3A_604 = arith.mulf %get3A_599, %get3A_603 : vector<16xf32>
          %add3A_605 = arith.addf %add3A_595, %mul3A_604 : vector<16xf32>
          %get3A_606 = arith.index_cast %add3A_566 : i32 to index
          %get3A_607 = arith.constant 64 : index
          %get3A_608 = tpu.vector_load %arg14[%get3A_606, %get3A_607] {strides = array<i32>} : memref<96x128xf32, #tpu.memory_space<vmem>>, vector<1x16xf32>,
          %get3A_609 = vector.shape_cast %get3A_608 : vector<1x16xf32> to vector<16xf32>
          %get3A_610 = arith.index_cast %add3A_566 : i32 to index
          %get3A_611 = arith.constant 64 : index
          %get3A_612 = tpu.vector_load %arg15[%get3A_610, %get3A_611] {strides = array<i32>} : memref<96x128xf32, #tpu.memory_space<vmem>>, vector<1x16xf32>,
          %get3A_613 = vector.shape_cast %get3A_612 : vector<1x16xf32> to vector<16xf32>
          %mul3A_614 = arith.mulf %get3A_609, %get3A_613 : vector<16xf32>
          %add3A_615 = arith.addf %add3A_605, %mul3A_614 : vector<16xf32>
          %get3A_616 = arith.index_cast %add3A_566 : i32 to index
          %get3A_617 = arith.constant 80 : index
          %get3A_618 = tpu.vector_load %arg14[%get3A_616, %get3A_617] {strides = array<i32>} : memref<96x128xf32, #tpu.memory_space<vmem>>, vector<1x16xf32>,
          %get3A_619 = vector.shape_cast %get3A_618 : vector<1x16xf32> to vector<16xf32>
          %get3A_620 = arith.index_cast %add3A_566 : i32 to index
          %get3A_621 = arith.constant 80 : index
          %get3A_622 = tpu.vector_load %arg15[%get3A_620, %get3A_621] {strides = array<i32>} : memref<96x128xf32, #tpu.memory_space<vmem>>, vector<1x16xf32>,
          %get3A_623 = vector.shape_cast %get3A_622 : vector<1x16xf32> to vector<16xf32>
          %mul3A_624 = arith.mulf %get3A_619, %get3A_623 : vector<16xf32>
          %add3A_625 = arith.addf %add3A_615, %mul3A_624 : vector<16xf32>
          %get3A_626 = arith.index_cast %add3A_566 : i32 to index
          %get3A_627 = arith.constant 96 : index
          %get3A_628 = tpu.vector_load %arg14[%get3A_626, %get3A_627] {strides = array<i32>} : memref<96x128xf32, #tpu.memory_space<vmem>>, vector<1x16xf32>,
          %get3A_629 = vector.shape_cast %get3A_628 : vector<1x16xf32> to vector<16xf32>
          %get3A_630 = arith.index_cast %add3A_566 : i32 to index
          %get3A_631 = arith.constant 96 : index
          %get3A_632 = tpu.vector_load %arg15[%get3A_630, %get3A_631] {strides = array<i32>} : memref<96x128xf32, #tpu.memory_space<vmem>>, vector<1x16xf32>,
          %get3A_633 = vector.shape_cast %get3A_632 : vector<1x16xf32> to vector<16xf32>
          %mul3A_634 = arith.mulf %get3A_629, %get3A_633 : vector<16xf32>
          %add3A_635 = arith.addf %add3A_625, %mul3A_634 : vector<16xf32>
          %get3A_636 = arith.index_cast %add3A_566 : i32 to index
          %get3A_637 = arith.constant 112 : index
          %get3A_638 = tpu.vector_load %arg14[%get3A_636, %get3A_637] {strides = array<i32>} : memref<96x128xf32, #tpu.memory_space<vmem>>, vector<1x16xf32>,
          %get3A_639 = vector.shape_cast %get3A_638 : vector<1x16xf32> to vector<16xf32>
          %get3A_640 = arith.index_cast %add3A_566 : i32 to index
          %get3A_641 = arith.constant 112 : index
          %get3A_642 = tpu.vector_load %arg15[%get3A_640, %get3A_641] {strides = array<i32>} : memref<96x128xf32, #tpu.memory_space<vmem>>, vector<1x16xf32>,
          %get3A_643 = vector.shape_cast %get3A_642 : vector<1x16xf32> to vector<16xf32>
          %mul3A_644 = arith.mulf %get3A_639, %get3A_643 : vector<16xf32>
          %add3A_645 = arith.addf %add3A_635, %mul3A_644 : vector<16xf32>
          %broadcast_in_dim3A_646 = vector.shape_cast %xor3A_4 : vector<16xi32> to vector<16x1xi32>
          %gather3A_647 = vector.shape_cast %broadcast_in_dim3A_646 : vector<16x1xi32> to vector<16xi32>
          %gather3A_648 = tpu.dynamic_gather %add3A_645[%gather3A_647] in [0] : vector<16xf32>, vector<16xi32> -> vector<16xf32>
          %add3A_649 = arith.addf %add3A_645, %gather3A_648 : vector<16xf32>
          %broadcast_in_dim3A_650 = vector.shape_cast %xor3A_7 : vector<16xi32> to vector<16x1xi32>
          %gather3A_651 = vector.shape_cast %broadcast_in_dim3A_650 : vector<16x1xi32> to vector<16xi32>
          %gather3A_652 = tpu.dynamic_gather %add3A_649[%gather3A_651] in [0] : vector<16xf32>, vector<16xi32> -> vector<16xf32>
          %add3A_653 = arith.addf %add3A_649, %gather3A_652 : vector<16xf32>
          %broadcast_in_dim3A_654 = vector.shape_cast %xor3A_10 : vector<16xi32> to vector<16x1xi32>
          %gather3A_655 = vector.shape_cast %broadcast_in_dim3A_654 : vector<16x1xi32> to vector<16xi32>
          %gather3A_656 = tpu.dynamic_gather %add3A_653[%gather3A_655] in [0] : vector<16xf32>, vector<16xi32> -> vector<16xf32>
          %add3A_657 = arith.addf %add3A_653, %gather3A_656 : vector<16xf32>
          %broadcast_in_dim3A_658 = vector.shape_cast %xor3A_13 : vector<16xi32> to vector<16x1xi32>
          %gather3A_659 = vector.shape_cast %broadcast_in_dim3A_658 : vector<16x1xi32> to vector<16xi32>
          %gather3A_660 = tpu.dynamic_gather %add3A_657[%gather3A_659] in [0] : vector<16xf32>, vector<16xi32> -> vector<16xf32>
          %add3A_661 = arith.addf %add3A_657, %gather3A_660 : vector<16xf32>
          %eq3A_662 = vector.broadcast %scan3A_563 : i32 to vector<16xi32>
          %eq3A_663 = arith.cmpi eq, %iota3A, %eq3A_662 : vector<16xi32>
          %select_n3A_664 = arith.select %eq3A_663, %add3A_661, %select_n3A_561 : vector<16xi1>, vector<16xf32>
          %scan3A_665 = arith.constant 3 : i32
          %scan3A_666 = arith.addi %scan3A_360, %scan3A_665 : i32
          %mul3A_667 = arith.constant 16 : i32
          %mul3A_668 = arith.muli %scan3A_344, %mul3A_667 : i32
          %add3A_669 = arith.addi %mul3A_668, %scan3A_666 : i32
          %get3A_670 = arith.index_cast %add3A_669 : i32 to index
          %get3A_671 = arith.constant 0 : index
          %get3A_672 = tpu.vector_load %arg14[%get3A_670, %get3A_671] {strides = array<i32>} : memref<96x128xf32, #tpu.memory_space<vmem>>, vector<1x16xf32>,
          %get3A_673 = vector.shape_cast %get3A_672 : vector<1x16xf32> to vector<16xf32>
          %get3A_674 = arith.index_cast %add3A_669 : i32 to index
          %get3A_675 = arith.constant 0 : index
          %get3A_676 = tpu.vector_load %arg15[%get3A_674, %get3A_675] {strides = array<i32>} : memref<96x128xf32, #tpu.memory_space<vmem>>, vector<1x16xf32>,
          %get3A_677 = vector.shape_cast %get3A_676 : vector<1x16xf32> to vector<16xf32>
          %mul3A_678 = arith.mulf %get3A_673, %get3A_677 : vector<16xf32>
          %get3A_679 = arith.index_cast %add3A_669 : i32 to index
          %get3A_680 = arith.constant 16 : index
          %get3A_681 = tpu.vector_load %arg14[%get3A_679, %get3A_680] {strides = array<i32>} : memref<96x128xf32, #tpu.memory_space<vmem>>, vector<1x16xf32>,
          %get3A_682 = vector.shape_cast %get3A_681 : vector<1x16xf32> to vector<16xf32>
          %get3A_683 = arith.index_cast %add3A_669 : i32 to index
          %get3A_684 = arith.constant 16 : index
          %get3A_685 = tpu.vector_load %arg15[%get3A_683, %get3A_684] {strides = array<i32>} : memref<96x128xf32, #tpu.memory_space<vmem>>, vector<1x16xf32>,
          %get3A_686 = vector.shape_cast %get3A_685 : vector<1x16xf32> to vector<16xf32>
          %mul3A_687 = arith.mulf %get3A_682, %get3A_686 : vector<16xf32>
          %add3A_688 = arith.addf %mul3A_678, %mul3A_687 : vector<16xf32>
          %get3A_689 = arith.index_cast %add3A_669 : i32 to index
          %get3A_690 = arith.constant 32 : index
          %get3A_691 = tpu.vector_load %arg14[%get3A_689, %get3A_690] {strides = array<i32>} : memref<96x128xf32, #tpu.memory_space<vmem>>, vector<1x16xf32>,
          %get3A_692 = vector.shape_cast %get3A_691 : vector<1x16xf32> to vector<16xf32>
          %get3A_693 = arith.index_cast %add3A_669 : i32 to index
          %get3A_694 = arith.constant 32 : index
          %get3A_695 = tpu.vector_load %arg15[%get3A_693, %get3A_694] {strides = array<i32>} : memref<96x128xf32, #tpu.memory_space<vmem>>, vector<1x16xf32>,
          %get3A_696 = vector.shape_cast %get3A_695 : vector<1x16xf32> to vector<16xf32>
          %mul3A_697 = arith.mulf %get3A_692, %get3A_696 : vector<16xf32>
          %add3A_698 = arith.addf %add3A_688, %mul3A_697 : vector<16xf32>
          %get3A_699 = arith.index_cast %add3A_669 : i32 to index
          %get3A_700 = arith.constant 48 : index
          %get3A_701 = tpu.vector_load %arg14[%get3A_699, %get3A_700] {strides = array<i32>} : memref<96x128xf32, #tpu.memory_space<vmem>>, vector<1x16xf32>,
          %get3A_702 = vector.shape_cast %get3A_701 : vector<1x16xf32> to vector<16xf32>
          %get3A_703 = arith.index_cast %add3A_669 : i32 to index
          %get3A_704 = arith.constant 48 : index
          %get3A_705 = tpu.vector_load %arg15[%get3A_703, %get3A_704] {strides = array<i32>} : memref<96x128xf32, #tpu.memory_space<vmem>>, vector<1x16xf32>,
          %get3A_706 = vector.shape_cast %get3A_705 : vector<1x16xf32> to vector<16xf32>
          %mul3A_707 = arith.mulf %get3A_702, %get3A_706 : vector<16xf32>
          %add3A_708 = arith.addf %add3A_698, %mul3A_707 : vector<16xf32>
          %get3A_709 = arith.index_cast %add3A_669 : i32 to index
          %get3A_710 = arith.constant 64 : index
          %get3A_711 = tpu.vector_load %arg14[%get3A_709, %get3A_710] {strides = array<i32>} : memref<96x128xf32, #tpu.memory_space<vmem>>, vector<1x16xf32>,
          %get3A_712 = vector.shape_cast %get3A_711 : vector<1x16xf32> to vector<16xf32>
          %get3A_713 = arith.index_cast %add3A_669 : i32 to index
          %get3A_714 = arith.constant 64 : index
          %get3A_715 = tpu.vector_load %arg15[%get3A_713, %get3A_714] {strides = array<i32>} : memref<96x128xf32, #tpu.memory_space<vmem>>, vector<1x16xf32>,
          %get3A_716 = vector.shape_cast %get3A_715 : vector<1x16xf32> to vector<16xf32>
          %mul3A_717 = arith.mulf %get3A_712, %get3A_716 : vector<16xf32>
          %add3A_718 = arith.addf %add3A_708, %mul3A_717 : vector<16xf32>
          %get3A_719 = arith.index_cast %add3A_669 : i32 to index
          %get3A_720 = arith.constant 80 : index
          %get3A_721 = tpu.vector_load %arg14[%get3A_719, %get3A_720] {strides = array<i32>} : memref<96x128xf32, #tpu.memory_space<vmem>>, vector<1x16xf32>,
          %get3A_722 = vector.shape_cast %get3A_721 : vector<1x16xf32> to vector<16xf32>
          %get3A_723 = arith.index_cast %add3A_669 : i32 to index
          %get3A_724 = arith.constant 80 : index
          %get3A_725 = tpu.vector_load %arg15[%get3A_723, %get3A_724] {strides = array<i32>} : memref<96x128xf32, #tpu.memory_space<vmem>>, vector<1x16xf32>,
          %get3A_726 = vector.shape_cast %get3A_725 : vector<1x16xf32> to vector<16xf32>
          %mul3A_727 = arith.mulf %get3A_722, %get3A_726 : vector<16xf32>
          %add3A_728 = arith.addf %add3A_718, %mul3A_727 : vector<16xf32>
          %get3A_729 = arith.index_cast %add3A_669 : i32 to index
          %get3A_730 = arith.constant 96 : index
          %get3A_731 = tpu.vector_load %arg14[%get3A_729, %get3A_730] {strides = array<i32>} : memref<96x128xf32, #tpu.memory_space<vmem>>, vector<1x16xf32>,
          %get3A_732 = vector.shape_cast %get3A_731 : vector<1x16xf32> to vector<16xf32>
          %get3A_733 = arith.index_cast %add3A_669 : i32 to index
          %get3A_734 = arith.constant 96 : index
          %get3A_735 = tpu.vector_load %arg15[%get3A_733, %get3A_734] {strides = array<i32>} : memref<96x128xf32, #tpu.memory_space<vmem>>, vector<1x16xf32>,
          %get3A_736 = vector.shape_cast %get3A_735 : vector<1x16xf32> to vector<16xf32>
          %mul3A_737 = arith.mulf %get3A_732, %get3A_736 : vector<16xf32>
          %add3A_738 = arith.addf %add3A_728, %mul3A_737 : vector<16xf32>
          %get3A_739 = arith.index_cast %add3A_669 : i32 to index
          %get3A_740 = arith.constant 112 : index
          %get3A_741 = tpu.vector_load %arg14[%get3A_739, %get3A_740] {strides = array<i32>} : memref<96x128xf32, #tpu.memory_space<vmem>>, vector<1x16xf32>,
          %get3A_742 = vector.shape_cast %get3A_741 : vector<1x16xf32> to vector<16xf32>
          %get3A_743 = arith.index_cast %add3A_669 : i32 to index
          %get3A_744 = arith.constant 112 : index
          %get3A_745 = tpu.vector_load %arg15[%get3A_743, %get3A_744] {strides = array<i32>} : memref<96x128xf32, #tpu.memory_space<vmem>>, vector<1x16xf32>,
          %get3A_746 = vector.shape_cast %get3A_745 : vector<1x16xf32> to vector<16xf32>
          %mul3A_747 = arith.mulf %get3A_742, %get3A_746 : vector<16xf32>
          %add3A_748 = arith.addf %add3A_738, %mul3A_747 : vector<16xf32>
          %broadcast_in_dim3A_749 = vector.shape_cast %xor3A_4 : vector<16xi32> to vector<16x1xi32>
          %gather3A_750 = vector.shape_cast %broadcast_in_dim3A_749 : vector<16x1xi32> to vector<16xi32>
          %gather3A_751 = tpu.dynamic_gather %add3A_748[%gather3A_750] in [0] : vector<16xf32>, vector<16xi32> -> vector<16xf32>
          %add3A_752 = arith.addf %add3A_748, %gather3A_751 : vector<16xf32>
          %broadcast_in_dim3A_753 = vector.shape_cast %xor3A_7 : vector<16xi32> to vector<16x1xi32>
          %gather3A_754 = vector.shape_cast %broadcast_in_dim3A_753 : vector<16x1xi32> to vector<16xi32>
          %gather3A_755 = tpu.dynamic_gather %add3A_752[%gather3A_754] in [0] : vector<16xf32>, vector<16xi32> -> vector<16xf32>
          %add3A_756 = arith.addf %add3A_752, %gather3A_755 : vector<16xf32>
          %broadcast_in_dim3A_757 = vector.shape_cast %xor3A_10 : vector<16xi32> to vector<16x1xi32>
          %gather3A_758 = vector.shape_cast %broadcast_in_dim3A_757 : vector<16x1xi32> to vector<16xi32>
          %gather3A_759 = tpu.dynamic_gather %add3A_756[%gather3A_758] in [0] : vector<16xf32>, vector<16xi32> -> vector<16xf32>
          %add3A_760 = arith.addf %add3A_756, %gather3A_759 : vector<16xf32>
          %broadcast_in_dim3A_761 = vector.shape_cast %xor3A_13 : vector<16xi32> to vector<16x1xi32>
          %gather3A_762 = vector.shape_cast %broadcast_in_dim3A_761 : vector<16x1xi32> to vector<16xi32>
          %gather3A_763 = tpu.dynamic_gather %add3A_760[%gather3A_762] in [0] : vector<16xf32>, vector<16xi32> -> vector<16xf32>
          %add3A_764 = arith.addf %add3A_760, %gather3A_763 : vector<16xf32>
          %eq3A_765 = vector.broadcast %scan3A_666 : i32 to vector<16xi32>
          %eq3A_766 = arith.cmpi eq, %iota3A, %eq3A_765 : vector<16xi32>
          %select_n3A_767 = arith.select %eq3A_766, %add3A_764, %select_n3A_664 : vector<16xi1>, vector<16xf32>
          scf.yield %select_n3A_767 : vector<16xf32>
        }
        %scan3A_352 = arith.constant 16 : i32
        %mul3A_353 = arith.constant 16 : i32
        %mul3A_354 = arith.muli %scan3A_344, %mul3A_353 : i32
        %add3A_355 = arith.addi %min3A_335, %mul3A_354 : i32
        %swap3A = arith.index_cast %add3A_355 : i32 to index
        %swap3A_356 = tpu.vector_load %arg16[%swap3A] {strides = array<i32>} : memref<10000xf32, #tpu.memory_space<vmem>>, vector<16xf32>,
        %swap3A_357 = vector.shape_cast %swap3A_356 : vector<16xf32> to vector<16xf32>
        %swap3A_358 = vector.shape_cast %scan3A_351 : vector<16xf32> to vector<16xf32>
        tpu.vector_store %arg16[%swap3A], %swap3A_358 {strides = array<i32>} : memref<10000xf32, #tpu.memory_space<vmem>>, vector<16xf32>,
        %scan3A_359 = arith.constant 0 : i32
        scf.yield %scan3A_359 : i32
      }
      %scan3A_342 = arith.constant 6 : i32
      %scan3A_343 = arith.constant 0 : i32
      scf.yield %scan3A_343 : i32
    }
    %scan3A_50 = arith.constant 25 : i32
    %min3A_51 = arith.constant 9888 : i32
    %min3A_52 = arith.constant 9904 : i32
    %min3A_53 = arith.minsi %min3A_51, %min3A_52 : i32
    %dma_start3A_54 = tpu.memref_slice %arg6[%min3A_53] : memref<10000xi32, #tpu.memory_space<vmem>> -> memref<96xi32, #tpu.memory_space<vmem>>
    %dma_start3A_55 = arith.constant 0 : i32
    %dma_start3A_56 = arith.constant 0 : i32
    %dma_start3A_57 = tpu.memref_slice %arg2[%dma_start3A_55, %dma_start3A_56] : memref<10000x128xf32, #tpu.memory_space<hbm>> -> memref<10000x128xf32, #tpu.memory_space<hbm>>
    tpu.enqueue_indirect_dma source(%dma_start3A_57 : memref<10000x128xf32, #tpu.memory_space<hbm>>) target(%arg14 : memref<96x128xf32, #tpu.memory_space<vmem>>) offsets(%dma_start3A_54 : memref<96xi32, #tpu.memory_space<vmem>>) semaphore(%arg20 : memref<!tpu.dma_semaphore, #tpu.memory_space<semaphore_mem>>)
    %dma_start3A_58 = tpu.memref_slice %arg7[%min3A_53] : memref<10000xi32, #tpu.memory_space<vmem>> -> memref<96xi32, #tpu.memory_space<vmem>>
    %dma_start3A_59 = arith.constant 0 : i32
    %dma_start3A_60 = arith.constant 0 : i32
    %dma_start3A_61 = tpu.memref_slice %arg2[%dma_start3A_59, %dma_start3A_60] : memref<10000x128xf32, #tpu.memory_space<hbm>> -> memref<10000x128xf32, #tpu.memory_space<hbm>>
    tpu.enqueue_indirect_dma source(%dma_start3A_61 : memref<10000x128xf32, #tpu.memory_space<hbm>>) target(%arg15 : memref<96x128xf32, #tpu.memory_space<vmem>>) offsets(%dma_start3A_58 : memref<96xi32, #tpu.memory_space<vmem>>) semaphore(%arg20 : memref<!tpu.dma_semaphore, #tpu.memory_space<semaphore_mem>>)
    %min3A_62 = arith.constant 9600 : i32
    %min3A_63 = arith.constant 9904 : i32
    %min3A_64 = arith.minsi %min3A_62, %min3A_63 : i32
    %dma_wait3A = tpu.memref_slice %arg6[%min3A_64] : memref<10000xi32, #tpu.memory_space<vmem>> -> memref<96xi32, #tpu.memory_space<vmem>>
    %dma_wait3A_65 = arith.constant 0 : i32
    %dma_wait3A_66 = arith.constant 0 : i32
    %dma_wait3A_67 = tpu.memref_slice %arg2[%dma_wait3A_65, %dma_wait3A_66] : memref<10000x128xf32, #tpu.memory_space<hbm>> -> memref<10000x128xf32, #tpu.memory_space<hbm>>
    tpu.wait_indirect_dma semaphore(%arg17 : memref<!tpu.dma_semaphore, #tpu.memory_space<semaphore_mem>>) src(%dma_wait3A_67 : memref<10000x128xf32, #tpu.memory_space<hbm>>) dst(%arg8 : memref<96x128xf32, #tpu.memory_space<vmem>>)
    %dma_wait3A_68 = tpu.memref_slice %arg7[%min3A_64] : memref<10000xi32, #tpu.memory_space<vmem>> -> memref<96xi32, #tpu.memory_space<vmem>>
    %dma_wait3A_69 = arith.constant 0 : i32
    %dma_wait3A_70 = arith.constant 0 : i32
    %dma_wait3A_71 = tpu.memref_slice %arg2[%dma_wait3A_69, %dma_wait3A_70] : memref<10000x128xf32, #tpu.memory_space<hbm>> -> memref<10000x128xf32, #tpu.memory_space<hbm>>
    tpu.wait_indirect_dma semaphore(%arg17 : memref<!tpu.dma_semaphore, #tpu.memory_space<semaphore_mem>>) src(%dma_wait3A_71 : memref<10000x128xf32, #tpu.memory_space<hbm>>) dst(%arg9 : memref<96x128xf32, #tpu.memory_space<vmem>>)
    %min3A_72 = arith.constant 9600 : i32
    %min3A_73 = arith.constant 9904 : i32
    %min3A_74 = arith.minsi %min3A_72, %min3A_73 : i32
    %scan3A_75 = arith.constant 0 : i32
    %scan3A_76 = arith.constant 0 : i32
    %scan3A_77 = arith.constant 6 : i32
    %scan3A_78 = arith.addi %scan3A_76, %scan3A_77 : i32
    %scan3A_79 = arith.constant 1 : i32
    %scan3A_80 = scf.for %scan3A_177 = %scan3A_76 to %scan3A_78 step %scan3A_79 iter_args(%scan3A_178 = %scan3A_75) -> (i32)  : i32 {
      %broadcast_in_dim3A = arith.constant 0.000000e+00 : f32
      %broadcast_in_dim3A_179 = vector.broadcast %broadcast_in_dim3A : f32 to vector<16xf32>
      %scan3A_180 = arith.constant 0 : i32
      %scan3A_181 = arith.constant 16 : i32
      %scan3A_182 = arith.addi %scan3A_180, %scan3A_181 : i32
      %scan3A_183 = arith.constant 4 : i32
      %scan3A_184 = scf.for %scan3A_193 = %scan3A_180 to %scan3A_182 step %scan3A_183 iter_args(%scan3A_194 = %broadcast_in_dim3A_179) -> (vector<16xf32>)  : i32 {
        %mul3A_195 = arith.constant 16 : i32
        %mul3A_196 = arith.muli %scan3A_177, %mul3A_195 : i32
        %add3A_197 = arith.addi %mul3A_196, %scan3A_193 : i32
        %get3A = arith.index_cast %add3A_197 : i32 to index
        %get3A_198 = arith.constant 0 : index
        %get3A_199 = tpu.vector_load %arg8[%get3A, %get3A_198] {strides = array<i32>} : memref<96x128xf32, #tpu.memory_space<vmem>>, vector<1x16xf32>,
        %get3A_200 = vector.shape_cast %get3A_199 : vector<1x16xf32> to vector<16xf32>
        %get3A_201 = arith.index_cast %add3A_197 : i32 to index
        %get3A_202 = arith.constant 0 : index
        %get3A_203 = tpu.vector_load %arg9[%get3A_201, %get3A_202] {strides = array<i32>} : memref<96x128xf32, #tpu.memory_space<vmem>>, vector<1x16xf32>,
        %get3A_204 = vector.shape_cast %get3A_203 : vector<1x16xf32> to vector<16xf32>
        %mul3A_205 = arith.mulf %get3A_200, %get3A_204 : vector<16xf32>
        %get3A_206 = arith.index_cast %add3A_197 : i32 to index
        %get3A_207 = arith.constant 16 : index
        %get3A_208 = tpu.vector_load %arg8[%get3A_206, %get3A_207] {strides = array<i32>} : memref<96x128xf32, #tpu.memory_space<vmem>>, vector<1x16xf32>,
        %get3A_209 = vector.shape_cast %get3A_208 : vector<1x16xf32> to vector<16xf32>
        %get3A_210 = arith.index_cast %add3A_197 : i32 to index
        %get3A_211 = arith.constant 16 : index
        %get3A_212 = tpu.vector_load %arg9[%get3A_210, %get3A_211] {strides = array<i32>} : memref<96x128xf32, #tpu.memory_space<vmem>>, vector<1x16xf32>,
        %get3A_213 = vector.shape_cast %get3A_212 : vector<1x16xf32> to vector<16xf32>
        %mul3A_214 = arith.mulf %get3A_209, %get3A_213 : vector<16xf32>
        %add3A_215 = arith.addf %mul3A_205, %mul3A_214 : vector<16xf32>
        %get3A_216 = arith.index_cast %add3A_197 : i32 to index
        %get3A_217 = arith.constant 32 : index
        %get3A_218 = tpu.vector_load %arg8[%get3A_216, %get3A_217] {strides = array<i32>} : memref<96x128xf32, #tpu.memory_space<vmem>>, vector<1x16xf32>,
        %get3A_219 = vector.shape_cast %get3A_218 : vector<1x16xf32> to vector<16xf32>
        %get3A_220 = arith.index_cast %add3A_197 : i32 to index
        %get3A_221 = arith.constant 32 : index
        %get3A_222 = tpu.vector_load %arg9[%get3A_220, %get3A_221] {strides = array<i32>} : memref<96x128xf32, #tpu.memory_space<vmem>>, vector<1x16xf32>,
        %get3A_223 = vector.shape_cast %get3A_222 : vector<1x16xf32> to vector<16xf32>
        %mul3A_224 = arith.mulf %get3A_219, %get3A_223 : vector<16xf32>
        %add3A_225 = arith.addf %add3A_215, %mul3A_224 : vector<16xf32>
        %get3A_226 = arith.index_cast %add3A_197 : i32 to index
        %get3A_227 = arith.constant 48 : index
        %get3A_228 = tpu.vector_load %arg8[%get3A_226, %get3A_227] {strides = array<i32>} : memref<96x128xf32, #tpu.memory_space<vmem>>, vector<1x16xf32>,
        %get3A_229 = vector.shape_cast %get3A_228 : vector<1x16xf32> to vector<16xf32>
        %get3A_230 = arith.index_cast %add3A_197 : i32 to index
        %get3A_231 = arith.constant 48 : index
        %get3A_232 = tpu.vector_load %arg9[%get3A_230, %get3A_231] {strides = array<i32>} : memref<96x128xf32, #tpu.memory_space<vmem>>, vector<1x16xf32>,
        %get3A_233 = vector.shape_cast %get3A_232 : vector<1x16xf32> to vector<16xf32>
        %mul3A_234 = arith.mulf %get3A_229, %get3A_233 : vector<16xf32>
        %add3A_235 = arith.addf %add3A_225, %mul3A_234 : vector<16xf32>
        %get3A_236 = arith.index_cast %add3A_197 : i32 to index
        %get3A_237 = arith.constant 64 : index
        %get3A_238 = tpu.vector_load %arg8[%get3A_236, %get3A_237] {strides = array<i32>} : memref<96x128xf32, #tpu.memory_space<vmem>>, vector<1x16xf32>,
        %get3A_239 = vector.shape_cast %get3A_238 : vector<1x16xf32> to vector<16xf32>
        %get3A_240 = arith.index_cast %add3A_197 : i32 to index
        %get3A_241 = arith.constant 64 : index
        %get3A_242 = tpu.vector_load %arg9[%get3A_240, %get3A_241] {strides = array<i32>} : memref<96x128xf32, #tpu.memory_space<vmem>>, vector<1x16xf32>,
        %get3A_243 = vector.shape_cast %get3A_242 : vector<1x16xf32> to vector<16xf32>
        %mul3A_244 = arith.mulf %get3A_239, %get3A_243 : vector<16xf32>
        %add3A_245 = arith.addf %add3A_235, %mul3A_244 : vector<16xf32>
        %get3A_246 = arith.index_cast %add3A_197 : i32 to index
        %get3A_247 = arith.constant 80 : index
        %get3A_248 = tpu.vector_load %arg8[%get3A_246, %get3A_247] {strides = array<i32>} : memref<96x128xf32, #tpu.memory_space<vmem>>, vector<1x16xf32>,
        %get3A_249 = vector.shape_cast %get3A_248 : vector<1x16xf32> to vector<16xf32>
        %get3A_250 = arith.index_cast %add3A_197 : i32 to index
        %get3A_251 = arith.constant 80 : index
        %get3A_252 = tpu.vector_load %arg9[%get3A_250, %get3A_251] {strides = array<i32>} : memref<96x128xf32, #tpu.memory_space<vmem>>, vector<1x16xf32>,
        %get3A_253 = vector.shape_cast %get3A_252 : vector<1x16xf32> to vector<16xf32>
        %mul3A_254 = arith.mulf %get3A_249, %get3A_253 : vector<16xf32>
        %add3A_255 = arith.addf %add3A_245, %mul3A_254 : vector<16xf32>
        %get3A_256 = arith.index_cast %add3A_197 : i32 to index
        %get3A_257 = arith.constant 96 : index
        %get3A_258 = tpu.vector_load %arg8[%get3A_256, %get3A_257] {strides = array<i32>} : memref<96x128xf32, #tpu.memory_space<vmem>>, vector<1x16xf32>,
        %get3A_259 = vector.shape_cast %get3A_258 : vector<1x16xf32> to vector<16xf32>
        %get3A_260 = arith.index_cast %add3A_197 : i32 to index
        %get3A_261 = arith.constant 96 : index
        %get3A_262 = tpu.vector_load %arg9[%get3A_260, %get3A_261] {strides = array<i32>} : memref<96x128xf32, #tpu.memory_space<vmem>>, vector<1x16xf32>,
        %get3A_263 = vector.shape_cast %get3A_262 : vector<1x16xf32> to vector<16xf32>
        %mul3A_264 = arith.mulf %get3A_259, %get3A_263 : vector<16xf32>
        %add3A_265 = arith.addf %add3A_255, %mul3A_264 : vector<16xf32>
        %get3A_266 = arith.index_cast %add3A_197 : i32 to index
        %get3A_267 = arith.constant 112 : index
        %get3A_268 = tpu.vector_load %arg8[%get3A_266, %get3A_267] {strides = array<i32>} : memref<96x128xf32, #tpu.memory_space<vmem>>, vector<1x16xf32>,
        %get3A_269 = vector.shape_cast %get3A_268 : vector<1x16xf32> to vector<16xf32>
        %get3A_270 = arith.index_cast %add3A_197 : i32 to index
        %get3A_271 = arith.constant 112 : index
        %get3A_272 = tpu.vector_load %arg9[%get3A_270, %get3A_271] {strides = array<i32>} : memref<96x128xf32, #tpu.memory_space<vmem>>, vector<1x16xf32>,
        %get3A_273 = vector.shape_cast %get3A_272 : vector<1x16xf32> to vector<16xf32>
        %mul3A_274 = arith.mulf %get3A_269, %get3A_273 : vector<16xf32>
        %add3A_275 = arith.addf %add3A_265, %mul3A_274 : vector<16xf32>
        %broadcast_in_dim3A_276 = vector.shape_cast %xor3A_4 : vector<16xi32> to vector<16x1xi32>
        %gather3A = vector.shape_cast %broadcast_in_dim3A_276 : vector<16x1xi32> to vector<16xi32>
        %gather3A_277 = tpu.dynamic_gather %add3A_275[%gather3A] in [0] : vector<16xf32>, vector<16xi32> -> vector<16xf32>
        %add3A_278 = arith.addf %add3A_275, %gather3A_277 : vector<16xf32>
        %broadcast_in_dim3A_279 = vector.shape_cast %xor3A_7 : vector<16xi32> to vector<16x1xi32>
        %gather3A_280 = vector.shape_cast %broadcast_in_dim3A_279 : vector<16x1xi32> to vector<16xi32>
        %gather3A_281 = tpu.dynamic_gather %add3A_278[%gather3A_280] in [0] : vector<16xf32>, vector<16xi32> -> vector<16xf32>
        %add3A_282 = arith.addf %add3A_278, %gather3A_281 : vector<16xf32>
        %broadcast_in_dim3A_283 = vector.shape_cast %xor3A_10 : vector<16xi32> to vector<16x1xi32>
        %gather3A_284 = vector.shape_cast %broadcast_in_dim3A_283 : vector<16x1xi32> to vector<16xi32>
        %gather3A_285 = tpu.dynamic_gather %add3A_282[%gather3A_284] in [0] : vector<16xf32>, vector<16xi32> -> vector<16xf32>
        %add3A_286 = arith.addf %add3A_282, %gather3A_285 : vector<16xf32>
        %broadcast_in_dim3A_287 = vector.shape_cast %xor3A_13 : vector<16xi32> to vector<16x1xi32>
        %gather3A_288 = vector.shape_cast %broadcast_in_dim3A_287 : vector<16x1xi32> to vector<16xi32>
        %gather3A_289 = tpu.dynamic_gather %add3A_286[%gather3A_288] in [0] : vector<16xf32>, vector<16xi32> -> vector<16xf32>
        %add3A_290 = arith.addf %add3A_286, %gather3A_289 : vector<16xf32>
        %eq3A = vector.broadcast %scan3A_193 : i32 to vector<16xi32>
        %eq3A_291 = arith.cmpi eq, %iota3A, %eq3A : vector<16xi32>
        %select_n3A = arith.select %eq3A_291, %add3A_290, %scan3A_194 : vector<16xi1>, vector<16xf32>
        %scan3A_292 = arith.constant 1 : i32
        %scan3A_293 = arith.addi %scan3A_193, %scan3A_292 : i32
        %mul3A_294 = arith.constant 16 : i32
        %mul3A_295 = arith.muli %scan3A_177, %mul3A_294 : i32
        %add3A_296 = arith.addi %mul3A_295, %scan3A_293 : i32
        %get3A_297 = arith.index_cast %add3A_296 : i32 to index
        %get3A_298 = arith.constant 0 : index
        %get3A_299 = tpu.vector_load %arg8[%get3A_297, %get3A_298] {strides = array<i32>} : memref<96x128xf32, #tpu.memory_space<vmem>>, vector<1x16xf32>,
        %get3A_300 = vector.shape_cast %get3A_299 : vector<1x16xf32> to vector<16xf32>
        %get3A_301 = arith.index_cast %add3A_296 : i32 to index
        %get3A_302 = arith.constant 0 : index
        %get3A_303 = tpu.vector_load %arg9[%get3A_301, %get3A_302] {strides = array<i32>} : memref<96x128xf32, #tpu.memory_space<vmem>>, vector<1x16xf32>,
        %get3A_304 = vector.shape_cast %get3A_303 : vector<1x16xf32> to vector<16xf32>
        %mul3A_305 = arith.mulf %get3A_300, %get3A_304 : vector<16xf32>
        %get3A_306 = arith.index_cast %add3A_296 : i32 to index
        %get3A_307 = arith.constant 16 : index
        %get3A_308 = tpu.vector_load %arg8[%get3A_306, %get3A_307] {strides = array<i32>} : memref<96x128xf32, #tpu.memory_space<vmem>>, vector<1x16xf32>,
        %get3A_309 = vector.shape_cast %get3A_308 : vector<1x16xf32> to vector<16xf32>
        %get3A_310 = arith.index_cast %add3A_296 : i32 to index
        %get3A_311 = arith.constant 16 : index
        %get3A_312 = tpu.vector_load %arg9[%get3A_310, %get3A_311] {strides = array<i32>} : memref<96x128xf32, #tpu.memory_space<vmem>>, vector<1x16xf32>,
        %get3A_313 = vector.shape_cast %get3A_312 : vector<1x16xf32> to vector<16xf32>
        %mul3A_314 = arith.mulf %get3A_309, %get3A_313 : vector<16xf32>
        %add3A_315 = arith.addf %mul3A_305, %mul3A_314 : vector<16xf32>
        %get3A_316 = arith.index_cast %add3A_296 : i32 to index
        %get3A_317 = arith.constant 32 : index
        %get3A_318 = tpu.vector_load %arg8[%get3A_316, %get3A_317] {strides = array<i32>} : memref<96x128xf32, #tpu.memory_space<vmem>>, vector<1x16xf32>,
        %get3A_319 = vector.shape_cast %get3A_318 : vector<1x16xf32> to vector<16xf32>
        %get3A_320 = arith.index_cast %add3A_296 : i32 to index
        %get3A_321 = arith.constant 32 : index
        %get3A_322 = tpu.vector_load %arg9[%get3A_320, %get3A_321] {strides = array<i32>} : memref<96x128xf32, #tpu.memory_space<vmem>>, vector<1x16xf32>,
        %get3A_323 = vector.shape_cast %get3A_322 : vector<1x16xf32> to vector<16xf32>
        %mul3A_324 = arith.mulf %get3A_319, %get3A_323 : vector<16xf32>
        %add3A_325 = arith.addf %add3A_315, %mul3A_324 : vector<16xf32>
        %get3A_326 = arith.index_cast %add3A_296 : i32 to index
        %get3A_327 = arith.constant 48 : index
        %get3A_328 = tpu.vector_load %arg8[%get3A_326, %get3A_327] {strides = array<i32>} : memref<96x128xf32, #tpu.memory_space<vmem>>, vector<1x16xf32>,
        %get3A_329 = vector.shape_cast %get3A_328 : vector<1x16xf32> to vector<16xf32>
        %get3A_330 = arith.index_cast %add3A_296 : i32 to index
        %get3A_331 = arith.constant 48 : index
        %get3A_332 = tpu.vector_load %arg9[%get3A_330, %get3A_331] {strides = array<i32>} : memref<96x128xf32, #tpu.memory_space<vmem>>, vector<1x16xf32>,
        %get3A_333 = vector.shape_cast %get3A_332 : vector<1x16xf32> to vector<16xf32>
        %mul3A_334 = arith.mulf %get3A_329, %get3A_333 : vector<16xf32>
        %add3A_335 = arith.addf %add3A_325, %mul3A_334 : vector<16xf32>
        %get3A_336 = arith.index_cast %add3A_296 : i32 to index
        %get3A_337 = arith.constant 64 : index
        %get3A_338 = tpu.vector_load %arg8[%get3A_336, %get3A_337] {strides = array<i32>} : memref<96x128xf32, #tpu.memory_space<vmem>>, vector<1x16xf32>,
        %get3A_339 = vector.shape_cast %get3A_338 : vector<1x16xf32> to vector<16xf32>
        %get3A_340 = arith.index_cast %add3A_296 : i32 to index
        %get3A_341 = arith.constant 64 : index
        %get3A_342 = tpu.vector_load %arg9[%get3A_340, %get3A_341] {strides = array<i32>} : memref<96x128xf32, #tpu.memory_space<vmem>>, vector<1x16xf32>,
        %get3A_343 = vector.shape_cast %get3A_342 : vector<1x16xf32> to vector<16xf32>
        %mul3A_344 = arith.mulf %get3A_339, %get3A_343 : vector<16xf32>
        %add3A_345 = arith.addf %add3A_335, %mul3A_344 : vector<16xf32>
        %get3A_346 = arith.index_cast %add3A_296 : i32 to index
        %get3A_347 = arith.constant 80 : index
        %get3A_348 = tpu.vector_load %arg8[%get3A_346, %get3A_347] {strides = array<i32>} : memref<96x128xf32, #tpu.memory_space<vmem>>, vector<1x16xf32>,
        %get3A_349 = vector.shape_cast %get3A_348 : vector<1x16xf32> to vector<16xf32>
        %get3A_350 = arith.index_cast %add3A_296 : i32 to index
        %get3A_351 = arith.constant 80 : index
        %get3A_352 = tpu.vector_load %arg9[%get3A_350, %get3A_351] {strides = array<i32>} : memref<96x128xf32, #tpu.memory_space<vmem>>, vector<1x16xf32>,
        %get3A_353 = vector.shape_cast %get3A_352 : vector<1x16xf32> to vector<16xf32>
        %mul3A_354 = arith.mulf %get3A_349, %get3A_353 : vector<16xf32>
        %add3A_355 = arith.addf %add3A_345, %mul3A_354 : vector<16xf32>
        %get3A_356 = arith.index_cast %add3A_296 : i32 to index
        %get3A_357 = arith.constant 96 : index
        %get3A_358 = tpu.vector_load %arg8[%get3A_356, %get3A_357] {strides = array<i32>} : memref<96x128xf32, #tpu.memory_space<vmem>>, vector<1x16xf32>,
        %get3A_359 = vector.shape_cast %get3A_358 : vector<1x16xf32> to vector<16xf32>
        %get3A_360 = arith.index_cast %add3A_296 : i32 to index
        %get3A_361 = arith.constant 96 : index
        %get3A_362 = tpu.vector_load %arg9[%get3A_360, %get3A_361] {strides = array<i32>} : memref<96x128xf32, #tpu.memory_space<vmem>>, vector<1x16xf32>,
        %get3A_363 = vector.shape_cast %get3A_362 : vector<1x16xf32> to vector<16xf32>
        %mul3A_364 = arith.mulf %get3A_359, %get3A_363 : vector<16xf32>
        %add3A_365 = arith.addf %add3A_355, %mul3A_364 : vector<16xf32>
        %get3A_366 = arith.index_cast %add3A_296 : i32 to index
        %get3A_367 = arith.constant 112 : index
        %get3A_368 = tpu.vector_load %arg8[%get3A_366, %get3A_367] {strides = array<i32>} : memref<96x128xf32, #tpu.memory_space<vmem>>, vector<1x16xf32>,
        %get3A_369 = vector.shape_cast %get3A_368 : vector<1x16xf32> to vector<16xf32>
        %get3A_370 = arith.index_cast %add3A_296 : i32 to index
        %get3A_371 = arith.constant 112 : index
        %get3A_372 = tpu.vector_load %arg9[%get3A_370, %get3A_371] {strides = array<i32>} : memref<96x128xf32, #tpu.memory_space<vmem>>, vector<1x16xf32>,
        %get3A_373 = vector.shape_cast %get3A_372 : vector<1x16xf32> to vector<16xf32>
        %mul3A_374 = arith.mulf %get3A_369, %get3A_373 : vector<16xf32>
        %add3A_375 = arith.addf %add3A_365, %mul3A_374 : vector<16xf32>
        %broadcast_in_dim3A_376 = vector.shape_cast %xor3A_4 : vector<16xi32> to vector<16x1xi32>
        %gather3A_377 = vector.shape_cast %broadcast_in_dim3A_376 : vector<16x1xi32> to vector<16xi32>
        %gather3A_378 = tpu.dynamic_gather %add3A_375[%gather3A_377] in [0] : vector<16xf32>, vector<16xi32> -> vector<16xf32>
        %add3A_379 = arith.addf %add3A_375, %gather3A_378 : vector<16xf32>
        %broadcast_in_dim3A_380 = vector.shape_cast %xor3A_7 : vector<16xi32> to vector<16x1xi32>
        %gather3A_381 = vector.shape_cast %broadcast_in_dim3A_380 : vector<16x1xi32> to vector<16xi32>
        %gather3A_382 = tpu.dynamic_gather %add3A_379[%gather3A_381] in [0] : vector<16xf32>, vector<16xi32> -> vector<16xf32>
        %add3A_383 = arith.addf %add3A_379, %gather3A_382 : vector<16xf32>
        %broadcast_in_dim3A_384 = vector.shape_cast %xor3A_10 : vector<16xi32> to vector<16x1xi32>
        %gather3A_385 = vector.shape_cast %broadcast_in_dim3A_384 : vector<16x1xi32> to vector<16xi32>
        %gather3A_386 = tpu.dynamic_gather %add3A_383[%gather3A_385] in [0] : vector<16xf32>, vector<16xi32> -> vector<16xf32>
        %add3A_387 = arith.addf %add3A_383, %gather3A_386 : vector<16xf32>
        %broadcast_in_dim3A_388 = vector.shape_cast %xor3A_13 : vector<16xi32> to vector<16x1xi32>
        %gather3A_389 = vector.shape_cast %broadcast_in_dim3A_388 : vector<16x1xi32> to vector<16xi32>
        %gather3A_390 = tpu.dynamic_gather %add3A_387[%gather3A_389] in [0] : vector<16xf32>, vector<16xi32> -> vector<16xf32>
        %add3A_391 = arith.addf %add3A_387, %gather3A_390 : vector<16xf32>
        %eq3A_392 = vector.broadcast %scan3A_293 : i32 to vector<16xi32>
        %eq3A_393 = arith.cmpi eq, %iota3A, %eq3A_392 : vector<16xi32>
        %select_n3A_394 = arith.select %eq3A_393, %add3A_391, %select_n3A : vector<16xi1>, vector<16xf32>
        %scan3A_395 = arith.constant 2 : i32
        %scan3A_396 = arith.addi %scan3A_193, %scan3A_395 : i32
        %mul3A_397 = arith.constant 16 : i32
        %mul3A_398 = arith.muli %scan3A_177, %mul3A_397 : i32
        %add3A_399 = arith.addi %mul3A_398, %scan3A_396 : i32
        %get3A_400 = arith.index_cast %add3A_399 : i32 to index
        %get3A_401 = arith.constant 0 : index
        %get3A_402 = tpu.vector_load %arg8[%get3A_400, %get3A_401] {strides = array<i32>} : memref<96x128xf32, #tpu.memory_space<vmem>>, vector<1x16xf32>,
        %get3A_403 = vector.shape_cast %get3A_402 : vector<1x16xf32> to vector<16xf32>
        %get3A_404 = arith.index_cast %add3A_399 : i32 to index
        %get3A_405 = arith.constant 0 : index
        %get3A_406 = tpu.vector_load %arg9[%get3A_404, %get3A_405] {strides = array<i32>} : memref<96x128xf32, #tpu.memory_space<vmem>>, vector<1x16xf32>,
        %get3A_407 = vector.shape_cast %get3A_406 : vector<1x16xf32> to vector<16xf32>
        %mul3A_408 = arith.mulf %get3A_403, %get3A_407 : vector<16xf32>
        %get3A_409 = arith.index_cast %add3A_399 : i32 to index
        %get3A_410 = arith.constant 16 : index
        %get3A_411 = tpu.vector_load %arg8[%get3A_409, %get3A_410] {strides = array<i32>} : memref<96x128xf32, #tpu.memory_space<vmem>>, vector<1x16xf32>,
        %get3A_412 = vector.shape_cast %get3A_411 : vector<1x16xf32> to vector<16xf32>
        %get3A_413 = arith.index_cast %add3A_399 : i32 to index
        %get3A_414 = arith.constant 16 : index
        %get3A_415 = tpu.vector_load %arg9[%get3A_413, %get3A_414] {strides = array<i32>} : memref<96x128xf32, #tpu.memory_space<vmem>>, vector<1x16xf32>,
        %get3A_416 = vector.shape_cast %get3A_415 : vector<1x16xf32> to vector<16xf32>
        %mul3A_417 = arith.mulf %get3A_412, %get3A_416 : vector<16xf32>
        %add3A_418 = arith.addf %mul3A_408, %mul3A_417 : vector<16xf32>
        %get3A_419 = arith.index_cast %add3A_399 : i32 to index
        %get3A_420 = arith.constant 32 : index
        %get3A_421 = tpu.vector_load %arg8[%get3A_419, %get3A_420] {strides = array<i32>} : memref<96x128xf32, #tpu.memory_space<vmem>>, vector<1x16xf32>,
        %get3A_422 = vector.shape_cast %get3A_421 : vector<1x16xf32> to vector<16xf32>
        %get3A_423 = arith.index_cast %add3A_399 : i32 to index
        %get3A_424 = arith.constant 32 : index
        %get3A_425 = tpu.vector_load %arg9[%get3A_423, %get3A_424] {strides = array<i32>} : memref<96x128xf32, #tpu.memory_space<vmem>>, vector<1x16xf32>,
        %get3A_426 = vector.shape_cast %get3A_425 : vector<1x16xf32> to vector<16xf32>
        %mul3A_427 = arith.mulf %get3A_422, %get3A_426 : vector<16xf32>
        %add3A_428 = arith.addf %add3A_418, %mul3A_427 : vector<16xf32>
        %get3A_429 = arith.index_cast %add3A_399 : i32 to index
        %get3A_430 = arith.constant 48 : index
        %get3A_431 = tpu.vector_load %arg8[%get3A_429, %get3A_430] {strides = array<i32>} : memref<96x128xf32, #tpu.memory_space<vmem>>, vector<1x16xf32>,
        %get3A_432 = vector.shape_cast %get3A_431 : vector<1x16xf32> to vector<16xf32>
        %get3A_433 = arith.index_cast %add3A_399 : i32 to index
        %get3A_434 = arith.constant 48 : index
        %get3A_435 = tpu.vector_load %arg9[%get3A_433, %get3A_434] {strides = array<i32>} : memref<96x128xf32, #tpu.memory_space<vmem>>, vector<1x16xf32>,
        %get3A_436 = vector.shape_cast %get3A_435 : vector<1x16xf32> to vector<16xf32>
        %mul3A_437 = arith.mulf %get3A_432, %get3A_436 : vector<16xf32>
        %add3A_438 = arith.addf %add3A_428, %mul3A_437 : vector<16xf32>
        %get3A_439 = arith.index_cast %add3A_399 : i32 to index
        %get3A_440 = arith.constant 64 : index
        %get3A_441 = tpu.vector_load %arg8[%get3A_439, %get3A_440] {strides = array<i32>} : memref<96x128xf32, #tpu.memory_space<vmem>>, vector<1x16xf32>,
        %get3A_442 = vector.shape_cast %get3A_441 : vector<1x16xf32> to vector<16xf32>
        %get3A_443 = arith.index_cast %add3A_399 : i32 to index
        %get3A_444 = arith.constant 64 : index
        %get3A_445 = tpu.vector_load %arg9[%get3A_443, %get3A_444] {strides = array<i32>} : memref<96x128xf32, #tpu.memory_space<vmem>>, vector<1x16xf32>,
        %get3A_446 = vector.shape_cast %get3A_445 : vector<1x16xf32> to vector<16xf32>
        %mul3A_447 = arith.mulf %get3A_442, %get3A_446 : vector<16xf32>
        %add3A_448 = arith.addf %add3A_438, %mul3A_447 : vector<16xf32>
        %get3A_449 = arith.index_cast %add3A_399 : i32 to index
        %get3A_450 = arith.constant 80 : index
        %get3A_451 = tpu.vector_load %arg8[%get3A_449, %get3A_450] {strides = array<i32>} : memref<96x128xf32, #tpu.memory_space<vmem>>, vector<1x16xf32>,
        %get3A_452 = vector.shape_cast %get3A_451 : vector<1x16xf32> to vector<16xf32>
        %get3A_453 = arith.index_cast %add3A_399 : i32 to index
        %get3A_454 = arith.constant 80 : index
        %get3A_455 = tpu.vector_load %arg9[%get3A_453, %get3A_454] {strides = array<i32>} : memref<96x128xf32, #tpu.memory_space<vmem>>, vector<1x16xf32>,
        %get3A_456 = vector.shape_cast %get3A_455 : vector<1x16xf32> to vector<16xf32>
        %mul3A_457 = arith.mulf %get3A_452, %get3A_456 : vector<16xf32>
        %add3A_458 = arith.addf %add3A_448, %mul3A_457 : vector<16xf32>
        %get3A_459 = arith.index_cast %add3A_399 : i32 to index
        %get3A_460 = arith.constant 96 : index
        %get3A_461 = tpu.vector_load %arg8[%get3A_459, %get3A_460] {strides = array<i32>} : memref<96x128xf32, #tpu.memory_space<vmem>>, vector<1x16xf32>,
        %get3A_462 = vector.shape_cast %get3A_461 : vector<1x16xf32> to vector<16xf32>
        %get3A_463 = arith.index_cast %add3A_399 : i32 to index
        %get3A_464 = arith.constant 96 : index
        %get3A_465 = tpu.vector_load %arg9[%get3A_463, %get3A_464] {strides = array<i32>} : memref<96x128xf32, #tpu.memory_space<vmem>>, vector<1x16xf32>,
        %get3A_466 = vector.shape_cast %get3A_465 : vector<1x16xf32> to vector<16xf32>
        %mul3A_467 = arith.mulf %get3A_462, %get3A_466 : vector<16xf32>
        %add3A_468 = arith.addf %add3A_458, %mul3A_467 : vector<16xf32>
        %get3A_469 = arith.index_cast %add3A_399 : i32 to index
        %get3A_470 = arith.constant 112 : index
        %get3A_471 = tpu.vector_load %arg8[%get3A_469, %get3A_470] {strides = array<i32>} : memref<96x128xf32, #tpu.memory_space<vmem>>, vector<1x16xf32>,
        %get3A_472 = vector.shape_cast %get3A_471 : vector<1x16xf32> to vector<16xf32>
        %get3A_473 = arith.index_cast %add3A_399 : i32 to index
        %get3A_474 = arith.constant 112 : index
        %get3A_475 = tpu.vector_load %arg9[%get3A_473, %get3A_474] {strides = array<i32>} : memref<96x128xf32, #tpu.memory_space<vmem>>, vector<1x16xf32>,
        %get3A_476 = vector.shape_cast %get3A_475 : vector<1x16xf32> to vector<16xf32>
        %mul3A_477 = arith.mulf %get3A_472, %get3A_476 : vector<16xf32>
        %add3A_478 = arith.addf %add3A_468, %mul3A_477 : vector<16xf32>
        %broadcast_in_dim3A_479 = vector.shape_cast %xor3A_4 : vector<16xi32> to vector<16x1xi32>
        %gather3A_480 = vector.shape_cast %broadcast_in_dim3A_479 : vector<16x1xi32> to vector<16xi32>
        %gather3A_481 = tpu.dynamic_gather %add3A_478[%gather3A_480] in [0] : vector<16xf32>, vector<16xi32> -> vector<16xf32>
        %add3A_482 = arith.addf %add3A_478, %gather3A_481 : vector<16xf32>
        %broadcast_in_dim3A_483 = vector.shape_cast %xor3A_7 : vector<16xi32> to vector<16x1xi32>
        %gather3A_484 = vector.shape_cast %broadcast_in_dim3A_483 : vector<16x1xi32> to vector<16xi32>
        %gather3A_485 = tpu.dynamic_gather %add3A_482[%gather3A_484] in [0] : vector<16xf32>, vector<16xi32> -> vector<16xf32>
        %add3A_486 = arith.addf %add3A_482, %gather3A_485 : vector<16xf32>
        %broadcast_in_dim3A_487 = vector.shape_cast %xor3A_10 : vector<16xi32> to vector<16x1xi32>
        %gather3A_488 = vector.shape_cast %broadcast_in_dim3A_487 : vector<16x1xi32> to vector<16xi32>
        %gather3A_489 = tpu.dynamic_gather %add3A_486[%gather3A_488] in [0] : vector<16xf32>, vector<16xi32> -> vector<16xf32>
        %add3A_490 = arith.addf %add3A_486, %gather3A_489 : vector<16xf32>
        %broadcast_in_dim3A_491 = vector.shape_cast %xor3A_13 : vector<16xi32> to vector<16x1xi32>
        %gather3A_492 = vector.shape_cast %broadcast_in_dim3A_491 : vector<16x1xi32> to vector<16xi32>
        %gather3A_493 = tpu.dynamic_gather %add3A_490[%gather3A_492] in [0] : vector<16xf32>, vector<16xi32> -> vector<16xf32>
        %add3A_494 = arith.addf %add3A_490, %gather3A_493 : vector<16xf32>
        %eq3A_495 = vector.broadcast %scan3A_396 : i32 to vector<16xi32>
        %eq3A_496 = arith.cmpi eq, %iota3A, %eq3A_495 : vector<16xi32>
        %select_n3A_497 = arith.select %eq3A_496, %add3A_494, %select_n3A_394 : vector<16xi1>, vector<16xf32>
        %scan3A_498 = arith.constant 3 : i32
        %scan3A_499 = arith.addi %scan3A_193, %scan3A_498 : i32
        %mul3A_500 = arith.constant 16 : i32
        %mul3A_501 = arith.muli %scan3A_177, %mul3A_500 : i32
        %add3A_502 = arith.addi %mul3A_501, %scan3A_499 : i32
        %get3A_503 = arith.index_cast %add3A_502 : i32 to index
        %get3A_504 = arith.constant 0 : index
        %get3A_505 = tpu.vector_load %arg8[%get3A_503, %get3A_504] {strides = array<i32>} : memref<96x128xf32, #tpu.memory_space<vmem>>, vector<1x16xf32>,
        %get3A_506 = vector.shape_cast %get3A_505 : vector<1x16xf32> to vector<16xf32>
        %get3A_507 = arith.index_cast %add3A_502 : i32 to index
        %get3A_508 = arith.constant 0 : index
        %get3A_509 = tpu.vector_load %arg9[%get3A_507, %get3A_508] {strides = array<i32>} : memref<96x128xf32, #tpu.memory_space<vmem>>, vector<1x16xf32>,
        %get3A_510 = vector.shape_cast %get3A_509 : vector<1x16xf32> to vector<16xf32>
        %mul3A_511 = arith.mulf %get3A_506, %get3A_510 : vector<16xf32>
        %get3A_512 = arith.index_cast %add3A_502 : i32 to index
        %get3A_513 = arith.constant 16 : index
        %get3A_514 = tpu.vector_load %arg8[%get3A_512, %get3A_513] {strides = array<i32>} : memref<96x128xf32, #tpu.memory_space<vmem>>, vector<1x16xf32>,
        %get3A_515 = vector.shape_cast %get3A_514 : vector<1x16xf32> to vector<16xf32>
        %get3A_516 = arith.index_cast %add3A_502 : i32 to index
        %get3A_517 = arith.constant 16 : index
        %get3A_518 = tpu.vector_load %arg9[%get3A_516, %get3A_517] {strides = array<i32>} : memref<96x128xf32, #tpu.memory_space<vmem>>, vector<1x16xf32>,
        %get3A_519 = vector.shape_cast %get3A_518 : vector<1x16xf32> to vector<16xf32>
        %mul3A_520 = arith.mulf %get3A_515, %get3A_519 : vector<16xf32>
        %add3A_521 = arith.addf %mul3A_511, %mul3A_520 : vector<16xf32>
        %get3A_522 = arith.index_cast %add3A_502 : i32 to index
        %get3A_523 = arith.constant 32 : index
        %get3A_524 = tpu.vector_load %arg8[%get3A_522, %get3A_523] {strides = array<i32>} : memref<96x128xf32, #tpu.memory_space<vmem>>, vector<1x16xf32>,
        %get3A_525 = vector.shape_cast %get3A_524 : vector<1x16xf32> to vector<16xf32>
        %get3A_526 = arith.index_cast %add3A_502 : i32 to index
        %get3A_527 = arith.constant 32 : index
        %get3A_528 = tpu.vector_load %arg9[%get3A_526, %get3A_527] {strides = array<i32>} : memref<96x128xf32, #tpu.memory_space<vmem>>, vector<1x16xf32>,
        %get3A_529 = vector.shape_cast %get3A_528 : vector<1x16xf32> to vector<16xf32>
        %mul3A_530 = arith.mulf %get3A_525, %get3A_529 : vector<16xf32>
        %add3A_531 = arith.addf %add3A_521, %mul3A_530 : vector<16xf32>
        %get3A_532 = arith.index_cast %add3A_502 : i32 to index
        %get3A_533 = arith.constant 48 : index
        %get3A_534 = tpu.vector_load %arg8[%get3A_532, %get3A_533] {strides = array<i32>} : memref<96x128xf32, #tpu.memory_space<vmem>>, vector<1x16xf32>,
        %get3A_535 = vector.shape_cast %get3A_534 : vector<1x16xf32> to vector<16xf32>
        %get3A_536 = arith.index_cast %add3A_502 : i32 to index
        %get3A_537 = arith.constant 48 : index
        %get3A_538 = tpu.vector_load %arg9[%get3A_536, %get3A_537] {strides = array<i32>} : memref<96x128xf32, #tpu.memory_space<vmem>>, vector<1x16xf32>,
        %get3A_539 = vector.shape_cast %get3A_538 : vector<1x16xf32> to vector<16xf32>
        %mul3A_540 = arith.mulf %get3A_535, %get3A_539 : vector<16xf32>
        %add3A_541 = arith.addf %add3A_531, %mul3A_540 : vector<16xf32>
        %get3A_542 = arith.index_cast %add3A_502 : i32 to index
        %get3A_543 = arith.constant 64 : index
        %get3A_544 = tpu.vector_load %arg8[%get3A_542, %get3A_543] {strides = array<i32>} : memref<96x128xf32, #tpu.memory_space<vmem>>, vector<1x16xf32>,
        %get3A_545 = vector.shape_cast %get3A_544 : vector<1x16xf32> to vector<16xf32>
        %get3A_546 = arith.index_cast %add3A_502 : i32 to index
        %get3A_547 = arith.constant 64 : index
        %get3A_548 = tpu.vector_load %arg9[%get3A_546, %get3A_547] {strides = array<i32>} : memref<96x128xf32, #tpu.memory_space<vmem>>, vector<1x16xf32>,
        %get3A_549 = vector.shape_cast %get3A_548 : vector<1x16xf32> to vector<16xf32>
        %mul3A_550 = arith.mulf %get3A_545, %get3A_549 : vector<16xf32>
        %add3A_551 = arith.addf %add3A_541, %mul3A_550 : vector<16xf32>
        %get3A_552 = arith.index_cast %add3A_502 : i32 to index
        %get3A_553 = arith.constant 80 : index
        %get3A_554 = tpu.vector_load %arg8[%get3A_552, %get3A_553] {strides = array<i32>} : memref<96x128xf32, #tpu.memory_space<vmem>>, vector<1x16xf32>,
        %get3A_555 = vector.shape_cast %get3A_554 : vector<1x16xf32> to vector<16xf32>
        %get3A_556 = arith.index_cast %add3A_502 : i32 to index
        %get3A_557 = arith.constant 80 : index
        %get3A_558 = tpu.vector_load %arg9[%get3A_556, %get3A_557] {strides = array<i32>} : memref<96x128xf32, #tpu.memory_space<vmem>>, vector<1x16xf32>,
        %get3A_559 = vector.shape_cast %get3A_558 : vector<1x16xf32> to vector<16xf32>
        %mul3A_560 = arith.mulf %get3A_555, %get3A_559 : vector<16xf32>
        %add3A_561 = arith.addf %add3A_551, %mul3A_560 : vector<16xf32>
        %get3A_562 = arith.index_cast %add3A_502 : i32 to index
        %get3A_563 = arith.constant 96 : index
        %get3A_564 = tpu.vector_load %arg8[%get3A_562, %get3A_563] {strides = array<i32>} : memref<96x128xf32, #tpu.memory_space<vmem>>, vector<1x16xf32>,
        %get3A_565 = vector.shape_cast %get3A_564 : vector<1x16xf32> to vector<16xf32>
        %get3A_566 = arith.index_cast %add3A_502 : i32 to index
        %get3A_567 = arith.constant 96 : index
        %get3A_568 = tpu.vector_load %arg9[%get3A_566, %get3A_567] {strides = array<i32>} : memref<96x128xf32, #tpu.memory_space<vmem>>, vector<1x16xf32>,
        %get3A_569 = vector.shape_cast %get3A_568 : vector<1x16xf32> to vector<16xf32>
        %mul3A_570 = arith.mulf %get3A_565, %get3A_569 : vector<16xf32>
        %add3A_571 = arith.addf %add3A_561, %mul3A_570 : vector<16xf32>
        %get3A_572 = arith.index_cast %add3A_502 : i32 to index
        %get3A_573 = arith.constant 112 : index
        %get3A_574 = tpu.vector_load %arg8[%get3A_572, %get3A_573] {strides = array<i32>} : memref<96x128xf32, #tpu.memory_space<vmem>>, vector<1x16xf32>,
        %get3A_575 = vector.shape_cast %get3A_574 : vector<1x16xf32> to vector<16xf32>
        %get3A_576 = arith.index_cast %add3A_502 : i32 to index
        %get3A_577 = arith.constant 112 : index
        %get3A_578 = tpu.vector_load %arg9[%get3A_576, %get3A_577] {strides = array<i32>} : memref<96x128xf32, #tpu.memory_space<vmem>>, vector<1x16xf32>,
        %get3A_579 = vector.shape_cast %get3A_578 : vector<1x16xf32> to vector<16xf32>
        %mul3A_580 = arith.mulf %get3A_575, %get3A_579 : vector<16xf32>
        %add3A_581 = arith.addf %add3A_571, %mul3A_580 : vector<16xf32>
        %broadcast_in_dim3A_582 = vector.shape_cast %xor3A_4 : vector<16xi32> to vector<16x1xi32>
        %gather3A_583 = vector.shape_cast %broadcast_in_dim3A_582 : vector<16x1xi32> to vector<16xi32>
        %gather3A_584 = tpu.dynamic_gather %add3A_581[%gather3A_583] in [0] : vector<16xf32>, vector<16xi32> -> vector<16xf32>
        %add3A_585 = arith.addf %add3A_581, %gather3A_584 : vector<16xf32>
        %broadcast_in_dim3A_586 = vector.shape_cast %xor3A_7 : vector<16xi32> to vector<16x1xi32>
        %gather3A_587 = vector.shape_cast %broadcast_in_dim3A_586 : vector<16x1xi32> to vector<16xi32>
        %gather3A_588 = tpu.dynamic_gather %add3A_585[%gather3A_587] in [0] : vector<16xf32>, vector<16xi32> -> vector<16xf32>
        %add3A_589 = arith.addf %add3A_585, %gather3A_588 : vector<16xf32>
        %broadcast_in_dim3A_590 = vector.shape_cast %xor3A_10 : vector<16xi32> to vector<16x1xi32>
        %gather3A_591 = vector.shape_cast %broadcast_in_dim3A_590 : vector<16x1xi32> to vector<16xi32>
        %gather3A_592 = tpu.dynamic_gather %add3A_589[%gather3A_591] in [0] : vector<16xf32>, vector<16xi32> -> vector<16xf32>
        %add3A_593 = arith.addf %add3A_589, %gather3A_592 : vector<16xf32>
        %broadcast_in_dim3A_594 = vector.shape_cast %xor3A_13 : vector<16xi32> to vector<16x1xi32>
        %gather3A_595 = vector.shape_cast %broadcast_in_dim3A_594 : vector<16x1xi32> to vector<16xi32>
        %gather3A_596 = tpu.dynamic_gather %add3A_593[%gather3A_595] in [0] : vector<16xf32>, vector<16xi32> -> vector<16xf32>
        %add3A_597 = arith.addf %add3A_593, %gather3A_596 : vector<16xf32>
        %eq3A_598 = vector.broadcast %scan3A_499 : i32 to vector<16xi32>
        %eq3A_599 = arith.cmpi eq, %iota3A, %eq3A_598 : vector<16xi32>
        %select_n3A_600 = arith.select %eq3A_599, %add3A_597, %select_n3A_497 : vector<16xi1>, vector<16xf32>
        scf.yield %select_n3A_600 : vector<16xf32>
      }
      %scan3A_185 = arith.constant 16 : i32
      %mul3A_186 = arith.constant 16 : i32
      %mul3A_187 = arith.muli %scan3A_177, %mul3A_186 : i32
      %add3A_188 = arith.addi %min3A_74, %mul3A_187 : i32
      %swap3A = arith.index_cast %add3A_188 : i32 to index
      %swap3A_189 = tpu.vector_load %arg16[%swap3A] {strides = array<i32>} : memref<10000xf32, #tpu.memory_space<vmem>>, vector<16xf32>,
      %swap3A_190 = vector.shape_cast %swap3A_189 : vector<16xf32> to vector<16xf32>
      %swap3A_191 = vector.shape_cast %scan3A_184 : vector<16xf32> to vector<16xf32>
      tpu.vector_store %arg16[%swap3A], %swap3A_191 {strides = array<i32>} : memref<10000xf32, #tpu.memory_space<vmem>>, vector<16xf32>,
      %scan3A_192 = arith.constant 0 : i32
      scf.yield %scan3A_192 : i32
    }
    %scan3A_81 = arith.constant 6 : i32
    %min3A_82 = arith.constant 9984 : i32
    %min3A_83 = arith.constant 9904 : i32
    %min3A_84 = arith.minsi %min3A_82, %min3A_83 : i32
    %dma_start3A_85 = tpu.memref_slice %arg6[%min3A_84] : memref<10000xi32, #tpu.memory_space<vmem>> -> memref<96xi32, #tpu.memory_space<vmem>>
    %dma_start3A_86 = arith.constant 0 : i32
    %dma_start3A_87 = arith.constant 0 : i32
    %dma_start3A_88 = tpu.memref_slice %arg2[%dma_start3A_86, %dma_start3A_87] : memref<10000x128xf32, #tpu.memory_space<hbm>> -> memref<10000x128xf32, #tpu.memory_space<hbm>>
    tpu.enqueue_indirect_dma source(%dma_start3A_88 : memref<10000x128xf32, #tpu.memory_space<hbm>>) target(%arg8 : memref<96x128xf32, #tpu.memory_space<vmem>>) offsets(%dma_start3A_85 : memref<96xi32, #tpu.memory_space<vmem>>) semaphore(%arg17 : memref<!tpu.dma_semaphore, #tpu.memory_space<semaphore_mem>>)
    %dma_start3A_89 = tpu.memref_slice %arg7[%min3A_84] : memref<10000xi32, #tpu.memory_space<vmem>> -> memref<96xi32, #tpu.memory_space<vmem>>
    %dma_start3A_90 = arith.constant 0 : i32
    %dma_start3A_91 = arith.constant 0 : i32
    %dma_start3A_92 = tpu.memref_slice %arg2[%dma_start3A_90, %dma_start3A_91] : memref<10000x128xf32, #tpu.memory_space<hbm>> -> memref<10000x128xf32, #tpu.memory_space<hbm>>
    tpu.enqueue_indirect_dma source(%dma_start3A_92 : memref<10000x128xf32, #tpu.memory_space<hbm>>) target(%arg9 : memref<96x128xf32, #tpu.memory_space<vmem>>) offsets(%dma_start3A_89 : memref<96xi32, #tpu.memory_space<vmem>>) semaphore(%arg17 : memref<!tpu.dma_semaphore, #tpu.memory_space<semaphore_mem>>)
    %min3A_93 = arith.constant 9696 : i32
    %min3A_94 = arith.constant 9904 : i32
    %min3A_95 = arith.minsi %min3A_93, %min3A_94 : i32
    %dma_wait3A_96 = tpu.memref_slice %arg6[%min3A_95] : memref<10000xi32, #tpu.memory_space<vmem>> -> memref<96xi32, #tpu.memory_space<vmem>>
    %dma_wait3A_97 = arith.constant 0 : i32
    %dma_wait3A_98 = arith.constant 0 : i32
    %dma_wait3A_99 = tpu.memref_slice %arg2[%dma_wait3A_97, %dma_wait3A_98] : memref<10000x128xf32, #tpu.memory_space<hbm>> -> memref<10000x128xf32, #tpu.memory_space<hbm>>
    tpu.wait_indirect_dma semaphore(%arg18 : memref<!tpu.dma_semaphore, #tpu.memory_space<semaphore_mem>>) src(%dma_wait3A_99 : memref<10000x128xf32, #tpu.memory_space<hbm>>) dst(%arg10 : memref<96x128xf32, #tpu.memory_space<vmem>>)
    %dma_wait3A_100 = tpu.memref_slice %arg7[%min3A_95] : memref<10000xi32, #tpu.memory_space<vmem>> -> memref<96xi32, #tpu.memory_space<vmem>>
    %dma_wait3A_101 = arith.constant 0 : i32
    %dma_wait3A_102 = arith.constant 0 : i32
    %dma_wait3A_103 = tpu.memref_slice %arg2[%dma_wait3A_101, %dma_wait3A_102] : memref<10000x128xf32, #tpu.memory_space<hbm>> -> memref<10000x128xf32, #tpu.memory_space<hbm>>
    tpu.wait_indirect_dma semaphore(%arg18 : memref<!tpu.dma_semaphore, #tpu.memory_space<semaphore_mem>>) src(%dma_wait3A_103 : memref<10000x128xf32, #tpu.memory_space<hbm>>) dst(%arg11 : memref<96x128xf32, #tpu.memory_space<vmem>>)
    %min3A_104 = arith.constant 9696 : i32
    %min3A_105 = arith.constant 9904 : i32
    %min3A_106 = arith.minsi %min3A_104, %min3A_105 : i32
    %scan3A_107 = arith.constant 0 : i32
    %scan3A_108 = arith.constant 0 : i32
    %scan3A_109 = arith.constant 6 : i32
    %scan3A_110 = arith.addi %scan3A_108, %scan3A_109 : i32
    %scan3A_111 = arith.constant 1 : i32
    %scan3A_112 = scf.for %scan3A_177 = %scan3A_108 to %scan3A_110 step %scan3A_111 iter_args(%scan3A_178 = %scan3A_107) -> (i32)  : i32 {
      %broadcast_in_dim3A = arith.constant 0.000000e+00 : f32
      %broadcast_in_dim3A_179 = vector.broadcast %broadcast_in_dim3A : f32 to vector<16xf32>
      %scan3A_180 = arith.constant 0 : i32
      %scan3A_181 = arith.constant 16 : i32
      %scan3A_182 = arith.addi %scan3A_180, %scan3A_181 : i32
      %scan3A_183 = arith.constant 4 : i32
      %scan3A_184 = scf.for %scan3A_193 = %scan3A_180 to %scan3A_182 step %scan3A_183 iter_args(%scan3A_194 = %broadcast_in_dim3A_179) -> (vector<16xf32>)  : i32 {
        %mul3A_195 = arith.constant 16 : i32
        %mul3A_196 = arith.muli %scan3A_177, %mul3A_195 : i32
        %add3A_197 = arith.addi %mul3A_196, %scan3A_193 : i32
        %get3A = arith.index_cast %add3A_197 : i32 to index
        %get3A_198 = arith.constant 0 : index
        %get3A_199 = tpu.vector_load %arg10[%get3A, %get3A_198] {strides = array<i32>} : memref<96x128xf32, #tpu.memory_space<vmem>>, vector<1x16xf32>,
        %get3A_200 = vector.shape_cast %get3A_199 : vector<1x16xf32> to vector<16xf32>
        %get3A_201 = arith.index_cast %add3A_197 : i32 to index
        %get3A_202 = arith.constant 0 : index
        %get3A_203 = tpu.vector_load %arg11[%get3A_201, %get3A_202] {strides = array<i32>} : memref<96x128xf32, #tpu.memory_space<vmem>>, vector<1x16xf32>,
        %get3A_204 = vector.shape_cast %get3A_203 : vector<1x16xf32> to vector<16xf32>
        %mul3A_205 = arith.mulf %get3A_200, %get3A_204 : vector<16xf32>
        %get3A_206 = arith.index_cast %add3A_197 : i32 to index
        %get3A_207 = arith.constant 16 : index
        %get3A_208 = tpu.vector_load %arg10[%get3A_206, %get3A_207] {strides = array<i32>} : memref<96x128xf32, #tpu.memory_space<vmem>>, vector<1x16xf32>,
        %get3A_209 = vector.shape_cast %get3A_208 : vector<1x16xf32> to vector<16xf32>
        %get3A_210 = arith.index_cast %add3A_197 : i32 to index
        %get3A_211 = arith.constant 16 : index
        %get3A_212 = tpu.vector_load %arg11[%get3A_210, %get3A_211] {strides = array<i32>} : memref<96x128xf32, #tpu.memory_space<vmem>>, vector<1x16xf32>,
        %get3A_213 = vector.shape_cast %get3A_212 : vector<1x16xf32> to vector<16xf32>
        %mul3A_214 = arith.mulf %get3A_209, %get3A_213 : vector<16xf32>
        %add3A_215 = arith.addf %mul3A_205, %mul3A_214 : vector<16xf32>
        %get3A_216 = arith.index_cast %add3A_197 : i32 to index
        %get3A_217 = arith.constant 32 : index
        %get3A_218 = tpu.vector_load %arg10[%get3A_216, %get3A_217] {strides = array<i32>} : memref<96x128xf32, #tpu.memory_space<vmem>>, vector<1x16xf32>,
        %get3A_219 = vector.shape_cast %get3A_218 : vector<1x16xf32> to vector<16xf32>
        %get3A_220 = arith.index_cast %add3A_197 : i32 to index
        %get3A_221 = arith.constant 32 : index
        %get3A_222 = tpu.vector_load %arg11[%get3A_220, %get3A_221] {strides = array<i32>} : memref<96x128xf32, #tpu.memory_space<vmem>>, vector<1x16xf32>,
        %get3A_223 = vector.shape_cast %get3A_222 : vector<1x16xf32> to vector<16xf32>
        %mul3A_224 = arith.mulf %get3A_219, %get3A_223 : vector<16xf32>
        %add3A_225 = arith.addf %add3A_215, %mul3A_224 : vector<16xf32>
        %get3A_226 = arith.index_cast %add3A_197 : i32 to index
        %get3A_227 = arith.constant 48 : index
        %get3A_228 = tpu.vector_load %arg10[%get3A_226, %get3A_227] {strides = array<i32>} : memref<96x128xf32, #tpu.memory_space<vmem>>, vector<1x16xf32>,
        %get3A_229 = vector.shape_cast %get3A_228 : vector<1x16xf32> to vector<16xf32>
        %get3A_230 = arith.index_cast %add3A_197 : i32 to index
        %get3A_231 = arith.constant 48 : index
        %get3A_232 = tpu.vector_load %arg11[%get3A_230, %get3A_231] {strides = array<i32>} : memref<96x128xf32, #tpu.memory_space<vmem>>, vector<1x16xf32>,
        %get3A_233 = vector.shape_cast %get3A_232 : vector<1x16xf32> to vector<16xf32>
        %mul3A_234 = arith.mulf %get3A_229, %get3A_233 : vector<16xf32>
        %add3A_235 = arith.addf %add3A_225, %mul3A_234 : vector<16xf32>
        %get3A_236 = arith.index_cast %add3A_197 : i32 to index
        %get3A_237 = arith.constant 64 : index
        %get3A_238 = tpu.vector_load %arg10[%get3A_236, %get3A_237] {strides = array<i32>} : memref<96x128xf32, #tpu.memory_space<vmem>>, vector<1x16xf32>,
        %get3A_239 = vector.shape_cast %get3A_238 : vector<1x16xf32> to vector<16xf32>
        %get3A_240 = arith.index_cast %add3A_197 : i32 to index
        %get3A_241 = arith.constant 64 : index
        %get3A_242 = tpu.vector_load %arg11[%get3A_240, %get3A_241] {strides = array<i32>} : memref<96x128xf32, #tpu.memory_space<vmem>>, vector<1x16xf32>,
        %get3A_243 = vector.shape_cast %get3A_242 : vector<1x16xf32> to vector<16xf32>
        %mul3A_244 = arith.mulf %get3A_239, %get3A_243 : vector<16xf32>
        %add3A_245 = arith.addf %add3A_235, %mul3A_244 : vector<16xf32>
        %get3A_246 = arith.index_cast %add3A_197 : i32 to index
        %get3A_247 = arith.constant 80 : index
        %get3A_248 = tpu.vector_load %arg10[%get3A_246, %get3A_247] {strides = array<i32>} : memref<96x128xf32, #tpu.memory_space<vmem>>, vector<1x16xf32>,
        %get3A_249 = vector.shape_cast %get3A_248 : vector<1x16xf32> to vector<16xf32>
        %get3A_250 = arith.index_cast %add3A_197 : i32 to index
        %get3A_251 = arith.constant 80 : index
        %get3A_252 = tpu.vector_load %arg11[%get3A_250, %get3A_251] {strides = array<i32>} : memref<96x128xf32, #tpu.memory_space<vmem>>, vector<1x16xf32>,
        %get3A_253 = vector.shape_cast %get3A_252 : vector<1x16xf32> to vector<16xf32>
        %mul3A_254 = arith.mulf %get3A_249, %get3A_253 : vector<16xf32>
        %add3A_255 = arith.addf %add3A_245, %mul3A_254 : vector<16xf32>
        %get3A_256 = arith.index_cast %add3A_197 : i32 to index
        %get3A_257 = arith.constant 96 : index
        %get3A_258 = tpu.vector_load %arg10[%get3A_256, %get3A_257] {strides = array<i32>} : memref<96x128xf32, #tpu.memory_space<vmem>>, vector<1x16xf32>,
        %get3A_259 = vector.shape_cast %get3A_258 : vector<1x16xf32> to vector<16xf32>
        %get3A_260 = arith.index_cast %add3A_197 : i32 to index
        %get3A_261 = arith.constant 96 : index
        %get3A_262 = tpu.vector_load %arg11[%get3A_260, %get3A_261] {strides = array<i32>} : memref<96x128xf32, #tpu.memory_space<vmem>>, vector<1x16xf32>,
        %get3A_263 = vector.shape_cast %get3A_262 : vector<1x16xf32> to vector<16xf32>
        %mul3A_264 = arith.mulf %get3A_259, %get3A_263 : vector<16xf32>
        %add3A_265 = arith.addf %add3A_255, %mul3A_264 : vector<16xf32>
        %get3A_266 = arith.index_cast %add3A_197 : i32 to index
        %get3A_267 = arith.constant 112 : index
        %get3A_268 = tpu.vector_load %arg10[%get3A_266, %get3A_267] {strides = array<i32>} : memref<96x128xf32, #tpu.memory_space<vmem>>, vector<1x16xf32>,
        %get3A_269 = vector.shape_cast %get3A_268 : vector<1x16xf32> to vector<16xf32>
        %get3A_270 = arith.index_cast %add3A_197 : i32 to index
        %get3A_271 = arith.constant 112 : index
        %get3A_272 = tpu.vector_load %arg11[%get3A_270, %get3A_271] {strides = array<i32>} : memref<96x128xf32, #tpu.memory_space<vmem>>, vector<1x16xf32>,
        %get3A_273 = vector.shape_cast %get3A_272 : vector<1x16xf32> to vector<16xf32>
        %mul3A_274 = arith.mulf %get3A_269, %get3A_273 : vector<16xf32>
        %add3A_275 = arith.addf %add3A_265, %mul3A_274 : vector<16xf32>
        %broadcast_in_dim3A_276 = vector.shape_cast %xor3A_4 : vector<16xi32> to vector<16x1xi32>
        %gather3A = vector.shape_cast %broadcast_in_dim3A_276 : vector<16x1xi32> to vector<16xi32>
        %gather3A_277 = tpu.dynamic_gather %add3A_275[%gather3A] in [0] : vector<16xf32>, vector<16xi32> -> vector<16xf32>
        %add3A_278 = arith.addf %add3A_275, %gather3A_277 : vector<16xf32>
        %broadcast_in_dim3A_279 = vector.shape_cast %xor3A_7 : vector<16xi32> to vector<16x1xi32>
        %gather3A_280 = vector.shape_cast %broadcast_in_dim3A_279 : vector<16x1xi32> to vector<16xi32>
        %gather3A_281 = tpu.dynamic_gather %add3A_278[%gather3A_280] in [0] : vector<16xf32>, vector<16xi32> -> vector<16xf32>
        %add3A_282 = arith.addf %add3A_278, %gather3A_281 : vector<16xf32>
        %broadcast_in_dim3A_283 = vector.shape_cast %xor3A_10 : vector<16xi32> to vector<16x1xi32>
        %gather3A_284 = vector.shape_cast %broadcast_in_dim3A_283 : vector<16x1xi32> to vector<16xi32>
        %gather3A_285 = tpu.dynamic_gather %add3A_282[%gather3A_284] in [0] : vector<16xf32>, vector<16xi32> -> vector<16xf32>
        %add3A_286 = arith.addf %add3A_282, %gather3A_285 : vector<16xf32>
        %broadcast_in_dim3A_287 = vector.shape_cast %xor3A_13 : vector<16xi32> to vector<16x1xi32>
        %gather3A_288 = vector.shape_cast %broadcast_in_dim3A_287 : vector<16x1xi32> to vector<16xi32>
        %gather3A_289 = tpu.dynamic_gather %add3A_286[%gather3A_288] in [0] : vector<16xf32>, vector<16xi32> -> vector<16xf32>
        %add3A_290 = arith.addf %add3A_286, %gather3A_289 : vector<16xf32>
        %eq3A = vector.broadcast %scan3A_193 : i32 to vector<16xi32>
        %eq3A_291 = arith.cmpi eq, %iota3A, %eq3A : vector<16xi32>
        %select_n3A = arith.select %eq3A_291, %add3A_290, %scan3A_194 : vector<16xi1>, vector<16xf32>
        %scan3A_292 = arith.constant 1 : i32
        %scan3A_293 = arith.addi %scan3A_193, %scan3A_292 : i32
        %mul3A_294 = arith.constant 16 : i32
        %mul3A_295 = arith.muli %scan3A_177, %mul3A_294 : i32
        %add3A_296 = arith.addi %mul3A_295, %scan3A_293 : i32
        %get3A_297 = arith.index_cast %add3A_296 : i32 to index
        %get3A_298 = arith.constant 0 : index
        %get3A_299 = tpu.vector_load %arg10[%get3A_297, %get3A_298] {strides = array<i32>} : memref<96x128xf32, #tpu.memory_space<vmem>>, vector<1x16xf32>,
        %get3A_300 = vector.shape_cast %get3A_299 : vector<1x16xf32> to vector<16xf32>
        %get3A_301 = arith.index_cast %add3A_296 : i32 to index
        %get3A_302 = arith.constant 0 : index
        %get3A_303 = tpu.vector_load %arg11[%get3A_301, %get3A_302] {strides = array<i32>} : memref<96x128xf32, #tpu.memory_space<vmem>>, vector<1x16xf32>,
        %get3A_304 = vector.shape_cast %get3A_303 : vector<1x16xf32> to vector<16xf32>
        %mul3A_305 = arith.mulf %get3A_300, %get3A_304 : vector<16xf32>
        %get3A_306 = arith.index_cast %add3A_296 : i32 to index
        %get3A_307 = arith.constant 16 : index
        %get3A_308 = tpu.vector_load %arg10[%get3A_306, %get3A_307] {strides = array<i32>} : memref<96x128xf32, #tpu.memory_space<vmem>>, vector<1x16xf32>,
        %get3A_309 = vector.shape_cast %get3A_308 : vector<1x16xf32> to vector<16xf32>
        %get3A_310 = arith.index_cast %add3A_296 : i32 to index
        %get3A_311 = arith.constant 16 : index
        %get3A_312 = tpu.vector_load %arg11[%get3A_310, %get3A_311] {strides = array<i32>} : memref<96x128xf32, #tpu.memory_space<vmem>>, vector<1x16xf32>,
        %get3A_313 = vector.shape_cast %get3A_312 : vector<1x16xf32> to vector<16xf32>
        %mul3A_314 = arith.mulf %get3A_309, %get3A_313 : vector<16xf32>
        %add3A_315 = arith.addf %mul3A_305, %mul3A_314 : vector<16xf32>
        %get3A_316 = arith.index_cast %add3A_296 : i32 to index
        %get3A_317 = arith.constant 32 : index
        %get3A_318 = tpu.vector_load %arg10[%get3A_316, %get3A_317] {strides = array<i32>} : memref<96x128xf32, #tpu.memory_space<vmem>>, vector<1x16xf32>,
        %get3A_319 = vector.shape_cast %get3A_318 : vector<1x16xf32> to vector<16xf32>
        %get3A_320 = arith.index_cast %add3A_296 : i32 to index
        %get3A_321 = arith.constant 32 : index
        %get3A_322 = tpu.vector_load %arg11[%get3A_320, %get3A_321] {strides = array<i32>} : memref<96x128xf32, #tpu.memory_space<vmem>>, vector<1x16xf32>,
        %get3A_323 = vector.shape_cast %get3A_322 : vector<1x16xf32> to vector<16xf32>
        %mul3A_324 = arith.mulf %get3A_319, %get3A_323 : vector<16xf32>
        %add3A_325 = arith.addf %add3A_315, %mul3A_324 : vector<16xf32>
        %get3A_326 = arith.index_cast %add3A_296 : i32 to index
        %get3A_327 = arith.constant 48 : index
        %get3A_328 = tpu.vector_load %arg10[%get3A_326, %get3A_327] {strides = array<i32>} : memref<96x128xf32, #tpu.memory_space<vmem>>, vector<1x16xf32>,
        %get3A_329 = vector.shape_cast %get3A_328 : vector<1x16xf32> to vector<16xf32>
        %get3A_330 = arith.index_cast %add3A_296 : i32 to index
        %get3A_331 = arith.constant 48 : index
        %get3A_332 = tpu.vector_load %arg11[%get3A_330, %get3A_331] {strides = array<i32>} : memref<96x128xf32, #tpu.memory_space<vmem>>, vector<1x16xf32>,
        %get3A_333 = vector.shape_cast %get3A_332 : vector<1x16xf32> to vector<16xf32>
        %mul3A_334 = arith.mulf %get3A_329, %get3A_333 : vector<16xf32>
        %add3A_335 = arith.addf %add3A_325, %mul3A_334 : vector<16xf32>
        %get3A_336 = arith.index_cast %add3A_296 : i32 to index
        %get3A_337 = arith.constant 64 : index
        %get3A_338 = tpu.vector_load %arg10[%get3A_336, %get3A_337] {strides = array<i32>} : memref<96x128xf32, #tpu.memory_space<vmem>>, vector<1x16xf32>,
        %get3A_339 = vector.shape_cast %get3A_338 : vector<1x16xf32> to vector<16xf32>
        %get3A_340 = arith.index_cast %add3A_296 : i32 to index
        %get3A_341 = arith.constant 64 : index
        %get3A_342 = tpu.vector_load %arg11[%get3A_340, %get3A_341] {strides = array<i32>} : memref<96x128xf32, #tpu.memory_space<vmem>>, vector<1x16xf32>,
        %get3A_343 = vector.shape_cast %get3A_342 : vector<1x16xf32> to vector<16xf32>
        %mul3A_344 = arith.mulf %get3A_339, %get3A_343 : vector<16xf32>
        %add3A_345 = arith.addf %add3A_335, %mul3A_344 : vector<16xf32>
        %get3A_346 = arith.index_cast %add3A_296 : i32 to index
        %get3A_347 = arith.constant 80 : index
        %get3A_348 = tpu.vector_load %arg10[%get3A_346, %get3A_347] {strides = array<i32>} : memref<96x128xf32, #tpu.memory_space<vmem>>, vector<1x16xf32>,
        %get3A_349 = vector.shape_cast %get3A_348 : vector<1x16xf32> to vector<16xf32>
        %get3A_350 = arith.index_cast %add3A_296 : i32 to index
        %get3A_351 = arith.constant 80 : index
        %get3A_352 = tpu.vector_load %arg11[%get3A_350, %get3A_351] {strides = array<i32>} : memref<96x128xf32, #tpu.memory_space<vmem>>, vector<1x16xf32>,
        %get3A_353 = vector.shape_cast %get3A_352 : vector<1x16xf32> to vector<16xf32>
        %mul3A_354 = arith.mulf %get3A_349, %get3A_353 : vector<16xf32>
        %add3A_355 = arith.addf %add3A_345, %mul3A_354 : vector<16xf32>
        %get3A_356 = arith.index_cast %add3A_296 : i32 to index
        %get3A_357 = arith.constant 96 : index
        %get3A_358 = tpu.vector_load %arg10[%get3A_356, %get3A_357] {strides = array<i32>} : memref<96x128xf32, #tpu.memory_space<vmem>>, vector<1x16xf32>,
        %get3A_359 = vector.shape_cast %get3A_358 : vector<1x16xf32> to vector<16xf32>
        %get3A_360 = arith.index_cast %add3A_296 : i32 to index
        %get3A_361 = arith.constant 96 : index
        %get3A_362 = tpu.vector_load %arg11[%get3A_360, %get3A_361] {strides = array<i32>} : memref<96x128xf32, #tpu.memory_space<vmem>>, vector<1x16xf32>,
        %get3A_363 = vector.shape_cast %get3A_362 : vector<1x16xf32> to vector<16xf32>
        %mul3A_364 = arith.mulf %get3A_359, %get3A_363 : vector<16xf32>
        %add3A_365 = arith.addf %add3A_355, %mul3A_364 : vector<16xf32>
        %get3A_366 = arith.index_cast %add3A_296 : i32 to index
        %get3A_367 = arith.constant 112 : index
        %get3A_368 = tpu.vector_load %arg10[%get3A_366, %get3A_367] {strides = array<i32>} : memref<96x128xf32, #tpu.memory_space<vmem>>, vector<1x16xf32>,
        %get3A_369 = vector.shape_cast %get3A_368 : vector<1x16xf32> to vector<16xf32>
        %get3A_370 = arith.index_cast %add3A_296 : i32 to index
        %get3A_371 = arith.constant 112 : index
        %get3A_372 = tpu.vector_load %arg11[%get3A_370, %get3A_371] {strides = array<i32>} : memref<96x128xf32, #tpu.memory_space<vmem>>, vector<1x16xf32>,
        %get3A_373 = vector.shape_cast %get3A_372 : vector<1x16xf32> to vector<16xf32>
        %mul3A_374 = arith.mulf %get3A_369, %get3A_373 : vector<16xf32>
        %add3A_375 = arith.addf %add3A_365, %mul3A_374 : vector<16xf32>
        %broadcast_in_dim3A_376 = vector.shape_cast %xor3A_4 : vector<16xi32> to vector<16x1xi32>
        %gather3A_377 = vector.shape_cast %broadcast_in_dim3A_376 : vector<16x1xi32> to vector<16xi32>
        %gather3A_378 = tpu.dynamic_gather %add3A_375[%gather3A_377] in [0] : vector<16xf32>, vector<16xi32> -> vector<16xf32>
        %add3A_379 = arith.addf %add3A_375, %gather3A_378 : vector<16xf32>
        %broadcast_in_dim3A_380 = vector.shape_cast %xor3A_7 : vector<16xi32> to vector<16x1xi32>
        %gather3A_381 = vector.shape_cast %broadcast_in_dim3A_380 : vector<16x1xi32> to vector<16xi32>
        %gather3A_382 = tpu.dynamic_gather %add3A_379[%gather3A_381] in [0] : vector<16xf32>, vector<16xi32> -> vector<16xf32>
        %add3A_383 = arith.addf %add3A_379, %gather3A_382 : vector<16xf32>
        %broadcast_in_dim3A_384 = vector.shape_cast %xor3A_10 : vector<16xi32> to vector<16x1xi32>
        %gather3A_385 = vector.shape_cast %broadcast_in_dim3A_384 : vector<16x1xi32> to vector<16xi32>
        %gather3A_386 = tpu.dynamic_gather %add3A_383[%gather3A_385] in [0] : vector<16xf32>, vector<16xi32> -> vector<16xf32>
        %add3A_387 = arith.addf %add3A_383, %gather3A_386 : vector<16xf32>
        %broadcast_in_dim3A_388 = vector.shape_cast %xor3A_13 : vector<16xi32> to vector<16x1xi32>
        %gather3A_389 = vector.shape_cast %broadcast_in_dim3A_388 : vector<16x1xi32> to vector<16xi32>
        %gather3A_390 = tpu.dynamic_gather %add3A_387[%gather3A_389] in [0] : vector<16xf32>, vector<16xi32> -> vector<16xf32>
        %add3A_391 = arith.addf %add3A_387, %gather3A_390 : vector<16xf32>
        %eq3A_392 = vector.broadcast %scan3A_293 : i32 to vector<16xi32>
        %eq3A_393 = arith.cmpi eq, %iota3A, %eq3A_392 : vector<16xi32>
        %select_n3A_394 = arith.select %eq3A_393, %add3A_391, %select_n3A : vector<16xi1>, vector<16xf32>
        %scan3A_395 = arith.constant 2 : i32
        %scan3A_396 = arith.addi %scan3A_193, %scan3A_395 : i32
        %mul3A_397 = arith.constant 16 : i32
        %mul3A_398 = arith.muli %scan3A_177, %mul3A_397 : i32
        %add3A_399 = arith.addi %mul3A_398, %scan3A_396 : i32
        %get3A_400 = arith.index_cast %add3A_399 : i32 to index
        %get3A_401 = arith.constant 0 : index
        %get3A_402 = tpu.vector_load %arg10[%get3A_400, %get3A_401] {strides = array<i32>} : memref<96x128xf32, #tpu.memory_space<vmem>>, vector<1x16xf32>,
        %get3A_403 = vector.shape_cast %get3A_402 : vector<1x16xf32> to vector<16xf32>
        %get3A_404 = arith.index_cast %add3A_399 : i32 to index
        %get3A_405 = arith.constant 0 : index
        %get3A_406 = tpu.vector_load %arg11[%get3A_404, %get3A_405] {strides = array<i32>} : memref<96x128xf32, #tpu.memory_space<vmem>>, vector<1x16xf32>,
        %get3A_407 = vector.shape_cast %get3A_406 : vector<1x16xf32> to vector<16xf32>
        %mul3A_408 = arith.mulf %get3A_403, %get3A_407 : vector<16xf32>
        %get3A_409 = arith.index_cast %add3A_399 : i32 to index
        %get3A_410 = arith.constant 16 : index
        %get3A_411 = tpu.vector_load %arg10[%get3A_409, %get3A_410] {strides = array<i32>} : memref<96x128xf32, #tpu.memory_space<vmem>>, vector<1x16xf32>,
        %get3A_412 = vector.shape_cast %get3A_411 : vector<1x16xf32> to vector<16xf32>
        %get3A_413 = arith.index_cast %add3A_399 : i32 to index
        %get3A_414 = arith.constant 16 : index
        %get3A_415 = tpu.vector_load %arg11[%get3A_413, %get3A_414] {strides = array<i32>} : memref<96x128xf32, #tpu.memory_space<vmem>>, vector<1x16xf32>,
        %get3A_416 = vector.shape_cast %get3A_415 : vector<1x16xf32> to vector<16xf32>
        %mul3A_417 = arith.mulf %get3A_412, %get3A_416 : vector<16xf32>
        %add3A_418 = arith.addf %mul3A_408, %mul3A_417 : vector<16xf32>
        %get3A_419 = arith.index_cast %add3A_399 : i32 to index
        %get3A_420 = arith.constant 32 : index
        %get3A_421 = tpu.vector_load %arg10[%get3A_419, %get3A_420] {strides = array<i32>} : memref<96x128xf32, #tpu.memory_space<vmem>>, vector<1x16xf32>,
        %get3A_422 = vector.shape_cast %get3A_421 : vector<1x16xf32> to vector<16xf32>
        %get3A_423 = arith.index_cast %add3A_399 : i32 to index
        %get3A_424 = arith.constant 32 : index
        %get3A_425 = tpu.vector_load %arg11[%get3A_423, %get3A_424] {strides = array<i32>} : memref<96x128xf32, #tpu.memory_space<vmem>>, vector<1x16xf32>,
        %get3A_426 = vector.shape_cast %get3A_425 : vector<1x16xf32> to vector<16xf32>
        %mul3A_427 = arith.mulf %get3A_422, %get3A_426 : vector<16xf32>
        %add3A_428 = arith.addf %add3A_418, %mul3A_427 : vector<16xf32>
        %get3A_429 = arith.index_cast %add3A_399 : i32 to index
        %get3A_430 = arith.constant 48 : index
        %get3A_431 = tpu.vector_load %arg10[%get3A_429, %get3A_430] {strides = array<i32>} : memref<96x128xf32, #tpu.memory_space<vmem>>, vector<1x16xf32>,
        %get3A_432 = vector.shape_cast %get3A_431 : vector<1x16xf32> to vector<16xf32>
        %get3A_433 = arith.index_cast %add3A_399 : i32 to index
        %get3A_434 = arith.constant 48 : index
        %get3A_435 = tpu.vector_load %arg11[%get3A_433, %get3A_434] {strides = array<i32>} : memref<96x128xf32, #tpu.memory_space<vmem>>, vector<1x16xf32>,
        %get3A_436 = vector.shape_cast %get3A_435 : vector<1x16xf32> to vector<16xf32>
        %mul3A_437 = arith.mulf %get3A_432, %get3A_436 : vector<16xf32>
        %add3A_438 = arith.addf %add3A_428, %mul3A_437 : vector<16xf32>
        %get3A_439 = arith.index_cast %add3A_399 : i32 to index
        %get3A_440 = arith.constant 64 : index
        %get3A_441 = tpu.vector_load %arg10[%get3A_439, %get3A_440] {strides = array<i32>} : memref<96x128xf32, #tpu.memory_space<vmem>>, vector<1x16xf32>,
        %get3A_442 = vector.shape_cast %get3A_441 : vector<1x16xf32> to vector<16xf32>
        %get3A_443 = arith.index_cast %add3A_399 : i32 to index
        %get3A_444 = arith.constant 64 : index
        %get3A_445 = tpu.vector_load %arg11[%get3A_443, %get3A_444] {strides = array<i32>} : memref<96x128xf32, #tpu.memory_space<vmem>>, vector<1x16xf32>,
        %get3A_446 = vector.shape_cast %get3A_445 : vector<1x16xf32> to vector<16xf32>
        %mul3A_447 = arith.mulf %get3A_442, %get3A_446 : vector<16xf32>
        %add3A_448 = arith.addf %add3A_438, %mul3A_447 : vector<16xf32>
        %get3A_449 = arith.index_cast %add3A_399 : i32 to index
        %get3A_450 = arith.constant 80 : index
        %get3A_451 = tpu.vector_load %arg10[%get3A_449, %get3A_450] {strides = array<i32>} : memref<96x128xf32, #tpu.memory_space<vmem>>, vector<1x16xf32>,
        %get3A_452 = vector.shape_cast %get3A_451 : vector<1x16xf32> to vector<16xf32>
        %get3A_453 = arith.index_cast %add3A_399 : i32 to index
        %get3A_454 = arith.constant 80 : index
        %get3A_455 = tpu.vector_load %arg11[%get3A_453, %get3A_454] {strides = array<i32>} : memref<96x128xf32, #tpu.memory_space<vmem>>, vector<1x16xf32>,
        %get3A_456 = vector.shape_cast %get3A_455 : vector<1x16xf32> to vector<16xf32>
        %mul3A_457 = arith.mulf %get3A_452, %get3A_456 : vector<16xf32>
        %add3A_458 = arith.addf %add3A_448, %mul3A_457 : vector<16xf32>
        %get3A_459 = arith.index_cast %add3A_399 : i32 to index
        %get3A_460 = arith.constant 96 : index
        %get3A_461 = tpu.vector_load %arg10[%get3A_459, %get3A_460] {strides = array<i32>} : memref<96x128xf32, #tpu.memory_space<vmem>>, vector<1x16xf32>,
        %get3A_462 = vector.shape_cast %get3A_461 : vector<1x16xf32> to vector<16xf32>
        %get3A_463 = arith.index_cast %add3A_399 : i32 to index
        %get3A_464 = arith.constant 96 : index
        %get3A_465 = tpu.vector_load %arg11[%get3A_463, %get3A_464] {strides = array<i32>} : memref<96x128xf32, #tpu.memory_space<vmem>>, vector<1x16xf32>,
        %get3A_466 = vector.shape_cast %get3A_465 : vector<1x16xf32> to vector<16xf32>
        %mul3A_467 = arith.mulf %get3A_462, %get3A_466 : vector<16xf32>
        %add3A_468 = arith.addf %add3A_458, %mul3A_467 : vector<16xf32>
        %get3A_469 = arith.index_cast %add3A_399 : i32 to index
        %get3A_470 = arith.constant 112 : index
        %get3A_471 = tpu.vector_load %arg10[%get3A_469, %get3A_470] {strides = array<i32>} : memref<96x128xf32, #tpu.memory_space<vmem>>, vector<1x16xf32>,
        %get3A_472 = vector.shape_cast %get3A_471 : vector<1x16xf32> to vector<16xf32>
        %get3A_473 = arith.index_cast %add3A_399 : i32 to index
        %get3A_474 = arith.constant 112 : index
        %get3A_475 = tpu.vector_load %arg11[%get3A_473, %get3A_474] {strides = array<i32>} : memref<96x128xf32, #tpu.memory_space<vmem>>, vector<1x16xf32>,
        %get3A_476 = vector.shape_cast %get3A_475 : vector<1x16xf32> to vector<16xf32>
        %mul3A_477 = arith.mulf %get3A_472, %get3A_476 : vector<16xf32>
        %add3A_478 = arith.addf %add3A_468, %mul3A_477 : vector<16xf32>
        %broadcast_in_dim3A_479 = vector.shape_cast %xor3A_4 : vector<16xi32> to vector<16x1xi32>
        %gather3A_480 = vector.shape_cast %broadcast_in_dim3A_479 : vector<16x1xi32> to vector<16xi32>
        %gather3A_481 = tpu.dynamic_gather %add3A_478[%gather3A_480] in [0] : vector<16xf32>, vector<16xi32> -> vector<16xf32>
        %add3A_482 = arith.addf %add3A_478, %gather3A_481 : vector<16xf32>
        %broadcast_in_dim3A_483 = vector.shape_cast %xor3A_7 : vector<16xi32> to vector<16x1xi32>
        %gather3A_484 = vector.shape_cast %broadcast_in_dim3A_483 : vector<16x1xi32> to vector<16xi32>
        %gather3A_485 = tpu.dynamic_gather %add3A_482[%gather3A_484] in [0] : vector<16xf32>, vector<16xi32> -> vector<16xf32>
        %add3A_486 = arith.addf %add3A_482, %gather3A_485 : vector<16xf32>
        %broadcast_in_dim3A_487 = vector.shape_cast %xor3A_10 : vector<16xi32> to vector<16x1xi32>
        %gather3A_488 = vector.shape_cast %broadcast_in_dim3A_487 : vector<16x1xi32> to vector<16xi32>
        %gather3A_489 = tpu.dynamic_gather %add3A_486[%gather3A_488] in [0] : vector<16xf32>, vector<16xi32> -> vector<16xf32>
        %add3A_490 = arith.addf %add3A_486, %gather3A_489 : vector<16xf32>
        %broadcast_in_dim3A_491 = vector.shape_cast %xor3A_13 : vector<16xi32> to vector<16x1xi32>
        %gather3A_492 = vector.shape_cast %broadcast_in_dim3A_491 : vector<16x1xi32> to vector<16xi32>
        %gather3A_493 = tpu.dynamic_gather %add3A_490[%gather3A_492] in [0] : vector<16xf32>, vector<16xi32> -> vector<16xf32>
        %add3A_494 = arith.addf %add3A_490, %gather3A_493 : vector<16xf32>
        %eq3A_495 = vector.broadcast %scan3A_396 : i32 to vector<16xi32>
        %eq3A_496 = arith.cmpi eq, %iota3A, %eq3A_495 : vector<16xi32>
        %select_n3A_497 = arith.select %eq3A_496, %add3A_494, %select_n3A_394 : vector<16xi1>, vector<16xf32>
        %scan3A_498 = arith.constant 3 : i32
        %scan3A_499 = arith.addi %scan3A_193, %scan3A_498 : i32
        %mul3A_500 = arith.constant 16 : i32
        %mul3A_501 = arith.muli %scan3A_177, %mul3A_500 : i32
        %add3A_502 = arith.addi %mul3A_501, %scan3A_499 : i32
        %get3A_503 = arith.index_cast %add3A_502 : i32 to index
        %get3A_504 = arith.constant 0 : index
        %get3A_505 = tpu.vector_load %arg10[%get3A_503, %get3A_504] {strides = array<i32>} : memref<96x128xf32, #tpu.memory_space<vmem>>, vector<1x16xf32>,
        %get3A_506 = vector.shape_cast %get3A_505 : vector<1x16xf32> to vector<16xf32>
        %get3A_507 = arith.index_cast %add3A_502 : i32 to index
        %get3A_508 = arith.constant 0 : index
        %get3A_509 = tpu.vector_load %arg11[%get3A_507, %get3A_508] {strides = array<i32>} : memref<96x128xf32, #tpu.memory_space<vmem>>, vector<1x16xf32>,
        %get3A_510 = vector.shape_cast %get3A_509 : vector<1x16xf32> to vector<16xf32>
        %mul3A_511 = arith.mulf %get3A_506, %get3A_510 : vector<16xf32>
        %get3A_512 = arith.index_cast %add3A_502 : i32 to index
        %get3A_513 = arith.constant 16 : index
        %get3A_514 = tpu.vector_load %arg10[%get3A_512, %get3A_513] {strides = array<i32>} : memref<96x128xf32, #tpu.memory_space<vmem>>, vector<1x16xf32>,
        %get3A_515 = vector.shape_cast %get3A_514 : vector<1x16xf32> to vector<16xf32>
        %get3A_516 = arith.index_cast %add3A_502 : i32 to index
        %get3A_517 = arith.constant 16 : index
        %get3A_518 = tpu.vector_load %arg11[%get3A_516, %get3A_517] {strides = array<i32>} : memref<96x128xf32, #tpu.memory_space<vmem>>, vector<1x16xf32>,
        %get3A_519 = vector.shape_cast %get3A_518 : vector<1x16xf32> to vector<16xf32>
        %mul3A_520 = arith.mulf %get3A_515, %get3A_519 : vector<16xf32>
        %add3A_521 = arith.addf %mul3A_511, %mul3A_520 : vector<16xf32>
        %get3A_522 = arith.index_cast %add3A_502 : i32 to index
        %get3A_523 = arith.constant 32 : index
        %get3A_524 = tpu.vector_load %arg10[%get3A_522, %get3A_523] {strides = array<i32>} : memref<96x128xf32, #tpu.memory_space<vmem>>, vector<1x16xf32>,
        %get3A_525 = vector.shape_cast %get3A_524 : vector<1x16xf32> to vector<16xf32>
        %get3A_526 = arith.index_cast %add3A_502 : i32 to index
        %get3A_527 = arith.constant 32 : index
        %get3A_528 = tpu.vector_load %arg11[%get3A_526, %get3A_527] {strides = array<i32>} : memref<96x128xf32, #tpu.memory_space<vmem>>, vector<1x16xf32>,
        %get3A_529 = vector.shape_cast %get3A_528 : vector<1x16xf32> to vector<16xf32>
        %mul3A_530 = arith.mulf %get3A_525, %get3A_529 : vector<16xf32>
        %add3A_531 = arith.addf %add3A_521, %mul3A_530 : vector<16xf32>
        %get3A_532 = arith.index_cast %add3A_502 : i32 to index
        %get3A_533 = arith.constant 48 : index
        %get3A_534 = tpu.vector_load %arg10[%get3A_532, %get3A_533] {strides = array<i32>} : memref<96x128xf32, #tpu.memory_space<vmem>>, vector<1x16xf32>,
        %get3A_535 = vector.shape_cast %get3A_534 : vector<1x16xf32> to vector<16xf32>
        %get3A_536 = arith.index_cast %add3A_502 : i32 to index
        %get3A_537 = arith.constant 48 : index
        %get3A_538 = tpu.vector_load %arg11[%get3A_536, %get3A_537] {strides = array<i32>} : memref<96x128xf32, #tpu.memory_space<vmem>>, vector<1x16xf32>,
        %get3A_539 = vector.shape_cast %get3A_538 : vector<1x16xf32> to vector<16xf32>
        %mul3A_540 = arith.mulf %get3A_535, %get3A_539 : vector<16xf32>
        %add3A_541 = arith.addf %add3A_531, %mul3A_540 : vector<16xf32>
        %get3A_542 = arith.index_cast %add3A_502 : i32 to index
        %get3A_543 = arith.constant 64 : index
        %get3A_544 = tpu.vector_load %arg10[%get3A_542, %get3A_543] {strides = array<i32>} : memref<96x128xf32, #tpu.memory_space<vmem>>, vector<1x16xf32>,
        %get3A_545 = vector.shape_cast %get3A_544 : vector<1x16xf32> to vector<16xf32>
        %get3A_546 = arith.index_cast %add3A_502 : i32 to index
        %get3A_547 = arith.constant 64 : index
        %get3A_548 = tpu.vector_load %arg11[%get3A_546, %get3A_547] {strides = array<i32>} : memref<96x128xf32, #tpu.memory_space<vmem>>, vector<1x16xf32>,
        %get3A_549 = vector.shape_cast %get3A_548 : vector<1x16xf32> to vector<16xf32>
        %mul3A_550 = arith.mulf %get3A_545, %get3A_549 : vector<16xf32>
        %add3A_551 = arith.addf %add3A_541, %mul3A_550 : vector<16xf32>
        %get3A_552 = arith.index_cast %add3A_502 : i32 to index
        %get3A_553 = arith.constant 80 : index
        %get3A_554 = tpu.vector_load %arg10[%get3A_552, %get3A_553] {strides = array<i32>} : memref<96x128xf32, #tpu.memory_space<vmem>>, vector<1x16xf32>,
        %get3A_555 = vector.shape_cast %get3A_554 : vector<1x16xf32> to vector<16xf32>
        %get3A_556 = arith.index_cast %add3A_502 : i32 to index
        %get3A_557 = arith.constant 80 : index
        %get3A_558 = tpu.vector_load %arg11[%get3A_556, %get3A_557] {strides = array<i32>} : memref<96x128xf32, #tpu.memory_space<vmem>>, vector<1x16xf32>,
        %get3A_559 = vector.shape_cast %get3A_558 : vector<1x16xf32> to vector<16xf32>
        %mul3A_560 = arith.mulf %get3A_555, %get3A_559 : vector<16xf32>
        %add3A_561 = arith.addf %add3A_551, %mul3A_560 : vector<16xf32>
        %get3A_562 = arith.index_cast %add3A_502 : i32 to index
        %get3A_563 = arith.constant 96 : index
        %get3A_564 = tpu.vector_load %arg10[%get3A_562, %get3A_563] {strides = array<i32>} : memref<96x128xf32, #tpu.memory_space<vmem>>, vector<1x16xf32>,
        %get3A_565 = vector.shape_cast %get3A_564 : vector<1x16xf32> to vector<16xf32>
        %get3A_566 = arith.index_cast %add3A_502 : i32 to index
        %get3A_567 = arith.constant 96 : index
        %get3A_568 = tpu.vector_load %arg11[%get3A_566, %get3A_567] {strides = array<i32>} : memref<96x128xf32, #tpu.memory_space<vmem>>, vector<1x16xf32>,
        %get3A_569 = vector.shape_cast %get3A_568 : vector<1x16xf32> to vector<16xf32>
        %mul3A_570 = arith.mulf %get3A_565, %get3A_569 : vector<16xf32>
        %add3A_571 = arith.addf %add3A_561, %mul3A_570 : vector<16xf32>
        %get3A_572 = arith.index_cast %add3A_502 : i32 to index
        %get3A_573 = arith.constant 112 : index
        %get3A_574 = tpu.vector_load %arg10[%get3A_572, %get3A_573] {strides = array<i32>} : memref<96x128xf32, #tpu.memory_space<vmem>>, vector<1x16xf32>,
        %get3A_575 = vector.shape_cast %get3A_574 : vector<1x16xf32> to vector<16xf32>
        %get3A_576 = arith.index_cast %add3A_502 : i32 to index
        %get3A_577 = arith.constant 112 : index
        %get3A_578 = tpu.vector_load %arg11[%get3A_576, %get3A_577] {strides = array<i32>} : memref<96x128xf32, #tpu.memory_space<vmem>>, vector<1x16xf32>,
        %get3A_579 = vector.shape_cast %get3A_578 : vector<1x16xf32> to vector<16xf32>
        %mul3A_580 = arith.mulf %get3A_575, %get3A_579 : vector<16xf32>
        %add3A_581 = arith.addf %add3A_571, %mul3A_580 : vector<16xf32>
        %broadcast_in_dim3A_582 = vector.shape_cast %xor3A_4 : vector<16xi32> to vector<16x1xi32>
        %gather3A_583 = vector.shape_cast %broadcast_in_dim3A_582 : vector<16x1xi32> to vector<16xi32>
        %gather3A_584 = tpu.dynamic_gather %add3A_581[%gather3A_583] in [0] : vector<16xf32>, vector<16xi32> -> vector<16xf32>
        %add3A_585 = arith.addf %add3A_581, %gather3A_584 : vector<16xf32>
        %broadcast_in_dim3A_586 = vector.shape_cast %xor3A_7 : vector<16xi32> to vector<16x1xi32>
        %gather3A_587 = vector.shape_cast %broadcast_in_dim3A_586 : vector<16x1xi32> to vector<16xi32>
        %gather3A_588 = tpu.dynamic_gather %add3A_585[%gather3A_587] in [0] : vector<16xf32>, vector<16xi32> -> vector<16xf32>
        %add3A_589 = arith.addf %add3A_585, %gather3A_588 : vector<16xf32>
        %broadcast_in_dim3A_590 = vector.shape_cast %xor3A_10 : vector<16xi32> to vector<16x1xi32>
        %gather3A_591 = vector.shape_cast %broadcast_in_dim3A_590 : vector<16x1xi32> to vector<16xi32>
        %gather3A_592 = tpu.dynamic_gather %add3A_589[%gather3A_591] in [0] : vector<16xf32>, vector<16xi32> -> vector<16xf32>
        %add3A_593 = arith.addf %add3A_589, %gather3A_592 : vector<16xf32>
        %broadcast_in_dim3A_594 = vector.shape_cast %xor3A_13 : vector<16xi32> to vector<16x1xi32>
        %gather3A_595 = vector.shape_cast %broadcast_in_dim3A_594 : vector<16x1xi32> to vector<16xi32>
        %gather3A_596 = tpu.dynamic_gather %add3A_593[%gather3A_595] in [0] : vector<16xf32>, vector<16xi32> -> vector<16xf32>
        %add3A_597 = arith.addf %add3A_593, %gather3A_596 : vector<16xf32>
        %eq3A_598 = vector.broadcast %scan3A_499 : i32 to vector<16xi32>
        %eq3A_599 = arith.cmpi eq, %iota3A, %eq3A_598 : vector<16xi32>
        %select_n3A_600 = arith.select %eq3A_599, %add3A_597, %select_n3A_497 : vector<16xi1>, vector<16xf32>
        scf.yield %select_n3A_600 : vector<16xf32>
      }
      %scan3A_185 = arith.constant 16 : i32
      %mul3A_186 = arith.constant 16 : i32
      %mul3A_187 = arith.muli %scan3A_177, %mul3A_186 : i32
      %add3A_188 = arith.addi %min3A_106, %mul3A_187 : i32
      %swap3A = arith.index_cast %add3A_188 : i32 to index
      %swap3A_189 = tpu.vector_load %arg16[%swap3A] {strides = array<i32>} : memref<10000xf32, #tpu.memory_space<vmem>>, vector<16xf32>,
      %swap3A_190 = vector.shape_cast %swap3A_189 : vector<16xf32> to vector<16xf32>
      %swap3A_191 = vector.shape_cast %scan3A_184 : vector<16xf32> to vector<16xf32>
      tpu.vector_store %arg16[%swap3A], %swap3A_191 {strides = array<i32>} : memref<10000xf32, #tpu.memory_space<vmem>>, vector<16xf32>,
      %scan3A_192 = arith.constant 0 : i32
      scf.yield %scan3A_192 : i32
    }
    %scan3A_113 = arith.constant 6 : i32
    %min3A_114 = arith.constant 9792 : i32
    %min3A_115 = arith.constant 9904 : i32
    %min3A_116 = arith.minsi %min3A_114, %min3A_115 : i32
    %dma_wait3A_117 = tpu.memref_slice %arg6[%min3A_116] : memref<10000xi32, #tpu.memory_space<vmem>> -> memref<96xi32, #tpu.memory_space<vmem>>
    %dma_wait3A_118 = arith.constant 0 : i32
    %dma_wait3A_119 = arith.constant 0 : i32
    %dma_wait3A_120 = tpu.memref_slice %arg2[%dma_wait3A_118, %dma_wait3A_119] : memref<10000x128xf32, #tpu.memory_space<hbm>> -> memref<10000x128xf32, #tpu.memory_space<hbm>>
    tpu.wait_indirect_dma semaphore(%arg19 : memref<!tpu.dma_semaphore, #tpu.memory_space<semaphore_mem>>) src(%dma_wait3A_120 : memref<10000x128xf32, #tpu.memory_space<hbm>>) dst(%arg12 : memref<96x128xf32, #tpu.memory_space<vmem>>)
    %dma_wait3A_121 = tpu.memref_slice %arg7[%min3A_116] : memref<10000xi32, #tpu.memory_space<vmem>> -> memref<96xi32, #tpu.memory_space<vmem>>
    %dma_wait3A_122 = arith.constant 0 : i32
    %dma_wait3A_123 = arith.constant 0 : i32
    %dma_wait3A_124 = tpu.memref_slice %arg2[%dma_wait3A_122, %dma_wait3A_123] : memref<10000x128xf32, #tpu.memory_space<hbm>> -> memref<10000x128xf32, #tpu.memory_space<hbm>>
    tpu.wait_indirect_dma semaphore(%arg19 : memref<!tpu.dma_semaphore, #tpu.memory_space<semaphore_mem>>) src(%dma_wait3A_124 : memref<10000x128xf32, #tpu.memory_space<hbm>>) dst(%arg13 : memref<96x128xf32, #tpu.memory_space<vmem>>)
    %min3A_125 = arith.constant 9792 : i32
    %min3A_126 = arith.constant 9904 : i32
    %min3A_127 = arith.minsi %min3A_125, %min3A_126 : i32
    %scan3A_128 = arith.constant 0 : i32
    %scan3A_129 = arith.constant 0 : i32
    %scan3A_130 = arith.constant 6 : i32
    %scan3A_131 = arith.addi %scan3A_129, %scan3A_130 : i32
    %scan3A_132 = arith.constant 1 : i32
    %scan3A_133 = scf.for %scan3A_177 = %scan3A_129 to %scan3A_131 step %scan3A_132 iter_args(%scan3A_178 = %scan3A_128) -> (i32)  : i32 {
      %broadcast_in_dim3A = arith.constant 0.000000e+00 : f32
      %broadcast_in_dim3A_179 = vector.broadcast %broadcast_in_dim3A : f32 to vector<16xf32>
      %scan3A_180 = arith.constant 0 : i32
      %scan3A_181 = arith.constant 16 : i32
      %scan3A_182 = arith.addi %scan3A_180, %scan3A_181 : i32
      %scan3A_183 = arith.constant 4 : i32
      %scan3A_184 = scf.for %scan3A_193 = %scan3A_180 to %scan3A_182 step %scan3A_183 iter_args(%scan3A_194 = %broadcast_in_dim3A_179) -> (vector<16xf32>)  : i32 {
        %mul3A_195 = arith.constant 16 : i32
        %mul3A_196 = arith.muli %scan3A_177, %mul3A_195 : i32
        %add3A_197 = arith.addi %mul3A_196, %scan3A_193 : i32
        %get3A = arith.index_cast %add3A_197 : i32 to index
        %get3A_198 = arith.constant 0 : index
        %get3A_199 = tpu.vector_load %arg12[%get3A, %get3A_198] {strides = array<i32>} : memref<96x128xf32, #tpu.memory_space<vmem>>, vector<1x16xf32>,
        %get3A_200 = vector.shape_cast %get3A_199 : vector<1x16xf32> to vector<16xf32>
        %get3A_201 = arith.index_cast %add3A_197 : i32 to index
        %get3A_202 = arith.constant 0 : index
        %get3A_203 = tpu.vector_load %arg13[%get3A_201, %get3A_202] {strides = array<i32>} : memref<96x128xf32, #tpu.memory_space<vmem>>, vector<1x16xf32>,
        %get3A_204 = vector.shape_cast %get3A_203 : vector<1x16xf32> to vector<16xf32>
        %mul3A_205 = arith.mulf %get3A_200, %get3A_204 : vector<16xf32>
        %get3A_206 = arith.index_cast %add3A_197 : i32 to index
        %get3A_207 = arith.constant 16 : index
        %get3A_208 = tpu.vector_load %arg12[%get3A_206, %get3A_207] {strides = array<i32>} : memref<96x128xf32, #tpu.memory_space<vmem>>, vector<1x16xf32>,
        %get3A_209 = vector.shape_cast %get3A_208 : vector<1x16xf32> to vector<16xf32>
        %get3A_210 = arith.index_cast %add3A_197 : i32 to index
        %get3A_211 = arith.constant 16 : index
        %get3A_212 = tpu.vector_load %arg13[%get3A_210, %get3A_211] {strides = array<i32>} : memref<96x128xf32, #tpu.memory_space<vmem>>, vector<1x16xf32>,
        %get3A_213 = vector.shape_cast %get3A_212 : vector<1x16xf32> to vector<16xf32>
        %mul3A_214 = arith.mulf %get3A_209, %get3A_213 : vector<16xf32>
        %add3A_215 = arith.addf %mul3A_205, %mul3A_214 : vector<16xf32>
        %get3A_216 = arith.index_cast %add3A_197 : i32 to index
        %get3A_217 = arith.constant 32 : index
        %get3A_218 = tpu.vector_load %arg12[%get3A_216, %get3A_217] {strides = array<i32>} : memref<96x128xf32, #tpu.memory_space<vmem>>, vector<1x16xf32>,
        %get3A_219 = vector.shape_cast %get3A_218 : vector<1x16xf32> to vector<16xf32>
        %get3A_220 = arith.index_cast %add3A_197 : i32 to index
        %get3A_221 = arith.constant 32 : index
        %get3A_222 = tpu.vector_load %arg13[%get3A_220, %get3A_221] {strides = array<i32>} : memref<96x128xf32, #tpu.memory_space<vmem>>, vector<1x16xf32>,
        %get3A_223 = vector.shape_cast %get3A_222 : vector<1x16xf32> to vector<16xf32>
        %mul3A_224 = arith.mulf %get3A_219, %get3A_223 : vector<16xf32>
        %add3A_225 = arith.addf %add3A_215, %mul3A_224 : vector<16xf32>
        %get3A_226 = arith.index_cast %add3A_197 : i32 to index
        %get3A_227 = arith.constant 48 : index
        %get3A_228 = tpu.vector_load %arg12[%get3A_226, %get3A_227] {strides = array<i32>} : memref<96x128xf32, #tpu.memory_space<vmem>>, vector<1x16xf32>,
        %get3A_229 = vector.shape_cast %get3A_228 : vector<1x16xf32> to vector<16xf32>
        %get3A_230 = arith.index_cast %add3A_197 : i32 to index
        %get3A_231 = arith.constant 48 : index
        %get3A_232 = tpu.vector_load %arg13[%get3A_230, %get3A_231] {strides = array<i32>} : memref<96x128xf32, #tpu.memory_space<vmem>>, vector<1x16xf32>,
        %get3A_233 = vector.shape_cast %get3A_232 : vector<1x16xf32> to vector<16xf32>
        %mul3A_234 = arith.mulf %get3A_229, %get3A_233 : vector<16xf32>
        %add3A_235 = arith.addf %add3A_225, %mul3A_234 : vector<16xf32>
        %get3A_236 = arith.index_cast %add3A_197 : i32 to index
        %get3A_237 = arith.constant 64 : index
        %get3A_238 = tpu.vector_load %arg12[%get3A_236, %get3A_237] {strides = array<i32>} : memref<96x128xf32, #tpu.memory_space<vmem>>, vector<1x16xf32>,
        %get3A_239 = vector.shape_cast %get3A_238 : vector<1x16xf32> to vector<16xf32>
        %get3A_240 = arith.index_cast %add3A_197 : i32 to index
        %get3A_241 = arith.constant 64 : index
        %get3A_242 = tpu.vector_load %arg13[%get3A_240, %get3A_241] {strides = array<i32>} : memref<96x128xf32, #tpu.memory_space<vmem>>, vector<1x16xf32>,
        %get3A_243 = vector.shape_cast %get3A_242 : vector<1x16xf32> to vector<16xf32>
        %mul3A_244 = arith.mulf %get3A_239, %get3A_243 : vector<16xf32>
        %add3A_245 = arith.addf %add3A_235, %mul3A_244 : vector<16xf32>
        %get3A_246 = arith.index_cast %add3A_197 : i32 to index
        %get3A_247 = arith.constant 80 : index
        %get3A_248 = tpu.vector_load %arg12[%get3A_246, %get3A_247] {strides = array<i32>} : memref<96x128xf32, #tpu.memory_space<vmem>>, vector<1x16xf32>,
        %get3A_249 = vector.shape_cast %get3A_248 : vector<1x16xf32> to vector<16xf32>
        %get3A_250 = arith.index_cast %add3A_197 : i32 to index
        %get3A_251 = arith.constant 80 : index
        %get3A_252 = tpu.vector_load %arg13[%get3A_250, %get3A_251] {strides = array<i32>} : memref<96x128xf32, #tpu.memory_space<vmem>>, vector<1x16xf32>,
        %get3A_253 = vector.shape_cast %get3A_252 : vector<1x16xf32> to vector<16xf32>
        %mul3A_254 = arith.mulf %get3A_249, %get3A_253 : vector<16xf32>
        %add3A_255 = arith.addf %add3A_245, %mul3A_254 : vector<16xf32>
        %get3A_256 = arith.index_cast %add3A_197 : i32 to index
        %get3A_257 = arith.constant 96 : index
        %get3A_258 = tpu.vector_load %arg12[%get3A_256, %get3A_257] {strides = array<i32>} : memref<96x128xf32, #tpu.memory_space<vmem>>, vector<1x16xf32>,
        %get3A_259 = vector.shape_cast %get3A_258 : vector<1x16xf32> to vector<16xf32>
        %get3A_260 = arith.index_cast %add3A_197 : i32 to index
        %get3A_261 = arith.constant 96 : index
        %get3A_262 = tpu.vector_load %arg13[%get3A_260, %get3A_261] {strides = array<i32>} : memref<96x128xf32, #tpu.memory_space<vmem>>, vector<1x16xf32>,
        %get3A_263 = vector.shape_cast %get3A_262 : vector<1x16xf32> to vector<16xf32>
        %mul3A_264 = arith.mulf %get3A_259, %get3A_263 : vector<16xf32>
        %add3A_265 = arith.addf %add3A_255, %mul3A_264 : vector<16xf32>
        %get3A_266 = arith.index_cast %add3A_197 : i32 to index
        %get3A_267 = arith.constant 112 : index
        %get3A_268 = tpu.vector_load %arg12[%get3A_266, %get3A_267] {strides = array<i32>} : memref<96x128xf32, #tpu.memory_space<vmem>>, vector<1x16xf32>,
        %get3A_269 = vector.shape_cast %get3A_268 : vector<1x16xf32> to vector<16xf32>
        %get3A_270 = arith.index_cast %add3A_197 : i32 to index
        %get3A_271 = arith.constant 112 : index
        %get3A_272 = tpu.vector_load %arg13[%get3A_270, %get3A_271] {strides = array<i32>} : memref<96x128xf32, #tpu.memory_space<vmem>>, vector<1x16xf32>,
        %get3A_273 = vector.shape_cast %get3A_272 : vector<1x16xf32> to vector<16xf32>
        %mul3A_274 = arith.mulf %get3A_269, %get3A_273 : vector<16xf32>
        %add3A_275 = arith.addf %add3A_265, %mul3A_274 : vector<16xf32>
        %broadcast_in_dim3A_276 = vector.shape_cast %xor3A_4 : vector<16xi32> to vector<16x1xi32>
        %gather3A = vector.shape_cast %broadcast_in_dim3A_276 : vector<16x1xi32> to vector<16xi32>
        %gather3A_277 = tpu.dynamic_gather %add3A_275[%gather3A] in [0] : vector<16xf32>, vector<16xi32> -> vector<16xf32>
        %add3A_278 = arith.addf %add3A_275, %gather3A_277 : vector<16xf32>
        %broadcast_in_dim3A_279 = vector.shape_cast %xor3A_7 : vector<16xi32> to vector<16x1xi32>
        %gather3A_280 = vector.shape_cast %broadcast_in_dim3A_279 : vector<16x1xi32> to vector<16xi32>
        %gather3A_281 = tpu.dynamic_gather %add3A_278[%gather3A_280] in [0] : vector<16xf32>, vector<16xi32> -> vector<16xf32>
        %add3A_282 = arith.addf %add3A_278, %gather3A_281 : vector<16xf32>
        %broadcast_in_dim3A_283 = vector.shape_cast %xor3A_10 : vector<16xi32> to vector<16x1xi32>
        %gather3A_284 = vector.shape_cast %broadcast_in_dim3A_283 : vector<16x1xi32> to vector<16xi32>
        %gather3A_285 = tpu.dynamic_gather %add3A_282[%gather3A_284] in [0] : vector<16xf32>, vector<16xi32> -> vector<16xf32>
        %add3A_286 = arith.addf %add3A_282, %gather3A_285 : vector<16xf32>
        %broadcast_in_dim3A_287 = vector.shape_cast %xor3A_13 : vector<16xi32> to vector<16x1xi32>
        %gather3A_288 = vector.shape_cast %broadcast_in_dim3A_287 : vector<16x1xi32> to vector<16xi32>
        %gather3A_289 = tpu.dynamic_gather %add3A_286[%gather3A_288] in [0] : vector<16xf32>, vector<16xi32> -> vector<16xf32>
        %add3A_290 = arith.addf %add3A_286, %gather3A_289 : vector<16xf32>
        %eq3A = vector.broadcast %scan3A_193 : i32 to vector<16xi32>
        %eq3A_291 = arith.cmpi eq, %iota3A, %eq3A : vector<16xi32>
        %select_n3A = arith.select %eq3A_291, %add3A_290, %scan3A_194 : vector<16xi1>, vector<16xf32>
        %scan3A_292 = arith.constant 1 : i32
        %scan3A_293 = arith.addi %scan3A_193, %scan3A_292 : i32
        %mul3A_294 = arith.constant 16 : i32
        %mul3A_295 = arith.muli %scan3A_177, %mul3A_294 : i32
        %add3A_296 = arith.addi %mul3A_295, %scan3A_293 : i32
        %get3A_297 = arith.index_cast %add3A_296 : i32 to index
        %get3A_298 = arith.constant 0 : index
        %get3A_299 = tpu.vector_load %arg12[%get3A_297, %get3A_298] {strides = array<i32>} : memref<96x128xf32, #tpu.memory_space<vmem>>, vector<1x16xf32>,
        %get3A_300 = vector.shape_cast %get3A_299 : vector<1x16xf32> to vector<16xf32>
        %get3A_301 = arith.index_cast %add3A_296 : i32 to index
        %get3A_302 = arith.constant 0 : index
        %get3A_303 = tpu.vector_load %arg13[%get3A_301, %get3A_302] {strides = array<i32>} : memref<96x128xf32, #tpu.memory_space<vmem>>, vector<1x16xf32>,
        %get3A_304 = vector.shape_cast %get3A_303 : vector<1x16xf32> to vector<16xf32>
        %mul3A_305 = arith.mulf %get3A_300, %get3A_304 : vector<16xf32>
        %get3A_306 = arith.index_cast %add3A_296 : i32 to index
        %get3A_307 = arith.constant 16 : index
        %get3A_308 = tpu.vector_load %arg12[%get3A_306, %get3A_307] {strides = array<i32>} : memref<96x128xf32, #tpu.memory_space<vmem>>, vector<1x16xf32>,
        %get3A_309 = vector.shape_cast %get3A_308 : vector<1x16xf32> to vector<16xf32>
        %get3A_310 = arith.index_cast %add3A_296 : i32 to index
        %get3A_311 = arith.constant 16 : index
        %get3A_312 = tpu.vector_load %arg13[%get3A_310, %get3A_311] {strides = array<i32>} : memref<96x128xf32, #tpu.memory_space<vmem>>, vector<1x16xf32>,
        %get3A_313 = vector.shape_cast %get3A_312 : vector<1x16xf32> to vector<16xf32>
        %mul3A_314 = arith.mulf %get3A_309, %get3A_313 : vector<16xf32>
        %add3A_315 = arith.addf %mul3A_305, %mul3A_314 : vector<16xf32>
        %get3A_316 = arith.index_cast %add3A_296 : i32 to index
        %get3A_317 = arith.constant 32 : index
        %get3A_318 = tpu.vector_load %arg12[%get3A_316, %get3A_317] {strides = array<i32>} : memref<96x128xf32, #tpu.memory_space<vmem>>, vector<1x16xf32>,
        %get3A_319 = vector.shape_cast %get3A_318 : vector<1x16xf32> to vector<16xf32>
        %get3A_320 = arith.index_cast %add3A_296 : i32 to index
        %get3A_321 = arith.constant 32 : index
        %get3A_322 = tpu.vector_load %arg13[%get3A_320, %get3A_321] {strides = array<i32>} : memref<96x128xf32, #tpu.memory_space<vmem>>, vector<1x16xf32>,
        %get3A_323 = vector.shape_cast %get3A_322 : vector<1x16xf32> to vector<16xf32>
        %mul3A_324 = arith.mulf %get3A_319, %get3A_323 : vector<16xf32>
        %add3A_325 = arith.addf %add3A_315, %mul3A_324 : vector<16xf32>
        %get3A_326 = arith.index_cast %add3A_296 : i32 to index
        %get3A_327 = arith.constant 48 : index
        %get3A_328 = tpu.vector_load %arg12[%get3A_326, %get3A_327] {strides = array<i32>} : memref<96x128xf32, #tpu.memory_space<vmem>>, vector<1x16xf32>,
        %get3A_329 = vector.shape_cast %get3A_328 : vector<1x16xf32> to vector<16xf32>
        %get3A_330 = arith.index_cast %add3A_296 : i32 to index
        %get3A_331 = arith.constant 48 : index
        %get3A_332 = tpu.vector_load %arg13[%get3A_330, %get3A_331] {strides = array<i32>} : memref<96x128xf32, #tpu.memory_space<vmem>>, vector<1x16xf32>,
        %get3A_333 = vector.shape_cast %get3A_332 : vector<1x16xf32> to vector<16xf32>
        %mul3A_334 = arith.mulf %get3A_329, %get3A_333 : vector<16xf32>
        %add3A_335 = arith.addf %add3A_325, %mul3A_334 : vector<16xf32>
        %get3A_336 = arith.index_cast %add3A_296 : i32 to index
        %get3A_337 = arith.constant 64 : index
        %get3A_338 = tpu.vector_load %arg12[%get3A_336, %get3A_337] {strides = array<i32>} : memref<96x128xf32, #tpu.memory_space<vmem>>, vector<1x16xf32>,
        %get3A_339 = vector.shape_cast %get3A_338 : vector<1x16xf32> to vector<16xf32>
        %get3A_340 = arith.index_cast %add3A_296 : i32 to index
        %get3A_341 = arith.constant 64 : index
        %get3A_342 = tpu.vector_load %arg13[%get3A_340, %get3A_341] {strides = array<i32>} : memref<96x128xf32, #tpu.memory_space<vmem>>, vector<1x16xf32>,
        %get3A_343 = vector.shape_cast %get3A_342 : vector<1x16xf32> to vector<16xf32>
        %mul3A_344 = arith.mulf %get3A_339, %get3A_343 : vector<16xf32>
        %add3A_345 = arith.addf %add3A_335, %mul3A_344 : vector<16xf32>
        %get3A_346 = arith.index_cast %add3A_296 : i32 to index
        %get3A_347 = arith.constant 80 : index
        %get3A_348 = tpu.vector_load %arg12[%get3A_346, %get3A_347] {strides = array<i32>} : memref<96x128xf32, #tpu.memory_space<vmem>>, vector<1x16xf32>,
        %get3A_349 = vector.shape_cast %get3A_348 : vector<1x16xf32> to vector<16xf32>
        %get3A_350 = arith.index_cast %add3A_296 : i32 to index
        %get3A_351 = arith.constant 80 : index
        %get3A_352 = tpu.vector_load %arg13[%get3A_350, %get3A_351] {strides = array<i32>} : memref<96x128xf32, #tpu.memory_space<vmem>>, vector<1x16xf32>,
        %get3A_353 = vector.shape_cast %get3A_352 : vector<1x16xf32> to vector<16xf32>
        %mul3A_354 = arith.mulf %get3A_349, %get3A_353 : vector<16xf32>
        %add3A_355 = arith.addf %add3A_345, %mul3A_354 : vector<16xf32>
        %get3A_356 = arith.index_cast %add3A_296 : i32 to index
        %get3A_357 = arith.constant 96 : index
        %get3A_358 = tpu.vector_load %arg12[%get3A_356, %get3A_357] {strides = array<i32>} : memref<96x128xf32, #tpu.memory_space<vmem>>, vector<1x16xf32>,
        %get3A_359 = vector.shape_cast %get3A_358 : vector<1x16xf32> to vector<16xf32>
        %get3A_360 = arith.index_cast %add3A_296 : i32 to index
        %get3A_361 = arith.constant 96 : index
        %get3A_362 = tpu.vector_load %arg13[%get3A_360, %get3A_361] {strides = array<i32>} : memref<96x128xf32, #tpu.memory_space<vmem>>, vector<1x16xf32>,
        %get3A_363 = vector.shape_cast %get3A_362 : vector<1x16xf32> to vector<16xf32>
        %mul3A_364 = arith.mulf %get3A_359, %get3A_363 : vector<16xf32>
        %add3A_365 = arith.addf %add3A_355, %mul3A_364 : vector<16xf32>
        %get3A_366 = arith.index_cast %add3A_296 : i32 to index
        %get3A_367 = arith.constant 112 : index
        %get3A_368 = tpu.vector_load %arg12[%get3A_366, %get3A_367] {strides = array<i32>} : memref<96x128xf32, #tpu.memory_space<vmem>>, vector<1x16xf32>,
        %get3A_369 = vector.shape_cast %get3A_368 : vector<1x16xf32> to vector<16xf32>
        %get3A_370 = arith.index_cast %add3A_296 : i32 to index
        %get3A_371 = arith.constant 112 : index
        %get3A_372 = tpu.vector_load %arg13[%get3A_370, %get3A_371] {strides = array<i32>} : memref<96x128xf32, #tpu.memory_space<vmem>>, vector<1x16xf32>,
        %get3A_373 = vector.shape_cast %get3A_372 : vector<1x16xf32> to vector<16xf32>
        %mul3A_374 = arith.mulf %get3A_369, %get3A_373 : vector<16xf32>
        %add3A_375 = arith.addf %add3A_365, %mul3A_374 : vector<16xf32>
        %broadcast_in_dim3A_376 = vector.shape_cast %xor3A_4 : vector<16xi32> to vector<16x1xi32>
        %gather3A_377 = vector.shape_cast %broadcast_in_dim3A_376 : vector<16x1xi32> to vector<16xi32>
        %gather3A_378 = tpu.dynamic_gather %add3A_375[%gather3A_377] in [0] : vector<16xf32>, vector<16xi32> -> vector<16xf32>
        %add3A_379 = arith.addf %add3A_375, %gather3A_378 : vector<16xf32>
        %broadcast_in_dim3A_380 = vector.shape_cast %xor3A_7 : vector<16xi32> to vector<16x1xi32>
        %gather3A_381 = vector.shape_cast %broadcast_in_dim3A_380 : vector<16x1xi32> to vector<16xi32>
        %gather3A_382 = tpu.dynamic_gather %add3A_379[%gather3A_381] in [0] : vector<16xf32>, vector<16xi32> -> vector<16xf32>
        %add3A_383 = arith.addf %add3A_379, %gather3A_382 : vector<16xf32>
        %broadcast_in_dim3A_384 = vector.shape_cast %xor3A_10 : vector<16xi32> to vector<16x1xi32>
        %gather3A_385 = vector.shape_cast %broadcast_in_dim3A_384 : vector<16x1xi32> to vector<16xi32>
        %gather3A_386 = tpu.dynamic_gather %add3A_383[%gather3A_385] in [0] : vector<16xf32>, vector<16xi32> -> vector<16xf32>
        %add3A_387 = arith.addf %add3A_383, %gather3A_386 : vector<16xf32>
        %broadcast_in_dim3A_388 = vector.shape_cast %xor3A_13 : vector<16xi32> to vector<16x1xi32>
        %gather3A_389 = vector.shape_cast %broadcast_in_dim3A_388 : vector<16x1xi32> to vector<16xi32>
        %gather3A_390 = tpu.dynamic_gather %add3A_387[%gather3A_389] in [0] : vector<16xf32>, vector<16xi32> -> vector<16xf32>
        %add3A_391 = arith.addf %add3A_387, %gather3A_390 : vector<16xf32>
        %eq3A_392 = vector.broadcast %scan3A_293 : i32 to vector<16xi32>
        %eq3A_393 = arith.cmpi eq, %iota3A, %eq3A_392 : vector<16xi32>
        %select_n3A_394 = arith.select %eq3A_393, %add3A_391, %select_n3A : vector<16xi1>, vector<16xf32>
        %scan3A_395 = arith.constant 2 : i32
        %scan3A_396 = arith.addi %scan3A_193, %scan3A_395 : i32
        %mul3A_397 = arith.constant 16 : i32
        %mul3A_398 = arith.muli %scan3A_177, %mul3A_397 : i32
        %add3A_399 = arith.addi %mul3A_398, %scan3A_396 : i32
        %get3A_400 = arith.index_cast %add3A_399 : i32 to index
        %get3A_401 = arith.constant 0 : index
        %get3A_402 = tpu.vector_load %arg12[%get3A_400, %get3A_401] {strides = array<i32>} : memref<96x128xf32, #tpu.memory_space<vmem>>, vector<1x16xf32>,
        %get3A_403 = vector.shape_cast %get3A_402 : vector<1x16xf32> to vector<16xf32>
        %get3A_404 = arith.index_cast %add3A_399 : i32 to index
        %get3A_405 = arith.constant 0 : index
        %get3A_406 = tpu.vector_load %arg13[%get3A_404, %get3A_405] {strides = array<i32>} : memref<96x128xf32, #tpu.memory_space<vmem>>, vector<1x16xf32>,
        %get3A_407 = vector.shape_cast %get3A_406 : vector<1x16xf32> to vector<16xf32>
        %mul3A_408 = arith.mulf %get3A_403, %get3A_407 : vector<16xf32>
        %get3A_409 = arith.index_cast %add3A_399 : i32 to index
        %get3A_410 = arith.constant 16 : index
        %get3A_411 = tpu.vector_load %arg12[%get3A_409, %get3A_410] {strides = array<i32>} : memref<96x128xf32, #tpu.memory_space<vmem>>, vector<1x16xf32>,
        %get3A_412 = vector.shape_cast %get3A_411 : vector<1x16xf32> to vector<16xf32>
        %get3A_413 = arith.index_cast %add3A_399 : i32 to index
        %get3A_414 = arith.constant 16 : index
        %get3A_415 = tpu.vector_load %arg13[%get3A_413, %get3A_414] {strides = array<i32>} : memref<96x128xf32, #tpu.memory_space<vmem>>, vector<1x16xf32>,
        %get3A_416 = vector.shape_cast %get3A_415 : vector<1x16xf32> to vector<16xf32>
        %mul3A_417 = arith.mulf %get3A_412, %get3A_416 : vector<16xf32>
        %add3A_418 = arith.addf %mul3A_408, %mul3A_417 : vector<16xf32>
        %get3A_419 = arith.index_cast %add3A_399 : i32 to index
        %get3A_420 = arith.constant 32 : index
        %get3A_421 = tpu.vector_load %arg12[%get3A_419, %get3A_420] {strides = array<i32>} : memref<96x128xf32, #tpu.memory_space<vmem>>, vector<1x16xf32>,
        %get3A_422 = vector.shape_cast %get3A_421 : vector<1x16xf32> to vector<16xf32>
        %get3A_423 = arith.index_cast %add3A_399 : i32 to index
        %get3A_424 = arith.constant 32 : index
        %get3A_425 = tpu.vector_load %arg13[%get3A_423, %get3A_424] {strides = array<i32>} : memref<96x128xf32, #tpu.memory_space<vmem>>, vector<1x16xf32>,
        %get3A_426 = vector.shape_cast %get3A_425 : vector<1x16xf32> to vector<16xf32>
        %mul3A_427 = arith.mulf %get3A_422, %get3A_426 : vector<16xf32>
        %add3A_428 = arith.addf %add3A_418, %mul3A_427 : vector<16xf32>
        %get3A_429 = arith.index_cast %add3A_399 : i32 to index
        %get3A_430 = arith.constant 48 : index
        %get3A_431 = tpu.vector_load %arg12[%get3A_429, %get3A_430] {strides = array<i32>} : memref<96x128xf32, #tpu.memory_space<vmem>>, vector<1x16xf32>,
        %get3A_432 = vector.shape_cast %get3A_431 : vector<1x16xf32> to vector<16xf32>
        %get3A_433 = arith.index_cast %add3A_399 : i32 to index
        %get3A_434 = arith.constant 48 : index
        %get3A_435 = tpu.vector_load %arg13[%get3A_433, %get3A_434] {strides = array<i32>} : memref<96x128xf32, #tpu.memory_space<vmem>>, vector<1x16xf32>,
        %get3A_436 = vector.shape_cast %get3A_435 : vector<1x16xf32> to vector<16xf32>
        %mul3A_437 = arith.mulf %get3A_432, %get3A_436 : vector<16xf32>
        %add3A_438 = arith.addf %add3A_428, %mul3A_437 : vector<16xf32>
        %get3A_439 = arith.index_cast %add3A_399 : i32 to index
        %get3A_440 = arith.constant 64 : index
        %get3A_441 = tpu.vector_load %arg12[%get3A_439, %get3A_440] {strides = array<i32>} : memref<96x128xf32, #tpu.memory_space<vmem>>, vector<1x16xf32>,
        %get3A_442 = vector.shape_cast %get3A_441 : vector<1x16xf32> to vector<16xf32>
        %get3A_443 = arith.index_cast %add3A_399 : i32 to index
        %get3A_444 = arith.constant 64 : index
        %get3A_445 = tpu.vector_load %arg13[%get3A_443, %get3A_444] {strides = array<i32>} : memref<96x128xf32, #tpu.memory_space<vmem>>, vector<1x16xf32>,
        %get3A_446 = vector.shape_cast %get3A_445 : vector<1x16xf32> to vector<16xf32>
        %mul3A_447 = arith.mulf %get3A_442, %get3A_446 : vector<16xf32>
        %add3A_448 = arith.addf %add3A_438, %mul3A_447 : vector<16xf32>
        %get3A_449 = arith.index_cast %add3A_399 : i32 to index
        %get3A_450 = arith.constant 80 : index
        %get3A_451 = tpu.vector_load %arg12[%get3A_449, %get3A_450] {strides = array<i32>} : memref<96x128xf32, #tpu.memory_space<vmem>>, vector<1x16xf32>,
        %get3A_452 = vector.shape_cast %get3A_451 : vector<1x16xf32> to vector<16xf32>
        %get3A_453 = arith.index_cast %add3A_399 : i32 to index
        %get3A_454 = arith.constant 80 : index
        %get3A_455 = tpu.vector_load %arg13[%get3A_453, %get3A_454] {strides = array<i32>} : memref<96x128xf32, #tpu.memory_space<vmem>>, vector<1x16xf32>,
        %get3A_456 = vector.shape_cast %get3A_455 : vector<1x16xf32> to vector<16xf32>
        %mul3A_457 = arith.mulf %get3A_452, %get3A_456 : vector<16xf32>
        %add3A_458 = arith.addf %add3A_448, %mul3A_457 : vector<16xf32>
        %get3A_459 = arith.index_cast %add3A_399 : i32 to index
        %get3A_460 = arith.constant 96 : index
        %get3A_461 = tpu.vector_load %arg12[%get3A_459, %get3A_460] {strides = array<i32>} : memref<96x128xf32, #tpu.memory_space<vmem>>, vector<1x16xf32>,
        %get3A_462 = vector.shape_cast %get3A_461 : vector<1x16xf32> to vector<16xf32>
        %get3A_463 = arith.index_cast %add3A_399 : i32 to index
        %get3A_464 = arith.constant 96 : index
        %get3A_465 = tpu.vector_load %arg13[%get3A_463, %get3A_464] {strides = array<i32>} : memref<96x128xf32, #tpu.memory_space<vmem>>, vector<1x16xf32>,
        %get3A_466 = vector.shape_cast %get3A_465 : vector<1x16xf32> to vector<16xf32>
        %mul3A_467 = arith.mulf %get3A_462, %get3A_466 : vector<16xf32>
        %add3A_468 = arith.addf %add3A_458, %mul3A_467 : vector<16xf32>
        %get3A_469 = arith.index_cast %add3A_399 : i32 to index
        %get3A_470 = arith.constant 112 : index
        %get3A_471 = tpu.vector_load %arg12[%get3A_469, %get3A_470] {strides = array<i32>} : memref<96x128xf32, #tpu.memory_space<vmem>>, vector<1x16xf32>,
        %get3A_472 = vector.shape_cast %get3A_471 : vector<1x16xf32> to vector<16xf32>
        %get3A_473 = arith.index_cast %add3A_399 : i32 to index
        %get3A_474 = arith.constant 112 : index
        %get3A_475 = tpu.vector_load %arg13[%get3A_473, %get3A_474] {strides = array<i32>} : memref<96x128xf32, #tpu.memory_space<vmem>>, vector<1x16xf32>,
        %get3A_476 = vector.shape_cast %get3A_475 : vector<1x16xf32> to vector<16xf32>
        %mul3A_477 = arith.mulf %get3A_472, %get3A_476 : vector<16xf32>
        %add3A_478 = arith.addf %add3A_468, %mul3A_477 : vector<16xf32>
        %broadcast_in_dim3A_479 = vector.shape_cast %xor3A_4 : vector<16xi32> to vector<16x1xi32>
        %gather3A_480 = vector.shape_cast %broadcast_in_dim3A_479 : vector<16x1xi32> to vector<16xi32>
        %gather3A_481 = tpu.dynamic_gather %add3A_478[%gather3A_480] in [0] : vector<16xf32>, vector<16xi32> -> vector<16xf32>
        %add3A_482 = arith.addf %add3A_478, %gather3A_481 : vector<16xf32>
        %broadcast_in_dim3A_483 = vector.shape_cast %xor3A_7 : vector<16xi32> to vector<16x1xi32>
        %gather3A_484 = vector.shape_cast %broadcast_in_dim3A_483 : vector<16x1xi32> to vector<16xi32>
        %gather3A_485 = tpu.dynamic_gather %add3A_482[%gather3A_484] in [0] : vector<16xf32>, vector<16xi32> -> vector<16xf32>
        %add3A_486 = arith.addf %add3A_482, %gather3A_485 : vector<16xf32>
        %broadcast_in_dim3A_487 = vector.shape_cast %xor3A_10 : vector<16xi32> to vector<16x1xi32>
        %gather3A_488 = vector.shape_cast %broadcast_in_dim3A_487 : vector<16x1xi32> to vector<16xi32>
        %gather3A_489 = tpu.dynamic_gather %add3A_486[%gather3A_488] in [0] : vector<16xf32>, vector<16xi32> -> vector<16xf32>
        %add3A_490 = arith.addf %add3A_486, %gather3A_489 : vector<16xf32>
        %broadcast_in_dim3A_491 = vector.shape_cast %xor3A_13 : vector<16xi32> to vector<16x1xi32>
        %gather3A_492 = vector.shape_cast %broadcast_in_dim3A_491 : vector<16x1xi32> to vector<16xi32>
        %gather3A_493 = tpu.dynamic_gather %add3A_490[%gather3A_492] in [0] : vector<16xf32>, vector<16xi32> -> vector<16xf32>
        %add3A_494 = arith.addf %add3A_490, %gather3A_493 : vector<16xf32>
        %eq3A_495 = vector.broadcast %scan3A_396 : i32 to vector<16xi32>
        %eq3A_496 = arith.cmpi eq, %iota3A, %eq3A_495 : vector<16xi32>
        %select_n3A_497 = arith.select %eq3A_496, %add3A_494, %select_n3A_394 : vector<16xi1>, vector<16xf32>
        %scan3A_498 = arith.constant 3 : i32
        %scan3A_499 = arith.addi %scan3A_193, %scan3A_498 : i32
        %mul3A_500 = arith.constant 16 : i32
        %mul3A_501 = arith.muli %scan3A_177, %mul3A_500 : i32
        %add3A_502 = arith.addi %mul3A_501, %scan3A_499 : i32
        %get3A_503 = arith.index_cast %add3A_502 : i32 to index
        %get3A_504 = arith.constant 0 : index
        %get3A_505 = tpu.vector_load %arg12[%get3A_503, %get3A_504] {strides = array<i32>} : memref<96x128xf32, #tpu.memory_space<vmem>>, vector<1x16xf32>,
        %get3A_506 = vector.shape_cast %get3A_505 : vector<1x16xf32> to vector<16xf32>
        %get3A_507 = arith.index_cast %add3A_502 : i32 to index
        %get3A_508 = arith.constant 0 : index
        %get3A_509 = tpu.vector_load %arg13[%get3A_507, %get3A_508] {strides = array<i32>} : memref<96x128xf32, #tpu.memory_space<vmem>>, vector<1x16xf32>,
        %get3A_510 = vector.shape_cast %get3A_509 : vector<1x16xf32> to vector<16xf32>
        %mul3A_511 = arith.mulf %get3A_506, %get3A_510 : vector<16xf32>
        %get3A_512 = arith.index_cast %add3A_502 : i32 to index
        %get3A_513 = arith.constant 16 : index
        %get3A_514 = tpu.vector_load %arg12[%get3A_512, %get3A_513] {strides = array<i32>} : memref<96x128xf32, #tpu.memory_space<vmem>>, vector<1x16xf32>,
        %get3A_515 = vector.shape_cast %get3A_514 : vector<1x16xf32> to vector<16xf32>
        %get3A_516 = arith.index_cast %add3A_502 : i32 to index
        %get3A_517 = arith.constant 16 : index
        %get3A_518 = tpu.vector_load %arg13[%get3A_516, %get3A_517] {strides = array<i32>} : memref<96x128xf32, #tpu.memory_space<vmem>>, vector<1x16xf32>,
        %get3A_519 = vector.shape_cast %get3A_518 : vector<1x16xf32> to vector<16xf32>
        %mul3A_520 = arith.mulf %get3A_515, %get3A_519 : vector<16xf32>
        %add3A_521 = arith.addf %mul3A_511, %mul3A_520 : vector<16xf32>
        %get3A_522 = arith.index_cast %add3A_502 : i32 to index
        %get3A_523 = arith.constant 32 : index
        %get3A_524 = tpu.vector_load %arg12[%get3A_522, %get3A_523] {strides = array<i32>} : memref<96x128xf32, #tpu.memory_space<vmem>>, vector<1x16xf32>,
        %get3A_525 = vector.shape_cast %get3A_524 : vector<1x16xf32> to vector<16xf32>
        %get3A_526 = arith.index_cast %add3A_502 : i32 to index
        %get3A_527 = arith.constant 32 : index
        %get3A_528 = tpu.vector_load %arg13[%get3A_526, %get3A_527] {strides = array<i32>} : memref<96x128xf32, #tpu.memory_space<vmem>>, vector<1x16xf32>,
        %get3A_529 = vector.shape_cast %get3A_528 : vector<1x16xf32> to vector<16xf32>
        %mul3A_530 = arith.mulf %get3A_525, %get3A_529 : vector<16xf32>
        %add3A_531 = arith.addf %add3A_521, %mul3A_530 : vector<16xf32>
        %get3A_532 = arith.index_cast %add3A_502 : i32 to index
        %get3A_533 = arith.constant 48 : index
        %get3A_534 = tpu.vector_load %arg12[%get3A_532, %get3A_533] {strides = array<i32>} : memref<96x128xf32, #tpu.memory_space<vmem>>, vector<1x16xf32>,
        %get3A_535 = vector.shape_cast %get3A_534 : vector<1x16xf32> to vector<16xf32>
        %get3A_536 = arith.index_cast %add3A_502 : i32 to index
        %get3A_537 = arith.constant 48 : index
        %get3A_538 = tpu.vector_load %arg13[%get3A_536, %get3A_537] {strides = array<i32>} : memref<96x128xf32, #tpu.memory_space<vmem>>, vector<1x16xf32>,
        %get3A_539 = vector.shape_cast %get3A_538 : vector<1x16xf32> to vector<16xf32>
        %mul3A_540 = arith.mulf %get3A_535, %get3A_539 : vector<16xf32>
        %add3A_541 = arith.addf %add3A_531, %mul3A_540 : vector<16xf32>
        %get3A_542 = arith.index_cast %add3A_502 : i32 to index
        %get3A_543 = arith.constant 64 : index
        %get3A_544 = tpu.vector_load %arg12[%get3A_542, %get3A_543] {strides = array<i32>} : memref<96x128xf32, #tpu.memory_space<vmem>>, vector<1x16xf32>,
        %get3A_545 = vector.shape_cast %get3A_544 : vector<1x16xf32> to vector<16xf32>
        %get3A_546 = arith.index_cast %add3A_502 : i32 to index
        %get3A_547 = arith.constant 64 : index
        %get3A_548 = tpu.vector_load %arg13[%get3A_546, %get3A_547] {strides = array<i32>} : memref<96x128xf32, #tpu.memory_space<vmem>>, vector<1x16xf32>,
        %get3A_549 = vector.shape_cast %get3A_548 : vector<1x16xf32> to vector<16xf32>
        %mul3A_550 = arith.mulf %get3A_545, %get3A_549 : vector<16xf32>
        %add3A_551 = arith.addf %add3A_541, %mul3A_550 : vector<16xf32>
        %get3A_552 = arith.index_cast %add3A_502 : i32 to index
        %get3A_553 = arith.constant 80 : index
        %get3A_554 = tpu.vector_load %arg12[%get3A_552, %get3A_553] {strides = array<i32>} : memref<96x128xf32, #tpu.memory_space<vmem>>, vector<1x16xf32>,
        %get3A_555 = vector.shape_cast %get3A_554 : vector<1x16xf32> to vector<16xf32>
        %get3A_556 = arith.index_cast %add3A_502 : i32 to index
        %get3A_557 = arith.constant 80 : index
        %get3A_558 = tpu.vector_load %arg13[%get3A_556, %get3A_557] {strides = array<i32>} : memref<96x128xf32, #tpu.memory_space<vmem>>, vector<1x16xf32>,
        %get3A_559 = vector.shape_cast %get3A_558 : vector<1x16xf32> to vector<16xf32>
        %mul3A_560 = arith.mulf %get3A_555, %get3A_559 : vector<16xf32>
        %add3A_561 = arith.addf %add3A_551, %mul3A_560 : vector<16xf32>
        %get3A_562 = arith.index_cast %add3A_502 : i32 to index
        %get3A_563 = arith.constant 96 : index
        %get3A_564 = tpu.vector_load %arg12[%get3A_562, %get3A_563] {strides = array<i32>} : memref<96x128xf32, #tpu.memory_space<vmem>>, vector<1x16xf32>,
        %get3A_565 = vector.shape_cast %get3A_564 : vector<1x16xf32> to vector<16xf32>
        %get3A_566 = arith.index_cast %add3A_502 : i32 to index
        %get3A_567 = arith.constant 96 : index
        %get3A_568 = tpu.vector_load %arg13[%get3A_566, %get3A_567] {strides = array<i32>} : memref<96x128xf32, #tpu.memory_space<vmem>>, vector<1x16xf32>,
        %get3A_569 = vector.shape_cast %get3A_568 : vector<1x16xf32> to vector<16xf32>
        %mul3A_570 = arith.mulf %get3A_565, %get3A_569 : vector<16xf32>
        %add3A_571 = arith.addf %add3A_561, %mul3A_570 : vector<16xf32>
        %get3A_572 = arith.index_cast %add3A_502 : i32 to index
        %get3A_573 = arith.constant 112 : index
        %get3A_574 = tpu.vector_load %arg12[%get3A_572, %get3A_573] {strides = array<i32>} : memref<96x128xf32, #tpu.memory_space<vmem>>, vector<1x16xf32>,
        %get3A_575 = vector.shape_cast %get3A_574 : vector<1x16xf32> to vector<16xf32>
        %get3A_576 = arith.index_cast %add3A_502 : i32 to index
        %get3A_577 = arith.constant 112 : index
        %get3A_578 = tpu.vector_load %arg13[%get3A_576, %get3A_577] {strides = array<i32>} : memref<96x128xf32, #tpu.memory_space<vmem>>, vector<1x16xf32>,
        %get3A_579 = vector.shape_cast %get3A_578 : vector<1x16xf32> to vector<16xf32>
        %mul3A_580 = arith.mulf %get3A_575, %get3A_579 : vector<16xf32>
        %add3A_581 = arith.addf %add3A_571, %mul3A_580 : vector<16xf32>
        %broadcast_in_dim3A_582 = vector.shape_cast %xor3A_4 : vector<16xi32> to vector<16x1xi32>
        %gather3A_583 = vector.shape_cast %broadcast_in_dim3A_582 : vector<16x1xi32> to vector<16xi32>
        %gather3A_584 = tpu.dynamic_gather %add3A_581[%gather3A_583] in [0] : vector<16xf32>, vector<16xi32> -> vector<16xf32>
        %add3A_585 = arith.addf %add3A_581, %gather3A_584 : vector<16xf32>
        %broadcast_in_dim3A_586 = vector.shape_cast %xor3A_7 : vector<16xi32> to vector<16x1xi32>
        %gather3A_587 = vector.shape_cast %broadcast_in_dim3A_586 : vector<16x1xi32> to vector<16xi32>
        %gather3A_588 = tpu.dynamic_gather %add3A_585[%gather3A_587] in [0] : vector<16xf32>, vector<16xi32> -> vector<16xf32>
        %add3A_589 = arith.addf %add3A_585, %gather3A_588 : vector<16xf32>
        %broadcast_in_dim3A_590 = vector.shape_cast %xor3A_10 : vector<16xi32> to vector<16x1xi32>
        %gather3A_591 = vector.shape_cast %broadcast_in_dim3A_590 : vector<16x1xi32> to vector<16xi32>
        %gather3A_592 = tpu.dynamic_gather %add3A_589[%gather3A_591] in [0] : vector<16xf32>, vector<16xi32> -> vector<16xf32>
        %add3A_593 = arith.addf %add3A_589, %gather3A_592 : vector<16xf32>
        %broadcast_in_dim3A_594 = vector.shape_cast %xor3A_13 : vector<16xi32> to vector<16x1xi32>
        %gather3A_595 = vector.shape_cast %broadcast_in_dim3A_594 : vector<16x1xi32> to vector<16xi32>
        %gather3A_596 = tpu.dynamic_gather %add3A_593[%gather3A_595] in [0] : vector<16xf32>, vector<16xi32> -> vector<16xf32>
        %add3A_597 = arith.addf %add3A_593, %gather3A_596 : vector<16xf32>
        %eq3A_598 = vector.broadcast %scan3A_499 : i32 to vector<16xi32>
        %eq3A_599 = arith.cmpi eq, %iota3A, %eq3A_598 : vector<16xi32>
        %select_n3A_600 = arith.select %eq3A_599, %add3A_597, %select_n3A_497 : vector<16xi1>, vector<16xf32>
        scf.yield %select_n3A_600 : vector<16xf32>
      }
      %scan3A_185 = arith.constant 16 : i32
      %mul3A_186 = arith.constant 16 : i32
      %mul3A_187 = arith.muli %scan3A_177, %mul3A_186 : i32
      %add3A_188 = arith.addi %min3A_127, %mul3A_187 : i32
      %swap3A = arith.index_cast %add3A_188 : i32 to index
      %swap3A_189 = tpu.vector_load %arg16[%swap3A] {strides = array<i32>} : memref<10000xf32, #tpu.memory_space<vmem>>, vector<16xf32>,
      %swap3A_190 = vector.shape_cast %swap3A_189 : vector<16xf32> to vector<16xf32>
      %swap3A_191 = vector.shape_cast %scan3A_184 : vector<16xf32> to vector<16xf32>
      tpu.vector_store %arg16[%swap3A], %swap3A_191 {strides = array<i32>} : memref<10000xf32, #tpu.memory_space<vmem>>, vector<16xf32>,
      %scan3A_192 = arith.constant 0 : i32
      scf.yield %scan3A_192 : i32
    }
    %scan3A_134 = arith.constant 6 : i32
    %min3A_135 = arith.constant 9888 : i32
    %min3A_136 = arith.constant 9904 : i32
    %min3A_137 = arith.minsi %min3A_135, %min3A_136 : i32
    %dma_wait3A_138 = tpu.memref_slice %arg6[%min3A_137] : memref<10000xi32, #tpu.memory_space<vmem>> -> memref<96xi32, #tpu.memory_space<vmem>>
    %dma_wait3A_139 = arith.constant 0 : i32
    %dma_wait3A_140 = arith.constant 0 : i32
    %dma_wait3A_141 = tpu.memref_slice %arg2[%dma_wait3A_139, %dma_wait3A_140] : memref<10000x128xf32, #tpu.memory_space<hbm>> -> memref<10000x128xf32, #tpu.memory_space<hbm>>
    tpu.wait_indirect_dma semaphore(%arg20 : memref<!tpu.dma_semaphore, #tpu.memory_space<semaphore_mem>>) src(%dma_wait3A_141 : memref<10000x128xf32, #tpu.memory_space<hbm>>) dst(%arg14 : memref<96x128xf32, #tpu.memory_space<vmem>>)
    %dma_wait3A_142 = tpu.memref_slice %arg7[%min3A_137] : memref<10000xi32, #tpu.memory_space<vmem>> -> memref<96xi32, #tpu.memory_space<vmem>>
    %dma_wait3A_143 = arith.constant 0 : i32
    %dma_wait3A_144 = arith.constant 0 : i32
    %dma_wait3A_145 = tpu.memref_slice %arg2[%dma_wait3A_143, %dma_wait3A_144] : memref<10000x128xf32, #tpu.memory_space<hbm>> -> memref<10000x128xf32, #tpu.memory_space<hbm>>
    tpu.wait_indirect_dma semaphore(%arg20 : memref<!tpu.dma_semaphore, #tpu.memory_space<semaphore_mem>>) src(%dma_wait3A_145 : memref<10000x128xf32, #tpu.memory_space<hbm>>) dst(%arg15 : memref<96x128xf32, #tpu.memory_space<vmem>>)
    %min3A_146 = arith.constant 9888 : i32
    %min3A_147 = arith.constant 9904 : i32
    %min3A_148 = arith.minsi %min3A_146, %min3A_147 : i32
    %scan3A_149 = arith.constant 0 : i32
    %scan3A_150 = arith.constant 0 : i32
    %scan3A_151 = arith.constant 6 : i32
    %scan3A_152 = arith.addi %scan3A_150, %scan3A_151 : i32
    %scan3A_153 = arith.constant 1 : i32
    %scan3A_154 = scf.for %scan3A_177 = %scan3A_150 to %scan3A_152 step %scan3A_153 iter_args(%scan3A_178 = %scan3A_149) -> (i32)  : i32 {
      %broadcast_in_dim3A = arith.constant 0.000000e+00 : f32
      %broadcast_in_dim3A_179 = vector.broadcast %broadcast_in_dim3A : f32 to vector<16xf32>
      %scan3A_180 = arith.constant 0 : i32
      %scan3A_181 = arith.constant 16 : i32
      %scan3A_182 = arith.addi %scan3A_180, %scan3A_181 : i32
      %scan3A_183 = arith.constant 4 : i32
      %scan3A_184 = scf.for %scan3A_193 = %scan3A_180 to %scan3A_182 step %scan3A_183 iter_args(%scan3A_194 = %broadcast_in_dim3A_179) -> (vector<16xf32>)  : i32 {
        %mul3A_195 = arith.constant 16 : i32
        %mul3A_196 = arith.muli %scan3A_177, %mul3A_195 : i32
        %add3A_197 = arith.addi %mul3A_196, %scan3A_193 : i32
        %get3A = arith.index_cast %add3A_197 : i32 to index
        %get3A_198 = arith.constant 0 : index
        %get3A_199 = tpu.vector_load %arg14[%get3A, %get3A_198] {strides = array<i32>} : memref<96x128xf32, #tpu.memory_space<vmem>>, vector<1x16xf32>,
        %get3A_200 = vector.shape_cast %get3A_199 : vector<1x16xf32> to vector<16xf32>
        %get3A_201 = arith.index_cast %add3A_197 : i32 to index
        %get3A_202 = arith.constant 0 : index
        %get3A_203 = tpu.vector_load %arg15[%get3A_201, %get3A_202] {strides = array<i32>} : memref<96x128xf32, #tpu.memory_space<vmem>>, vector<1x16xf32>,
        %get3A_204 = vector.shape_cast %get3A_203 : vector<1x16xf32> to vector<16xf32>
        %mul3A_205 = arith.mulf %get3A_200, %get3A_204 : vector<16xf32>
        %get3A_206 = arith.index_cast %add3A_197 : i32 to index
        %get3A_207 = arith.constant 16 : index
        %get3A_208 = tpu.vector_load %arg14[%get3A_206, %get3A_207] {strides = array<i32>} : memref<96x128xf32, #tpu.memory_space<vmem>>, vector<1x16xf32>,
        %get3A_209 = vector.shape_cast %get3A_208 : vector<1x16xf32> to vector<16xf32>
        %get3A_210 = arith.index_cast %add3A_197 : i32 to index
        %get3A_211 = arith.constant 16 : index
        %get3A_212 = tpu.vector_load %arg15[%get3A_210, %get3A_211] {strides = array<i32>} : memref<96x128xf32, #tpu.memory_space<vmem>>, vector<1x16xf32>,
        %get3A_213 = vector.shape_cast %get3A_212 : vector<1x16xf32> to vector<16xf32>
        %mul3A_214 = arith.mulf %get3A_209, %get3A_213 : vector<16xf32>
        %add3A_215 = arith.addf %mul3A_205, %mul3A_214 : vector<16xf32>
        %get3A_216 = arith.index_cast %add3A_197 : i32 to index
        %get3A_217 = arith.constant 32 : index
        %get3A_218 = tpu.vector_load %arg14[%get3A_216, %get3A_217] {strides = array<i32>} : memref<96x128xf32, #tpu.memory_space<vmem>>, vector<1x16xf32>,
        %get3A_219 = vector.shape_cast %get3A_218 : vector<1x16xf32> to vector<16xf32>
        %get3A_220 = arith.index_cast %add3A_197 : i32 to index
        %get3A_221 = arith.constant 32 : index
        %get3A_222 = tpu.vector_load %arg15[%get3A_220, %get3A_221] {strides = array<i32>} : memref<96x128xf32, #tpu.memory_space<vmem>>, vector<1x16xf32>,
        %get3A_223 = vector.shape_cast %get3A_222 : vector<1x16xf32> to vector<16xf32>
        %mul3A_224 = arith.mulf %get3A_219, %get3A_223 : vector<16xf32>
        %add3A_225 = arith.addf %add3A_215, %mul3A_224 : vector<16xf32>
        %get3A_226 = arith.index_cast %add3A_197 : i32 to index
        %get3A_227 = arith.constant 48 : index
        %get3A_228 = tpu.vector_load %arg14[%get3A_226, %get3A_227] {strides = array<i32>} : memref<96x128xf32, #tpu.memory_space<vmem>>, vector<1x16xf32>,
        %get3A_229 = vector.shape_cast %get3A_228 : vector<1x16xf32> to vector<16xf32>
        %get3A_230 = arith.index_cast %add3A_197 : i32 to index
        %get3A_231 = arith.constant 48 : index
        %get3A_232 = tpu.vector_load %arg15[%get3A_230, %get3A_231] {strides = array<i32>} : memref<96x128xf32, #tpu.memory_space<vmem>>, vector<1x16xf32>,
        %get3A_233 = vector.shape_cast %get3A_232 : vector<1x16xf32> to vector<16xf32>
        %mul3A_234 = arith.mulf %get3A_229, %get3A_233 : vector<16xf32>
        %add3A_235 = arith.addf %add3A_225, %mul3A_234 : vector<16xf32>
        %get3A_236 = arith.index_cast %add3A_197 : i32 to index
        %get3A_237 = arith.constant 64 : index
        %get3A_238 = tpu.vector_load %arg14[%get3A_236, %get3A_237] {strides = array<i32>} : memref<96x128xf32, #tpu.memory_space<vmem>>, vector<1x16xf32>,
        %get3A_239 = vector.shape_cast %get3A_238 : vector<1x16xf32> to vector<16xf32>
        %get3A_240 = arith.index_cast %add3A_197 : i32 to index
        %get3A_241 = arith.constant 64 : index
        %get3A_242 = tpu.vector_load %arg15[%get3A_240, %get3A_241] {strides = array<i32>} : memref<96x128xf32, #tpu.memory_space<vmem>>, vector<1x16xf32>,
        %get3A_243 = vector.shape_cast %get3A_242 : vector<1x16xf32> to vector<16xf32>
        %mul3A_244 = arith.mulf %get3A_239, %get3A_243 : vector<16xf32>
        %add3A_245 = arith.addf %add3A_235, %mul3A_244 : vector<16xf32>
        %get3A_246 = arith.index_cast %add3A_197 : i32 to index
        %get3A_247 = arith.constant 80 : index
        %get3A_248 = tpu.vector_load %arg14[%get3A_246, %get3A_247] {strides = array<i32>} : memref<96x128xf32, #tpu.memory_space<vmem>>, vector<1x16xf32>,
        %get3A_249 = vector.shape_cast %get3A_248 : vector<1x16xf32> to vector<16xf32>
        %get3A_250 = arith.index_cast %add3A_197 : i32 to index
        %get3A_251 = arith.constant 80 : index
        %get3A_252 = tpu.vector_load %arg15[%get3A_250, %get3A_251] {strides = array<i32>} : memref<96x128xf32, #tpu.memory_space<vmem>>, vector<1x16xf32>,
        %get3A_253 = vector.shape_cast %get3A_252 : vector<1x16xf32> to vector<16xf32>
        %mul3A_254 = arith.mulf %get3A_249, %get3A_253 : vector<16xf32>
        %add3A_255 = arith.addf %add3A_245, %mul3A_254 : vector<16xf32>
        %get3A_256 = arith.index_cast %add3A_197 : i32 to index
        %get3A_257 = arith.constant 96 : index
        %get3A_258 = tpu.vector_load %arg14[%get3A_256, %get3A_257] {strides = array<i32>} : memref<96x128xf32, #tpu.memory_space<vmem>>, vector<1x16xf32>,
        %get3A_259 = vector.shape_cast %get3A_258 : vector<1x16xf32> to vector<16xf32>
        %get3A_260 = arith.index_cast %add3A_197 : i32 to index
        %get3A_261 = arith.constant 96 : index
        %get3A_262 = tpu.vector_load %arg15[%get3A_260, %get3A_261] {strides = array<i32>} : memref<96x128xf32, #tpu.memory_space<vmem>>, vector<1x16xf32>,
        %get3A_263 = vector.shape_cast %get3A_262 : vector<1x16xf32> to vector<16xf32>
        %mul3A_264 = arith.mulf %get3A_259, %get3A_263 : vector<16xf32>
        %add3A_265 = arith.addf %add3A_255, %mul3A_264 : vector<16xf32>
        %get3A_266 = arith.index_cast %add3A_197 : i32 to index
        %get3A_267 = arith.constant 112 : index
        %get3A_268 = tpu.vector_load %arg14[%get3A_266, %get3A_267] {strides = array<i32>} : memref<96x128xf32, #tpu.memory_space<vmem>>, vector<1x16xf32>,
        %get3A_269 = vector.shape_cast %get3A_268 : vector<1x16xf32> to vector<16xf32>
        %get3A_270 = arith.index_cast %add3A_197 : i32 to index
        %get3A_271 = arith.constant 112 : index
        %get3A_272 = tpu.vector_load %arg15[%get3A_270, %get3A_271] {strides = array<i32>} : memref<96x128xf32, #tpu.memory_space<vmem>>, vector<1x16xf32>,
        %get3A_273 = vector.shape_cast %get3A_272 : vector<1x16xf32> to vector<16xf32>
        %mul3A_274 = arith.mulf %get3A_269, %get3A_273 : vector<16xf32>
        %add3A_275 = arith.addf %add3A_265, %mul3A_274 : vector<16xf32>
        %broadcast_in_dim3A_276 = vector.shape_cast %xor3A_4 : vector<16xi32> to vector<16x1xi32>
        %gather3A = vector.shape_cast %broadcast_in_dim3A_276 : vector<16x1xi32> to vector<16xi32>
        %gather3A_277 = tpu.dynamic_gather %add3A_275[%gather3A] in [0] : vector<16xf32>, vector<16xi32> -> vector<16xf32>
        %add3A_278 = arith.addf %add3A_275, %gather3A_277 : vector<16xf32>
        %broadcast_in_dim3A_279 = vector.shape_cast %xor3A_7 : vector<16xi32> to vector<16x1xi32>
        %gather3A_280 = vector.shape_cast %broadcast_in_dim3A_279 : vector<16x1xi32> to vector<16xi32>
        %gather3A_281 = tpu.dynamic_gather %add3A_278[%gather3A_280] in [0] : vector<16xf32>, vector<16xi32> -> vector<16xf32>
        %add3A_282 = arith.addf %add3A_278, %gather3A_281 : vector<16xf32>
        %broadcast_in_dim3A_283 = vector.shape_cast %xor3A_10 : vector<16xi32> to vector<16x1xi32>
        %gather3A_284 = vector.shape_cast %broadcast_in_dim3A_283 : vector<16x1xi32> to vector<16xi32>
        %gather3A_285 = tpu.dynamic_gather %add3A_282[%gather3A_284] in [0] : vector<16xf32>, vector<16xi32> -> vector<16xf32>
        %add3A_286 = arith.addf %add3A_282, %gather3A_285 : vector<16xf32>
        %broadcast_in_dim3A_287 = vector.shape_cast %xor3A_13 : vector<16xi32> to vector<16x1xi32>
        %gather3A_288 = vector.shape_cast %broadcast_in_dim3A_287 : vector<16x1xi32> to vector<16xi32>
        %gather3A_289 = tpu.dynamic_gather %add3A_286[%gather3A_288] in [0] : vector<16xf32>, vector<16xi32> -> vector<16xf32>
        %add3A_290 = arith.addf %add3A_286, %gather3A_289 : vector<16xf32>
        %eq3A = vector.broadcast %scan3A_193 : i32 to vector<16xi32>
        %eq3A_291 = arith.cmpi eq, %iota3A, %eq3A : vector<16xi32>
        %select_n3A = arith.select %eq3A_291, %add3A_290, %scan3A_194 : vector<16xi1>, vector<16xf32>
        %scan3A_292 = arith.constant 1 : i32
        %scan3A_293 = arith.addi %scan3A_193, %scan3A_292 : i32
        %mul3A_294 = arith.constant 16 : i32
        %mul3A_295 = arith.muli %scan3A_177, %mul3A_294 : i32
        %add3A_296 = arith.addi %mul3A_295, %scan3A_293 : i32
        %get3A_297 = arith.index_cast %add3A_296 : i32 to index
        %get3A_298 = arith.constant 0 : index
        %get3A_299 = tpu.vector_load %arg14[%get3A_297, %get3A_298] {strides = array<i32>} : memref<96x128xf32, #tpu.memory_space<vmem>>, vector<1x16xf32>,
        %get3A_300 = vector.shape_cast %get3A_299 : vector<1x16xf32> to vector<16xf32>
        %get3A_301 = arith.index_cast %add3A_296 : i32 to index
        %get3A_302 = arith.constant 0 : index
        %get3A_303 = tpu.vector_load %arg15[%get3A_301, %get3A_302] {strides = array<i32>} : memref<96x128xf32, #tpu.memory_space<vmem>>, vector<1x16xf32>,
        %get3A_304 = vector.shape_cast %get3A_303 : vector<1x16xf32> to vector<16xf32>
        %mul3A_305 = arith.mulf %get3A_300, %get3A_304 : vector<16xf32>
        %get3A_306 = arith.index_cast %add3A_296 : i32 to index
        %get3A_307 = arith.constant 16 : index
        %get3A_308 = tpu.vector_load %arg14[%get3A_306, %get3A_307] {strides = array<i32>} : memref<96x128xf32, #tpu.memory_space<vmem>>, vector<1x16xf32>,
        %get3A_309 = vector.shape_cast %get3A_308 : vector<1x16xf32> to vector<16xf32>
        %get3A_310 = arith.index_cast %add3A_296 : i32 to index
        %get3A_311 = arith.constant 16 : index
        %get3A_312 = tpu.vector_load %arg15[%get3A_310, %get3A_311] {strides = array<i32>} : memref<96x128xf32, #tpu.memory_space<vmem>>, vector<1x16xf32>,
        %get3A_313 = vector.shape_cast %get3A_312 : vector<1x16xf32> to vector<16xf32>
        %mul3A_314 = arith.mulf %get3A_309, %get3A_313 : vector<16xf32>
        %add3A_315 = arith.addf %mul3A_305, %mul3A_314 : vector<16xf32>
        %get3A_316 = arith.index_cast %add3A_296 : i32 to index
        %get3A_317 = arith.constant 32 : index
        %get3A_318 = tpu.vector_load %arg14[%get3A_316, %get3A_317] {strides = array<i32>} : memref<96x128xf32, #tpu.memory_space<vmem>>, vector<1x16xf32>,
        %get3A_319 = vector.shape_cast %get3A_318 : vector<1x16xf32> to vector<16xf32>
        %get3A_320 = arith.index_cast %add3A_296 : i32 to index
        %get3A_321 = arith.constant 32 : index
        %get3A_322 = tpu.vector_load %arg15[%get3A_320, %get3A_321] {strides = array<i32>} : memref<96x128xf32, #tpu.memory_space<vmem>>, vector<1x16xf32>,
        %get3A_323 = vector.shape_cast %get3A_322 : vector<1x16xf32> to vector<16xf32>
        %mul3A_324 = arith.mulf %get3A_319, %get3A_323 : vector<16xf32>
        %add3A_325 = arith.addf %add3A_315, %mul3A_324 : vector<16xf32>
        %get3A_326 = arith.index_cast %add3A_296 : i32 to index
        %get3A_327 = arith.constant 48 : index
        %get3A_328 = tpu.vector_load %arg14[%get3A_326, %get3A_327] {strides = array<i32>} : memref<96x128xf32, #tpu.memory_space<vmem>>, vector<1x16xf32>,
        %get3A_329 = vector.shape_cast %get3A_328 : vector<1x16xf32> to vector<16xf32>
        %get3A_330 = arith.index_cast %add3A_296 : i32 to index
        %get3A_331 = arith.constant 48 : index
        %get3A_332 = tpu.vector_load %arg15[%get3A_330, %get3A_331] {strides = array<i32>} : memref<96x128xf32, #tpu.memory_space<vmem>>, vector<1x16xf32>,
        %get3A_333 = vector.shape_cast %get3A_332 : vector<1x16xf32> to vector<16xf32>
        %mul3A_334 = arith.mulf %get3A_329, %get3A_333 : vector<16xf32>
        %add3A_335 = arith.addf %add3A_325, %mul3A_334 : vector<16xf32>
        %get3A_336 = arith.index_cast %add3A_296 : i32 to index
        %get3A_337 = arith.constant 64 : index
        %get3A_338 = tpu.vector_load %arg14[%get3A_336, %get3A_337] {strides = array<i32>} : memref<96x128xf32, #tpu.memory_space<vmem>>, vector<1x16xf32>,
        %get3A_339 = vector.shape_cast %get3A_338 : vector<1x16xf32> to vector<16xf32>
        %get3A_340 = arith.index_cast %add3A_296 : i32 to index
        %get3A_341 = arith.constant 64 : index
        %get3A_342 = tpu.vector_load %arg15[%get3A_340, %get3A_341] {strides = array<i32>} : memref<96x128xf32, #tpu.memory_space<vmem>>, vector<1x16xf32>,
        %get3A_343 = vector.shape_cast %get3A_342 : vector<1x16xf32> to vector<16xf32>
        %mul3A_344 = arith.mulf %get3A_339, %get3A_343 : vector<16xf32>
        %add3A_345 = arith.addf %add3A_335, %mul3A_344 : vector<16xf32>
        %get3A_346 = arith.index_cast %add3A_296 : i32 to index
        %get3A_347 = arith.constant 80 : index
        %get3A_348 = tpu.vector_load %arg14[%get3A_346, %get3A_347] {strides = array<i32>} : memref<96x128xf32, #tpu.memory_space<vmem>>, vector<1x16xf32>,
        %get3A_349 = vector.shape_cast %get3A_348 : vector<1x16xf32> to vector<16xf32>
        %get3A_350 = arith.index_cast %add3A_296 : i32 to index
        %get3A_351 = arith.constant 80 : index
        %get3A_352 = tpu.vector_load %arg15[%get3A_350, %get3A_351] {strides = array<i32>} : memref<96x128xf32, #tpu.memory_space<vmem>>, vector<1x16xf32>,
        %get3A_353 = vector.shape_cast %get3A_352 : vector<1x16xf32> to vector<16xf32>
        %mul3A_354 = arith.mulf %get3A_349, %get3A_353 : vector<16xf32>
        %add3A_355 = arith.addf %add3A_345, %mul3A_354 : vector<16xf32>
        %get3A_356 = arith.index_cast %add3A_296 : i32 to index
        %get3A_357 = arith.constant 96 : index
        %get3A_358 = tpu.vector_load %arg14[%get3A_356, %get3A_357] {strides = array<i32>} : memref<96x128xf32, #tpu.memory_space<vmem>>, vector<1x16xf32>,
        %get3A_359 = vector.shape_cast %get3A_358 : vector<1x16xf32> to vector<16xf32>
        %get3A_360 = arith.index_cast %add3A_296 : i32 to index
        %get3A_361 = arith.constant 96 : index
        %get3A_362 = tpu.vector_load %arg15[%get3A_360, %get3A_361] {strides = array<i32>} : memref<96x128xf32, #tpu.memory_space<vmem>>, vector<1x16xf32>,
        %get3A_363 = vector.shape_cast %get3A_362 : vector<1x16xf32> to vector<16xf32>
        %mul3A_364 = arith.mulf %get3A_359, %get3A_363 : vector<16xf32>
        %add3A_365 = arith.addf %add3A_355, %mul3A_364 : vector<16xf32>
        %get3A_366 = arith.index_cast %add3A_296 : i32 to index
        %get3A_367 = arith.constant 112 : index
        %get3A_368 = tpu.vector_load %arg14[%get3A_366, %get3A_367] {strides = array<i32>} : memref<96x128xf32, #tpu.memory_space<vmem>>, vector<1x16xf32>,
        %get3A_369 = vector.shape_cast %get3A_368 : vector<1x16xf32> to vector<16xf32>
        %get3A_370 = arith.index_cast %add3A_296 : i32 to index
        %get3A_371 = arith.constant 112 : index
        %get3A_372 = tpu.vector_load %arg15[%get3A_370, %get3A_371] {strides = array<i32>} : memref<96x128xf32, #tpu.memory_space<vmem>>, vector<1x16xf32>,
        %get3A_373 = vector.shape_cast %get3A_372 : vector<1x16xf32> to vector<16xf32>
        %mul3A_374 = arith.mulf %get3A_369, %get3A_373 : vector<16xf32>
        %add3A_375 = arith.addf %add3A_365, %mul3A_374 : vector<16xf32>
        %broadcast_in_dim3A_376 = vector.shape_cast %xor3A_4 : vector<16xi32> to vector<16x1xi32>
        %gather3A_377 = vector.shape_cast %broadcast_in_dim3A_376 : vector<16x1xi32> to vector<16xi32>
        %gather3A_378 = tpu.dynamic_gather %add3A_375[%gather3A_377] in [0] : vector<16xf32>, vector<16xi32> -> vector<16xf32>
        %add3A_379 = arith.addf %add3A_375, %gather3A_378 : vector<16xf32>
        %broadcast_in_dim3A_380 = vector.shape_cast %xor3A_7 : vector<16xi32> to vector<16x1xi32>
        %gather3A_381 = vector.shape_cast %broadcast_in_dim3A_380 : vector<16x1xi32> to vector<16xi32>
        %gather3A_382 = tpu.dynamic_gather %add3A_379[%gather3A_381] in [0] : vector<16xf32>, vector<16xi32> -> vector<16xf32>
        %add3A_383 = arith.addf %add3A_379, %gather3A_382 : vector<16xf32>
        %broadcast_in_dim3A_384 = vector.shape_cast %xor3A_10 : vector<16xi32> to vector<16x1xi32>
        %gather3A_385 = vector.shape_cast %broadcast_in_dim3A_384 : vector<16x1xi32> to vector<16xi32>
        %gather3A_386 = tpu.dynamic_gather %add3A_383[%gather3A_385] in [0] : vector<16xf32>, vector<16xi32> -> vector<16xf32>
        %add3A_387 = arith.addf %add3A_383, %gather3A_386 : vector<16xf32>
        %broadcast_in_dim3A_388 = vector.shape_cast %xor3A_13 : vector<16xi32> to vector<16x1xi32>
        %gather3A_389 = vector.shape_cast %broadcast_in_dim3A_388 : vector<16x1xi32> to vector<16xi32>
        %gather3A_390 = tpu.dynamic_gather %add3A_387[%gather3A_389] in [0] : vector<16xf32>, vector<16xi32> -> vector<16xf32>
        %add3A_391 = arith.addf %add3A_387, %gather3A_390 : vector<16xf32>
        %eq3A_392 = vector.broadcast %scan3A_293 : i32 to vector<16xi32>
        %eq3A_393 = arith.cmpi eq, %iota3A, %eq3A_392 : vector<16xi32>
        %select_n3A_394 = arith.select %eq3A_393, %add3A_391, %select_n3A : vector<16xi1>, vector<16xf32>
        %scan3A_395 = arith.constant 2 : i32
        %scan3A_396 = arith.addi %scan3A_193, %scan3A_395 : i32
        %mul3A_397 = arith.constant 16 : i32
        %mul3A_398 = arith.muli %scan3A_177, %mul3A_397 : i32
        %add3A_399 = arith.addi %mul3A_398, %scan3A_396 : i32
        %get3A_400 = arith.index_cast %add3A_399 : i32 to index
        %get3A_401 = arith.constant 0 : index
        %get3A_402 = tpu.vector_load %arg14[%get3A_400, %get3A_401] {strides = array<i32>} : memref<96x128xf32, #tpu.memory_space<vmem>>, vector<1x16xf32>,
        %get3A_403 = vector.shape_cast %get3A_402 : vector<1x16xf32> to vector<16xf32>
        %get3A_404 = arith.index_cast %add3A_399 : i32 to index
        %get3A_405 = arith.constant 0 : index
        %get3A_406 = tpu.vector_load %arg15[%get3A_404, %get3A_405] {strides = array<i32>} : memref<96x128xf32, #tpu.memory_space<vmem>>, vector<1x16xf32>,
        %get3A_407 = vector.shape_cast %get3A_406 : vector<1x16xf32> to vector<16xf32>
        %mul3A_408 = arith.mulf %get3A_403, %get3A_407 : vector<16xf32>
        %get3A_409 = arith.index_cast %add3A_399 : i32 to index
        %get3A_410 = arith.constant 16 : index
        %get3A_411 = tpu.vector_load %arg14[%get3A_409, %get3A_410] {strides = array<i32>} : memref<96x128xf32, #tpu.memory_space<vmem>>, vector<1x16xf32>,
        %get3A_412 = vector.shape_cast %get3A_411 : vector<1x16xf32> to vector<16xf32>
        %get3A_413 = arith.index_cast %add3A_399 : i32 to index
        %get3A_414 = arith.constant 16 : index
        %get3A_415 = tpu.vector_load %arg15[%get3A_413, %get3A_414] {strides = array<i32>} : memref<96x128xf32, #tpu.memory_space<vmem>>, vector<1x16xf32>,
        %get3A_416 = vector.shape_cast %get3A_415 : vector<1x16xf32> to vector<16xf32>
        %mul3A_417 = arith.mulf %get3A_412, %get3A_416 : vector<16xf32>
        %add3A_418 = arith.addf %mul3A_408, %mul3A_417 : vector<16xf32>
        %get3A_419 = arith.index_cast %add3A_399 : i32 to index
        %get3A_420 = arith.constant 32 : index
        %get3A_421 = tpu.vector_load %arg14[%get3A_419, %get3A_420] {strides = array<i32>} : memref<96x128xf32, #tpu.memory_space<vmem>>, vector<1x16xf32>,
        %get3A_422 = vector.shape_cast %get3A_421 : vector<1x16xf32> to vector<16xf32>
        %get3A_423 = arith.index_cast %add3A_399 : i32 to index
        %get3A_424 = arith.constant 32 : index
        %get3A_425 = tpu.vector_load %arg15[%get3A_423, %get3A_424] {strides = array<i32>} : memref<96x128xf32, #tpu.memory_space<vmem>>, vector<1x16xf32>,
        %get3A_426 = vector.shape_cast %get3A_425 : vector<1x16xf32> to vector<16xf32>
        %mul3A_427 = arith.mulf %get3A_422, %get3A_426 : vector<16xf32>
        %add3A_428 = arith.addf %add3A_418, %mul3A_427 : vector<16xf32>
        %get3A_429 = arith.index_cast %add3A_399 : i32 to index
        %get3A_430 = arith.constant 48 : index
        %get3A_431 = tpu.vector_load %arg14[%get3A_429, %get3A_430] {strides = array<i32>} : memref<96x128xf32, #tpu.memory_space<vmem>>, vector<1x16xf32>,
        %get3A_432 = vector.shape_cast %get3A_431 : vector<1x16xf32> to vector<16xf32>
        %get3A_433 = arith.index_cast %add3A_399 : i32 to index
        %get3A_434 = arith.constant 48 : index
        %get3A_435 = tpu.vector_load %arg15[%get3A_433, %get3A_434] {strides = array<i32>} : memref<96x128xf32, #tpu.memory_space<vmem>>, vector<1x16xf32>,
        %get3A_436 = vector.shape_cast %get3A_435 : vector<1x16xf32> to vector<16xf32>
        %mul3A_437 = arith.mulf %get3A_432, %get3A_436 : vector<16xf32>
        %add3A_438 = arith.addf %add3A_428, %mul3A_437 : vector<16xf32>
        %get3A_439 = arith.index_cast %add3A_399 : i32 to index
        %get3A_440 = arith.constant 64 : index
        %get3A_441 = tpu.vector_load %arg14[%get3A_439, %get3A_440] {strides = array<i32>} : memref<96x128xf32, #tpu.memory_space<vmem>>, vector<1x16xf32>,
        %get3A_442 = vector.shape_cast %get3A_441 : vector<1x16xf32> to vector<16xf32>
        %get3A_443 = arith.index_cast %add3A_399 : i32 to index
        %get3A_444 = arith.constant 64 : index
        %get3A_445 = tpu.vector_load %arg15[%get3A_443, %get3A_444] {strides = array<i32>} : memref<96x128xf32, #tpu.memory_space<vmem>>, vector<1x16xf32>,
        %get3A_446 = vector.shape_cast %get3A_445 : vector<1x16xf32> to vector<16xf32>
        %mul3A_447 = arith.mulf %get3A_442, %get3A_446 : vector<16xf32>
        %add3A_448 = arith.addf %add3A_438, %mul3A_447 : vector<16xf32>
        %get3A_449 = arith.index_cast %add3A_399 : i32 to index
        %get3A_450 = arith.constant 80 : index
        %get3A_451 = tpu.vector_load %arg14[%get3A_449, %get3A_450] {strides = array<i32>} : memref<96x128xf32, #tpu.memory_space<vmem>>, vector<1x16xf32>,
        %get3A_452 = vector.shape_cast %get3A_451 : vector<1x16xf32> to vector<16xf32>
        %get3A_453 = arith.index_cast %add3A_399 : i32 to index
        %get3A_454 = arith.constant 80 : index
        %get3A_455 = tpu.vector_load %arg15[%get3A_453, %get3A_454] {strides = array<i32>} : memref<96x128xf32, #tpu.memory_space<vmem>>, vector<1x16xf32>,
        %get3A_456 = vector.shape_cast %get3A_455 : vector<1x16xf32> to vector<16xf32>
        %mul3A_457 = arith.mulf %get3A_452, %get3A_456 : vector<16xf32>
        %add3A_458 = arith.addf %add3A_448, %mul3A_457 : vector<16xf32>
        %get3A_459 = arith.index_cast %add3A_399 : i32 to index
        %get3A_460 = arith.constant 96 : index
        %get3A_461 = tpu.vector_load %arg14[%get3A_459, %get3A_460] {strides = array<i32>} : memref<96x128xf32, #tpu.memory_space<vmem>>, vector<1x16xf32>,
        %get3A_462 = vector.shape_cast %get3A_461 : vector<1x16xf32> to vector<16xf32>
        %get3A_463 = arith.index_cast %add3A_399 : i32 to index
        %get3A_464 = arith.constant 96 : index
        %get3A_465 = tpu.vector_load %arg15[%get3A_463, %get3A_464] {strides = array<i32>} : memref<96x128xf32, #tpu.memory_space<vmem>>, vector<1x16xf32>,
        %get3A_466 = vector.shape_cast %get3A_465 : vector<1x16xf32> to vector<16xf32>
        %mul3A_467 = arith.mulf %get3A_462, %get3A_466 : vector<16xf32>
        %add3A_468 = arith.addf %add3A_458, %mul3A_467 : vector<16xf32>
        %get3A_469 = arith.index_cast %add3A_399 : i32 to index
        %get3A_470 = arith.constant 112 : index
        %get3A_471 = tpu.vector_load %arg14[%get3A_469, %get3A_470] {strides = array<i32>} : memref<96x128xf32, #tpu.memory_space<vmem>>, vector<1x16xf32>,
        %get3A_472 = vector.shape_cast %get3A_471 : vector<1x16xf32> to vector<16xf32>
        %get3A_473 = arith.index_cast %add3A_399 : i32 to index
        %get3A_474 = arith.constant 112 : index
        %get3A_475 = tpu.vector_load %arg15[%get3A_473, %get3A_474] {strides = array<i32>} : memref<96x128xf32, #tpu.memory_space<vmem>>, vector<1x16xf32>,
        %get3A_476 = vector.shape_cast %get3A_475 : vector<1x16xf32> to vector<16xf32>
        %mul3A_477 = arith.mulf %get3A_472, %get3A_476 : vector<16xf32>
        %add3A_478 = arith.addf %add3A_468, %mul3A_477 : vector<16xf32>
        %broadcast_in_dim3A_479 = vector.shape_cast %xor3A_4 : vector<16xi32> to vector<16x1xi32>
        %gather3A_480 = vector.shape_cast %broadcast_in_dim3A_479 : vector<16x1xi32> to vector<16xi32>
        %gather3A_481 = tpu.dynamic_gather %add3A_478[%gather3A_480] in [0] : vector<16xf32>, vector<16xi32> -> vector<16xf32>
        %add3A_482 = arith.addf %add3A_478, %gather3A_481 : vector<16xf32>
        %broadcast_in_dim3A_483 = vector.shape_cast %xor3A_7 : vector<16xi32> to vector<16x1xi32>
        %gather3A_484 = vector.shape_cast %broadcast_in_dim3A_483 : vector<16x1xi32> to vector<16xi32>
        %gather3A_485 = tpu.dynamic_gather %add3A_482[%gather3A_484] in [0] : vector<16xf32>, vector<16xi32> -> vector<16xf32>
        %add3A_486 = arith.addf %add3A_482, %gather3A_485 : vector<16xf32>
        %broadcast_in_dim3A_487 = vector.shape_cast %xor3A_10 : vector<16xi32> to vector<16x1xi32>
        %gather3A_488 = vector.shape_cast %broadcast_in_dim3A_487 : vector<16x1xi32> to vector<16xi32>
        %gather3A_489 = tpu.dynamic_gather %add3A_486[%gather3A_488] in [0] : vector<16xf32>, vector<16xi32> -> vector<16xf32>
        %add3A_490 = arith.addf %add3A_486, %gather3A_489 : vector<16xf32>
        %broadcast_in_dim3A_491 = vector.shape_cast %xor3A_13 : vector<16xi32> to vector<16x1xi32>
        %gather3A_492 = vector.shape_cast %broadcast_in_dim3A_491 : vector<16x1xi32> to vector<16xi32>
        %gather3A_493 = tpu.dynamic_gather %add3A_490[%gather3A_492] in [0] : vector<16xf32>, vector<16xi32> -> vector<16xf32>
        %add3A_494 = arith.addf %add3A_490, %gather3A_493 : vector<16xf32>
        %eq3A_495 = vector.broadcast %scan3A_396 : i32 to vector<16xi32>
        %eq3A_496 = arith.cmpi eq, %iota3A, %eq3A_495 : vector<16xi32>
        %select_n3A_497 = arith.select %eq3A_496, %add3A_494, %select_n3A_394 : vector<16xi1>, vector<16xf32>
        %scan3A_498 = arith.constant 3 : i32
        %scan3A_499 = arith.addi %scan3A_193, %scan3A_498 : i32
        %mul3A_500 = arith.constant 16 : i32
        %mul3A_501 = arith.muli %scan3A_177, %mul3A_500 : i32
        %add3A_502 = arith.addi %mul3A_501, %scan3A_499 : i32
        %get3A_503 = arith.index_cast %add3A_502 : i32 to index
        %get3A_504 = arith.constant 0 : index
        %get3A_505 = tpu.vector_load %arg14[%get3A_503, %get3A_504] {strides = array<i32>} : memref<96x128xf32, #tpu.memory_space<vmem>>, vector<1x16xf32>,
        %get3A_506 = vector.shape_cast %get3A_505 : vector<1x16xf32> to vector<16xf32>
        %get3A_507 = arith.index_cast %add3A_502 : i32 to index
        %get3A_508 = arith.constant 0 : index
        %get3A_509 = tpu.vector_load %arg15[%get3A_507, %get3A_508] {strides = array<i32>} : memref<96x128xf32, #tpu.memory_space<vmem>>, vector<1x16xf32>,
        %get3A_510 = vector.shape_cast %get3A_509 : vector<1x16xf32> to vector<16xf32>
        %mul3A_511 = arith.mulf %get3A_506, %get3A_510 : vector<16xf32>
        %get3A_512 = arith.index_cast %add3A_502 : i32 to index
        %get3A_513 = arith.constant 16 : index
        %get3A_514 = tpu.vector_load %arg14[%get3A_512, %get3A_513] {strides = array<i32>} : memref<96x128xf32, #tpu.memory_space<vmem>>, vector<1x16xf32>,
        %get3A_515 = vector.shape_cast %get3A_514 : vector<1x16xf32> to vector<16xf32>
        %get3A_516 = arith.index_cast %add3A_502 : i32 to index
        %get3A_517 = arith.constant 16 : index
        %get3A_518 = tpu.vector_load %arg15[%get3A_516, %get3A_517] {strides = array<i32>} : memref<96x128xf32, #tpu.memory_space<vmem>>, vector<1x16xf32>,
        %get3A_519 = vector.shape_cast %get3A_518 : vector<1x16xf32> to vector<16xf32>
        %mul3A_520 = arith.mulf %get3A_515, %get3A_519 : vector<16xf32>
        %add3A_521 = arith.addf %mul3A_511, %mul3A_520 : vector<16xf32>
        %get3A_522 = arith.index_cast %add3A_502 : i32 to index
        %get3A_523 = arith.constant 32 : index
        %get3A_524 = tpu.vector_load %arg14[%get3A_522, %get3A_523] {strides = array<i32>} : memref<96x128xf32, #tpu.memory_space<vmem>>, vector<1x16xf32>,
        %get3A_525 = vector.shape_cast %get3A_524 : vector<1x16xf32> to vector<16xf32>
        %get3A_526 = arith.index_cast %add3A_502 : i32 to index
        %get3A_527 = arith.constant 32 : index
        %get3A_528 = tpu.vector_load %arg15[%get3A_526, %get3A_527] {strides = array<i32>} : memref<96x128xf32, #tpu.memory_space<vmem>>, vector<1x16xf32>,
        %get3A_529 = vector.shape_cast %get3A_528 : vector<1x16xf32> to vector<16xf32>
        %mul3A_530 = arith.mulf %get3A_525, %get3A_529 : vector<16xf32>
        %add3A_531 = arith.addf %add3A_521, %mul3A_530 : vector<16xf32>
        %get3A_532 = arith.index_cast %add3A_502 : i32 to index
        %get3A_533 = arith.constant 48 : index
        %get3A_534 = tpu.vector_load %arg14[%get3A_532, %get3A_533] {strides = array<i32>} : memref<96x128xf32, #tpu.memory_space<vmem>>, vector<1x16xf32>,
        %get3A_535 = vector.shape_cast %get3A_534 : vector<1x16xf32> to vector<16xf32>
        %get3A_536 = arith.index_cast %add3A_502 : i32 to index
        %get3A_537 = arith.constant 48 : index
        %get3A_538 = tpu.vector_load %arg15[%get3A_536, %get3A_537] {strides = array<i32>} : memref<96x128xf32, #tpu.memory_space<vmem>>, vector<1x16xf32>,
        %get3A_539 = vector.shape_cast %get3A_538 : vector<1x16xf32> to vector<16xf32>
        %mul3A_540 = arith.mulf %get3A_535, %get3A_539 : vector<16xf32>
        %add3A_541 = arith.addf %add3A_531, %mul3A_540 : vector<16xf32>
        %get3A_542 = arith.index_cast %add3A_502 : i32 to index
        %get3A_543 = arith.constant 64 : index
        %get3A_544 = tpu.vector_load %arg14[%get3A_542, %get3A_543] {strides = array<i32>} : memref<96x128xf32, #tpu.memory_space<vmem>>, vector<1x16xf32>,
        %get3A_545 = vector.shape_cast %get3A_544 : vector<1x16xf32> to vector<16xf32>
        %get3A_546 = arith.index_cast %add3A_502 : i32 to index
        %get3A_547 = arith.constant 64 : index
        %get3A_548 = tpu.vector_load %arg15[%get3A_546, %get3A_547] {strides = array<i32>} : memref<96x128xf32, #tpu.memory_space<vmem>>, vector<1x16xf32>,
        %get3A_549 = vector.shape_cast %get3A_548 : vector<1x16xf32> to vector<16xf32>
        %mul3A_550 = arith.mulf %get3A_545, %get3A_549 : vector<16xf32>
        %add3A_551 = arith.addf %add3A_541, %mul3A_550 : vector<16xf32>
        %get3A_552 = arith.index_cast %add3A_502 : i32 to index
        %get3A_553 = arith.constant 80 : index
        %get3A_554 = tpu.vector_load %arg14[%get3A_552, %get3A_553] {strides = array<i32>} : memref<96x128xf32, #tpu.memory_space<vmem>>, vector<1x16xf32>,
        %get3A_555 = vector.shape_cast %get3A_554 : vector<1x16xf32> to vector<16xf32>
        %get3A_556 = arith.index_cast %add3A_502 : i32 to index
        %get3A_557 = arith.constant 80 : index
        %get3A_558 = tpu.vector_load %arg15[%get3A_556, %get3A_557] {strides = array<i32>} : memref<96x128xf32, #tpu.memory_space<vmem>>, vector<1x16xf32>,
        %get3A_559 = vector.shape_cast %get3A_558 : vector<1x16xf32> to vector<16xf32>
        %mul3A_560 = arith.mulf %get3A_555, %get3A_559 : vector<16xf32>
        %add3A_561 = arith.addf %add3A_551, %mul3A_560 : vector<16xf32>
        %get3A_562 = arith.index_cast %add3A_502 : i32 to index
        %get3A_563 = arith.constant 96 : index
        %get3A_564 = tpu.vector_load %arg14[%get3A_562, %get3A_563] {strides = array<i32>} : memref<96x128xf32, #tpu.memory_space<vmem>>, vector<1x16xf32>,
        %get3A_565 = vector.shape_cast %get3A_564 : vector<1x16xf32> to vector<16xf32>
        %get3A_566 = arith.index_cast %add3A_502 : i32 to index
        %get3A_567 = arith.constant 96 : index
        %get3A_568 = tpu.vector_load %arg15[%get3A_566, %get3A_567] {strides = array<i32>} : memref<96x128xf32, #tpu.memory_space<vmem>>, vector<1x16xf32>,
        %get3A_569 = vector.shape_cast %get3A_568 : vector<1x16xf32> to vector<16xf32>
        %mul3A_570 = arith.mulf %get3A_565, %get3A_569 : vector<16xf32>
        %add3A_571 = arith.addf %add3A_561, %mul3A_570 : vector<16xf32>
        %get3A_572 = arith.index_cast %add3A_502 : i32 to index
        %get3A_573 = arith.constant 112 : index
        %get3A_574 = tpu.vector_load %arg14[%get3A_572, %get3A_573] {strides = array<i32>} : memref<96x128xf32, #tpu.memory_space<vmem>>, vector<1x16xf32>,
        %get3A_575 = vector.shape_cast %get3A_574 : vector<1x16xf32> to vector<16xf32>
        %get3A_576 = arith.index_cast %add3A_502 : i32 to index
        %get3A_577 = arith.constant 112 : index
        %get3A_578 = tpu.vector_load %arg15[%get3A_576, %get3A_577] {strides = array<i32>} : memref<96x128xf32, #tpu.memory_space<vmem>>, vector<1x16xf32>,
        %get3A_579 = vector.shape_cast %get3A_578 : vector<1x16xf32> to vector<16xf32>
        %mul3A_580 = arith.mulf %get3A_575, %get3A_579 : vector<16xf32>
        %add3A_581 = arith.addf %add3A_571, %mul3A_580 : vector<16xf32>
        %broadcast_in_dim3A_582 = vector.shape_cast %xor3A_4 : vector<16xi32> to vector<16x1xi32>
        %gather3A_583 = vector.shape_cast %broadcast_in_dim3A_582 : vector<16x1xi32> to vector<16xi32>
        %gather3A_584 = tpu.dynamic_gather %add3A_581[%gather3A_583] in [0] : vector<16xf32>, vector<16xi32> -> vector<16xf32>
        %add3A_585 = arith.addf %add3A_581, %gather3A_584 : vector<16xf32>
        %broadcast_in_dim3A_586 = vector.shape_cast %xor3A_7 : vector<16xi32> to vector<16x1xi32>
        %gather3A_587 = vector.shape_cast %broadcast_in_dim3A_586 : vector<16x1xi32> to vector<16xi32>
        %gather3A_588 = tpu.dynamic_gather %add3A_585[%gather3A_587] in [0] : vector<16xf32>, vector<16xi32> -> vector<16xf32>
        %add3A_589 = arith.addf %add3A_585, %gather3A_588 : vector<16xf32>
        %broadcast_in_dim3A_590 = vector.shape_cast %xor3A_10 : vector<16xi32> to vector<16x1xi32>
        %gather3A_591 = vector.shape_cast %broadcast_in_dim3A_590 : vector<16x1xi32> to vector<16xi32>
        %gather3A_592 = tpu.dynamic_gather %add3A_589[%gather3A_591] in [0] : vector<16xf32>, vector<16xi32> -> vector<16xf32>
        %add3A_593 = arith.addf %add3A_589, %gather3A_592 : vector<16xf32>
        %broadcast_in_dim3A_594 = vector.shape_cast %xor3A_13 : vector<16xi32> to vector<16x1xi32>
        %gather3A_595 = vector.shape_cast %broadcast_in_dim3A_594 : vector<16x1xi32> to vector<16xi32>
        %gather3A_596 = tpu.dynamic_gather %add3A_593[%gather3A_595] in [0] : vector<16xf32>, vector<16xi32> -> vector<16xf32>
        %add3A_597 = arith.addf %add3A_593, %gather3A_596 : vector<16xf32>
        %eq3A_598 = vector.broadcast %scan3A_499 : i32 to vector<16xi32>
        %eq3A_599 = arith.cmpi eq, %iota3A, %eq3A_598 : vector<16xi32>
        %select_n3A_600 = arith.select %eq3A_599, %add3A_597, %select_n3A_497 : vector<16xi1>, vector<16xf32>
        scf.yield %select_n3A_600 : vector<16xf32>
      }
      %scan3A_185 = arith.constant 16 : i32
      %mul3A_186 = arith.constant 16 : i32
      %mul3A_187 = arith.muli %scan3A_177, %mul3A_186 : i32
      %add3A_188 = arith.addi %min3A_148, %mul3A_187 : i32
      %swap3A = arith.index_cast %add3A_188 : i32 to index
      %swap3A_189 = tpu.vector_load %arg16[%swap3A] {strides = array<i32>} : memref<10000xf32, #tpu.memory_space<vmem>>, vector<16xf32>,
      %swap3A_190 = vector.shape_cast %swap3A_189 : vector<16xf32> to vector<16xf32>
      %swap3A_191 = vector.shape_cast %scan3A_184 : vector<16xf32> to vector<16xf32>
      tpu.vector_store %arg16[%swap3A], %swap3A_191 {strides = array<i32>} : memref<10000xf32, #tpu.memory_space<vmem>>, vector<16xf32>,
      %scan3A_192 = arith.constant 0 : i32
      scf.yield %scan3A_192 : i32
    }
    %scan3A_155 = arith.constant 6 : i32
    %min3A_156 = arith.constant 9984 : i32
    %min3A_157 = arith.constant 9904 : i32
    %min3A_158 = arith.minsi %min3A_156, %min3A_157 : i32
    %dma_wait3A_159 = tpu.memref_slice %arg6[%min3A_158] : memref<10000xi32, #tpu.memory_space<vmem>> -> memref<96xi32, #tpu.memory_space<vmem>>
    %dma_wait3A_160 = arith.constant 0 : i32
    %dma_wait3A_161 = arith.constant 0 : i32
    %dma_wait3A_162 = tpu.memref_slice %arg2[%dma_wait3A_160, %dma_wait3A_161] : memref<10000x128xf32, #tpu.memory_space<hbm>> -> memref<10000x128xf32, #tpu.memory_space<hbm>>
    tpu.wait_indirect_dma semaphore(%arg17 : memref<!tpu.dma_semaphore, #tpu.memory_space<semaphore_mem>>) src(%dma_wait3A_162 : memref<10000x128xf32, #tpu.memory_space<hbm>>) dst(%arg8 : memref<96x128xf32, #tpu.memory_space<vmem>>)
    %dma_wait3A_163 = tpu.memref_slice %arg7[%min3A_158] : memref<10000xi32, #tpu.memory_space<vmem>> -> memref<96xi32, #tpu.memory_space<vmem>>
    %dma_wait3A_164 = arith.constant 0 : i32
    %dma_wait3A_165 = arith.constant 0 : i32
    %dma_wait3A_166 = tpu.memref_slice %arg2[%dma_wait3A_164, %dma_wait3A_165] : memref<10000x128xf32, #tpu.memory_space<hbm>> -> memref<10000x128xf32, #tpu.memory_space<hbm>>
    tpu.wait_indirect_dma semaphore(%arg17 : memref<!tpu.dma_semaphore, #tpu.memory_space<semaphore_mem>>) src(%dma_wait3A_166 : memref<10000x128xf32, #tpu.memory_space<hbm>>) dst(%arg9 : memref<96x128xf32, #tpu.memory_space<vmem>>)
    %min3A_167 = arith.constant 9984 : i32
    %min3A_168 = arith.constant 9904 : i32
    %min3A_169 = arith.minsi %min3A_167, %min3A_168 : i32
    %scan3A_170 = arith.constant 0 : i32
    %scan3A_171 = arith.constant 0 : i32
    %scan3A_172 = arith.constant 6 : i32
    %scan3A_173 = arith.addi %scan3A_171, %scan3A_172 : i32
    %scan3A_174 = arith.constant 1 : i32
    %scan3A_175 = scf.for %scan3A_177 = %scan3A_171 to %scan3A_173 step %scan3A_174 iter_args(%scan3A_178 = %scan3A_170) -> (i32)  : i32 {
      %broadcast_in_dim3A = arith.constant 0.000000e+00 : f32
      %broadcast_in_dim3A_179 = vector.broadcast %broadcast_in_dim3A : f32 to vector<16xf32>
      %scan3A_180 = arith.constant 0 : i32
      %scan3A_181 = arith.constant 16 : i32
      %scan3A_182 = arith.addi %scan3A_180, %scan3A_181 : i32
      %scan3A_183 = arith.constant 4 : i32
      %scan3A_184 = scf.for %scan3A_193 = %scan3A_180 to %scan3A_182 step %scan3A_183 iter_args(%scan3A_194 = %broadcast_in_dim3A_179) -> (vector<16xf32>)  : i32 {
        %mul3A_195 = arith.constant 16 : i32
        %mul3A_196 = arith.muli %scan3A_177, %mul3A_195 : i32
        %add3A_197 = arith.addi %mul3A_196, %scan3A_193 : i32
        %get3A = arith.index_cast %add3A_197 : i32 to index
        %get3A_198 = arith.constant 0 : index
        %get3A_199 = tpu.vector_load %arg8[%get3A, %get3A_198] {strides = array<i32>} : memref<96x128xf32, #tpu.memory_space<vmem>>, vector<1x16xf32>,
        %get3A_200 = vector.shape_cast %get3A_199 : vector<1x16xf32> to vector<16xf32>
        %get3A_201 = arith.index_cast %add3A_197 : i32 to index
        %get3A_202 = arith.constant 0 : index
        %get3A_203 = tpu.vector_load %arg9[%get3A_201, %get3A_202] {strides = array<i32>} : memref<96x128xf32, #tpu.memory_space<vmem>>, vector<1x16xf32>,
        %get3A_204 = vector.shape_cast %get3A_203 : vector<1x16xf32> to vector<16xf32>
        %mul3A_205 = arith.mulf %get3A_200, %get3A_204 : vector<16xf32>
        %get3A_206 = arith.index_cast %add3A_197 : i32 to index
        %get3A_207 = arith.constant 16 : index
        %get3A_208 = tpu.vector_load %arg8[%get3A_206, %get3A_207] {strides = array<i32>} : memref<96x128xf32, #tpu.memory_space<vmem>>, vector<1x16xf32>,
        %get3A_209 = vector.shape_cast %get3A_208 : vector<1x16xf32> to vector<16xf32>
        %get3A_210 = arith.index_cast %add3A_197 : i32 to index
        %get3A_211 = arith.constant 16 : index
        %get3A_212 = tpu.vector_load %arg9[%get3A_210, %get3A_211] {strides = array<i32>} : memref<96x128xf32, #tpu.memory_space<vmem>>, vector<1x16xf32>,
        %get3A_213 = vector.shape_cast %get3A_212 : vector<1x16xf32> to vector<16xf32>
        %mul3A_214 = arith.mulf %get3A_209, %get3A_213 : vector<16xf32>
        %add3A_215 = arith.addf %mul3A_205, %mul3A_214 : vector<16xf32>
        %get3A_216 = arith.index_cast %add3A_197 : i32 to index
        %get3A_217 = arith.constant 32 : index
        %get3A_218 = tpu.vector_load %arg8[%get3A_216, %get3A_217] {strides = array<i32>} : memref<96x128xf32, #tpu.memory_space<vmem>>, vector<1x16xf32>,
        %get3A_219 = vector.shape_cast %get3A_218 : vector<1x16xf32> to vector<16xf32>
        %get3A_220 = arith.index_cast %add3A_197 : i32 to index
        %get3A_221 = arith.constant 32 : index
        %get3A_222 = tpu.vector_load %arg9[%get3A_220, %get3A_221] {strides = array<i32>} : memref<96x128xf32, #tpu.memory_space<vmem>>, vector<1x16xf32>,
        %get3A_223 = vector.shape_cast %get3A_222 : vector<1x16xf32> to vector<16xf32>
        %mul3A_224 = arith.mulf %get3A_219, %get3A_223 : vector<16xf32>
        %add3A_225 = arith.addf %add3A_215, %mul3A_224 : vector<16xf32>
        %get3A_226 = arith.index_cast %add3A_197 : i32 to index
        %get3A_227 = arith.constant 48 : index
        %get3A_228 = tpu.vector_load %arg8[%get3A_226, %get3A_227] {strides = array<i32>} : memref<96x128xf32, #tpu.memory_space<vmem>>, vector<1x16xf32>,
        %get3A_229 = vector.shape_cast %get3A_228 : vector<1x16xf32> to vector<16xf32>
        %get3A_230 = arith.index_cast %add3A_197 : i32 to index
        %get3A_231 = arith.constant 48 : index
        %get3A_232 = tpu.vector_load %arg9[%get3A_230, %get3A_231] {strides = array<i32>} : memref<96x128xf32, #tpu.memory_space<vmem>>, vector<1x16xf32>,
        %get3A_233 = vector.shape_cast %get3A_232 : vector<1x16xf32> to vector<16xf32>
        %mul3A_234 = arith.mulf %get3A_229, %get3A_233 : vector<16xf32>
        %add3A_235 = arith.addf %add3A_225, %mul3A_234 : vector<16xf32>
        %get3A_236 = arith.index_cast %add3A_197 : i32 to index
        %get3A_237 = arith.constant 64 : index
        %get3A_238 = tpu.vector_load %arg8[%get3A_236, %get3A_237] {strides = array<i32>} : memref<96x128xf32, #tpu.memory_space<vmem>>, vector<1x16xf32>,
        %get3A_239 = vector.shape_cast %get3A_238 : vector<1x16xf32> to vector<16xf32>
        %get3A_240 = arith.index_cast %add3A_197 : i32 to index
        %get3A_241 = arith.constant 64 : index
        %get3A_242 = tpu.vector_load %arg9[%get3A_240, %get3A_241] {strides = array<i32>} : memref<96x128xf32, #tpu.memory_space<vmem>>, vector<1x16xf32>,
        %get3A_243 = vector.shape_cast %get3A_242 : vector<1x16xf32> to vector<16xf32>
        %mul3A_244 = arith.mulf %get3A_239, %get3A_243 : vector<16xf32>
        %add3A_245 = arith.addf %add3A_235, %mul3A_244 : vector<16xf32>
        %get3A_246 = arith.index_cast %add3A_197 : i32 to index
        %get3A_247 = arith.constant 80 : index
        %get3A_248 = tpu.vector_load %arg8[%get3A_246, %get3A_247] {strides = array<i32>} : memref<96x128xf32, #tpu.memory_space<vmem>>, vector<1x16xf32>,
        %get3A_249 = vector.shape_cast %get3A_248 : vector<1x16xf32> to vector<16xf32>
        %get3A_250 = arith.index_cast %add3A_197 : i32 to index
        %get3A_251 = arith.constant 80 : index
        %get3A_252 = tpu.vector_load %arg9[%get3A_250, %get3A_251] {strides = array<i32>} : memref<96x128xf32, #tpu.memory_space<vmem>>, vector<1x16xf32>,
        %get3A_253 = vector.shape_cast %get3A_252 : vector<1x16xf32> to vector<16xf32>
        %mul3A_254 = arith.mulf %get3A_249, %get3A_253 : vector<16xf32>
        %add3A_255 = arith.addf %add3A_245, %mul3A_254 : vector<16xf32>
        %get3A_256 = arith.index_cast %add3A_197 : i32 to index
        %get3A_257 = arith.constant 96 : index
        %get3A_258 = tpu.vector_load %arg8[%get3A_256, %get3A_257] {strides = array<i32>} : memref<96x128xf32, #tpu.memory_space<vmem>>, vector<1x16xf32>,
        %get3A_259 = vector.shape_cast %get3A_258 : vector<1x16xf32> to vector<16xf32>
        %get3A_260 = arith.index_cast %add3A_197 : i32 to index
        %get3A_261 = arith.constant 96 : index
        %get3A_262 = tpu.vector_load %arg9[%get3A_260, %get3A_261] {strides = array<i32>} : memref<96x128xf32, #tpu.memory_space<vmem>>, vector<1x16xf32>,
        %get3A_263 = vector.shape_cast %get3A_262 : vector<1x16xf32> to vector<16xf32>
        %mul3A_264 = arith.mulf %get3A_259, %get3A_263 : vector<16xf32>
        %add3A_265 = arith.addf %add3A_255, %mul3A_264 : vector<16xf32>
        %get3A_266 = arith.index_cast %add3A_197 : i32 to index
        %get3A_267 = arith.constant 112 : index
        %get3A_268 = tpu.vector_load %arg8[%get3A_266, %get3A_267] {strides = array<i32>} : memref<96x128xf32, #tpu.memory_space<vmem>>, vector<1x16xf32>,
        %get3A_269 = vector.shape_cast %get3A_268 : vector<1x16xf32> to vector<16xf32>
        %get3A_270 = arith.index_cast %add3A_197 : i32 to index
        %get3A_271 = arith.constant 112 : index
        %get3A_272 = tpu.vector_load %arg9[%get3A_270, %get3A_271] {strides = array<i32>} : memref<96x128xf32, #tpu.memory_space<vmem>>, vector<1x16xf32>,
        %get3A_273 = vector.shape_cast %get3A_272 : vector<1x16xf32> to vector<16xf32>
        %mul3A_274 = arith.mulf %get3A_269, %get3A_273 : vector<16xf32>
        %add3A_275 = arith.addf %add3A_265, %mul3A_274 : vector<16xf32>
        %broadcast_in_dim3A_276 = vector.shape_cast %xor3A_4 : vector<16xi32> to vector<16x1xi32>
        %gather3A = vector.shape_cast %broadcast_in_dim3A_276 : vector<16x1xi32> to vector<16xi32>
        %gather3A_277 = tpu.dynamic_gather %add3A_275[%gather3A] in [0] : vector<16xf32>, vector<16xi32> -> vector<16xf32>
        %add3A_278 = arith.addf %add3A_275, %gather3A_277 : vector<16xf32>
        %broadcast_in_dim3A_279 = vector.shape_cast %xor3A_7 : vector<16xi32> to vector<16x1xi32>
        %gather3A_280 = vector.shape_cast %broadcast_in_dim3A_279 : vector<16x1xi32> to vector<16xi32>
        %gather3A_281 = tpu.dynamic_gather %add3A_278[%gather3A_280] in [0] : vector<16xf32>, vector<16xi32> -> vector<16xf32>
        %add3A_282 = arith.addf %add3A_278, %gather3A_281 : vector<16xf32>
        %broadcast_in_dim3A_283 = vector.shape_cast %xor3A_10 : vector<16xi32> to vector<16x1xi32>
        %gather3A_284 = vector.shape_cast %broadcast_in_dim3A_283 : vector<16x1xi32> to vector<16xi32>
        %gather3A_285 = tpu.dynamic_gather %add3A_282[%gather3A_284] in [0] : vector<16xf32>, vector<16xi32> -> vector<16xf32>
        %add3A_286 = arith.addf %add3A_282, %gather3A_285 : vector<16xf32>
        %broadcast_in_dim3A_287 = vector.shape_cast %xor3A_13 : vector<16xi32> to vector<16x1xi32>
        %gather3A_288 = vector.shape_cast %broadcast_in_dim3A_287 : vector<16x1xi32> to vector<16xi32>
        %gather3A_289 = tpu.dynamic_gather %add3A_286[%gather3A_288] in [0] : vector<16xf32>, vector<16xi32> -> vector<16xf32>
        %add3A_290 = arith.addf %add3A_286, %gather3A_289 : vector<16xf32>
        %eq3A = vector.broadcast %scan3A_193 : i32 to vector<16xi32>
        %eq3A_291 = arith.cmpi eq, %iota3A, %eq3A : vector<16xi32>
        %select_n3A = arith.select %eq3A_291, %add3A_290, %scan3A_194 : vector<16xi1>, vector<16xf32>
        %scan3A_292 = arith.constant 1 : i32
        %scan3A_293 = arith.addi %scan3A_193, %scan3A_292 : i32
        %mul3A_294 = arith.constant 16 : i32
        %mul3A_295 = arith.muli %scan3A_177, %mul3A_294 : i32
        %add3A_296 = arith.addi %mul3A_295, %scan3A_293 : i32
        %get3A_297 = arith.index_cast %add3A_296 : i32 to index
        %get3A_298 = arith.constant 0 : index
        %get3A_299 = tpu.vector_load %arg8[%get3A_297, %get3A_298] {strides = array<i32>} : memref<96x128xf32, #tpu.memory_space<vmem>>, vector<1x16xf32>,
        %get3A_300 = vector.shape_cast %get3A_299 : vector<1x16xf32> to vector<16xf32>
        %get3A_301 = arith.index_cast %add3A_296 : i32 to index
        %get3A_302 = arith.constant 0 : index
        %get3A_303 = tpu.vector_load %arg9[%get3A_301, %get3A_302] {strides = array<i32>} : memref<96x128xf32, #tpu.memory_space<vmem>>, vector<1x16xf32>,
        %get3A_304 = vector.shape_cast %get3A_303 : vector<1x16xf32> to vector<16xf32>
        %mul3A_305 = arith.mulf %get3A_300, %get3A_304 : vector<16xf32>
        %get3A_306 = arith.index_cast %add3A_296 : i32 to index
        %get3A_307 = arith.constant 16 : index
        %get3A_308 = tpu.vector_load %arg8[%get3A_306, %get3A_307] {strides = array<i32>} : memref<96x128xf32, #tpu.memory_space<vmem>>, vector<1x16xf32>,
        %get3A_309 = vector.shape_cast %get3A_308 : vector<1x16xf32> to vector<16xf32>
        %get3A_310 = arith.index_cast %add3A_296 : i32 to index
        %get3A_311 = arith.constant 16 : index
        %get3A_312 = tpu.vector_load %arg9[%get3A_310, %get3A_311] {strides = array<i32>} : memref<96x128xf32, #tpu.memory_space<vmem>>, vector<1x16xf32>,
        %get3A_313 = vector.shape_cast %get3A_312 : vector<1x16xf32> to vector<16xf32>
        %mul3A_314 = arith.mulf %get3A_309, %get3A_313 : vector<16xf32>
        %add3A_315 = arith.addf %mul3A_305, %mul3A_314 : vector<16xf32>
        %get3A_316 = arith.index_cast %add3A_296 : i32 to index
        %get3A_317 = arith.constant 32 : index
        %get3A_318 = tpu.vector_load %arg8[%get3A_316, %get3A_317] {strides = array<i32>} : memref<96x128xf32, #tpu.memory_space<vmem>>, vector<1x16xf32>,
        %get3A_319 = vector.shape_cast %get3A_318 : vector<1x16xf32> to vector<16xf32>
        %get3A_320 = arith.index_cast %add3A_296 : i32 to index
        %get3A_321 = arith.constant 32 : index
        %get3A_322 = tpu.vector_load %arg9[%get3A_320, %get3A_321] {strides = array<i32>} : memref<96x128xf32, #tpu.memory_space<vmem>>, vector<1x16xf32>,
        %get3A_323 = vector.shape_cast %get3A_322 : vector<1x16xf32> to vector<16xf32>
        %mul3A_324 = arith.mulf %get3A_319, %get3A_323 : vector<16xf32>
        %add3A_325 = arith.addf %add3A_315, %mul3A_324 : vector<16xf32>
        %get3A_326 = arith.index_cast %add3A_296 : i32 to index
        %get3A_327 = arith.constant 48 : index
        %get3A_328 = tpu.vector_load %arg8[%get3A_326, %get3A_327] {strides = array<i32>} : memref<96x128xf32, #tpu.memory_space<vmem>>, vector<1x16xf32>,
        %get3A_329 = vector.shape_cast %get3A_328 : vector<1x16xf32> to vector<16xf32>
        %get3A_330 = arith.index_cast %add3A_296 : i32 to index
        %get3A_331 = arith.constant 48 : index
        %get3A_332 = tpu.vector_load %arg9[%get3A_330, %get3A_331] {strides = array<i32>} : memref<96x128xf32, #tpu.memory_space<vmem>>, vector<1x16xf32>,
        %get3A_333 = vector.shape_cast %get3A_332 : vector<1x16xf32> to vector<16xf32>
        %mul3A_334 = arith.mulf %get3A_329, %get3A_333 : vector<16xf32>
        %add3A_335 = arith.addf %add3A_325, %mul3A_334 : vector<16xf32>
        %get3A_336 = arith.index_cast %add3A_296 : i32 to index
        %get3A_337 = arith.constant 64 : index
        %get3A_338 = tpu.vector_load %arg8[%get3A_336, %get3A_337] {strides = array<i32>} : memref<96x128xf32, #tpu.memory_space<vmem>>, vector<1x16xf32>,
        %get3A_339 = vector.shape_cast %get3A_338 : vector<1x16xf32> to vector<16xf32>
        %get3A_340 = arith.index_cast %add3A_296 : i32 to index
        %get3A_341 = arith.constant 64 : index
        %get3A_342 = tpu.vector_load %arg9[%get3A_340, %get3A_341] {strides = array<i32>} : memref<96x128xf32, #tpu.memory_space<vmem>>, vector<1x16xf32>,
        %get3A_343 = vector.shape_cast %get3A_342 : vector<1x16xf32> to vector<16xf32>
        %mul3A_344 = arith.mulf %get3A_339, %get3A_343 : vector<16xf32>
        %add3A_345 = arith.addf %add3A_335, %mul3A_344 : vector<16xf32>
        %get3A_346 = arith.index_cast %add3A_296 : i32 to index
        %get3A_347 = arith.constant 80 : index
        %get3A_348 = tpu.vector_load %arg8[%get3A_346, %get3A_347] {strides = array<i32>} : memref<96x128xf32, #tpu.memory_space<vmem>>, vector<1x16xf32>,
        %get3A_349 = vector.shape_cast %get3A_348 : vector<1x16xf32> to vector<16xf32>
        %get3A_350 = arith.index_cast %add3A_296 : i32 to index
        %get3A_351 = arith.constant 80 : index
        %get3A_352 = tpu.vector_load %arg9[%get3A_350, %get3A_351] {strides = array<i32>} : memref<96x128xf32, #tpu.memory_space<vmem>>, vector<1x16xf32>,
        %get3A_353 = vector.shape_cast %get3A_352 : vector<1x16xf32> to vector<16xf32>
        %mul3A_354 = arith.mulf %get3A_349, %get3A_353 : vector<16xf32>
        %add3A_355 = arith.addf %add3A_345, %mul3A_354 : vector<16xf32>
        %get3A_356 = arith.index_cast %add3A_296 : i32 to index
        %get3A_357 = arith.constant 96 : index
        %get3A_358 = tpu.vector_load %arg8[%get3A_356, %get3A_357] {strides = array<i32>} : memref<96x128xf32, #tpu.memory_space<vmem>>, vector<1x16xf32>,
        %get3A_359 = vector.shape_cast %get3A_358 : vector<1x16xf32> to vector<16xf32>
        %get3A_360 = arith.index_cast %add3A_296 : i32 to index
        %get3A_361 = arith.constant 96 : index
        %get3A_362 = tpu.vector_load %arg9[%get3A_360, %get3A_361] {strides = array<i32>} : memref<96x128xf32, #tpu.memory_space<vmem>>, vector<1x16xf32>,
        %get3A_363 = vector.shape_cast %get3A_362 : vector<1x16xf32> to vector<16xf32>
        %mul3A_364 = arith.mulf %get3A_359, %get3A_363 : vector<16xf32>
        %add3A_365 = arith.addf %add3A_355, %mul3A_364 : vector<16xf32>
        %get3A_366 = arith.index_cast %add3A_296 : i32 to index
        %get3A_367 = arith.constant 112 : index
        %get3A_368 = tpu.vector_load %arg8[%get3A_366, %get3A_367] {strides = array<i32>} : memref<96x128xf32, #tpu.memory_space<vmem>>, vector<1x16xf32>,
        %get3A_369 = vector.shape_cast %get3A_368 : vector<1x16xf32> to vector<16xf32>
        %get3A_370 = arith.index_cast %add3A_296 : i32 to index
        %get3A_371 = arith.constant 112 : index
        %get3A_372 = tpu.vector_load %arg9[%get3A_370, %get3A_371] {strides = array<i32>} : memref<96x128xf32, #tpu.memory_space<vmem>>, vector<1x16xf32>,
        %get3A_373 = vector.shape_cast %get3A_372 : vector<1x16xf32> to vector<16xf32>
        %mul3A_374 = arith.mulf %get3A_369, %get3A_373 : vector<16xf32>
        %add3A_375 = arith.addf %add3A_365, %mul3A_374 : vector<16xf32>
        %broadcast_in_dim3A_376 = vector.shape_cast %xor3A_4 : vector<16xi32> to vector<16x1xi32>
        %gather3A_377 = vector.shape_cast %broadcast_in_dim3A_376 : vector<16x1xi32> to vector<16xi32>
        %gather3A_378 = tpu.dynamic_gather %add3A_375[%gather3A_377] in [0] : vector<16xf32>, vector<16xi32> -> vector<16xf32>
        %add3A_379 = arith.addf %add3A_375, %gather3A_378 : vector<16xf32>
        %broadcast_in_dim3A_380 = vector.shape_cast %xor3A_7 : vector<16xi32> to vector<16x1xi32>
        %gather3A_381 = vector.shape_cast %broadcast_in_dim3A_380 : vector<16x1xi32> to vector<16xi32>
        %gather3A_382 = tpu.dynamic_gather %add3A_379[%gather3A_381] in [0] : vector<16xf32>, vector<16xi32> -> vector<16xf32>
        %add3A_383 = arith.addf %add3A_379, %gather3A_382 : vector<16xf32>
        %broadcast_in_dim3A_384 = vector.shape_cast %xor3A_10 : vector<16xi32> to vector<16x1xi32>
        %gather3A_385 = vector.shape_cast %broadcast_in_dim3A_384 : vector<16x1xi32> to vector<16xi32>
        %gather3A_386 = tpu.dynamic_gather %add3A_383[%gather3A_385] in [0] : vector<16xf32>, vector<16xi32> -> vector<16xf32>
        %add3A_387 = arith.addf %add3A_383, %gather3A_386 : vector<16xf32>
        %broadcast_in_dim3A_388 = vector.shape_cast %xor3A_13 : vector<16xi32> to vector<16x1xi32>
        %gather3A_389 = vector.shape_cast %broadcast_in_dim3A_388 : vector<16x1xi32> to vector<16xi32>
        %gather3A_390 = tpu.dynamic_gather %add3A_387[%gather3A_389] in [0] : vector<16xf32>, vector<16xi32> -> vector<16xf32>
        %add3A_391 = arith.addf %add3A_387, %gather3A_390 : vector<16xf32>
        %eq3A_392 = vector.broadcast %scan3A_293 : i32 to vector<16xi32>
        %eq3A_393 = arith.cmpi eq, %iota3A, %eq3A_392 : vector<16xi32>
        %select_n3A_394 = arith.select %eq3A_393, %add3A_391, %select_n3A : vector<16xi1>, vector<16xf32>
        %scan3A_395 = arith.constant 2 : i32
        %scan3A_396 = arith.addi %scan3A_193, %scan3A_395 : i32
        %mul3A_397 = arith.constant 16 : i32
        %mul3A_398 = arith.muli %scan3A_177, %mul3A_397 : i32
        %add3A_399 = arith.addi %mul3A_398, %scan3A_396 : i32
        %get3A_400 = arith.index_cast %add3A_399 : i32 to index
        %get3A_401 = arith.constant 0 : index
        %get3A_402 = tpu.vector_load %arg8[%get3A_400, %get3A_401] {strides = array<i32>} : memref<96x128xf32, #tpu.memory_space<vmem>>, vector<1x16xf32>,
        %get3A_403 = vector.shape_cast %get3A_402 : vector<1x16xf32> to vector<16xf32>
        %get3A_404 = arith.index_cast %add3A_399 : i32 to index
        %get3A_405 = arith.constant 0 : index
        %get3A_406 = tpu.vector_load %arg9[%get3A_404, %get3A_405] {strides = array<i32>} : memref<96x128xf32, #tpu.memory_space<vmem>>, vector<1x16xf32>,
        %get3A_407 = vector.shape_cast %get3A_406 : vector<1x16xf32> to vector<16xf32>
        %mul3A_408 = arith.mulf %get3A_403, %get3A_407 : vector<16xf32>
        %get3A_409 = arith.index_cast %add3A_399 : i32 to index
        %get3A_410 = arith.constant 16 : index
        %get3A_411 = tpu.vector_load %arg8[%get3A_409, %get3A_410] {strides = array<i32>} : memref<96x128xf32, #tpu.memory_space<vmem>>, vector<1x16xf32>,
        %get3A_412 = vector.shape_cast %get3A_411 : vector<1x16xf32> to vector<16xf32>
        %get3A_413 = arith.index_cast %add3A_399 : i32 to index
        %get3A_414 = arith.constant 16 : index
        %get3A_415 = tpu.vector_load %arg9[%get3A_413, %get3A_414] {strides = array<i32>} : memref<96x128xf32, #tpu.memory_space<vmem>>, vector<1x16xf32>,
        %get3A_416 = vector.shape_cast %get3A_415 : vector<1x16xf32> to vector<16xf32>
        %mul3A_417 = arith.mulf %get3A_412, %get3A_416 : vector<16xf32>
        %add3A_418 = arith.addf %mul3A_408, %mul3A_417 : vector<16xf32>
        %get3A_419 = arith.index_cast %add3A_399 : i32 to index
        %get3A_420 = arith.constant 32 : index
        %get3A_421 = tpu.vector_load %arg8[%get3A_419, %get3A_420] {strides = array<i32>} : memref<96x128xf32, #tpu.memory_space<vmem>>, vector<1x16xf32>,
        %get3A_422 = vector.shape_cast %get3A_421 : vector<1x16xf32> to vector<16xf32>
        %get3A_423 = arith.index_cast %add3A_399 : i32 to index
        %get3A_424 = arith.constant 32 : index
        %get3A_425 = tpu.vector_load %arg9[%get3A_423, %get3A_424] {strides = array<i32>} : memref<96x128xf32, #tpu.memory_space<vmem>>, vector<1x16xf32>,
        %get3A_426 = vector.shape_cast %get3A_425 : vector<1x16xf32> to vector<16xf32>
        %mul3A_427 = arith.mulf %get3A_422, %get3A_426 : vector<16xf32>
        %add3A_428 = arith.addf %add3A_418, %mul3A_427 : vector<16xf32>
        %get3A_429 = arith.index_cast %add3A_399 : i32 to index
        %get3A_430 = arith.constant 48 : index
        %get3A_431 = tpu.vector_load %arg8[%get3A_429, %get3A_430] {strides = array<i32>} : memref<96x128xf32, #tpu.memory_space<vmem>>, vector<1x16xf32>,
        %get3A_432 = vector.shape_cast %get3A_431 : vector<1x16xf32> to vector<16xf32>
        %get3A_433 = arith.index_cast %add3A_399 : i32 to index
        %get3A_434 = arith.constant 48 : index
        %get3A_435 = tpu.vector_load %arg9[%get3A_433, %get3A_434] {strides = array<i32>} : memref<96x128xf32, #tpu.memory_space<vmem>>, vector<1x16xf32>,
        %get3A_436 = vector.shape_cast %get3A_435 : vector<1x16xf32> to vector<16xf32>
        %mul3A_437 = arith.mulf %get3A_432, %get3A_436 : vector<16xf32>
        %add3A_438 = arith.addf %add3A_428, %mul3A_437 : vector<16xf32>
        %get3A_439 = arith.index_cast %add3A_399 : i32 to index
        %get3A_440 = arith.constant 64 : index
        %get3A_441 = tpu.vector_load %arg8[%get3A_439, %get3A_440] {strides = array<i32>} : memref<96x128xf32, #tpu.memory_space<vmem>>, vector<1x16xf32>,
        %get3A_442 = vector.shape_cast %get3A_441 : vector<1x16xf32> to vector<16xf32>
        %get3A_443 = arith.index_cast %add3A_399 : i32 to index
        %get3A_444 = arith.constant 64 : index
        %get3A_445 = tpu.vector_load %arg9[%get3A_443, %get3A_444] {strides = array<i32>} : memref<96x128xf32, #tpu.memory_space<vmem>>, vector<1x16xf32>,
        %get3A_446 = vector.shape_cast %get3A_445 : vector<1x16xf32> to vector<16xf32>
        %mul3A_447 = arith.mulf %get3A_442, %get3A_446 : vector<16xf32>
        %add3A_448 = arith.addf %add3A_438, %mul3A_447 : vector<16xf32>
        %get3A_449 = arith.index_cast %add3A_399 : i32 to index
        %get3A_450 = arith.constant 80 : index
        %get3A_451 = tpu.vector_load %arg8[%get3A_449, %get3A_450] {strides = array<i32>} : memref<96x128xf32, #tpu.memory_space<vmem>>, vector<1x16xf32>,
        %get3A_452 = vector.shape_cast %get3A_451 : vector<1x16xf32> to vector<16xf32>
        %get3A_453 = arith.index_cast %add3A_399 : i32 to index
        %get3A_454 = arith.constant 80 : index
        %get3A_455 = tpu.vector_load %arg9[%get3A_453, %get3A_454] {strides = array<i32>} : memref<96x128xf32, #tpu.memory_space<vmem>>, vector<1x16xf32>,
        %get3A_456 = vector.shape_cast %get3A_455 : vector<1x16xf32> to vector<16xf32>
        %mul3A_457 = arith.mulf %get3A_452, %get3A_456 : vector<16xf32>
        %add3A_458 = arith.addf %add3A_448, %mul3A_457 : vector<16xf32>
        %get3A_459 = arith.index_cast %add3A_399 : i32 to index
        %get3A_460 = arith.constant 96 : index
        %get3A_461 = tpu.vector_load %arg8[%get3A_459, %get3A_460] {strides = array<i32>} : memref<96x128xf32, #tpu.memory_space<vmem>>, vector<1x16xf32>,
        %get3A_462 = vector.shape_cast %get3A_461 : vector<1x16xf32> to vector<16xf32>
        %get3A_463 = arith.index_cast %add3A_399 : i32 to index
        %get3A_464 = arith.constant 96 : index
        %get3A_465 = tpu.vector_load %arg9[%get3A_463, %get3A_464] {strides = array<i32>} : memref<96x128xf32, #tpu.memory_space<vmem>>, vector<1x16xf32>,
        %get3A_466 = vector.shape_cast %get3A_465 : vector<1x16xf32> to vector<16xf32>
        %mul3A_467 = arith.mulf %get3A_462, %get3A_466 : vector<16xf32>
        %add3A_468 = arith.addf %add3A_458, %mul3A_467 : vector<16xf32>
        %get3A_469 = arith.index_cast %add3A_399 : i32 to index
        %get3A_470 = arith.constant 112 : index
        %get3A_471 = tpu.vector_load %arg8[%get3A_469, %get3A_470] {strides = array<i32>} : memref<96x128xf32, #tpu.memory_space<vmem>>, vector<1x16xf32>,
        %get3A_472 = vector.shape_cast %get3A_471 : vector<1x16xf32> to vector<16xf32>
        %get3A_473 = arith.index_cast %add3A_399 : i32 to index
        %get3A_474 = arith.constant 112 : index
        %get3A_475 = tpu.vector_load %arg9[%get3A_473, %get3A_474] {strides = array<i32>} : memref<96x128xf32, #tpu.memory_space<vmem>>, vector<1x16xf32>,
        %get3A_476 = vector.shape_cast %get3A_475 : vector<1x16xf32> to vector<16xf32>
        %mul3A_477 = arith.mulf %get3A_472, %get3A_476 : vector<16xf32>
        %add3A_478 = arith.addf %add3A_468, %mul3A_477 : vector<16xf32>
        %broadcast_in_dim3A_479 = vector.shape_cast %xor3A_4 : vector<16xi32> to vector<16x1xi32>
        %gather3A_480 = vector.shape_cast %broadcast_in_dim3A_479 : vector<16x1xi32> to vector<16xi32>
        %gather3A_481 = tpu.dynamic_gather %add3A_478[%gather3A_480] in [0] : vector<16xf32>, vector<16xi32> -> vector<16xf32>
        %add3A_482 = arith.addf %add3A_478, %gather3A_481 : vector<16xf32>
        %broadcast_in_dim3A_483 = vector.shape_cast %xor3A_7 : vector<16xi32> to vector<16x1xi32>
        %gather3A_484 = vector.shape_cast %broadcast_in_dim3A_483 : vector<16x1xi32> to vector<16xi32>
        %gather3A_485 = tpu.dynamic_gather %add3A_482[%gather3A_484] in [0] : vector<16xf32>, vector<16xi32> -> vector<16xf32>
        %add3A_486 = arith.addf %add3A_482, %gather3A_485 : vector<16xf32>
        %broadcast_in_dim3A_487 = vector.shape_cast %xor3A_10 : vector<16xi32> to vector<16x1xi32>
        %gather3A_488 = vector.shape_cast %broadcast_in_dim3A_487 : vector<16x1xi32> to vector<16xi32>
        %gather3A_489 = tpu.dynamic_gather %add3A_486[%gather3A_488] in [0] : vector<16xf32>, vector<16xi32> -> vector<16xf32>
        %add3A_490 = arith.addf %add3A_486, %gather3A_489 : vector<16xf32>
        %broadcast_in_dim3A_491 = vector.shape_cast %xor3A_13 : vector<16xi32> to vector<16x1xi32>
        %gather3A_492 = vector.shape_cast %broadcast_in_dim3A_491 : vector<16x1xi32> to vector<16xi32>
        %gather3A_493 = tpu.dynamic_gather %add3A_490[%gather3A_492] in [0] : vector<16xf32>, vector<16xi32> -> vector<16xf32>
        %add3A_494 = arith.addf %add3A_490, %gather3A_493 : vector<16xf32>
        %eq3A_495 = vector.broadcast %scan3A_396 : i32 to vector<16xi32>
        %eq3A_496 = arith.cmpi eq, %iota3A, %eq3A_495 : vector<16xi32>
        %select_n3A_497 = arith.select %eq3A_496, %add3A_494, %select_n3A_394 : vector<16xi1>, vector<16xf32>
        %scan3A_498 = arith.constant 3 : i32
        %scan3A_499 = arith.addi %scan3A_193, %scan3A_498 : i32
        %mul3A_500 = arith.constant 16 : i32
        %mul3A_501 = arith.muli %scan3A_177, %mul3A_500 : i32
        %add3A_502 = arith.addi %mul3A_501, %scan3A_499 : i32
        %get3A_503 = arith.index_cast %add3A_502 : i32 to index
        %get3A_504 = arith.constant 0 : index
        %get3A_505 = tpu.vector_load %arg8[%get3A_503, %get3A_504] {strides = array<i32>} : memref<96x128xf32, #tpu.memory_space<vmem>>, vector<1x16xf32>,
        %get3A_506 = vector.shape_cast %get3A_505 : vector<1x16xf32> to vector<16xf32>
        %get3A_507 = arith.index_cast %add3A_502 : i32 to index
        %get3A_508 = arith.constant 0 : index
        %get3A_509 = tpu.vector_load %arg9[%get3A_507, %get3A_508] {strides = array<i32>} : memref<96x128xf32, #tpu.memory_space<vmem>>, vector<1x16xf32>,
        %get3A_510 = vector.shape_cast %get3A_509 : vector<1x16xf32> to vector<16xf32>
        %mul3A_511 = arith.mulf %get3A_506, %get3A_510 : vector<16xf32>
        %get3A_512 = arith.index_cast %add3A_502 : i32 to index
        %get3A_513 = arith.constant 16 : index
        %get3A_514 = tpu.vector_load %arg8[%get3A_512, %get3A_513] {strides = array<i32>} : memref<96x128xf32, #tpu.memory_space<vmem>>, vector<1x16xf32>,
        %get3A_515 = vector.shape_cast %get3A_514 : vector<1x16xf32> to vector<16xf32>
        %get3A_516 = arith.index_cast %add3A_502 : i32 to index
        %get3A_517 = arith.constant 16 : index
        %get3A_518 = tpu.vector_load %arg9[%get3A_516, %get3A_517] {strides = array<i32>} : memref<96x128xf32, #tpu.memory_space<vmem>>, vector<1x16xf32>,
        %get3A_519 = vector.shape_cast %get3A_518 : vector<1x16xf32> to vector<16xf32>
        %mul3A_520 = arith.mulf %get3A_515, %get3A_519 : vector<16xf32>
        %add3A_521 = arith.addf %mul3A_511, %mul3A_520 : vector<16xf32>
        %get3A_522 = arith.index_cast %add3A_502 : i32 to index
        %get3A_523 = arith.constant 32 : index
        %get3A_524 = tpu.vector_load %arg8[%get3A_522, %get3A_523] {strides = array<i32>} : memref<96x128xf32, #tpu.memory_space<vmem>>, vector<1x16xf32>,
        %get3A_525 = vector.shape_cast %get3A_524 : vector<1x16xf32> to vector<16xf32>
        %get3A_526 = arith.index_cast %add3A_502 : i32 to index
        %get3A_527 = arith.constant 32 : index
        %get3A_528 = tpu.vector_load %arg9[%get3A_526, %get3A_527] {strides = array<i32>} : memref<96x128xf32, #tpu.memory_space<vmem>>, vector<1x16xf32>,
        %get3A_529 = vector.shape_cast %get3A_528 : vector<1x16xf32> to vector<16xf32>
        %mul3A_530 = arith.mulf %get3A_525, %get3A_529 : vector<16xf32>
        %add3A_531 = arith.addf %add3A_521, %mul3A_530 : vector<16xf32>
        %get3A_532 = arith.index_cast %add3A_502 : i32 to index
        %get3A_533 = arith.constant 48 : index
        %get3A_534 = tpu.vector_load %arg8[%get3A_532, %get3A_533] {strides = array<i32>} : memref<96x128xf32, #tpu.memory_space<vmem>>, vector<1x16xf32>,
        %get3A_535 = vector.shape_cast %get3A_534 : vector<1x16xf32> to vector<16xf32>
        %get3A_536 = arith.index_cast %add3A_502 : i32 to index
        %get3A_537 = arith.constant 48 : index
        %get3A_538 = tpu.vector_load %arg9[%get3A_536, %get3A_537] {strides = array<i32>} : memref<96x128xf32, #tpu.memory_space<vmem>>, vector<1x16xf32>,
        %get3A_539 = vector.shape_cast %get3A_538 : vector<1x16xf32> to vector<16xf32>
        %mul3A_540 = arith.mulf %get3A_535, %get3A_539 : vector<16xf32>
        %add3A_541 = arith.addf %add3A_531, %mul3A_540 : vector<16xf32>
        %get3A_542 = arith.index_cast %add3A_502 : i32 to index
        %get3A_543 = arith.constant 64 : index
        %get3A_544 = tpu.vector_load %arg8[%get3A_542, %get3A_543] {strides = array<i32>} : memref<96x128xf32, #tpu.memory_space<vmem>>, vector<1x16xf32>,
        %get3A_545 = vector.shape_cast %get3A_544 : vector<1x16xf32> to vector<16xf32>
        %get3A_546 = arith.index_cast %add3A_502 : i32 to index
        %get3A_547 = arith.constant 64 : index
        %get3A_548 = tpu.vector_load %arg9[%get3A_546, %get3A_547] {strides = array<i32>} : memref<96x128xf32, #tpu.memory_space<vmem>>, vector<1x16xf32>,
        %get3A_549 = vector.shape_cast %get3A_548 : vector<1x16xf32> to vector<16xf32>
        %mul3A_550 = arith.mulf %get3A_545, %get3A_549 : vector<16xf32>
        %add3A_551 = arith.addf %add3A_541, %mul3A_550 : vector<16xf32>
        %get3A_552 = arith.index_cast %add3A_502 : i32 to index
        %get3A_553 = arith.constant 80 : index
        %get3A_554 = tpu.vector_load %arg8[%get3A_552, %get3A_553] {strides = array<i32>} : memref<96x128xf32, #tpu.memory_space<vmem>>, vector<1x16xf32>,
        %get3A_555 = vector.shape_cast %get3A_554 : vector<1x16xf32> to vector<16xf32>
        %get3A_556 = arith.index_cast %add3A_502 : i32 to index
        %get3A_557 = arith.constant 80 : index
        %get3A_558 = tpu.vector_load %arg9[%get3A_556, %get3A_557] {strides = array<i32>} : memref<96x128xf32, #tpu.memory_space<vmem>>, vector<1x16xf32>,
        %get3A_559 = vector.shape_cast %get3A_558 : vector<1x16xf32> to vector<16xf32>
        %mul3A_560 = arith.mulf %get3A_555, %get3A_559 : vector<16xf32>
        %add3A_561 = arith.addf %add3A_551, %mul3A_560 : vector<16xf32>
        %get3A_562 = arith.index_cast %add3A_502 : i32 to index
        %get3A_563 = arith.constant 96 : index
        %get3A_564 = tpu.vector_load %arg8[%get3A_562, %get3A_563] {strides = array<i32>} : memref<96x128xf32, #tpu.memory_space<vmem>>, vector<1x16xf32>,
        %get3A_565 = vector.shape_cast %get3A_564 : vector<1x16xf32> to vector<16xf32>
        %get3A_566 = arith.index_cast %add3A_502 : i32 to index
        %get3A_567 = arith.constant 96 : index
        %get3A_568 = tpu.vector_load %arg9[%get3A_566, %get3A_567] {strides = array<i32>} : memref<96x128xf32, #tpu.memory_space<vmem>>, vector<1x16xf32>,
        %get3A_569 = vector.shape_cast %get3A_568 : vector<1x16xf32> to vector<16xf32>
        %mul3A_570 = arith.mulf %get3A_565, %get3A_569 : vector<16xf32>
        %add3A_571 = arith.addf %add3A_561, %mul3A_570 : vector<16xf32>
        %get3A_572 = arith.index_cast %add3A_502 : i32 to index
        %get3A_573 = arith.constant 112 : index
        %get3A_574 = tpu.vector_load %arg8[%get3A_572, %get3A_573] {strides = array<i32>} : memref<96x128xf32, #tpu.memory_space<vmem>>, vector<1x16xf32>,
        %get3A_575 = vector.shape_cast %get3A_574 : vector<1x16xf32> to vector<16xf32>
        %get3A_576 = arith.index_cast %add3A_502 : i32 to index
        %get3A_577 = arith.constant 112 : index
        %get3A_578 = tpu.vector_load %arg9[%get3A_576, %get3A_577] {strides = array<i32>} : memref<96x128xf32, #tpu.memory_space<vmem>>, vector<1x16xf32>,
        %get3A_579 = vector.shape_cast %get3A_578 : vector<1x16xf32> to vector<16xf32>
        %mul3A_580 = arith.mulf %get3A_575, %get3A_579 : vector<16xf32>
        %add3A_581 = arith.addf %add3A_571, %mul3A_580 : vector<16xf32>
        %broadcast_in_dim3A_582 = vector.shape_cast %xor3A_4 : vector<16xi32> to vector<16x1xi32>
        %gather3A_583 = vector.shape_cast %broadcast_in_dim3A_582 : vector<16x1xi32> to vector<16xi32>
        %gather3A_584 = tpu.dynamic_gather %add3A_581[%gather3A_583] in [0] : vector<16xf32>, vector<16xi32> -> vector<16xf32>
        %add3A_585 = arith.addf %add3A_581, %gather3A_584 : vector<16xf32>
        %broadcast_in_dim3A_586 = vector.shape_cast %xor3A_7 : vector<16xi32> to vector<16x1xi32>
        %gather3A_587 = vector.shape_cast %broadcast_in_dim3A_586 : vector<16x1xi32> to vector<16xi32>
        %gather3A_588 = tpu.dynamic_gather %add3A_585[%gather3A_587] in [0] : vector<16xf32>, vector<16xi32> -> vector<16xf32>
        %add3A_589 = arith.addf %add3A_585, %gather3A_588 : vector<16xf32>
        %broadcast_in_dim3A_590 = vector.shape_cast %xor3A_10 : vector<16xi32> to vector<16x1xi32>
        %gather3A_591 = vector.shape_cast %broadcast_in_dim3A_590 : vector<16x1xi32> to vector<16xi32>
        %gather3A_592 = tpu.dynamic_gather %add3A_589[%gather3A_591] in [0] : vector<16xf32>, vector<16xi32> -> vector<16xf32>
        %add3A_593 = arith.addf %add3A_589, %gather3A_592 : vector<16xf32>
        %broadcast_in_dim3A_594 = vector.shape_cast %xor3A_13 : vector<16xi32> to vector<16x1xi32>
        %gather3A_595 = vector.shape_cast %broadcast_in_dim3A_594 : vector<16x1xi32> to vector<16xi32>
        %gather3A_596 = tpu.dynamic_gather %add3A_593[%gather3A_595] in [0] : vector<16xf32>, vector<16xi32> -> vector<16xf32>
        %add3A_597 = arith.addf %add3A_593, %gather3A_596 : vector<16xf32>
        %eq3A_598 = vector.broadcast %scan3A_499 : i32 to vector<16xi32>
        %eq3A_599 = arith.cmpi eq, %iota3A, %eq3A_598 : vector<16xi32>
        %select_n3A_600 = arith.select %eq3A_599, %add3A_597, %select_n3A_497 : vector<16xi1>, vector<16xf32>
        scf.yield %select_n3A_600 : vector<16xf32>
      }
      %scan3A_185 = arith.constant 16 : i32
      %mul3A_186 = arith.constant 16 : i32
      %mul3A_187 = arith.muli %scan3A_177, %mul3A_186 : i32
      %add3A_188 = arith.addi %min3A_169, %mul3A_187 : i32
      %swap3A = arith.index_cast %add3A_188 : i32 to index
      %swap3A_189 = tpu.vector_load %arg16[%swap3A] {strides = array<i32>} : memref<10000xf32, #tpu.memory_space<vmem>>, vector<16xf32>,
      %swap3A_190 = vector.shape_cast %swap3A_189 : vector<16xf32> to vector<16xf32>
      %swap3A_191 = vector.shape_cast %scan3A_184 : vector<16xf32> to vector<16xf32>
      tpu.vector_store %arg16[%swap3A], %swap3A_191 {strides = array<i32>} : memref<10000xf32, #tpu.memory_space<vmem>>, vector<16xf32>,
      %scan3A_192 = arith.constant 0 : i32
      scf.yield %scan3A_192 : i32
    }
    %scan3A_176 = arith.constant 6 : i32
    "tpu.region"() ({
      %run_scoped3A = tpu.sem_alloc : memref<!tpu.dma_semaphore, #tpu.memory_space<semaphore_mem>>
      %dma_start3A_177 = tpu.memref_slice %arg5[%mul3A_2] : memref<320000xf32, #tpu.memory_space<hbm>> -> memref<10000xf32, #tpu.memory_space<hbm>>
      %dma_start3A_178 = tpu.memref_slice %arg5[%mul3A_2] : memref<320000xf32, #tpu.memory_space<hbm>> -> memref<10000xf32, #tpu.memory_space<hbm>>
      tpu.enqueue_dma source(%arg16 : memref<10000xf32, #tpu.memory_space<vmem>>) target(%dma_start3A_178 : memref<10000xf32, #tpu.memory_space<hbm>>) target_semaphore(%run_scoped3A : memref<!tpu.dma_semaphore, #tpu.memory_space<semaphore_mem>>)
      %dma_wait3A_179 = tpu.memref_slice %arg5[%mul3A_2] : memref<320000xf32, #tpu.memory_space<hbm>> -> memref<10000xf32, #tpu.memory_space<hbm>>
      %dma_wait3A_180 = tpu.memref_slice %arg5[%mul3A_2] : memref<320000xf32, #tpu.memory_space<hbm>> -> memref<10000xf32, #tpu.memory_space<hbm>>
      tpu.wait_dma2 semaphore(%run_scoped3A : memref<!tpu.dma_semaphore, #tpu.memory_space<semaphore_mem>>) src(%arg16 : memref<10000xf32, #tpu.memory_space<vmem>>) dst(%dma_wait3A_180 : memref<10000xf32, #tpu.memory_space<hbm>>)
      tpu.yield
    }) : () -> ()
    return
  }
}

</mosaic_0001>

<sc_bundles>
// kernel: kernel.3.cloned.1.call-start
scs
__scs_entry_jumppad:
0x0: {  	(pc) =	sbr.rel $0x88, $3  }
0x1: {  	(tag) =	ssettag $0x0;
	lr =	simm.s32 $0x1  }
0x2: {  	[smem:$0x3F9F] =	sst lr;
	_ =	strace $0xD0000000  }
0x3: {  	_ = 	snop  }
0x4: {  	_ = 	snop  }
0x5: {  	_ = 	snop  }
0x6: {  	_ = 	snop  }
0x7: {  	_ = 	snop  }
__scs_overlays_trampoline_lowered:
0x8: {  	[smem:$0x3FAE] =	sst s0  }
0x9: {  	[smem:$0x3FAF] =	sst s1  }
0xa: {  	[smem:$0x3FB0] =	sst s2  }
0xb: {  	[smem:$0x3FB1] =	sst s3  }
0xc: {  	[smem:$0x3FB2] =	sst s4  }
0xd: {  	[smem:$0x3FB3] =	sst s5  }
0xe: {  	[smem:$0x3FB4] =	sst s6  }
0xf: {  	[smem:$0x3FB5] =	sst s7  }
0x10: {  	[smem:$0x3FB6] =	sst s8  }
0x11: {  	[smem:$0x3FB7] =	sst s9;
	s0 =	simm.s32 @!p0 $0x0  }
0x12: {  	s1 =	sld [smem:$0x3F9D];
	s0 =	simm.s32 @p0 $0x1  }
0x13: {  	[smem:$0x3FB8] =	sst s0;
	s0 =	simm.s32 @!p1 $0x0  }
0x14: {  	s2 =	sld [smem:$0x3F9C];
	s0 =	simm.s32 @p1 $0x1  }
0x15: {  	[smem:$0x3FB9] =	sst s0;
	s0 =	simm.s32 @!p2 $0x0  }
0x16: {  	s3 =	sld [smem:$0x3FDB];
	s0 =	simm.s32 @p2 $0x1  }
0x17: {  	s4 =	simm.s32 $0x1BF5;
	[smem:$0x3FBB] =	sst s0  }
0x18: {  	s0 =	sld [smem:$0x3F9E];
	_ =	swait.ge [sflag:s4], $0x0  }
0x19: {  	s7 =	sld [smem:$0x3F9F]  }
0x1a: {  	s8 =	sadd.s32 $0xFFFFE003, lr  }
0x1b: {  	s9 =	sadd.s32 $0xFFFFFEF7, lr;
	s5 =	simm.s32 $0xFFFFFFFF;
	p2 =	slt.u32 s8, $0xFFFFF086  }
0x1c: {  	p1 =	slt.u32 s9, $0xF7A;
	s5 =	simm.s32 @!p2 $0x0  }
0x1d: {  	s5 =	simm.s32 @p1 $0x1;
	p0 =	seq.s32 s7, s2  }
0x1e: {  	s7 =	smul.u32 @!p0 $0xF7A, s2;
	p2 =	seq.s32 @!p0 s5, $0x0  }
0x1f: {  	s9 =	smul.u32 $0xF7A, s1;
	s8 =	simm.s32 @!p0 $0x1BF5;
	p2 =	por !p2, p0  }
0x20: {  	[sflag:s8] =	ssyncset.s32 @!p0 $0xFFFFF086;
	s6 =	sadd.s32 @!p0 s3, s7;
	s7 =	simm.s32 @!p0 $0x108  }
0x21: {  	s3 =	sadd.s32 s3, s9;
	s6 =	sadd.s32 @!p0 $0x88, s6;
	s7 =	simm.s32 @p2 $0x1082  }
0x22: {  	[simem:s7], [sflag:s8] =	dma.local @!p0 [hbm:s6], $0xF7A  }
0x23: {  	s9 =	sor.u32 $0xD0000000, s2;
	s6 =	simm.s32 $0x108;
	_ =	swait.ge @!p0 [sflag:s8], $0x0  }
0x24: {  	s3 =	sadd.s32 $0x88, s3;
	s6 =	simm.s32 @!p1 $0x1082;
	[sflag:s4] =	ssyncset.s32 $0xFFFFF086  }
0x25: {  	[simem:s6], [sflag:s4] =	dma.local [hbm:s3], $0xF7A  }
0x26: {  	[smem:$0x3F9F] =	sst s1;
	(tag) =	ssettag s2;
	_ =	strace s9  }
0x27: {  	s1 =	sld [smem:$0x3FAF]  }
0x28: {  	s2 =	sld [smem:$0x3FB0]  }
0x29: {  	s4 =	sld [smem:$0x3FB2]  }
0x2a: {  	p0 =	seq.s32 s5, $0x0;
	s5 =	sld [smem:$0x3FB3]  }
0x2b: {  	s6 =	sld [smem:$0x3FB4]  }
0x2c: {  	s7 =	sld [smem:$0x3FB5]  }
0x2d: {  	s3 =	simm.s32 $0x108;
	s8 =	sld [smem:$0x3FB6]  }
0x2e: {  	s3 =	simm.s32 @!p0 $0x1082;
	s9 =	sld [smem:$0x3FB7]  }
0x2f: {  	lr =	sadd.s32 s0, s3;
	s0 =	sld [smem:$0x3FAE]  }
0x30: {  	s3 =	sld [smem:$0x3FB1]  }
0x31: {  	[smem:$0x3FBA] =	sst s10  }
0x32: {  	s10 =	sld [smem:$0x3FB8];
	_ =	sdelay $0x3  }
0x33: {  	p0 =	seq.s32 s10, $0x1;
	s10 =	sld [smem:$0x3FBA];
	_ =	sdelay $0x3  }
0x34: {  	[smem:$0x3FBA] =	sst s10  }
0x35: {  	s10 =	sld [smem:$0x3FB9];
	_ =	sdelay $0x3  }
0x36: {  	p1 =	seq.s32 s10, $0x1;
	s10 =	sld [smem:$0x3FBA];
	_ =	sdelay $0x3  }
0x37: {  	[smem:$0x3FBA] =	sst s10  }
0x38: {  	s10 =	sld [smem:$0x3FBB]  }
0x39: {  	_ = 	snop;
	(pc) =	sbr.ind lr, $3  }
0x3a: {  	_ = 	snop  }
0x3b: {  	_ = 	snop  }
0x3c: {  	p2 =	seq.s32 s10, $0x1;
	s10 =	sld [smem:$0x3FBA]  }
0x3d: {  	_ =	shalt  }
0x3e: {  	_ =	shalt  }
0x3f: {  	_ =	shalt  }
0x40: {  	_ =	shalt  }
0x41: {  	_ =	shalt  }
0x42: {  	_ =	shalt  }
0x43: {  	_ =	shalt  }
0x44: {  	_ =	shalt  }
0x45: {  	_ =	shalt  }
0x46: {  	_ =	shalt  }
0x47: {  	_ =	shalt  }
0x48: {  	_ =	shalt  }
0x49: {  	_ =	shalt  }
0x4a: {  	_ =	shalt  }
0x4b: {  	_ =	shalt  }
0x4c: {  	_ =	shalt  }
0x4d: {  	_ =	shalt  }
0x4e: {  	_ =	shalt  }
0x4f: {  	_ =	shalt  }
0x50: {  	_ =	shalt  }
0x51: {  	_ =	shalt  }
0x52: {  	_ =	shalt  }
0x53: {  	_ =	shalt  }
0x54: {  	_ =	shalt  }
0x55: {  	_ =	shalt  }
0x56: {  	_ =	shalt  }
0x57: {  	_ =	shalt  }
0x58: {  	_ =	shalt  }
0x59: {  	_ =	shalt  }
0x5a: {  	_ =	shalt  }
0x5b: {  	_ =	shalt  }
0x5c: {  	_ =	shalt  }
0x5d: {  	_ =	shalt  }
0x5e: {  	_ =	shalt  }
0x5f: {  	_ =	shalt  }
0x60: {  	_ =	shalt  }
0x61: {  	_ =	shalt  }
0x62: {  	_ =	shalt  }
0x63: {  	_ =	shalt  }
0x64: {  	_ =	shalt  }
0x65: {  	_ =	shalt  }
0x66: {  	_ =	shalt  }
0x67: {  	_ =	shalt  }
0x68: {  	_ =	shalt  }
0x69: {  	_ =	shalt  }
0x6a: {  	_ =	shalt  }
0x6b: {  	_ =	shalt  }
0x6c: {  	_ =	shalt  }
0x6d: {  	_ =	shalt  }
0x6e: {  	_ =	shalt  }
0x6f: {  	_ =	shalt  }
0x70: {  	_ =	shalt  }
0x71: {  	_ =	shalt  }
0x72: {  	_ =	shalt  }
0x73: {  	_ =	shalt  }
0x74: {  	_ =	shalt  }
0x75: {  	_ =	shalt  }
0x76: {  	_ =	shalt  }
0x77: {  	_ =	shalt  }
0x78: {  	_ =	shalt  }
0x79: {  	_ =	shalt  }
0x7a: {  	_ =	shalt  }
0x7b: {  	_ =	shalt  }
0x7c: {  	_ =	shalt  }
0x7d: {  	_ =	shalt  }
0x7e: {  	_ =	shalt  }
0x7f: {  	_ =	shalt  }
0x80: {  	_ =	shalt  }
0x81: {  	_ =	shalt  }
0x82: {  	_ =	shalt  }
0x83: {  	_ =	shalt  }
0x84: {  	_ =	shalt  }
0x85: {  	_ =	shalt  }
0x86: {  	_ =	shalt  }
0x87: {  	_ =	shalt  }
.Lfunc_end0:
.L_simem_size_0:
called_computation_lowered:
.L_overlay_start_0:
0x88: {  	s2 =	sld [smem:$0x3FD9]  }
0x89: {  	s3 =	sld [smem:$0x3FFE];
	_ =	sdelay $0x1  }
0x8a: {  	s1 =	srdreg.scid  }
0x8b: {  	s0 =	sand.u32 $0x1, s1  }
0x8c: {  	s17 =	sshll.u32 s0, $0xA;
	s2 =	sadd.s32 s3, s2  }
0x8d: {  	s2 =	sadd.s32 s2, s17  }
0x8e: {  	[smem:$0x3FC6] =	sst s2  }
0x8f: {  	_ = 	snop  }
0x90: {  	s2 =	sld [smem:$0x3FC9]  }
0x91: {  	s18 =	sld [smem:$0x3FD0];
	(tm) =	ssettm $0x1  }
0x92: {  	s4 =	sld [smem:$0x3FFB];
	_ =	sdelay $0x3  }
0x93: {  	_ =	strace s4  }
0x94: {  	s4 =	sld [smem:$0x3FFC];
	_ =	sdelay $0x3  }
0x95: {  	_ =	strace s4  }
0x96: {  	s4 =	sld [smem:$0x3FFD];
	_ =	sdelay $0x3  }
0x97: {  	_ =	strace s4  }
0x98: {  	_ =	strace $0x8FFFFFFF  }
0x99: {  	s19 =	sld [smem:$0x3FDB];
	_ =	sdelay $0x1  }
0x9a: {  	s5 =	simm.s32 $_scs_section_size  }
0x9b: {  	s6 =	simm.s32 $_size__tile_overlayer_lowered;
	s7 =	simm.s32 $_tile_overlayer_lowered  }
0x9c: {  	s22 =	simm.s32 $0x1BFF;
	s21 =	sshll.u32 s7, $0x1;
	s4 =	sadd.s32 s5, s19  }
0x9d: {  	s8 =	simm.s32 $0x0;
	s20 =	sshll.u32 s6, $0x1;
	s6 =	sadd.s32 s21, s4  }
0x9e: {  	[timem:s8], [sflag:s22] =	dma.local [hbm:s6], s20  }
0x9f: {  	_ =	swait.ge [sflag:s22], s20  }
0xa0: {  	s5 =	ssub.s32 $0x0, s20;
	[sflag:s22] =	ssyncset.done $0x0  }
0xa1: {  	[sflag:s22] =	ssyncadd.s32 s5;
	_ =	sdelay $0x1  }
0xa2: {  	s23 =	simm.s32 $0x1B8B  }
0xa3: {  	_ =	swait.ge [sflag:s23], $0x1  }
0xa4: {  	[sflag:s23] =	ssyncset.done $0x0  }
0xa5: {  	s25 =	simm.s32 $0x1B8E;
	s24 =	sld [smem:$0x3FFE];
	[sflag:s23] =	ssyncadd.s32 $0xFFFFFFFF  }
0xa6: {  	s26 =	simm.s32 $execute0_lowered;
	[smem:$0x3FD2] =	sst s25  }
0xa7: {  	s6 =	sshll.u32 s26, $0x1;
	_ =	strace $0x80000046;
	[dreg:$0x1] =	wrdreg $0xFFFFFFFF  }
0xa8: {  	s28 =	simm.s32 $_size_execute0_lowered;
	s4 =	sadd.s32 s4, s6;
	[dreg:$0x0] =	wrdreg $0x0  }
0xa9: {  	s6 =	sshll.u32 s28, $0x1;
	[dreg:$0x2] =	wrdreg s4  }
0xaa: {  	[dreg:$0x3] =	wrdreg s6  }
0xab: {  	[dreg:$0x4] =	wrdreg $0xC0  }
0xac: {  	_ =	task [dreg:s8], $0x5FFFF  }
0xad: {  	[dreg:$0x1] =	wrdreg $0xFFFFFFFF  }
0xae: {  	[dreg:$0x0] =	wrdreg $0x60  }
0xaf: {  	[dreg:$0x2] =	wrdreg s2  }
0xb0: {  	[dreg:$0x3] =	wrdreg s24  }
0xb1: {  	[dreg:$0x4] =	wrdreg s18  }
0xb2: {  	[dreg:$0x5] =	wrdreg $0x9  }
0xb3: {  	_ =	task.clear_ibuf [dreg:s8], $0x6FFFF;
	_ =	strace $0x90000046  }
0xb4: {  	s29 =	simm.s32 $0x9;
	_ =	strace $0x80000048  }
0xb5: {  	_ =	swait.ge [sflag:s29], $0x1  }
0xb6: {  	[sflag:s29] =	ssyncadd.s32 $0xFFFFFFFF  }
0xb7: {  	_ =	strace $0x90000048  }
0xb8: {  	_ =	sfence  }
0xb9: {  	s30 =	sld [smem:$0x0];
	_ =	sdelay $0x2  }
0xba: {  	s31 =	sshll.u32 s1, $0xD;
	s1 =	sshrl.u32 s1, $0x2  }
0xbb: {  	s3 =	sand.u32 $0x4000, s31;
	s1 =	sadd.s32 s1, s30  }
0xbc: {  	s0 =	sor.u32 s3, s0;
	s1 =	sshll.u32 s1, $0x11  }
0xbd: {  	s0 =	sor.u32 s1, s0  }
0xbe: {  	s0 =	sadd.s32 $0x8F2B, s0  }
0xbf: {  	[sflag:s0] =	ssyncadd.remote.s32 $0x1  }
0xc0: {  	_ =	sfence.sel $0xFFFF  }
0xc1: {  	[dreg:$0x0] =	wrdreg $0xFFFFFFFF;
	(pc) =	sbr.abs _section_cstart, $3  }
0xc2: {  	[dreg:$0x1] =	wrdreg $0xFFFFFFFF  }
0xc3: {  	_ =	task.clear_ibuf [dreg:s8], $0x2FFFF;
	_ =	strace $0x9FFFFFFF  }
0xc4: {  	(tm) =	ssettm $0x7FFFFFFF  }
0xc5: {  	_ =	shalt  }
tec
execute0_lowered:
.L_overlay_start_1:
0x0: {  	(tag) =	ssettag $0x1  }
0x1: {  	s1 =	rddreg [dreg:$0x0]  }
0x2: {  	s0 =	rddreg [dreg:$0x1];
	s2 =	srdreg.scid;
	v0 =	vimm.s32 $0xFEDCBA98;
	v1 =	vimm.s32 $0x76543210;
	v2 =	vimm.s32 $0xBA98FEDC  }
0x3: {  	s3 =	stileid.u32;
	s6 =	rddreg [dreg:$0x2];
	v3 =	vimm.s32 $0x32107654;
	v4 =	vimm.s32 $0xDCFE98BA;
	s9 =	simm.s32 $0x5;
	v5 =	vimm.s32 $0x54761032  }
0x4: {  	s10 =	simm.s32 $0x60;
	v6 =	vimm.s32 $0xEFCDAB89;
	v7 =	vimm.s32 $0x67452301;
	s11 =	simm.s32 $0x4F00;
	s12 =	simm.s32 $0x7F00  }
0x5: {  	s13 =	simm.s32 $0xAF00;
	s15 =	simm.s32 $0xDF00;
	s17 =	simm.s32 $0x10F00;
	v0 =	vunpack.c.l.s4.s8 v0;
	v1 =	vunpack.c.l.s4.s8 v1;
	v2 =	vunpack.c.l.s4.s8 v2  }
0x6: {  	s19 =	simm.s32 $0x13F00;
	s20 =	simm.s32 $0x16F00;
	s21 =	simm.s32 $0x19F00;
	v3 =	vunpack.c.l.s4.s8 v3;
	v4 =	vunpack.c.l.s4.s8 v4;
	v5 =	vunpack.c.l.s4.s8 v5  }
0x7: {  	s22 =	simm.s32 $0x1;
	s2 =	sand.u32 $0x1, s2;
	s4 =	sshll.u32 s3, $0x1;
	v6 =	vunpack.c.l.s4.s8 v6;
	v7 =	vunpack.c.l.s4.s8 v7;
	v0 =	vunpack.c.0.s8.s32 v0  }
0x8: {  	s23 =	simm.s32 $0x2;
	s3 =	simm.s32 $0x0;
	s4 =	sor.u32 s2, s4;
	v2 =	vunpack.c.0.s8.s32 v2;
	v3 =	vunpack.c.0.s8.s32 v3;
	v4 =	vunpack.c.0.s8.s32 v4  }
0x9: {  	s24 =	simm.s32 $0x3;
	[smem:$0x7FF] =	sst s3;
	s7 =	smul.u32 $0x4E2, s4;
	v5 =	vunpack.c.0.s8.s32 v5;
	v6 =	vunpack.c.0.s8.s32 v6;
	v7 =	vunpack.c.0.s8.s32 v7  }
0xa: {  	s25 =	simm.s32 $0x4;
	s2 =	ssub.s32 $0x2, s2;
	_ =	strace $0x80000047;
	v1 =	vunpack.c.0.s8.s32 v1;
	v2 =	vcombine.low v3, v2  }
0xb: {  	s30 =	sshrl.u32 s2, $0x1;
	s4 =	sadd.s32 s0, s7;
	s31 =	sadd.s32 s6, s7;
	v3 =	vcombine.low v5, v4;
	v4 =	vcombine.low v7, v6;
	v0 =	vand.u32 $0xF, v0  }
0xc: {  	s2 =	ssub.s32 s2, s30;
	s0 =	sadd.s32 $0x9E00, s4;
	[dreg:$0x5] =	wrdreg s31;
	v0 =	vcombine.low v0, v1;
	v1 =	vand.u32 $0xF, v2  }
0xd: {  	s8 =	smax.u32 s2, $0x1;
	s2 =	simm.s32 $0x0;
	[dreg:$0x4] =	wrdreg s0;
	v2 =	vand.u32 $0xF, v3;
	v3 =	vand.u32 $0xF, v4;
	v4 =	vlaneseq.u32  }
.LBB2_1:
0xe: {  	s0 =	rddreg [dreg:$0x4]  }
0xf: {  	[tilespmem:s3], [sflag:$0x5] =	stream.linear.gather [hbm4b:s0+s3], $0x2710, $0x38;
	[tilespmem:$0x1F680] =	vst v63  }
0x10: {  	_ =	swait.ge [sflag:s9], $0x2710  }
0x11: {  	[sflag:s9] =	ssyncset.done $0x0  }
0x12: {  	s28 =	simm.s32 $0x2780;
	[sflag:s9] =	ssyncadd.s32 $0xFFFFD8F0  }
0x13: {  	[tilespmem:s28], [sflag:$0x5] =	stream.linear.gather [hbm4b:s4+s3], $0x2710, $0x38;
	[tilespmem:$0x1F680] =	vst v63  }
0x14: {  	_ =	swait.ge [sflag:s9], $0x2710  }
0x15: {  	[sflag:s9] =	ssyncset.done $0x0  }
0x16: {  	[sflag:s9] =	ssyncadd.s32 $0xFFFFD8F0  }
0x17: {  	[tilespmem:s11], [sflag:$0x1] =	stream.indirect.gather [hbm4b:s1+s10], $0x80, s3, s10, $0xb8;
	[tilespmem:$0x1F680] =	vst v63  }
0x18: {  	_ = 	snop  }
0x19: {  	[tilespmem:s12], [sflag:$0x1] =	stream.indirect.gather [hbm4b:s1+s10], $0x80, s28, s10, $0xb8;
	[tilespmem:$0x1F680] =	vst v63  }
0x1a: {  	_ = 	snop  }
0x1b: {  	[tilespmem:s13], [sflag:$0x2] =	stream.indirect.gather [hbm4b:s1+s10], $0x80, s10, s10, $0xb8;
	[tilespmem:$0x1F680] =	vst v63  }
0x1c: {  	s29 =	simm.s32 $0x27E0  }
0x1d: {  	[tilespmem:s15], [sflag:$0x2] =	stream.indirect.gather [hbm4b:s1+s10], $0x80, s29, s10, $0xb8;
	[tilespmem:$0x1F680] =	vst v63  }
0x1e: {  	s30 =	simm.s32 $0xC0  }
0x1f: {  	[tilespmem:s17], [sflag:$0x3] =	stream.indirect.gather [hbm4b:s1+s10], $0x80, s30, s10, $0xb8;
	[tilespmem:$0x1F680] =	vst v63  }
0x20: {  	s31 =	simm.s32 $0x2840;
	s0 =	simm.s32 $0x0  }
0x21: {  	[tilespmem:s19], [sflag:$0x3] =	stream.indirect.gather [hbm4b:s1+s10], $0x80, s31, s10, $0xb8;
	[tilespmem:$0x1F680] =	vst v63  }
.LBB2_2:
0x22: {  	s16 =	smul.u32 $0x180, s0;
	_ =	sdelay $0x1  }
0x23: {  	s14 =	sadd.s32 $0x120, s16  }
0x24: {  	[tilespmem:s20], [sflag:$0x4] =	stream.indirect.gather [hbm4b:s1+s10], $0x80, s14, s10, $0xb8;
	[tilespmem:$0x1F680] =	vst v63  }
0x25: {  	s7 =	sadd.s32 $0x28A0, s16  }
0x26: {  	[tilespmem:s21], [sflag:$0x4] =	stream.indirect.gather [hbm4b:s1+s10], $0x80, s7, s10, $0xb8;
	[tilespmem:$0x1F680] =	vst v63  }
0x27: {  	_ =	swait.ge [sflag:s22], $0x3000  }
0x28: {  	[sflag:s22] =	ssyncset.done $0x0  }
0x29: {  	[sflag:s22] =	ssyncadd.s32 $0xFFFFD000  }
0x2a: {  	_ =	swait.ge [sflag:s22], $0x3000  }
0x2b: {  	s18 =	simm.s32 $0x0;
	s26 =	sadd.s32 $0x1CF00, s16;
	[sflag:s22] =	ssyncset.done $0x0  }
0x2c: {  	s30 =	simm.s32 $0x8000;
	v5 =	vmov s26;
	s7 =	simm.s32 $0x5000;
	[sflag:s22] =	ssyncadd.s32 $0xFFFFD000  }
.LBB2_3:
0x2d: {  	v6 =	vld [tilespmem:s7+$0xF0]  }
0x2e: {  	v8 =	vld [tilespmem:s7+$0x70]  }
0x2f: {  	v9 =	vld [tilespmem:s7+$0xFFFFFFF0]  }
0x30: {  	v16 =	vld [tilespmem:s30+$0xFFFFFFF0]  }
0x31: {  	v7 =	vld [tilespmem:s7+$0xE0]  }
0x32: {  	v18 =	vld [tilespmem:s7+$0xFFFFFF70]  }
0x33: {  	v22 =	vld [tilespmem:s30+$0xFFFFFF70]  }
0x34: {  	v10 =	vld [tilespmem:s7+$0x60]  }
0x35: {  	v23 =	vld [tilespmem:s7+$0xFFFFFFE0]  }
0x36: {  	v52 =	vld [tilespmem:s30+$0xFFFFFFE0]  }
0x37: {  	v11 =	vld [tilespmem:s7+$0xD0]  }
0x38: {  	v53 =	vld [tilespmem:s7+$0xFFFFFF60]  }
0x39: {  	v54 =	vld [tilespmem:s30+$0xFFFFFF60]  }
0x3a: {  	v12 =	vld [tilespmem:s7+$0x50]  }
0x3b: {  	v19 =	vld [tilespmem:s7+$0xFFFFFFD0]  }
0x3c: {  	v21 =	vld [tilespmem:s30+$0xFFFFFFD0]  }
0x3d: {  	v13 =	vld [tilespmem:s7+$0xC0]  }
0x3e: {  	v24 =	vld [tilespmem:s7+$0xFFFFFF50]  }
0x3f: {  	v26 =	vld [tilespmem:s30+$0xFFFFFF50]  }
0x40: {  	v14 =	vld [tilespmem:s7+$0x40]  }
0x41: {  	v27 =	vld [tilespmem:s7+$0xFFFFFFC0]  }
0x42: {  	v28 =	vld [tilespmem:s30+$0xFFFFFFC0]  }
0x43: {  	v15 =	vld [tilespmem:s7+$0xB0]  }
0x44: {  	v32 =	vld [tilespmem:s7+$0xFFFFFF40]  }
0x45: {  	v34 =	vld [tilespmem:s30+$0xFFFFFF40]  }
0x46: {  	v17 =	vld [tilespmem:s7+$0x30]  }
0x47: {  	v33 =	vld [tilespmem:s7+$0xFFFFFFB0]  }
0x48: {  	v35 =	vld [tilespmem:s30+$0xFFFFFFB0]  }
0x49: {  	v20 =	vld [tilespmem:s7+$0xA0]  }
0x4a: {  	v36 =	vld [tilespmem:s7+$0xFFFFFF30]  }
0x4b: {  	v39 =	vld [tilespmem:s30+$0xFFFFFF30]  }
0x4c: {  	v25 =	vld [tilespmem:s7+$0x20]  }
0x4d: {  	v37 =	vld [tilespmem:s7+$0xFFFFFFA0]  }
0x4e: {  	v40 =	vld [tilespmem:s30+$0xFFFFFFA0]  }
0x4f: {  	v29 =	vld [tilespmem:s7+$0x80]  }
0x50: {  	v30 =	vld [tilespmem:s30+$0x80]  }
0x51: {  	v31 =	vld [tilespmem:s7+$0x90]  }
0x52: {  	v43 =	vld [tilespmem:s7+$0xFFFFFF20]  }
0x53: {  	v45 =	vld [tilespmem:s30+$0xFFFFFF20]  }
0x54: {  	v38 =	vld [tilespmem:s7+$0x0]  }
0x55: {  	v41 =	vld [tilespmem:s30+$0x0]  }
0x56: {  	v42 =	vld [tilespmem:s7+$0x10]  }
0x57: {  	v44 =	vld [tilespmem:s7+$0xFFFFFF80]  }
0x58: {  	v46 =	vld [tilespmem:s30+$0xFFFFFF80]  }
0x59: {  	v47 =	vld [tilespmem:s7+$0xFFFFFF90]  }
0x5a: {  	v48 =	vld [tilespmem:s7+$0xFFFFFF00]  }
0x5b: {  	v49 =	vld [tilespmem:s30+$0xFFFFFF00]  }
0x5c: {  	v50 =	vld [tilespmem:s7+$0xFFFFFF10];
	s31 =	simm.s32 $0x4;
	v18 =	vmul.f32 v22, v18;
	v16 =	vmul.f32 v16, v9  }
0x5d: {  	v51 =	vld [tilespmem:s30+$0xFFFFFF10];
	s26 =	smov.u32 s30;
	s28 =	smov.u32 s7;
	s29 =	simm.s32 $0x0;
	v9 =	vimm.f32 $0.0e+00;
	v22 =	vmul.f32 v54, v53;
	v23 =	vmul.f32 v52, v23  }
.LBB2_4:
0x5e: {  	p0 =	slt.u32 s31, $0xC;
	v24 =	vmul.f32 v26, v24;
	v26 =	vld [tilespmem:s26+$0xFFFFFF90];
	v19 =	vmul.f32 v21, v19  }
0x5f: {  	v21 =	vmul.f32 v34, v32;
	v27 =	vmul.f32 v28, v27;
	v28 =	vld [tilespmem:s26+$0x10]  }
0x60: {  	v32 =	vmul.f32 v39, v36;
	v33 =	vmul.f32 v35, v33;
	v34 =	vld [tilespmem:s26+$0x90]  }
0x61: {  	v35 =	vmul.f32 v45, v43;
	v36 =	vmul.f32 v40, v37;
	v37 =	vld [tilespmem:s26+$0x20]  }
0x62: {  	v39 =	vmul.f32 v49, v48;
	v40 =	vmul.f32 v51, v50;
	v43 =	vld [tilespmem:s26+$0xA0]  }
0x63: {  	v44 =	vmul.f32 v46, v44;
	v26 =	vmul.f32 v26, v47;
	v45 =	vld [tilespmem:s26+$0x30]  }
0x64: {  	v38 =	vmul.f32 v41, v38;
	v39 =	vadd.f32 v40, v39;
	v28 =	vmul.f32 v28, v42;
	v40 =	vld [tilespmem:s26+$0xB0]  }
0x65: {  	v29 =	vmul.f32 v30, v29;
	v26 =	vadd.f32 v26, v44;
	v41 =	vld [tilespmem:s26+$0x40];
	v30 =	vmul.f32 v34, v31  }
0x66: {  	v31 =	vadd.f32 v35, v39;
	v28 =	vadd.f32 v28, v38;
	v25 =	vmul.f32 v37, v25;
	v34 =	vld [tilespmem:s26+$0xC0]  }
0x67: {  	v26 =	vadd.f32 v36, v26;
	v35 =	vld [tilespmem:s26+$0x50];
	v29 =	vadd.f32 v30, v29;
	v20 =	vmul.f32 v43, v20  }
0x68: {  	v30 =	vadd.f32 v32, v31;
	v25 =	vadd.f32 v25, v28;
	v17 =	vmul.f32 v45, v17;
	v28 =	vld [tilespmem:s26+$0xD0]  }
0x69: {  	v26 =	vadd.f32 v33, v26;
	v31 =	vld [tilespmem:s26+$0x60];
	v20 =	vadd.f32 v20, v29;
	v15 =	vmul.f32 v40, v15  }
0x6a: {  	v21 =	vadd.f32 v21, v30;
	v17 =	vadd.f32 v17, v25;
	v14 =	vmul.f32 v41, v14;
	v25 =	vld [tilespmem:s26+$0xE0]  }
0x6b: {  	v26 =	vadd.f32 v27, v26;
	v27 =	vld [tilespmem:s26+$0x70];
	v15 =	vadd.f32 v15, v20;
	v13 =	vmul.f32 v34, v13  }
0x6c: {  	s28 =	sadd.s32 $0x200, s28;
	v20 =	vadd.f32 v24, v21;
	v14 =	vadd.f32 v14, v17;
	v12 =	vmul.f32 v35, v12;
	v17 =	vld [tilespmem:s26+$0xF0]  }
0x6d: {  	v21 =	vld [tilespmem:s28+$0xF0];
	v19 =	vadd.f32 v19, v26;
	v13 =	vadd.f32 v13, v15;
	v11 =	vmul.f32 v28, v11  }
0x6e: {  	v15 =	vld [tilespmem:s28+$0x70];
	v20 =	vadd.f32 v22, v20;
	v12 =	vadd.f32 v12, v14;
	v10 =	vmul.f32 v31, v10  }
0x6f: {  	s26 =	sadd.s32 $0x200, s26;
	v22 =	vld [tilespmem:s28+$0xFFFFFFF0];
	v14 =	vadd.f32 v23, v19;
	v11 =	vadd.f32 v11, v13;
	v13 =	vmul.f32 v25, v7  }
0x70: {  	v23 =	vld [tilespmem:s26+$0xFFFFFFF0];
	v19 =	vadd.f32 v18, v20;
	v10 =	vadd.f32 v10, v12;
	v24 =	vmul.f32 v27, v8  }
0x71: {  	v7 =	vld [tilespmem:s28+$0xE0];
	v12 =	vadd.f32 v16, v14;
	v11 =	vadd.f32 v13, v11;
	v13 =	vmul.f32 v17, v6  }
0x72: {  	v16 =	vld [tilespmem:s28+$0xFFFFFF70];
	v14 =	vperm.xlane v19, v0;
	v17 =	vadd.f32 v24, v10;
	v6 =	vmov v21  }
0x73: {  	v18 =	vld [tilespmem:s26+$0xFFFFFF70];
	v20 =	vperm.xlane v12, v0;
	v13 =	vadd.f32 v13, v11;
	v8 =	vmov v15  }
0x74: {  	v10 =	vld [tilespmem:s28+$0x60];
	v14 =	vadd.f32 v19, v14;
	v11 =	vperm.xlane v17, v0  }
0x75: {  	v52 =	vld [tilespmem:s28+$0xFFFFFFE0];
	v12 =	vadd.f32 v12, v20;
	v15 =	vperm.xlane v13, v0  }
0x76: {  	v53 =	vld [tilespmem:s26+$0xFFFFFFE0];
	v19 =	vperm.xlane v14, v1;
	v17 =	vadd.f32 v17, v11  }
0x77: {  	v11 =	vld [tilespmem:s28+$0xD0];
	v20 =	vperm.xlane v12, v1;
	v13 =	vadd.f32 v13, v15  }
0x78: {  	v54 =	vld [tilespmem:s28+$0xFFFFFF60];
	v14 =	vadd.f32 v14, v19;
	v15 =	vperm.xlane v17, v1  }
0x79: {  	v55 =	vld [tilespmem:s26+$0xFFFFFF60];
	v20 =	vadd.f32 v12, v20;
	v21 =	vperm.xlane v13, v1  }
0x7a: {  	v12 =	vld [tilespmem:s28+$0x50];
	v24 =	vperm.xlane v14, v2;
	v15 =	vadd.f32 v17, v15  }
0x7b: {  	v19 =	vld [tilespmem:s28+$0xFFFFFFD0];
	v17 =	vperm.xlane v20, v2;
	v25 =	vadd.f32 v13, v21  }
0x7c: {  	v21 =	vld [tilespmem:s26+$0xFFFFFFD0];
	v27 =	vadd.f32 v14, v24;
	v14 =	vperm.xlane v15, v2  }
0x7d: {  	s5 =	sadd.s32 $0x3, s29;
	v28 =	vmov s29;
	v13 =	vld [tilespmem:s28+$0xC0];
	v17 =	vadd.f32 v20, v17;
	v20 =	vperm.xlane v25, v2  }
0x7e: {  	s6 =	sadd.s32 $0x2, s29;
	v30 =	vmov s5;
	v24 =	vld [tilespmem:s28+$0xFFFFFF50];
	v29 =	vperm.xlane v27, v3;
	v15 =	vadd.f32 v15, v14  }
0x7f: {  	v32 =	vmov s6;
	v26 =	vld [tilespmem:s26+$0xFFFFFF50];
	v31 =	vperm.xlane v17, v3;
	v20 =	vadd.f32 v25, v20  }
0x80: {  	s5 =	sadd.s32 $0x1, s29;
	s29 =	smov.u32 s31;
	vm0 =	veq.s32 v28, v4;
	v14 =	vld [tilespmem:s28+$0x40];
	v25 =	vadd.f32 v27, v29;
	v29 =	vperm.xlane v15, v3  }
0x81: {  	v27 =	vld [tilespmem:s28+$0xFFFFFFC0];
	v17 =	vadd.f32 v17, v31;
	v31 =	vmov s5;
	v33 =	vperm.xlane v20, v3  }
0x82: {  	v28 =	vld [tilespmem:s26+$0xFFFFFFC0];
	v9 =	vsel vm0, v25, v9;
	vm0 =	veq.s32 v31, v4;
	v25 =	vadd.f32 v15, v29  }
0x83: {  	v15 =	vld [tilespmem:s28+$0xB0];
	v9 =	vsel vm0, v17, v9;
	vm0 =	veq.s32 v32, v4;
	v17 =	vadd.f32 v20, v33  }
0x84: {  	v32 =	vld [tilespmem:s28+$0xFFFFFF40];
	v9 =	vsel vm0, v25, v9;
	vm0 =	veq.s32 v30, v4  }
0x85: {  	v34 =	vld [tilespmem:s26+$0xFFFFFF40];
	v9 =	vsel vm0, v17, v9  }
0x86: {  	v17 =	vld [tilespmem:s28+$0x30]  }
0x87: {  	v33 =	vld [tilespmem:s28+$0xFFFFFFB0]  }
0x88: {  	v35 =	vld [tilespmem:s26+$0xFFFFFFB0]  }
0x89: {  	v20 =	vld [tilespmem:s28+$0xA0]  }
0x8a: {  	v36 =	vld [tilespmem:s28+$0xFFFFFF30]  }
0x8b: {  	v39 =	vld [tilespmem:s26+$0xFFFFFF30]  }
0x8c: {  	v25 =	vld [tilespmem:s28+$0x20]  }
0x8d: {  	v37 =	vld [tilespmem:s28+$0xFFFFFFA0]  }
0x8e: {  	v40 =	vld [tilespmem:s26+$0xFFFFFFA0]  }
0x8f: {  	v29 =	vld [tilespmem:s28+$0x80]  }
0x90: {  	v30 =	vld [tilespmem:s26+$0x80]  }
0x91: {  	v31 =	vld [tilespmem:s28+$0x90]  }
0x92: {  	v43 =	vld [tilespmem:s28+$0xFFFFFF20]  }
0x93: {  	v45 =	vld [tilespmem:s26+$0xFFFFFF20]  }
0x94: {  	v38 =	vld [tilespmem:s28+$0x0]  }
0x95: {  	v41 =	vld [tilespmem:s26+$0x0]  }
0x96: {  	v42 =	vld [tilespmem:s28+$0x10]  }
0x97: {  	v44 =	vld [tilespmem:s28+$0xFFFFFF80]  }
0x98: {  	v46 =	vld [tilespmem:s26+$0xFFFFFF80]  }
.Ltmp0:
0x99: {  	v47 =	vld [tilespmem:s28+$0xFFFFFF90];
	(pc) =	sbr.rel @p0 .LBB2_4-.Ltmp0, $4  }
0x9a: {  	v48 =	vld [tilespmem:s28+$0xFFFFFF00]  }
0x9b: {  	v49 =	vld [tilespmem:s26+$0xFFFFFF00]  }
0x9c: {  	v18 =	vmul.f32 v18, v16;
	v16 =	vmul.f32 v23, v22;
	v50 =	vld [tilespmem:s28+$0xFFFFFF10]  }
0x9d: {  	s31 =	sadd.s32 $0x4, s31;
	v23 =	vmul.f32 v53, v52;
	v22 =	vmul.f32 v55, v54;
	v51 =	vld [tilespmem:s26+$0xFFFFFF10]  }
0x9e: {  	v24 =	vmul.f32 v26, v24;
	v59 =	vld [tilespmem:s26+$0xFFFFFF90];
	v19 =	vmul.f32 v21, v19  }
0x9f: {  	v21 =	vmul.f32 v34, v32;
	v27 =	vmul.f32 v28, v27;
	v60 =	vld [tilespmem:s26+$0x10]  }
0xa0: {  	v32 =	vmul.f32 v39, v36;
	v33 =	vmul.f32 v35, v33;
	v61 =	vld [tilespmem:s26+$0x90]  }
0xa1: {  	v62 =	vmul.f32 v45, v43;
	v63 =	vmul.f32 v40, v37;
	v52 =	vld [tilespmem:s26+$0x20]  }
0xa2: {  	v55 =	vld [tilespmem:s26+$0xA0];
	v53 =	vmul.f32 v49, v48;
	v54 =	vmul.f32 v51, v50  }
0xa3: {  	v44 =	vmul.f32 v46, v44;
	v56 =	vld [tilespmem:s26+$0x30];
	v26 =	vmul.f32 v59, v47  }
0xa4: {  	v38 =	vmul.f32 v41, v38;
	v57 =	vld [tilespmem:s26+$0xB0];
	v28 =	vmul.f32 v60, v42;
	v39 =	vadd.f32 v54, v53  }
0xa5: {  	v58 =	vld [tilespmem:s26+$0x40];
	v29 =	vmul.f32 v30, v29;
	v59 =	vmul.f32 v61, v31;
	v26 =	vadd.f32 v26, v44  }
0xa6: {  	v25 =	vmul.f32 v52, v25;
	v61 =	vld [tilespmem:s26+$0xC0];
	v28 =	vadd.f32 v28, v38;
	v60 =	vadd.f32 v62, v39  }
0xa7: {  	v20 =	vmul.f32 v55, v20;
	v29 =	vadd.f32 v59, v29;
	v62 =	vld [tilespmem:s26+$0x50];
	v26 =	vadd.f32 v63, v26  }
0xa8: {  	v36 =	vld [tilespmem:s26+$0xD0];
	v17 =	vmul.f32 v56, v17;
	v25 =	vadd.f32 v25, v28;
	v63 =	vadd.f32 v32, v60  }
0xa9: {  	v37 =	vld [tilespmem:s26+$0x60];
	v15 =	vmul.f32 v57, v15;
	v20 =	vadd.f32 v20, v29;
	v26 =	vadd.f32 v33, v26  }
0xaa: {  	v14 =	vmul.f32 v58, v14;
	v38 =	vld [tilespmem:s26+$0xE0];
	v17 =	vadd.f32 v17, v25;
	v21 =	vadd.f32 v21, v63  }
0xab: {  	v39 =	vld [tilespmem:s26+$0x70];
	v13 =	vmul.f32 v61, v13;
	v15 =	vadd.f32 v15, v20;
	v26 =	vadd.f32 v27, v26  }
0xac: {  	v41 =	vld [tilespmem:s26+$0xF0];
	v14 =	vadd.f32 v14, v17;
	v12 =	vmul.f32 v62, v12;
	v40 =	vadd.f32 v24, v21  }
0xad: {  	v11 =	vmul.f32 v36, v11;
	v13 =	vadd.f32 v13, v15;
	v19 =	vadd.f32 v19, v26  }
0xae: {  	v10 =	vmul.f32 v37, v10;
	v12 =	vadd.f32 v12, v14;
	v42 =	vadd.f32 v22, v40  }
0xaf: {  	v7 =	vmul.f32 v38, v7;
	v11 =	vadd.f32 v11, v13;
	v43 =	vadd.f32 v23, v19  }
0xb0: {  	v8 =	vmul.f32 v39, v8;
	v10 =	vadd.f32 v10, v12;
	v44 =	vadd.f32 v18, v42  }
0xb1: {  	v6 =	vmul.f32 v41, v6;
	v7 =	vadd.f32 v7, v11;
	v45 =	vadd.f32 v16, v43  }
0xb2: {  	v8 =	vadd.f32 v8, v10;
	v46 =	vperm.xlane v44, v0  }
0xb3: {  	v6 =	vadd.f32 v6, v7;
	v47 =	vperm.xlane v45, v0  }
0xb4: {  	v48 =	vperm.xlane v8, v0;
	v7 =	vadd.f32 v44, v46  }
0xb5: {  	v49 =	vperm.xlane v6, v0;
	v10 =	vadd.f32 v45, v47  }
0xb6: {  	v8 =	vadd.f32 v8, v48;
	v13 =	vperm.xlane v7, v1  }
0xb7: {  	v6 =	vadd.f32 v6, v49;
	v50 =	vperm.xlane v10, v1  }
0xb8: {  	v51 =	vperm.xlane v8, v1;
	v7 =	vadd.f32 v7, v13  }
0xb9: {  	v52 =	vperm.xlane v6, v1;
	v10 =	vadd.f32 v10, v50  }
0xba: {  	v8 =	vadd.f32 v8, v51;
	v13 =	vperm.xlane v7, v2  }
0xbb: {  	v6 =	vadd.f32 v6, v52;
	v53 =	vperm.xlane v10, v2  }
0xbc: {  	v54 =	vperm.xlane v8, v2;
	v7 =	vadd.f32 v7, v13  }
0xbd: {  	s5 =	sadd.s32 $0x3, s29;
	v55 =	vmov s29;
	v56 =	vperm.xlane v6, v2;
	v10 =	vadd.f32 v10, v53  }
0xbe: {  	v58 =	vmov s5;
	v8 =	vadd.f32 v8, v54;
	v57 =	vperm.xlane v7, v3  }
0xbf: {  	s6 =	sadd.s32 $0x2, s29;
	vm0 =	veq.s32 v55, v4;
	v6 =	vadd.f32 v6, v56;
	v59 =	vperm.xlane v10, v3  }
0xc0: {  	s31 =	sshll.u32 s18, $0x4;
	s18 =	sadd.s32 $0x1, s18;
	s29 =	sadd.s32 $0x1, s29;
	v60 =	vmov s6;
	v61 =	vperm.xlane v8, v3;
	v7 =	vadd.f32 v7, v57  }
0xc1: {  	p0 =	sne.s32 s18, $0x6;
	v62 =	vmov s29;
	v63 =	vperm.xlane v6, v3;
	v10 =	vadd.f32 v10, v59  }
.Ltmp1:
0xc2: {  	vm13 =	veq.s32 v62, v4;
	v8 =	vadd.f32 v8, v61;
	v7 =	vsel vm0, v7, v9;
	(pc) =	sbr.rel @p0 .LBB2_3-.Ltmp1, $4  }
0xc3: {  	vm14 =	veq.s32 v60, v4;
	v6 =	vadd.f32 v6, v63;
	v7 =	vsel vm13, v10, v7  }
0xc4: {  	vm15 =	veq.s32 v58, v4;
	v7 =	vsel vm14, v8, v7  }
0xc5: {  	s5 =	sand.u32 $0x3FFFFFF0, s31;
	v6 =	vsel vm15, v6, v7  }
0xc6: {  	s30 =	sadd.s32 $0x800, s30;
	s7 =	sadd.s32 $0x800, s7;
	[tilespmem:v5+s5+$0x0 ss:$0x1] =	vst.idx.msk $0xffff, v6  }
0xc7: {  	s5 =	sadd.s32 $0x180, s16  }
0xc8: {  	[tilespmem:s11], [sflag:$0x1] =	stream.indirect.gather [hbm4b:s1+s10], $0x80, s5, s10, $0xb8;
	[tilespmem:$0x1F680] =	vst v63  }
0xc9: {  	s30 =	sadd.s32 $0x2900, s16  }
0xca: {  	[tilespmem:s12], [sflag:$0x1] =	stream.indirect.gather [hbm4b:s1+s10], $0x80, s30, s10, $0xb8;
	[tilespmem:$0x1F680] =	vst v63  }
0xcb: {  	_ =	swait.ge [sflag:s23], $0x3000  }
0xcc: {  	[sflag:s23] =	ssyncset.done $0x0  }
0xcd: {  	[sflag:s23] =	ssyncadd.s32 $0xFFFFD000  }
0xce: {  	_ =	swait.ge [sflag:s23], $0x3000  }
0xcf: {  	s31 =	sadd.s32 $0x1CF60, s16;
	s18 =	simm.s32 $0x0;
	[sflag:s23] =	ssyncset.done $0x0  }
0xd0: {  	s26 =	simm.s32 $0xE000;
	s28 =	simm.s32 $0xB000;
	v5 =	vmov s31;
	[sflag:s23] =	ssyncadd.s32 $0xFFFFD000  }
.LBB2_7:
0xd1: {  	v6 =	vld [tilespmem:s28+$0xF0]  }
0xd2: {  	v8 =	vld [tilespmem:s28+$0x70]  }
0xd3: {  	v9 =	vld [tilespmem:s28+$0xFFFFFFF0]  }
0xd4: {  	v16 =	vld [tilespmem:s26+$0xFFFFFFF0]  }
0xd5: {  	v7 =	vld [tilespmem:s28+$0xE0]  }
0xd6: {  	v18 =	vld [tilespmem:s28+$0xFFFFFF70]  }
0xd7: {  	v22 =	vld [tilespmem:s26+$0xFFFFFF70]  }
0xd8: {  	v10 =	vld [tilespmem:s28+$0x60]  }
0xd9: {  	v23 =	vld [tilespmem:s28+$0xFFFFFFE0]  }
0xda: {  	v52 =	vld [tilespmem:s26+$0xFFFFFFE0]  }
0xdb: {  	v11 =	vld [tilespmem:s28+$0xD0]  }
0xdc: {  	v53 =	vld [tilespmem:s28+$0xFFFFFF60]  }
0xdd: {  	v54 =	vld [tilespmem:s26+$0xFFFFFF60]  }
0xde: {  	v12 =	vld [tilespmem:s28+$0x50]  }
0xdf: {  	v19 =	vld [tilespmem:s28+$0xFFFFFFD0]  }
0xe0: {  	v21 =	vld [tilespmem:s26+$0xFFFFFFD0]  }
0xe1: {  	v13 =	vld [tilespmem:s28+$0xC0]  }
0xe2: {  	v24 =	vld [tilespmem:s28+$0xFFFFFF50]  }
0xe3: {  	v26 =	vld [tilespmem:s26+$0xFFFFFF50]  }
0xe4: {  	v14 =	vld [tilespmem:s28+$0x40]  }
0xe5: {  	v27 =	vld [tilespmem:s28+$0xFFFFFFC0]  }
0xe6: {  	v28 =	vld [tilespmem:s26+$0xFFFFFFC0]  }
0xe7: {  	v15 =	vld [tilespmem:s28+$0xB0]  }
0xe8: {  	v32 =	vld [tilespmem:s28+$0xFFFFFF40]  }
0xe9: {  	v34 =	vld [tilespmem:s26+$0xFFFFFF40]  }
0xea: {  	v17 =	vld [tilespmem:s28+$0x30]  }
0xeb: {  	v33 =	vld [tilespmem:s28+$0xFFFFFFB0]  }
0xec: {  	v35 =	vld [tilespmem:s26+$0xFFFFFFB0]  }
0xed: {  	v20 =	vld [tilespmem:s28+$0xA0]  }
0xee: {  	v36 =	vld [tilespmem:s28+$0xFFFFFF30]  }
0xef: {  	v39 =	vld [tilespmem:s26+$0xFFFFFF30]  }
0xf0: {  	v25 =	vld [tilespmem:s28+$0x20]  }
0xf1: {  	v37 =	vld [tilespmem:s28+$0xFFFFFFA0]  }
0xf2: {  	v40 =	vld [tilespmem:s26+$0xFFFFFFA0]  }
0xf3: {  	v29 =	vld [tilespmem:s28+$0x80]  }
0xf4: {  	v30 =	vld [tilespmem:s26+$0x80]  }
0xf5: {  	v31 =	vld [tilespmem:s28+$0x90]  }
0xf6: {  	v43 =	vld [tilespmem:s28+$0xFFFFFF20]  }
0xf7: {  	v45 =	vld [tilespmem:s26+$0xFFFFFF20]  }
0xf8: {  	v38 =	vld [tilespmem:s28+$0x0]  }
0xf9: {  	v41 =	vld [tilespmem:s26+$0x0]  }
0xfa: {  	v42 =	vld [tilespmem:s28+$0x10]  }
0xfb: {  	v44 =	vld [tilespmem:s28+$0xFFFFFF80]  }
0xfc: {  	v46 =	vld [tilespmem:s26+$0xFFFFFF80]  }
0xfd: {  	v47 =	vld [tilespmem:s28+$0xFFFFFF90]  }
0xfe: {  	v48 =	vld [tilespmem:s28+$0xFFFFFF00]  }
0xff: {  	v49 =	vld [tilespmem:s26+$0xFFFFFF00]  }
0x100: {  	v50 =	vld [tilespmem:s28+$0xFFFFFF10];
	s31 =	simm.s32 $0x4;
	v18 =	vmul.f32 v22, v18;
	v16 =	vmul.f32 v16, v9  }
0x101: {  	v51 =	vld [tilespmem:s26+$0xFFFFFF10];
	s30 =	smov.u32 s26;
	s7 =	smov.u32 s28;
	s29 =	simm.s32 $0x0;
	v9 =	vimm.f32 $0.0e+00;
	v22 =	vmul.f32 v54, v53;
	v23 =	vmul.f32 v52, v23  }
.LBB2_8:
0x102: {  	p0 =	slt.u32 s31, $0xC;
	v24 =	vmul.f32 v26, v24;
	v26 =	vld [tilespmem:s30+$0xFFFFFF90];
	v19 =	vmul.f32 v21, v19  }
0x103: {  	v21 =	vmul.f32 v34, v32;
	v27 =	vmul.f32 v28, v27;
	v28 =	vld [tilespmem:s30+$0x10]  }
0x104: {  	v32 =	vmul.f32 v39, v36;
	v33 =	vmul.f32 v35, v33;
	v34 =	vld [tilespmem:s30+$0x90]  }
0x105: {  	v35 =	vmul.f32 v45, v43;
	v36 =	vmul.f32 v40, v37;
	v37 =	vld [tilespmem:s30+$0x20]  }
0x106: {  	v39 =	vmul.f32 v49, v48;
	v40 =	vmul.f32 v51, v50;
	v43 =	vld [tilespmem:s30+$0xA0]  }
0x107: {  	v44 =	vmul.f32 v46, v44;
	v26 =	vmul.f32 v26, v47;
	v45 =	vld [tilespmem:s30+$0x30]  }
0x108: {  	v38 =	vmul.f32 v41, v38;
	v39 =	vadd.f32 v40, v39;
	v28 =	vmul.f32 v28, v42;
	v40 =	vld [tilespmem:s30+$0xB0]  }
0x109: {  	v29 =	vmul.f32 v30, v29;
	v26 =	vadd.f32 v26, v44;
	v41 =	vld [tilespmem:s30+$0x40];
	v30 =	vmul.f32 v34, v31  }
0x10a: {  	v31 =	vadd.f32 v35, v39;
	v28 =	vadd.f32 v28, v38;
	v25 =	vmul.f32 v37, v25;
	v34 =	vld [tilespmem:s30+$0xC0]  }
0x10b: {  	v26 =	vadd.f32 v36, v26;
	v35 =	vld [tilespmem:s30+$0x50];
	v29 =	vadd.f32 v30, v29;
	v20 =	vmul.f32 v43, v20  }
0x10c: {  	v30 =	vadd.f32 v32, v31;
	v25 =	vadd.f32 v25, v28;
	v17 =	vmul.f32 v45, v17;
	v28 =	vld [tilespmem:s30+$0xD0]  }
0x10d: {  	v26 =	vadd.f32 v33, v26;
	v31 =	vld [tilespmem:s30+$0x60];
	v20 =	vadd.f32 v20, v29;
	v15 =	vmul.f32 v40, v15  }
0x10e: {  	v21 =	vadd.f32 v21, v30;
	v17 =	vadd.f32 v17, v25;
	v14 =	vmul.f32 v41, v14;
	v25 =	vld [tilespmem:s30+$0xE0]  }
0x10f: {  	v26 =	vadd.f32 v27, v26;
	v27 =	vld [tilespmem:s30+$0x70];
	v15 =	vadd.f32 v15, v20;
	v13 =	vmul.f32 v34, v13  }
0x110: {  	s7 =	sadd.s32 $0x200, s7;
	v20 =	vadd.f32 v24, v21;
	v14 =	vadd.f32 v14, v17;
	v12 =	vmul.f32 v35, v12;
	v17 =	vld [tilespmem:s30+$0xF0]  }
0x111: {  	v21 =	vld [tilespmem:s7+$0xF0];
	v19 =	vadd.f32 v19, v26;
	v13 =	vadd.f32 v13, v15;
	v11 =	vmul.f32 v28, v11  }
0x112: {  	v15 =	vld [tilespmem:s7+$0x70];
	v20 =	vadd.f32 v22, v20;
	v12 =	vadd.f32 v12, v14;
	v10 =	vmul.f32 v31, v10  }
0x113: {  	s30 =	sadd.s32 $0x200, s30;
	v22 =	vld [tilespmem:s7+$0xFFFFFFF0];
	v14 =	vadd.f32 v23, v19;
	v11 =	vadd.f32 v11, v13;
	v13 =	vmul.f32 v25, v7  }
0x114: {  	v23 =	vld [tilespmem:s30+$0xFFFFFFF0];
	v19 =	vadd.f32 v18, v20;
	v10 =	vadd.f32 v10, v12;
	v24 =	vmul.f32 v27, v8  }
0x115: {  	v7 =	vld [tilespmem:s7+$0xE0];
	v12 =	vadd.f32 v16, v14;
	v11 =	vadd.f32 v13, v11;
	v13 =	vmul.f32 v17, v6  }
0x116: {  	v16 =	vld [tilespmem:s7+$0xFFFFFF70];
	v14 =	vperm.xlane v19, v0;
	v17 =	vadd.f32 v24, v10;
	v6 =	vmov v21  }
0x117: {  	v18 =	vld [tilespmem:s30+$0xFFFFFF70];
	v20 =	vperm.xlane v12, v0;
	v13 =	vadd.f32 v13, v11;
	v8 =	vmov v15  }
0x118: {  	v10 =	vld [tilespmem:s7+$0x60];
	v14 =	vadd.f32 v19, v14;
	v11 =	vperm.xlane v17, v0  }
0x119: {  	v52 =	vld [tilespmem:s7+$0xFFFFFFE0];
	v12 =	vadd.f32 v12, v20;
	v15 =	vperm.xlane v13, v0  }
0x11a: {  	v53 =	vld [tilespmem:s30+$0xFFFFFFE0];
	v19 =	vperm.xlane v14, v1;
	v17 =	vadd.f32 v17, v11  }
0x11b: {  	v11 =	vld [tilespmem:s7+$0xD0];
	v20 =	vperm.xlane v12, v1;
	v13 =	vadd.f32 v13, v15  }
0x11c: {  	v54 =	vld [tilespmem:s7+$0xFFFFFF60];
	v14 =	vadd.f32 v14, v19;
	v15 =	vperm.xlane v17, v1  }
0x11d: {  	v55 =	vld [tilespmem:s30+$0xFFFFFF60];
	v20 =	vadd.f32 v12, v20;
	v21 =	vperm.xlane v13, v1  }
0x11e: {  	v12 =	vld [tilespmem:s7+$0x50];
	v24 =	vperm.xlane v14, v2;
	v15 =	vadd.f32 v17, v15  }
0x11f: {  	v19 =	vld [tilespmem:s7+$0xFFFFFFD0];
	v17 =	vperm.xlane v20, v2;
	v25 =	vadd.f32 v13, v21  }
0x120: {  	v21 =	vld [tilespmem:s30+$0xFFFFFFD0];
	v27 =	vadd.f32 v14, v24;
	v14 =	vperm.xlane v15, v2  }
0x121: {  	s5 =	sadd.s32 $0x3, s29;
	v28 =	vmov s29;
	v13 =	vld [tilespmem:s7+$0xC0];
	v17 =	vadd.f32 v20, v17;
	v20 =	vperm.xlane v25, v2  }
0x122: {  	s6 =	sadd.s32 $0x2, s29;
	v30 =	vmov s5;
	v24 =	vld [tilespmem:s7+$0xFFFFFF50];
	v29 =	vperm.xlane v27, v3;
	v15 =	vadd.f32 v15, v14  }
0x123: {  	v32 =	vmov s6;
	v26 =	vld [tilespmem:s30+$0xFFFFFF50];
	v31 =	vperm.xlane v17, v3;
	v20 =	vadd.f32 v25, v20  }
0x124: {  	s5 =	sadd.s32 $0x1, s29;
	s29 =	smov.u32 s31;
	vm0 =	veq.s32 v28, v4;
	v14 =	vld [tilespmem:s7+$0x40];
	v25 =	vadd.f32 v27, v29;
	v29 =	vperm.xlane v15, v3  }
0x125: {  	v27 =	vld [tilespmem:s7+$0xFFFFFFC0];
	v17 =	vadd.f32 v17, v31;
	v31 =	vmov s5;
	v33 =	vperm.xlane v20, v3  }
0x126: {  	v28 =	vld [tilespmem:s30+$0xFFFFFFC0];
	v9 =	vsel vm0, v25, v9;
	vm0 =	veq.s32 v31, v4;
	v25 =	vadd.f32 v15, v29  }
0x127: {  	v15 =	vld [tilespmem:s7+$0xB0];
	v9 =	vsel vm0, v17, v9;
	vm0 =	veq.s32 v32, v4;
	v17 =	vadd.f32 v20, v33  }
0x128: {  	v32 =	vld [tilespmem:s7+$0xFFFFFF40];
	v9 =	vsel vm0, v25, v9;
	vm0 =	veq.s32 v30, v4  }
0x129: {  	v34 =	vld [tilespmem:s30+$0xFFFFFF40];
	v9 =	vsel vm0, v17, v9  }
0x12a: {  	v17 =	vld [tilespmem:s7+$0x30]  }
0x12b: {  	v33 =	vld [tilespmem:s7+$0xFFFFFFB0]  }
0x12c: {  	v35 =	vld [tilespmem:s30+$0xFFFFFFB0]  }
0x12d: {  	v20 =	vld [tilespmem:s7+$0xA0]  }
0x12e: {  	v36 =	vld [tilespmem:s7+$0xFFFFFF30]  }
0x12f: {  	v39 =	vld [tilespmem:s30+$0xFFFFFF30]  }
0x130: {  	v25 =	vld [tilespmem:s7+$0x20]  }
0x131: {  	v37 =	vld [tilespmem:s7+$0xFFFFFFA0]  }
0x132: {  	v40 =	vld [tilespmem:s30+$0xFFFFFFA0]  }
0x133: {  	v29 =	vld [tilespmem:s7+$0x80]  }
0x134: {  	v30 =	vld [tilespmem:s30+$0x80]  }
0x135: {  	v31 =	vld [tilespmem:s7+$0x90]  }
0x136: {  	v43 =	vld [tilespmem:s7+$0xFFFFFF20]  }
0x137: {  	v45 =	vld [tilespmem:s30+$0xFFFFFF20]  }
0x138: {  	v38 =	vld [tilespmem:s7+$0x0]  }
0x139: {  	v41 =	vld [tilespmem:s30+$0x0]  }
0x13a: {  	v42 =	vld [tilespmem:s7+$0x10]  }
0x13b: {  	v44 =	vld [tilespmem:s7+$0xFFFFFF80]  }
0x13c: {  	v46 =	vld [tilespmem:s30+$0xFFFFFF80]  }
.Ltmp2:
0x13d: {  	v47 =	vld [tilespmem:s7+$0xFFFFFF90];
	(pc) =	sbr.rel @p0 .LBB2_8-.Ltmp2, $4  }
0x13e: {  	v48 =	vld [tilespmem:s7+$0xFFFFFF00]  }
0x13f: {  	v49 =	vld [tilespmem:s30+$0xFFFFFF00]  }
0x140: {  	v18 =	vmul.f32 v18, v16;
	v16 =	vmul.f32 v23, v22;
	v50 =	vld [tilespmem:s7+$0xFFFFFF10]  }
0x141: {  	s31 =	sadd.s32 $0x4, s31;
	v23 =	vmul.f32 v53, v52;
	v22 =	vmul.f32 v55, v54;
	v51 =	vld [tilespmem:s30+$0xFFFFFF10]  }
0x142: {  	v24 =	vmul.f32 v26, v24;
	v59 =	vld [tilespmem:s30+$0xFFFFFF90];
	v19 =	vmul.f32 v21, v19  }
0x143: {  	v21 =	vmul.f32 v34, v32;
	v27 =	vmul.f32 v28, v27;
	v60 =	vld [tilespmem:s30+$0x10]  }
0x144: {  	v32 =	vmul.f32 v39, v36;
	v33 =	vmul.f32 v35, v33;
	v61 =	vld [tilespmem:s30+$0x90]  }
0x145: {  	v62 =	vmul.f32 v45, v43;
	v63 =	vmul.f32 v40, v37;
	v52 =	vld [tilespmem:s30+$0x20]  }
0x146: {  	v55 =	vld [tilespmem:s30+$0xA0];
	v53 =	vmul.f32 v49, v48;
	v54 =	vmul.f32 v51, v50  }
0x147: {  	v44 =	vmul.f32 v46, v44;
	v56 =	vld [tilespmem:s30+$0x30];
	v26 =	vmul.f32 v59, v47  }
0x148: {  	v38 =	vmul.f32 v41, v38;
	v57 =	vld [tilespmem:s30+$0xB0];
	v28 =	vmul.f32 v60, v42;
	v39 =	vadd.f32 v54, v53  }
0x149: {  	v58 =	vld [tilespmem:s30+$0x40];
	v29 =	vmul.f32 v30, v29;
	v59 =	vmul.f32 v61, v31;
	v26 =	vadd.f32 v26, v44  }
0x14a: {  	v25 =	vmul.f32 v52, v25;
	v61 =	vld [tilespmem:s30+$0xC0];
	v28 =	vadd.f32 v28, v38;
	v60 =	vadd.f32 v62, v39  }
0x14b: {  	v20 =	vmul.f32 v55, v20;
	v29 =	vadd.f32 v59, v29;
	v62 =	vld [tilespmem:s30+$0x50];
	v26 =	vadd.f32 v63, v26  }
0x14c: {  	v36 =	vld [tilespmem:s30+$0xD0];
	v17 =	vmul.f32 v56, v17;
	v25 =	vadd.f32 v25, v28;
	v63 =	vadd.f32 v32, v60  }
0x14d: {  	v37 =	vld [tilespmem:s30+$0x60];
	v15 =	vmul.f32 v57, v15;
	v20 =	vadd.f32 v20, v29;
	v26 =	vadd.f32 v33, v26  }
0x14e: {  	v14 =	vmul.f32 v58, v14;
	v38 =	vld [tilespmem:s30+$0xE0];
	v17 =	vadd.f32 v17, v25;
	v21 =	vadd.f32 v21, v63  }
0x14f: {  	v39 =	vld [tilespmem:s30+$0x70];
	v13 =	vmul.f32 v61, v13;
	v15 =	vadd.f32 v15, v20;
	v26 =	vadd.f32 v27, v26  }
0x150: {  	v41 =	vld [tilespmem:s30+$0xF0];
	v14 =	vadd.f32 v14, v17;
	v12 =	vmul.f32 v62, v12;
	v40 =	vadd.f32 v24, v21  }
0x151: {  	v11 =	vmul.f32 v36, v11;
	v13 =	vadd.f32 v13, v15;
	v19 =	vadd.f32 v19, v26  }
0x152: {  	v10 =	vmul.f32 v37, v10;
	v12 =	vadd.f32 v12, v14;
	v42 =	vadd.f32 v22, v40  }
0x153: {  	v7 =	vmul.f32 v38, v7;
	v11 =	vadd.f32 v11, v13;
	v43 =	vadd.f32 v23, v19  }
0x154: {  	v8 =	vmul.f32 v39, v8;
	v10 =	vadd.f32 v10, v12;
	v44 =	vadd.f32 v18, v42  }
0x155: {  	v6 =	vmul.f32 v41, v6;
	v7 =	vadd.f32 v7, v11;
	v45 =	vadd.f32 v16, v43  }
0x156: {  	v8 =	vadd.f32 v8, v10;
	v46 =	vperm.xlane v44, v0  }
0x157: {  	v6 =	vadd.f32 v6, v7;
	v47 =	vperm.xlane v45, v0  }
0x158: {  	v48 =	vperm.xlane v8, v0;
	v7 =	vadd.f32 v44, v46  }
0x159: {  	v49 =	vperm.xlane v6, v0;
	v10 =	vadd.f32 v45, v47  }
0x15a: {  	v8 =	vadd.f32 v8, v48;
	v13 =	vperm.xlane v7, v1  }
0x15b: {  	v6 =	vadd.f32 v6, v49;
	v50 =	vperm.xlane v10, v1  }
0x15c: {  	v51 =	vperm.xlane v8, v1;
	v7 =	vadd.f32 v7, v13  }
0x15d: {  	v52 =	vperm.xlane v6, v1;
	v10 =	vadd.f32 v10, v50  }
0x15e: {  	v8 =	vadd.f32 v8, v51;
	v13 =	vperm.xlane v7, v2  }
0x15f: {  	v6 =	vadd.f32 v6, v52;
	v53 =	vperm.xlane v10, v2  }
0x160: {  	v54 =	vperm.xlane v8, v2;
	v7 =	vadd.f32 v7, v13  }
0x161: {  	s5 =	sadd.s32 $0x3, s29;
	v55 =	vmov s29;
	v56 =	vperm.xlane v6, v2;
	v10 =	vadd.f32 v10, v53  }
0x162: {  	v58 =	vmov s5;
	v8 =	vadd.f32 v8, v54;
	v57 =	vperm.xlane v7, v3  }
0x163: {  	s6 =	sadd.s32 $0x2, s29;
	vm0 =	veq.s32 v55, v4;
	v6 =	vadd.f32 v6, v56;
	v59 =	vperm.xlane v10, v3  }
0x164: {  	s31 =	sshll.u32 s18, $0x4;
	s18 =	sadd.s32 $0x1, s18;
	s30 =	sadd.s32 $0x1, s29;
	v60 =	vmov s6;
	v61 =	vperm.xlane v8, v3;
	v7 =	vadd.f32 v7, v57  }
0x165: {  	p0 =	sne.s32 s18, $0x6;
	v62 =	vmov s30;
	v63 =	vperm.xlane v6, v3;
	v10 =	vadd.f32 v10, v59  }
.Ltmp3:
0x166: {  	vm13 =	veq.s32 v62, v4;
	v8 =	vadd.f32 v8, v61;
	v7 =	vsel vm0, v7, v9;
	(pc) =	sbr.rel @p0 .LBB2_7-.Ltmp3, $4  }
0x167: {  	vm14 =	veq.s32 v60, v4;
	v6 =	vadd.f32 v6, v63;
	v7 =	vsel vm13, v10, v7  }
0x168: {  	vm15 =	veq.s32 v58, v4;
	v7 =	vsel vm14, v8, v7  }
0x169: {  	s5 =	sand.u32 $0x3FFFFFF0, s31;
	v6 =	vsel vm15, v6, v7  }
0x16a: {  	s26 =	sadd.s32 $0x800, s26;
	s28 =	sadd.s32 $0x800, s28;
	[tilespmem:v5+s5+$0x0 ss:$0x1] =	vst.idx.msk $0xffff, v6  }
0x16b: {  	s5 =	sadd.s32 $0x1E0, s16  }
0x16c: {  	[tilespmem:s13], [sflag:$0x2] =	stream.indirect.gather [hbm4b:s1+s10], $0x80, s5, s10, $0xb8;
	[tilespmem:$0x1F680] =	vst v63  }
0x16d: {  	s30 =	sadd.s32 $0x2960, s16  }
0x16e: {  	[tilespmem:s15], [sflag:$0x2] =	stream.indirect.gather [hbm4b:s1+s10], $0x80, s30, s10, $0xb8;
	[tilespmem:$0x1F680] =	vst v63  }
0x16f: {  	_ =	swait.ge [sflag:s24], $0x3000  }
0x170: {  	[sflag:s24] =	ssyncset.done $0x0  }
0x171: {  	[sflag:s24] =	ssyncadd.s32 $0xFFFFD000  }
0x172: {  	_ =	swait.ge [sflag:s24], $0x3000  }
0x173: {  	s31 =	sadd.s32 $0x1CFC0, s16;
	s18 =	simm.s32 $0x0;
	[sflag:s24] =	ssyncset.done $0x0  }
0x174: {  	s26 =	simm.s32 $0x14000;
	s28 =	simm.s32 $0x11000;
	v5 =	vmov s31;
	[sflag:s24] =	ssyncadd.s32 $0xFFFFD000  }
.LBB2_11:
0x175: {  	v6 =	vld [tilespmem:s28+$0xF0]  }
0x176: {  	v8 =	vld [tilespmem:s28+$0x70]  }
0x177: {  	v9 =	vld [tilespmem:s28+$0xFFFFFFF0]  }
0x178: {  	v16 =	vld [tilespmem:s26+$0xFFFFFFF0]  }
0x179: {  	v7 =	vld [tilespmem:s28+$0xE0]  }
0x17a: {  	v18 =	vld [tilespmem:s28+$0xFFFFFF70]  }
0x17b: {  	v22 =	vld [tilespmem:s26+$0xFFFFFF70]  }
0x17c: {  	v10 =	vld [tilespmem:s28+$0x60]  }
0x17d: {  	v23 =	vld [tilespmem:s28+$0xFFFFFFE0]  }
0x17e: {  	v52 =	vld [tilespmem:s26+$0xFFFFFFE0]  }
0x17f: {  	v11 =	vld [tilespmem:s28+$0xD0]  }
0x180: {  	v53 =	vld [tilespmem:s28+$0xFFFFFF60]  }
0x181: {  	v54 =	vld [tilespmem:s26+$0xFFFFFF60]  }
0x182: {  	v12 =	vld [tilespmem:s28+$0x50]  }
0x183: {  	v19 =	vld [tilespmem:s28+$0xFFFFFFD0]  }
0x184: {  	v21 =	vld [tilespmem:s26+$0xFFFFFFD0]  }
0x185: {  	v13 =	vld [tilespmem:s28+$0xC0]  }
0x186: {  	v24 =	vld [tilespmem:s28+$0xFFFFFF50]  }
0x187: {  	v26 =	vld [tilespmem:s26+$0xFFFFFF50]  }
0x188: {  	v14 =	vld [tilespmem:s28+$0x40]  }
0x189: {  	v27 =	vld [tilespmem:s28+$0xFFFFFFC0]  }
0x18a: {  	v28 =	vld [tilespmem:s26+$0xFFFFFFC0]  }
0x18b: {  	v15 =	vld [tilespmem:s28+$0xB0]  }
0x18c: {  	v32 =	vld [tilespmem:s28+$0xFFFFFF40]  }
0x18d: {  	v34 =	vld [tilespmem:s26+$0xFFFFFF40]  }
0x18e: {  	v17 =	vld [tilespmem:s28+$0x30]  }
0x18f: {  	v33 =	vld [tilespmem:s28+$0xFFFFFFB0]  }
0x190: {  	v35 =	vld [tilespmem:s26+$0xFFFFFFB0]  }
0x191: {  	v20 =	vld [tilespmem:s28+$0xA0]  }
0x192: {  	v36 =	vld [tilespmem:s28+$0xFFFFFF30]  }
0x193: {  	v39 =	vld [tilespmem:s26+$0xFFFFFF30]  }
0x194: {  	v25 =	vld [tilespmem:s28+$0x20]  }
0x195: {  	v37 =	vld [tilespmem:s28+$0xFFFFFFA0]  }
0x196: {  	v40 =	vld [tilespmem:s26+$0xFFFFFFA0]  }
0x197: {  	v29 =	vld [tilespmem:s28+$0x80]  }
0x198: {  	v30 =	vld [tilespmem:s26+$0x80]  }
0x199: {  	v31 =	vld [tilespmem:s28+$0x90]  }
0x19a: {  	v43 =	vld [tilespmem:s28+$0xFFFFFF20]  }
0x19b: {  	v45 =	vld [tilespmem:s26+$0xFFFFFF20]  }
0x19c: {  	v38 =	vld [tilespmem:s28+$0x0]  }
0x19d: {  	v41 =	vld [tilespmem:s26+$0x0]  }
0x19e: {  	v42 =	vld [tilespmem:s28+$0x10]  }
0x19f: {  	v44 =	vld [tilespmem:s28+$0xFFFFFF80]  }
0x1a0: {  	v46 =	vld [tilespmem:s26+$0xFFFFFF80]  }
0x1a1: {  	v47 =	vld [tilespmem:s28+$0xFFFFFF90]  }
0x1a2: {  	v48 =	vld [tilespmem:s28+$0xFFFFFF00]  }
0x1a3: {  	v49 =	vld [tilespmem:s26+$0xFFFFFF00]  }
0x1a4: {  	v50 =	vld [tilespmem:s28+$0xFFFFFF10];
	s31 =	simm.s32 $0x4;
	v18 =	vmul.f32 v22, v18;
	v16 =	vmul.f32 v16, v9  }
0x1a5: {  	v51 =	vld [tilespmem:s26+$0xFFFFFF10];
	s30 =	smov.u32 s26;
	s7 =	smov.u32 s28;
	s29 =	simm.s32 $0x0;
	v9 =	vimm.f32 $0.0e+00;
	v22 =	vmul.f32 v54, v53;
	v23 =	vmul.f32 v52, v23  }
.LBB2_12:
0x1a6: {  	p0 =	slt.u32 s31, $0xC;
	v24 =	vmul.f32 v26, v24;
	v26 =	vld [tilespmem:s30+$0xFFFFFF90];
	v19 =	vmul.f32 v21, v19  }
0x1a7: {  	v21 =	vmul.f32 v34, v32;
	v27 =	vmul.f32 v28, v27;
	v28 =	vld [tilespmem:s30+$0x10]  }
0x1a8: {  	v32 =	vmul.f32 v39, v36;
	v33 =	vmul.f32 v35, v33;
	v34 =	vld [tilespmem:s30+$0x90]  }
0x1a9: {  	v35 =	vmul.f32 v45, v43;
	v36 =	vmul.f32 v40, v37;
	v37 =	vld [tilespmem:s30+$0x20]  }
0x1aa: {  	v39 =	vmul.f32 v49, v48;
	v40 =	vmul.f32 v51, v50;
	v43 =	vld [tilespmem:s30+$0xA0]  }
0x1ab: {  	v44 =	vmul.f32 v46, v44;
	v26 =	vmul.f32 v26, v47;
	v45 =	vld [tilespmem:s30+$0x30]  }
0x1ac: {  	v38 =	vmul.f32 v41, v38;
	v39 =	vadd.f32 v40, v39;
	v28 =	vmul.f32 v28, v42;
	v40 =	vld [tilespmem:s30+$0xB0]  }
0x1ad: {  	v29 =	vmul.f32 v30, v29;
	v26 =	vadd.f32 v26, v44;
	v41 =	vld [tilespmem:s30+$0x40];
	v30 =	vmul.f32 v34, v31  }
0x1ae: {  	v31 =	vadd.f32 v35, v39;
	v28 =	vadd.f32 v28, v38;
	v25 =	vmul.f32 v37, v25;
	v34 =	vld [tilespmem:s30+$0xC0]  }
0x1af: {  	v26 =	vadd.f32 v36, v26;
	v35 =	vld [tilespmem:s30+$0x50];
	v29 =	vadd.f32 v30, v29;
	v20 =	vmul.f32 v43, v20  }
0x1b0: {  	v30 =	vadd.f32 v32, v31;
	v25 =	vadd.f32 v25, v28;
	v17 =	vmul.f32 v45, v17;
	v28 =	vld [tilespmem:s30+$0xD0]  }
0x1b1: {  	v26 =	vadd.f32 v33, v26;
	v31 =	vld [tilespmem:s30+$0x60];
	v20 =	vadd.f32 v20, v29;
	v15 =	vmul.f32 v40, v15  }
0x1b2: {  	v21 =	vadd.f32 v21, v30;
	v17 =	vadd.f32 v17, v25;
	v14 =	vmul.f32 v41, v14;
	v25 =	vld [tilespmem:s30+$0xE0]  }
0x1b3: {  	v26 =	vadd.f32 v27, v26;
	v27 =	vld [tilespmem:s30+$0x70];
	v15 =	vadd.f32 v15, v20;
	v13 =	vmul.f32 v34, v13  }
0x1b4: {  	s7 =	sadd.s32 $0x200, s7;
	v20 =	vadd.f32 v24, v21;
	v14 =	vadd.f32 v14, v17;
	v12 =	vmul.f32 v35, v12;
	v17 =	vld [tilespmem:s30+$0xF0]  }
0x1b5: {  	v21 =	vld [tilespmem:s7+$0xF0];
	v19 =	vadd.f32 v19, v26;
	v13 =	vadd.f32 v13, v15;
	v11 =	vmul.f32 v28, v11  }
0x1b6: {  	v15 =	vld [tilespmem:s7+$0x70];
	v20 =	vadd.f32 v22, v20;
	v12 =	vadd.f32 v12, v14;
	v10 =	vmul.f32 v31, v10  }
0x1b7: {  	s30 =	sadd.s32 $0x200, s30;
	v22 =	vld [tilespmem:s7+$0xFFFFFFF0];
	v14 =	vadd.f32 v23, v19;
	v11 =	vadd.f32 v11, v13;
	v13 =	vmul.f32 v25, v7  }
0x1b8: {  	v23 =	vld [tilespmem:s30+$0xFFFFFFF0];
	v19 =	vadd.f32 v18, v20;
	v10 =	vadd.f32 v10, v12;
	v24 =	vmul.f32 v27, v8  }
0x1b9: {  	v7 =	vld [tilespmem:s7+$0xE0];
	v12 =	vadd.f32 v16, v14;
	v11 =	vadd.f32 v13, v11;
	v13 =	vmul.f32 v17, v6  }
0x1ba: {  	v16 =	vld [tilespmem:s7+$0xFFFFFF70];
	v14 =	vperm.xlane v19, v0;
	v17 =	vadd.f32 v24, v10;
	v6 =	vmov v21  }
0x1bb: {  	v18 =	vld [tilespmem:s30+$0xFFFFFF70];
	v20 =	vperm.xlane v12, v0;
	v13 =	vadd.f32 v13, v11;
	v8 =	vmov v15  }
0x1bc: {  	v10 =	vld [tilespmem:s7+$0x60];
	v14 =	vadd.f32 v19, v14;
	v11 =	vperm.xlane v17, v0  }
0x1bd: {  	v52 =	vld [tilespmem:s7+$0xFFFFFFE0];
	v12 =	vadd.f32 v12, v20;
	v15 =	vperm.xlane v13, v0  }
0x1be: {  	v53 =	vld [tilespmem:s30+$0xFFFFFFE0];
	v19 =	vperm.xlane v14, v1;
	v17 =	vadd.f32 v17, v11  }
0x1bf: {  	v11 =	vld [tilespmem:s7+$0xD0];
	v20 =	vperm.xlane v12, v1;
	v13 =	vadd.f32 v13, v15  }
0x1c0: {  	v54 =	vld [tilespmem:s7+$0xFFFFFF60];
	v14 =	vadd.f32 v14, v19;
	v15 =	vperm.xlane v17, v1  }
0x1c1: {  	v55 =	vld [tilespmem:s30+$0xFFFFFF60];
	v20 =	vadd.f32 v12, v20;
	v21 =	vperm.xlane v13, v1  }
0x1c2: {  	v12 =	vld [tilespmem:s7+$0x50];
	v24 =	vperm.xlane v14, v2;
	v15 =	vadd.f32 v17, v15  }
0x1c3: {  	v19 =	vld [tilespmem:s7+$0xFFFFFFD0];
	v17 =	vperm.xlane v20, v2;
	v25 =	vadd.f32 v13, v21  }
0x1c4: {  	v21 =	vld [tilespmem:s30+$0xFFFFFFD0];
	v27 =	vadd.f32 v14, v24;
	v14 =	vperm.xlane v15, v2  }
0x1c5: {  	s5 =	sadd.s32 $0x3, s29;
	v28 =	vmov s29;
	v13 =	vld [tilespmem:s7+$0xC0];
	v17 =	vadd.f32 v20, v17;
	v20 =	vperm.xlane v25, v2  }
0x1c6: {  	s6 =	sadd.s32 $0x2, s29;
	v30 =	vmov s5;
	v24 =	vld [tilespmem:s7+$0xFFFFFF50];
	v29 =	vperm.xlane v27, v3;
	v15 =	vadd.f32 v15, v14  }
0x1c7: {  	v32 =	vmov s6;
	v26 =	vld [tilespmem:s30+$0xFFFFFF50];
	v31 =	vperm.xlane v17, v3;
	v20 =	vadd.f32 v25, v20  }
0x1c8: {  	s5 =	sadd.s32 $0x1, s29;
	s29 =	smov.u32 s31;
	vm0 =	veq.s32 v28, v4;
	v14 =	vld [tilespmem:s7+$0x40];
	v25 =	vadd.f32 v27, v29;
	v29 =	vperm.xlane v15, v3  }
0x1c9: {  	v27 =	vld [tilespmem:s7+$0xFFFFFFC0];
	v17 =	vadd.f32 v17, v31;
	v31 =	vmov s5;
	v33 =	vperm.xlane v20, v3  }
0x1ca: {  	v28 =	vld [tilespmem:s30+$0xFFFFFFC0];
	v9 =	vsel vm0, v25, v9;
	vm0 =	veq.s32 v31, v4;
	v25 =	vadd.f32 v15, v29  }
0x1cb: {  	v15 =	vld [tilespmem:s7+$0xB0];
	v9 =	vsel vm0, v17, v9;
	vm0 =	veq.s32 v32, v4;
	v17 =	vadd.f32 v20, v33  }
0x1cc: {  	v32 =	vld [tilespmem:s7+$0xFFFFFF40];
	v9 =	vsel vm0, v25, v9;
	vm0 =	veq.s32 v30, v4  }
0x1cd: {  	v34 =	vld [tilespmem:s30+$0xFFFFFF40];
	v9 =	vsel vm0, v17, v9  }
0x1ce: {  	v17 =	vld [tilespmem:s7+$0x30]  }
0x1cf: {  	v33 =	vld [tilespmem:s7+$0xFFFFFFB0]  }
0x1d0: {  	v35 =	vld [tilespmem:s30+$0xFFFFFFB0]  }
0x1d1: {  	v20 =	vld [tilespmem:s7+$0xA0]  }
0x1d2: {  	v36 =	vld [tilespmem:s7+$0xFFFFFF30]  }
0x1d3: {  	v39 =	vld [tilespmem:s30+$0xFFFFFF30]  }
0x1d4: {  	v25 =	vld [tilespmem:s7+$0x20]  }
0x1d5: {  	v37 =	vld [tilespmem:s7+$0xFFFFFFA0]  }
0x1d6: {  	v40 =	vld [tilespmem:s30+$0xFFFFFFA0]  }
0x1d7: {  	v29 =	vld [tilespmem:s7+$0x80]  }
0x1d8: {  	v30 =	vld [tilespmem:s30+$0x80]  }
0x1d9: {  	v31 =	vld [tilespmem:s7+$0x90]  }
0x1da: {  	v43 =	vld [tilespmem:s7+$0xFFFFFF20]  }
0x1db: {  	v45 =	vld [tilespmem:s30+$0xFFFFFF20]  }
0x1dc: {  	v38 =	vld [tilespmem:s7+$0x0]  }
0x1dd: {  	v41 =	vld [tilespmem:s30+$0x0]  }
0x1de: {  	v42 =	vld [tilespmem:s7+$0x10]  }
0x1df: {  	v44 =	vld [tilespmem:s7+$0xFFFFFF80]  }
0x1e0: {  	v46 =	vld [tilespmem:s30+$0xFFFFFF80]  }
.Ltmp4:
0x1e1: {  	v47 =	vld [tilespmem:s7+$0xFFFFFF90];
	(pc) =	sbr.rel @p0 .LBB2_12-.Ltmp4, $4  }
0x1e2: {  	v48 =	vld [tilespmem:s7+$0xFFFFFF00]  }
0x1e3: {  	v49 =	vld [tilespmem:s30+$0xFFFFFF00]  }
0x1e4: {  	v18 =	vmul.f32 v18, v16;
	v16 =	vmul.f32 v23, v22;
	v50 =	vld [tilespmem:s7+$0xFFFFFF10]  }
0x1e5: {  	s31 =	sadd.s32 $0x4, s31;
	v23 =	vmul.f32 v53, v52;
	v22 =	vmul.f32 v55, v54;
	v51 =	vld [tilespmem:s30+$0xFFFFFF10]  }
0x1e6: {  	v24 =	vmul.f32 v26, v24;
	v59 =	vld [tilespmem:s30+$0xFFFFFF90];
	v19 =	vmul.f32 v21, v19  }
0x1e7: {  	v21 =	vmul.f32 v34, v32;
	v27 =	vmul.f32 v28, v27;
	v60 =	vld [tilespmem:s30+$0x10]  }
0x1e8: {  	v32 =	vmul.f32 v39, v36;
	v33 =	vmul.f32 v35, v33;
	v61 =	vld [tilespmem:s30+$0x90]  }
0x1e9: {  	v62 =	vmul.f32 v45, v43;
	v63 =	vmul.f32 v40, v37;
	v52 =	vld [tilespmem:s30+$0x20]  }
0x1ea: {  	v55 =	vld [tilespmem:s30+$0xA0];
	v53 =	vmul.f32 v49, v48;
	v54 =	vmul.f32 v51, v50  }
0x1eb: {  	v44 =	vmul.f32 v46, v44;
	v56 =	vld [tilespmem:s30+$0x30];
	v26 =	vmul.f32 v59, v47  }
0x1ec: {  	v38 =	vmul.f32 v41, v38;
	v57 =	vld [tilespmem:s30+$0xB0];
	v28 =	vmul.f32 v60, v42;
	v39 =	vadd.f32 v54, v53  }
0x1ed: {  	v58 =	vld [tilespmem:s30+$0x40];
	v29 =	vmul.f32 v30, v29;
	v59 =	vmul.f32 v61, v31;
	v26 =	vadd.f32 v26, v44  }
0x1ee: {  	v25 =	vmul.f32 v52, v25;
	v61 =	vld [tilespmem:s30+$0xC0];
	v28 =	vadd.f32 v28, v38;
	v60 =	vadd.f32 v62, v39  }
0x1ef: {  	v20 =	vmul.f32 v55, v20;
	v29 =	vadd.f32 v59, v29;
	v62 =	vld [tilespmem:s30+$0x50];
	v26 =	vadd.f32 v63, v26  }
0x1f0: {  	v36 =	vld [tilespmem:s30+$0xD0];
	v17 =	vmul.f32 v56, v17;
	v25 =	vadd.f32 v25, v28;
	v63 =	vadd.f32 v32, v60  }
0x1f1: {  	v37 =	vld [tilespmem:s30+$0x60];
	v15 =	vmul.f32 v57, v15;
	v20 =	vadd.f32 v20, v29;
	v26 =	vadd.f32 v33, v26  }
0x1f2: {  	v14 =	vmul.f32 v58, v14;
	v38 =	vld [tilespmem:s30+$0xE0];
	v17 =	vadd.f32 v17, v25;
	v21 =	vadd.f32 v21, v63  }
0x1f3: {  	v39 =	vld [tilespmem:s30+$0x70];
	v13 =	vmul.f32 v61, v13;
	v15 =	vadd.f32 v15, v20;
	v26 =	vadd.f32 v27, v26  }
0x1f4: {  	v41 =	vld [tilespmem:s30+$0xF0];
	v14 =	vadd.f32 v14, v17;
	v12 =	vmul.f32 v62, v12;
	v40 =	vadd.f32 v24, v21  }
0x1f5: {  	v11 =	vmul.f32 v36, v11;
	v13 =	vadd.f32 v13, v15;
	v19 =	vadd.f32 v19, v26  }
0x1f6: {  	v10 =	vmul.f32 v37, v10;
	v12 =	vadd.f32 v12, v14;
	v42 =	vadd.f32 v22, v40  }
0x1f7: {  	v7 =	vmul.f32 v38, v7;
	v11 =	vadd.f32 v11, v13;
	v43 =	vadd.f32 v23, v19  }
0x1f8: {  	v8 =	vmul.f32 v39, v8;
	v10 =	vadd.f32 v10, v12;
	v44 =	vadd.f32 v18, v42  }
0x1f9: {  	v6 =	vmul.f32 v41, v6;
	v7 =	vadd.f32 v7, v11;
	v45 =	vadd.f32 v16, v43  }
0x1fa: {  	v8 =	vadd.f32 v8, v10;
	v46 =	vperm.xlane v44, v0  }
0x1fb: {  	v6 =	vadd.f32 v6, v7;
	v47 =	vperm.xlane v45, v0  }
0x1fc: {  	v48 =	vperm.xlane v8, v0;
	v7 =	vadd.f32 v44, v46  }
0x1fd: {  	v49 =	vperm.xlane v6, v0;
	v10 =	vadd.f32 v45, v47  }
0x1fe: {  	v8 =	vadd.f32 v8, v48;
	v13 =	vperm.xlane v7, v1  }
0x1ff: {  	v6 =	vadd.f32 v6, v49;
	v50 =	vperm.xlane v10, v1  }
0x200: {  	v51 =	vperm.xlane v8, v1;
	v7 =	vadd.f32 v7, v13  }
0x201: {  	v52 =	vperm.xlane v6, v1;
	v10 =	vadd.f32 v10, v50  }
0x202: {  	v8 =	vadd.f32 v8, v51;
	v13 =	vperm.xlane v7, v2  }
0x203: {  	v6 =	vadd.f32 v6, v52;
	v53 =	vperm.xlane v10, v2  }
0x204: {  	v54 =	vperm.xlane v8, v2;
	v7 =	vadd.f32 v7, v13  }
0x205: {  	s5 =	sadd.s32 $0x3, s29;
	v55 =	vmov s29;
	v56 =	vperm.xlane v6, v2;
	v10 =	vadd.f32 v10, v53  }
0x206: {  	v58 =	vmov s5;
	v8 =	vadd.f32 v8, v54;
	v57 =	vperm.xlane v7, v3  }
0x207: {  	s6 =	sadd.s32 $0x2, s29;
	vm0 =	veq.s32 v55, v4;
	v6 =	vadd.f32 v6, v56;
	v59 =	vperm.xlane v10, v3  }
0x208: {  	s31 =	sshll.u32 s18, $0x4;
	s18 =	sadd.s32 $0x1, s18;
	s30 =	sadd.s32 $0x1, s29;
	v60 =	vmov s6;
	v61 =	vperm.xlane v8, v3;
	v7 =	vadd.f32 v7, v57  }
0x209: {  	p0 =	sne.s32 s18, $0x6;
	v62 =	vmov s30;
	v63 =	vperm.xlane v6, v3;
	v10 =	vadd.f32 v10, v59  }
.Ltmp5:
0x20a: {  	vm13 =	veq.s32 v62, v4;
	v8 =	vadd.f32 v8, v61;
	v7 =	vsel vm0, v7, v9;
	(pc) =	sbr.rel @p0 .LBB2_11-.Ltmp5, $4  }
0x20b: {  	vm14 =	veq.s32 v60, v4;
	v6 =	vadd.f32 v6, v63;
	v7 =	vsel vm13, v10, v7  }
0x20c: {  	vm15 =	veq.s32 v58, v4;
	v7 =	vsel vm14, v8, v7  }
0x20d: {  	s5 =	sand.u32 $0x3FFFFFF0, s31;
	v6 =	vsel vm15, v6, v7  }
0x20e: {  	s26 =	sadd.s32 $0x800, s26;
	s28 =	sadd.s32 $0x800, s28;
	[tilespmem:v5+s5+$0x0 ss:$0x1] =	vst.idx.msk $0xffff, v6  }
0x20f: {  	s5 =	sadd.s32 $0x240, s16  }
0x210: {  	[tilespmem:s17], [sflag:$0x3] =	stream.indirect.gather [hbm4b:s1+s10], $0x80, s5, s10, $0xb8;
	[tilespmem:$0x1F680] =	vst v63  }
0x211: {  	s30 =	sadd.s32 $0x29C0, s16  }
0x212: {  	[tilespmem:s19], [sflag:$0x3] =	stream.indirect.gather [hbm4b:s1+s10], $0x80, s30, s10, $0xb8;
	[tilespmem:$0x1F680] =	vst v63  }
0x213: {  	_ =	swait.ge [sflag:s25], $0x3000  }
0x214: {  	[sflag:s25] =	ssyncset.done $0x0  }
0x215: {  	[sflag:s25] =	ssyncadd.s32 $0xFFFFD000  }
0x216: {  	_ =	swait.ge [sflag:s25], $0x3000  }
0x217: {  	s31 =	sadd.s32 $0x1CF00, s14;
	s14 =	simm.s32 $0x0;
	[sflag:s25] =	ssyncset.done $0x0  }
0x218: {  	s16 =	simm.s32 $0x1A000;
	s18 =	simm.s32 $0x17000;
	v5 =	vmov s31;
	[sflag:s25] =	ssyncadd.s32 $0xFFFFD000  }
.LBB2_15:
0x219: {  	v6 =	vld [tilespmem:s18+$0xF0]  }
0x21a: {  	v8 =	vld [tilespmem:s18+$0x70]  }
0x21b: {  	v9 =	vld [tilespmem:s18+$0xFFFFFFF0]  }
0x21c: {  	v16 =	vld [tilespmem:s16+$0xFFFFFFF0]  }
0x21d: {  	v7 =	vld [tilespmem:s18+$0xE0]  }
0x21e: {  	v18 =	vld [tilespmem:s18+$0xFFFFFF70]  }
0x21f: {  	v22 =	vld [tilespmem:s16+$0xFFFFFF70]  }
0x220: {  	v10 =	vld [tilespmem:s18+$0x60]  }
0x221: {  	v23 =	vld [tilespmem:s18+$0xFFFFFFE0]  }
0x222: {  	v52 =	vld [tilespmem:s16+$0xFFFFFFE0]  }
0x223: {  	v11 =	vld [tilespmem:s18+$0xD0]  }
0x224: {  	v53 =	vld [tilespmem:s18+$0xFFFFFF60]  }
0x225: {  	v54 =	vld [tilespmem:s16+$0xFFFFFF60]  }
0x226: {  	v12 =	vld [tilespmem:s18+$0x50]  }
0x227: {  	v19 =	vld [tilespmem:s18+$0xFFFFFFD0]  }
0x228: {  	v21 =	vld [tilespmem:s16+$0xFFFFFFD0]  }
0x229: {  	v13 =	vld [tilespmem:s18+$0xC0]  }
0x22a: {  	v24 =	vld [tilespmem:s18+$0xFFFFFF50]  }
0x22b: {  	v26 =	vld [tilespmem:s16+$0xFFFFFF50]  }
0x22c: {  	v14 =	vld [tilespmem:s18+$0x40]  }
0x22d: {  	v27 =	vld [tilespmem:s18+$0xFFFFFFC0]  }
0x22e: {  	v28 =	vld [tilespmem:s16+$0xFFFFFFC0]  }
0x22f: {  	v15 =	vld [tilespmem:s18+$0xB0]  }
0x230: {  	v32 =	vld [tilespmem:s18+$0xFFFFFF40]  }
0x231: {  	v34 =	vld [tilespmem:s16+$0xFFFFFF40]  }
0x232: {  	v17 =	vld [tilespmem:s18+$0x30]  }
0x233: {  	v33 =	vld [tilespmem:s18+$0xFFFFFFB0]  }
0x234: {  	v35 =	vld [tilespmem:s16+$0xFFFFFFB0]  }
0x235: {  	v20 =	vld [tilespmem:s18+$0xA0]  }
0x236: {  	v36 =	vld [tilespmem:s18+$0xFFFFFF30]  }
0x237: {  	v39 =	vld [tilespmem:s16+$0xFFFFFF30]  }
0x238: {  	v25 =	vld [tilespmem:s18+$0x20]  }
0x239: {  	v37 =	vld [tilespmem:s18+$0xFFFFFFA0]  }
0x23a: {  	v40 =	vld [tilespmem:s16+$0xFFFFFFA0]  }
0x23b: {  	v29 =	vld [tilespmem:s18+$0x80]  }
0x23c: {  	v30 =	vld [tilespmem:s16+$0x80]  }
0x23d: {  	v31 =	vld [tilespmem:s18+$0x90]  }
0x23e: {  	v43 =	vld [tilespmem:s18+$0xFFFFFF20]  }
0x23f: {  	v45 =	vld [tilespmem:s16+$0xFFFFFF20]  }
0x240: {  	v38 =	vld [tilespmem:s18+$0x0]  }
0x241: {  	v41 =	vld [tilespmem:s16+$0x0]  }
0x242: {  	v42 =	vld [tilespmem:s18+$0x10]  }
0x243: {  	v44 =	vld [tilespmem:s18+$0xFFFFFF80]  }
0x244: {  	v46 =	vld [tilespmem:s16+$0xFFFFFF80]  }
0x245: {  	v47 =	vld [tilespmem:s18+$0xFFFFFF90]  }
0x246: {  	v48 =	vld [tilespmem:s18+$0xFFFFFF00]  }
0x247: {  	v49 =	vld [tilespmem:s16+$0xFFFFFF00]  }
0x248: {  	v50 =	vld [tilespmem:s18+$0xFFFFFF10];
	s29 =	simm.s32 $0x4;
	v18 =	vmul.f32 v22, v18;
	v16 =	vmul.f32 v16, v9  }
0x249: {  	v51 =	vld [tilespmem:s16+$0xFFFFFF10];
	s28 =	smov.u32 s16;
	s7 =	smov.u32 s18;
	s26 =	simm.s32 $0x0;
	v9 =	vimm.f32 $0.0e+00;
	v22 =	vmul.f32 v54, v53;
	v23 =	vmul.f32 v52, v23  }
.LBB2_16:
0x24a: {  	p0 =	slt.u32 s29, $0xC;
	v24 =	vmul.f32 v26, v24;
	v26 =	vld [tilespmem:s28+$0xFFFFFF90];
	v19 =	vmul.f32 v21, v19  }
0x24b: {  	v21 =	vmul.f32 v34, v32;
	v27 =	vmul.f32 v28, v27;
	v28 =	vld [tilespmem:s28+$0x10]  }
0x24c: {  	v32 =	vmul.f32 v39, v36;
	v33 =	vmul.f32 v35, v33;
	v34 =	vld [tilespmem:s28+$0x90]  }
0x24d: {  	v35 =	vmul.f32 v45, v43;
	v36 =	vmul.f32 v40, v37;
	v37 =	vld [tilespmem:s28+$0x20]  }
0x24e: {  	v39 =	vmul.f32 v49, v48;
	v40 =	vmul.f32 v51, v50;
	v43 =	vld [tilespmem:s28+$0xA0]  }
0x24f: {  	v44 =	vmul.f32 v46, v44;
	v26 =	vmul.f32 v26, v47;
	v45 =	vld [tilespmem:s28+$0x30]  }
0x250: {  	v38 =	vmul.f32 v41, v38;
	v39 =	vadd.f32 v40, v39;
	v28 =	vmul.f32 v28, v42;
	v40 =	vld [tilespmem:s28+$0xB0]  }
0x251: {  	v29 =	vmul.f32 v30, v29;
	v26 =	vadd.f32 v26, v44;
	v41 =	vld [tilespmem:s28+$0x40];
	v30 =	vmul.f32 v34, v31  }
0x252: {  	v31 =	vadd.f32 v35, v39;
	v28 =	vadd.f32 v28, v38;
	v25 =	vmul.f32 v37, v25;
	v34 =	vld [tilespmem:s28+$0xC0]  }
0x253: {  	v26 =	vadd.f32 v36, v26;
	v35 =	vld [tilespmem:s28+$0x50];
	v29 =	vadd.f32 v30, v29;
	v20 =	vmul.f32 v43, v20  }
0x254: {  	v30 =	vadd.f32 v32, v31;
	v25 =	vadd.f32 v25, v28;
	v17 =	vmul.f32 v45, v17;
	v28 =	vld [tilespmem:s28+$0xD0]  }
0x255: {  	v26 =	vadd.f32 v33, v26;
	v31 =	vld [tilespmem:s28+$0x60];
	v20 =	vadd.f32 v20, v29;
	v15 =	vmul.f32 v40, v15  }
0x256: {  	v21 =	vadd.f32 v21, v30;
	v17 =	vadd.f32 v17, v25;
	v14 =	vmul.f32 v41, v14;
	v25 =	vld [tilespmem:s28+$0xE0]  }
0x257: {  	v26 =	vadd.f32 v27, v26;
	v27 =	vld [tilespmem:s28+$0x70];
	v15 =	vadd.f32 v15, v20;
	v13 =	vmul.f32 v34, v13  }
0x258: {  	s7 =	sadd.s32 $0x200, s7;
	v20 =	vadd.f32 v24, v21;
	v14 =	vadd.f32 v14, v17;
	v12 =	vmul.f32 v35, v12;
	v17 =	vld [tilespmem:s28+$0xF0]  }
0x259: {  	v21 =	vld [tilespmem:s7+$0xF0];
	v19 =	vadd.f32 v19, v26;
	v13 =	vadd.f32 v13, v15;
	v11 =	vmul.f32 v28, v11  }
0x25a: {  	v15 =	vld [tilespmem:s7+$0x70];
	v20 =	vadd.f32 v22, v20;
	v12 =	vadd.f32 v12, v14;
	v10 =	vmul.f32 v31, v10  }
0x25b: {  	s28 =	sadd.s32 $0x200, s28;
	v22 =	vld [tilespmem:s7+$0xFFFFFFF0];
	v14 =	vadd.f32 v23, v19;
	v11 =	vadd.f32 v11, v13;
	v13 =	vmul.f32 v25, v7  }
0x25c: {  	v23 =	vld [tilespmem:s28+$0xFFFFFFF0];
	v19 =	vadd.f32 v18, v20;
	v10 =	vadd.f32 v10, v12;
	v24 =	vmul.f32 v27, v8  }
0x25d: {  	v7 =	vld [tilespmem:s7+$0xE0];
	v12 =	vadd.f32 v16, v14;
	v11 =	vadd.f32 v13, v11;
	v13 =	vmul.f32 v17, v6  }
0x25e: {  	v16 =	vld [tilespmem:s7+$0xFFFFFF70];
	v14 =	vperm.xlane v19, v0;
	v17 =	vadd.f32 v24, v10;
	v6 =	vmov v21  }
0x25f: {  	v18 =	vld [tilespmem:s28+$0xFFFFFF70];
	v20 =	vperm.xlane v12, v0;
	v13 =	vadd.f32 v13, v11;
	v8 =	vmov v15  }
0x260: {  	v10 =	vld [tilespmem:s7+$0x60];
	v14 =	vadd.f32 v19, v14;
	v11 =	vperm.xlane v17, v0  }
0x261: {  	v52 =	vld [tilespmem:s7+$0xFFFFFFE0];
	v12 =	vadd.f32 v12, v20;
	v15 =	vperm.xlane v13, v0  }
0x262: {  	v53 =	vld [tilespmem:s28+$0xFFFFFFE0];
	v19 =	vperm.xlane v14, v1;
	v17 =	vadd.f32 v17, v11  }
0x263: {  	v11 =	vld [tilespmem:s7+$0xD0];
	v20 =	vperm.xlane v12, v1;
	v13 =	vadd.f32 v13, v15  }
0x264: {  	v54 =	vld [tilespmem:s7+$0xFFFFFF60];
	v14 =	vadd.f32 v14, v19;
	v15 =	vperm.xlane v17, v1  }
0x265: {  	v55 =	vld [tilespmem:s28+$0xFFFFFF60];
	v20 =	vadd.f32 v12, v20;
	v21 =	vperm.xlane v13, v1  }
0x266: {  	v12 =	vld [tilespmem:s7+$0x50];
	v24 =	vperm.xlane v14, v2;
	v15 =	vadd.f32 v17, v15  }
0x267: {  	v19 =	vld [tilespmem:s7+$0xFFFFFFD0];
	v17 =	vperm.xlane v20, v2;
	v25 =	vadd.f32 v13, v21  }
0x268: {  	v21 =	vld [tilespmem:s28+$0xFFFFFFD0];
	v27 =	vadd.f32 v14, v24;
	v14 =	vperm.xlane v15, v2  }
0x269: {  	s5 =	sadd.s32 $0x3, s26;
	v28 =	vmov s26;
	v13 =	vld [tilespmem:s7+$0xC0];
	v17 =	vadd.f32 v20, v17;
	v20 =	vperm.xlane v25, v2  }
0x26a: {  	s6 =	sadd.s32 $0x2, s26;
	v30 =	vmov s5;
	v24 =	vld [tilespmem:s7+$0xFFFFFF50];
	v29 =	vperm.xlane v27, v3;
	v15 =	vadd.f32 v15, v14  }
0x26b: {  	v32 =	vmov s6;
	v26 =	vld [tilespmem:s28+$0xFFFFFF50];
	v31 =	vperm.xlane v17, v3;
	v20 =	vadd.f32 v25, v20  }
0x26c: {  	s5 =	sadd.s32 $0x1, s26;
	s26 =	smov.u32 s29;
	vm0 =	veq.s32 v28, v4;
	v14 =	vld [tilespmem:s7+$0x40];
	v25 =	vadd.f32 v27, v29;
	v29 =	vperm.xlane v15, v3  }
0x26d: {  	v27 =	vld [tilespmem:s7+$0xFFFFFFC0];
	v17 =	vadd.f32 v17, v31;
	v31 =	vmov s5;
	v33 =	vperm.xlane v20, v3  }
0x26e: {  	v28 =	vld [tilespmem:s28+$0xFFFFFFC0];
	v9 =	vsel vm0, v25, v9;
	vm0 =	veq.s32 v31, v4;
	v25 =	vadd.f32 v15, v29  }
0x26f: {  	v15 =	vld [tilespmem:s7+$0xB0];
	v9 =	vsel vm0, v17, v9;
	vm0 =	veq.s32 v32, v4;
	v17 =	vadd.f32 v20, v33  }
0x270: {  	v32 =	vld [tilespmem:s7+$0xFFFFFF40];
	v9 =	vsel vm0, v25, v9;
	vm0 =	veq.s32 v30, v4  }
0x271: {  	v34 =	vld [tilespmem:s28+$0xFFFFFF40];
	v9 =	vsel vm0, v17, v9  }
0x272: {  	v17 =	vld [tilespmem:s7+$0x30]  }
0x273: {  	v33 =	vld [tilespmem:s7+$0xFFFFFFB0]  }
0x274: {  	v35 =	vld [tilespmem:s28+$0xFFFFFFB0]  }
0x275: {  	v20 =	vld [tilespmem:s7+$0xA0]  }
0x276: {  	v36 =	vld [tilespmem:s7+$0xFFFFFF30]  }
0x277: {  	v39 =	vld [tilespmem:s28+$0xFFFFFF30]  }
0x278: {  	v25 =	vld [tilespmem:s7+$0x20]  }
0x279: {  	v37 =	vld [tilespmem:s7+$0xFFFFFFA0]  }
0x27a: {  	v40 =	vld [tilespmem:s28+$0xFFFFFFA0]  }
0x27b: {  	v29 =	vld [tilespmem:s7+$0x80]  }
0x27c: {  	v30 =	vld [tilespmem:s28+$0x80]  }
0x27d: {  	v31 =	vld [tilespmem:s7+$0x90]  }
0x27e: {  	v43 =	vld [tilespmem:s7+$0xFFFFFF20]  }
0x27f: {  	v45 =	vld [tilespmem:s28+$0xFFFFFF20]  }
0x280: {  	v38 =	vld [tilespmem:s7+$0x0]  }
0x281: {  	v41 =	vld [tilespmem:s28+$0x0]  }
0x282: {  	v42 =	vld [tilespmem:s7+$0x10]  }
0x283: {  	v44 =	vld [tilespmem:s7+$0xFFFFFF80]  }
0x284: {  	v46 =	vld [tilespmem:s28+$0xFFFFFF80]  }
.Ltmp6:
0x285: {  	v47 =	vld [tilespmem:s7+$0xFFFFFF90];
	(pc) =	sbr.rel @p0 .LBB2_16-.Ltmp6, $4  }
0x286: {  	v48 =	vld [tilespmem:s7+$0xFFFFFF00]  }
0x287: {  	v49 =	vld [tilespmem:s28+$0xFFFFFF00]  }
0x288: {  	v18 =	vmul.f32 v18, v16;
	v16 =	vmul.f32 v23, v22;
	v50 =	vld [tilespmem:s7+$0xFFFFFF10]  }
0x289: {  	s29 =	sadd.s32 $0x4, s29;
	v23 =	vmul.f32 v53, v52;
	v22 =	vmul.f32 v55, v54;
	v51 =	vld [tilespmem:s28+$0xFFFFFF10]  }
0x28a: {  	v24 =	vmul.f32 v26, v24;
	v59 =	vld [tilespmem:s28+$0xFFFFFF90];
	v19 =	vmul.f32 v21, v19  }
0x28b: {  	v21 =	vmul.f32 v34, v32;
	v27 =	vmul.f32 v28, v27;
	v60 =	vld [tilespmem:s28+$0x10]  }
0x28c: {  	v32 =	vmul.f32 v39, v36;
	v33 =	vmul.f32 v35, v33;
	v61 =	vld [tilespmem:s28+$0x90]  }
0x28d: {  	v62 =	vmul.f32 v45, v43;
	v63 =	vmul.f32 v40, v37;
	v52 =	vld [tilespmem:s28+$0x20]  }
0x28e: {  	v55 =	vld [tilespmem:s28+$0xA0];
	v53 =	vmul.f32 v49, v48;
	v54 =	vmul.f32 v51, v50  }
0x28f: {  	v44 =	vmul.f32 v46, v44;
	v56 =	vld [tilespmem:s28+$0x30];
	v26 =	vmul.f32 v59, v47  }
0x290: {  	v38 =	vmul.f32 v41, v38;
	v57 =	vld [tilespmem:s28+$0xB0];
	v28 =	vmul.f32 v60, v42;
	v39 =	vadd.f32 v54, v53  }
0x291: {  	v58 =	vld [tilespmem:s28+$0x40];
	v29 =	vmul.f32 v30, v29;
	v59 =	vmul.f32 v61, v31;
	v26 =	vadd.f32 v26, v44  }
0x292: {  	v25 =	vmul.f32 v52, v25;
	v61 =	vld [tilespmem:s28+$0xC0];
	v28 =	vadd.f32 v28, v38;
	v60 =	vadd.f32 v62, v39  }
0x293: {  	v20 =	vmul.f32 v55, v20;
	v29 =	vadd.f32 v59, v29;
	v62 =	vld [tilespmem:s28+$0x50];
	v26 =	vadd.f32 v63, v26  }
0x294: {  	v36 =	vld [tilespmem:s28+$0xD0];
	v17 =	vmul.f32 v56, v17;
	v25 =	vadd.f32 v25, v28;
	v63 =	vadd.f32 v32, v60  }
0x295: {  	v37 =	vld [tilespmem:s28+$0x60];
	v15 =	vmul.f32 v57, v15;
	v20 =	vadd.f32 v20, v29;
	v26 =	vadd.f32 v33, v26  }
0x296: {  	v14 =	vmul.f32 v58, v14;
	v38 =	vld [tilespmem:s28+$0xE0];
	v17 =	vadd.f32 v17, v25;
	v21 =	vadd.f32 v21, v63  }
0x297: {  	v39 =	vld [tilespmem:s28+$0x70];
	v13 =	vmul.f32 v61, v13;
	v15 =	vadd.f32 v15, v20;
	v26 =	vadd.f32 v27, v26  }
0x298: {  	v41 =	vld [tilespmem:s28+$0xF0];
	v14 =	vadd.f32 v14, v17;
	v12 =	vmul.f32 v62, v12;
	v40 =	vadd.f32 v24, v21  }
0x299: {  	v11 =	vmul.f32 v36, v11;
	v13 =	vadd.f32 v13, v15;
	v19 =	vadd.f32 v19, v26  }
0x29a: {  	v10 =	vmul.f32 v37, v10;
	v12 =	vadd.f32 v12, v14;
	v42 =	vadd.f32 v22, v40  }
0x29b: {  	v7 =	vmul.f32 v38, v7;
	v11 =	vadd.f32 v11, v13;
	v43 =	vadd.f32 v23, v19  }
0x29c: {  	v8 =	vmul.f32 v39, v8;
	v10 =	vadd.f32 v10, v12;
	v44 =	vadd.f32 v18, v42  }
0x29d: {  	v6 =	vmul.f32 v41, v6;
	v7 =	vadd.f32 v7, v11;
	v45 =	vadd.f32 v16, v43  }
0x29e: {  	v8 =	vadd.f32 v8, v10;
	v46 =	vperm.xlane v44, v0  }
0x29f: {  	v6 =	vadd.f32 v6, v7;
	v47 =	vperm.xlane v45, v0  }
0x2a0: {  	v48 =	vperm.xlane v8, v0;
	v7 =	vadd.f32 v44, v46  }
0x2a1: {  	v49 =	vperm.xlane v6, v0;
	v10 =	vadd.f32 v45, v47  }
0x2a2: {  	v8 =	vadd.f32 v8, v48;
	v13 =	vperm.xlane v7, v1  }
0x2a3: {  	v6 =	vadd.f32 v6, v49;
	v50 =	vperm.xlane v10, v1  }
0x2a4: {  	v51 =	vperm.xlane v8, v1;
	v7 =	vadd.f32 v7, v13  }
0x2a5: {  	v52 =	vperm.xlane v6, v1;
	v10 =	vadd.f32 v10, v50  }
0x2a6: {  	v8 =	vadd.f32 v8, v51;
	v13 =	vperm.xlane v7, v2  }
0x2a7: {  	v6 =	vadd.f32 v6, v52;
	v53 =	vperm.xlane v10, v2  }
0x2a8: {  	v54 =	vperm.xlane v8, v2;
	v7 =	vadd.f32 v7, v13  }
0x2a9: {  	s5 =	sadd.s32 $0x3, s26;
	v55 =	vmov s26;
	v56 =	vperm.xlane v6, v2;
	v10 =	vadd.f32 v10, v53  }
0x2aa: {  	v58 =	vmov s5;
	v8 =	vadd.f32 v8, v54;
	v57 =	vperm.xlane v7, v3  }
0x2ab: {  	s6 =	sadd.s32 $0x2, s26;
	vm0 =	veq.s32 v55, v4;
	v6 =	vadd.f32 v6, v56;
	v59 =	vperm.xlane v10, v3  }
0x2ac: {  	s30 =	sadd.s32 $0x1, s26;
	s31 =	sshll.u32 s14, $0x4;
	s14 =	sadd.s32 $0x1, s14;
	v60 =	vmov s6;
	v61 =	vperm.xlane v8, v3;
	v7 =	vadd.f32 v7, v57  }
0x2ad: {  	p0 =	sne.s32 s14, $0x6;
	v62 =	vmov s30;
	v63 =	vperm.xlane v6, v3;
	v10 =	vadd.f32 v10, v59  }
.Ltmp7:
0x2ae: {  	vm13 =	veq.s32 v62, v4;
	v8 =	vadd.f32 v8, v61;
	v7 =	vsel vm0, v7, v9;
	(pc) =	sbr.rel @p0 .LBB2_15-.Ltmp7, $4  }
0x2af: {  	vm14 =	veq.s32 v60, v4;
	v6 =	vadd.f32 v6, v63;
	v7 =	vsel vm13, v10, v7  }
0x2b0: {  	vm15 =	veq.s32 v58, v4;
	v7 =	vsel vm14, v8, v7  }
0x2b1: {  	s5 =	sand.u32 $0x3FFFFFF0, s31;
	v6 =	vsel vm15, v6, v7  }
0x2b2: {  	s16 =	sadd.s32 $0x800, s16;
	s18 =	sadd.s32 $0x800, s18;
	[tilespmem:v5+s5+$0x0 ss:$0x1] =	vst.idx.msk $0xffff, v6  }
0x2b3: {  	s0 =	sadd.s32 $0x1, s0  }
0x2b4: {  	p0 =	sne.s32 s0, $0x19  }
.Ltmp8:
0x2b5: {  	_ = 	snop;
	(pc) =	sbr.rel @p0 .LBB2_2-.Ltmp8, $1  }
0x2b6: {  	_ =	sdelay $0x3  }
0x2b7: {  	s0 =	simm.s32 $0x26A0  }
0x2b8: {  	[tilespmem:s20], [sflag:$0x4] =	stream.indirect.gather [hbm4b:s1+s10], $0x80, s0, s10, $0xb8;
	[tilespmem:$0x1F680] =	vst v63  }
0x2b9: {  	s31 =	simm.s32 $0x4E20  }
0x2ba: {  	[tilespmem:s21], [sflag:$0x4] =	stream.indirect.gather [hbm4b:s1+s10], $0x80, s31, s10, $0xb8;
	[tilespmem:$0x1F680] =	vst v63  }
0x2bb: {  	_ =	swait.ge [sflag:s22], $0x3000  }
0x2bc: {  	[sflag:s22] =	ssyncset.done $0x0  }
0x2bd: {  	[sflag:s22] =	ssyncadd.s32 $0xFFFFD000  }
0x2be: {  	_ =	swait.ge [sflag:s22], $0x3000  }
0x2bf: {  	s14 =	simm.s32 $0x8000;
	[sflag:s22] =	ssyncset.done $0x0  }
0x2c0: {  	s16 =	simm.s32 $0x5000;
	s0 =	simm.s32 $0x0;
	[sflag:s22] =	ssyncadd.s32 $0xFFFFD000  }
.LBB2_20:
0x2c1: {  	v5 =	vld [tilespmem:s16+$0xF0]  }
0x2c2: {  	v7 =	vld [tilespmem:s16+$0x70]  }
0x2c3: {  	v8 =	vld [tilespmem:s16+$0xFFFFFFF0]  }
0x2c4: {  	v15 =	vld [tilespmem:s14+$0xFFFFFFF0]  }
0x2c5: {  	v6 =	vld [tilespmem:s16+$0xE0]  }
0x2c6: {  	v17 =	vld [tilespmem:s16+$0xFFFFFF70]  }
0x2c7: {  	v21 =	vld [tilespmem:s14+$0xFFFFFF70]  }
0x2c8: {  	v9 =	vld [tilespmem:s16+$0x60]  }
0x2c9: {  	v22 =	vld [tilespmem:s16+$0xFFFFFFE0]  }
0x2ca: {  	v51 =	vld [tilespmem:s14+$0xFFFFFFE0]  }
0x2cb: {  	v10 =	vld [tilespmem:s16+$0xD0]  }
0x2cc: {  	v52 =	vld [tilespmem:s16+$0xFFFFFF60]  }
0x2cd: {  	v53 =	vld [tilespmem:s14+$0xFFFFFF60]  }
0x2ce: {  	v11 =	vld [tilespmem:s16+$0x50]  }
0x2cf: {  	v18 =	vld [tilespmem:s16+$0xFFFFFFD0]  }
0x2d0: {  	v20 =	vld [tilespmem:s14+$0xFFFFFFD0]  }
0x2d1: {  	v12 =	vld [tilespmem:s16+$0xC0]  }
0x2d2: {  	v23 =	vld [tilespmem:s16+$0xFFFFFF50]  }
0x2d3: {  	v25 =	vld [tilespmem:s14+$0xFFFFFF50]  }
0x2d4: {  	v13 =	vld [tilespmem:s16+$0x40]  }
0x2d5: {  	v26 =	vld [tilespmem:s16+$0xFFFFFFC0]  }
0x2d6: {  	v27 =	vld [tilespmem:s14+$0xFFFFFFC0]  }
0x2d7: {  	v14 =	vld [tilespmem:s16+$0xB0]  }
0x2d8: {  	v31 =	vld [tilespmem:s16+$0xFFFFFF40]  }
0x2d9: {  	v33 =	vld [tilespmem:s14+$0xFFFFFF40]  }
0x2da: {  	v16 =	vld [tilespmem:s16+$0x30]  }
0x2db: {  	v32 =	vld [tilespmem:s16+$0xFFFFFFB0]  }
0x2dc: {  	v34 =	vld [tilespmem:s14+$0xFFFFFFB0]  }
0x2dd: {  	v19 =	vld [tilespmem:s16+$0xA0]  }
0x2de: {  	v35 =	vld [tilespmem:s16+$0xFFFFFF30]  }
0x2df: {  	v38 =	vld [tilespmem:s14+$0xFFFFFF30]  }
0x2e0: {  	v24 =	vld [tilespmem:s16+$0x20]  }
0x2e1: {  	v36 =	vld [tilespmem:s16+$0xFFFFFFA0]  }
0x2e2: {  	v39 =	vld [tilespmem:s14+$0xFFFFFFA0]  }
0x2e3: {  	v28 =	vld [tilespmem:s16+$0x80]  }
0x2e4: {  	v29 =	vld [tilespmem:s14+$0x80]  }
0x2e5: {  	v30 =	vld [tilespmem:s16+$0x90]  }
0x2e6: {  	v42 =	vld [tilespmem:s16+$0xFFFFFF20]  }
0x2e7: {  	v44 =	vld [tilespmem:s14+$0xFFFFFF20]  }
0x2e8: {  	v37 =	vld [tilespmem:s16+$0x0]  }
0x2e9: {  	v40 =	vld [tilespmem:s14+$0x0]  }
0x2ea: {  	v41 =	vld [tilespmem:s16+$0x10]  }
0x2eb: {  	v43 =	vld [tilespmem:s16+$0xFFFFFF80]  }
0x2ec: {  	v45 =	vld [tilespmem:s14+$0xFFFFFF80]  }
0x2ed: {  	v46 =	vld [tilespmem:s16+$0xFFFFFF90]  }
0x2ee: {  	v47 =	vld [tilespmem:s16+$0xFFFFFF00]  }
0x2ef: {  	v48 =	vld [tilespmem:s14+$0xFFFFFF00]  }
0x2f0: {  	v49 =	vld [tilespmem:s16+$0xFFFFFF10];
	s28 =	simm.s32 $0x4;
	v17 =	vmul.f32 v21, v17;
	v15 =	vmul.f32 v15, v8  }
0x2f1: {  	v50 =	vld [tilespmem:s14+$0xFFFFFF10];
	s26 =	smov.u32 s14;
	s7 =	smov.u32 s16;
	s18 =	simm.s32 $0x0;
	v8 =	vimm.f32 $0.0e+00;
	v21 =	vmul.f32 v53, v52;
	v22 =	vmul.f32 v51, v22  }
.LBB2_21:
0x2f2: {  	p0 =	slt.u32 s28, $0xC;
	v23 =	vmul.f32 v25, v23;
	v25 =	vld [tilespmem:s26+$0xFFFFFF90];
	v18 =	vmul.f32 v20, v18  }
0x2f3: {  	v20 =	vmul.f32 v33, v31;
	v26 =	vmul.f32 v27, v26;
	v27 =	vld [tilespmem:s26+$0x10]  }
0x2f4: {  	v31 =	vmul.f32 v38, v35;
	v32 =	vmul.f32 v34, v32;
	v33 =	vld [tilespmem:s26+$0x90]  }
0x2f5: {  	v34 =	vmul.f32 v44, v42;
	v35 =	vmul.f32 v39, v36;
	v36 =	vld [tilespmem:s26+$0x20]  }
0x2f6: {  	v38 =	vmul.f32 v48, v47;
	v39 =	vmul.f32 v50, v49;
	v42 =	vld [tilespmem:s26+$0xA0]  }
0x2f7: {  	v43 =	vmul.f32 v45, v43;
	v25 =	vmul.f32 v25, v46;
	v44 =	vld [tilespmem:s26+$0x30]  }
0x2f8: {  	v37 =	vmul.f32 v40, v37;
	v38 =	vadd.f32 v39, v38;
	v27 =	vmul.f32 v27, v41;
	v39 =	vld [tilespmem:s26+$0xB0]  }
0x2f9: {  	v28 =	vmul.f32 v29, v28;
	v25 =	vadd.f32 v25, v43;
	v40 =	vld [tilespmem:s26+$0x40];
	v29 =	vmul.f32 v33, v30  }
0x2fa: {  	v30 =	vadd.f32 v34, v38;
	v27 =	vadd.f32 v27, v37;
	v24 =	vmul.f32 v36, v24;
	v33 =	vld [tilespmem:s26+$0xC0]  }
0x2fb: {  	v25 =	vadd.f32 v35, v25;
	v34 =	vld [tilespmem:s26+$0x50];
	v28 =	vadd.f32 v29, v28;
	v19 =	vmul.f32 v42, v19  }
0x2fc: {  	v29 =	vadd.f32 v31, v30;
	v24 =	vadd.f32 v24, v27;
	v16 =	vmul.f32 v44, v16;
	v27 =	vld [tilespmem:s26+$0xD0]  }
0x2fd: {  	v25 =	vadd.f32 v32, v25;
	v30 =	vld [tilespmem:s26+$0x60];
	v19 =	vadd.f32 v19, v28;
	v14 =	vmul.f32 v39, v14  }
0x2fe: {  	v20 =	vadd.f32 v20, v29;
	v16 =	vadd.f32 v16, v24;
	v13 =	vmul.f32 v40, v13;
	v24 =	vld [tilespmem:s26+$0xE0]  }
0x2ff: {  	v25 =	vadd.f32 v26, v25;
	v26 =	vld [tilespmem:s26+$0x70];
	v14 =	vadd.f32 v14, v19;
	v12 =	vmul.f32 v33, v12  }
0x300: {  	s7 =	sadd.s32 $0x200, s7;
	v19 =	vadd.f32 v23, v20;
	v13 =	vadd.f32 v13, v16;
	v11 =	vmul.f32 v34, v11;
	v16 =	vld [tilespmem:s26+$0xF0]  }
0x301: {  	v20 =	vld [tilespmem:s7+$0xF0];
	v18 =	vadd.f32 v18, v25;
	v12 =	vadd.f32 v12, v14;
	v10 =	vmul.f32 v27, v10  }
0x302: {  	v14 =	vld [tilespmem:s7+$0x70];
	v19 =	vadd.f32 v21, v19;
	v11 =	vadd.f32 v11, v13;
	v9 =	vmul.f32 v30, v9  }
0x303: {  	s26 =	sadd.s32 $0x200, s26;
	v21 =	vld [tilespmem:s7+$0xFFFFFFF0];
	v13 =	vadd.f32 v22, v18;
	v10 =	vadd.f32 v10, v12;
	v12 =	vmul.f32 v24, v6  }
0x304: {  	v22 =	vld [tilespmem:s26+$0xFFFFFFF0];
	v18 =	vadd.f32 v17, v19;
	v9 =	vadd.f32 v9, v11;
	v23 =	vmul.f32 v26, v7  }
0x305: {  	v6 =	vld [tilespmem:s7+$0xE0];
	v11 =	vadd.f32 v15, v13;
	v10 =	vadd.f32 v12, v10;
	v12 =	vmul.f32 v16, v5  }
0x306: {  	v15 =	vld [tilespmem:s7+$0xFFFFFF70];
	v13 =	vperm.xlane v18, v0;
	v16 =	vadd.f32 v23, v9;
	v5 =	vmov v20  }
0x307: {  	v17 =	vld [tilespmem:s26+$0xFFFFFF70];
	v19 =	vperm.xlane v11, v0;
	v12 =	vadd.f32 v12, v10;
	v7 =	vmov v14  }
0x308: {  	v9 =	vld [tilespmem:s7+$0x60];
	v13 =	vadd.f32 v18, v13;
	v10 =	vperm.xlane v16, v0  }
0x309: {  	v51 =	vld [tilespmem:s7+$0xFFFFFFE0];
	v11 =	vadd.f32 v11, v19;
	v14 =	vperm.xlane v12, v0  }
0x30a: {  	v52 =	vld [tilespmem:s26+$0xFFFFFFE0];
	v18 =	vperm.xlane v13, v1;
	v16 =	vadd.f32 v16, v10  }
0x30b: {  	v10 =	vld [tilespmem:s7+$0xD0];
	v19 =	vperm.xlane v11, v1;
	v12 =	vadd.f32 v12, v14  }
0x30c: {  	v53 =	vld [tilespmem:s7+$0xFFFFFF60];
	v13 =	vadd.f32 v13, v18;
	v14 =	vperm.xlane v16, v1  }
0x30d: {  	v54 =	vld [tilespmem:s26+$0xFFFFFF60];
	v19 =	vadd.f32 v11, v19;
	v20 =	vperm.xlane v12, v1  }
0x30e: {  	v11 =	vld [tilespmem:s7+$0x50];
	v23 =	vperm.xlane v13, v2;
	v14 =	vadd.f32 v16, v14  }
0x30f: {  	v18 =	vld [tilespmem:s7+$0xFFFFFFD0];
	v16 =	vperm.xlane v19, v2;
	v24 =	vadd.f32 v12, v20  }
0x310: {  	v20 =	vld [tilespmem:s26+$0xFFFFFFD0];
	v26 =	vadd.f32 v13, v23;
	v13 =	vperm.xlane v14, v2  }
0x311: {  	s5 =	sadd.s32 $0x3, s18;
	v27 =	vmov s18;
	v12 =	vld [tilespmem:s7+$0xC0];
	v16 =	vadd.f32 v19, v16;
	v19 =	vperm.xlane v24, v2  }
0x312: {  	s6 =	sadd.s32 $0x2, s18;
	v29 =	vmov s5;
	v23 =	vld [tilespmem:s7+$0xFFFFFF50];
	v28 =	vperm.xlane v26, v3;
	v14 =	vadd.f32 v14, v13  }
0x313: {  	v31 =	vmov s6;
	v25 =	vld [tilespmem:s26+$0xFFFFFF50];
	v30 =	vperm.xlane v16, v3;
	v19 =	vadd.f32 v24, v19  }
0x314: {  	s5 =	sadd.s32 $0x1, s18;
	s18 =	smov.u32 s28;
	vm0 =	veq.s32 v27, v4;
	v13 =	vld [tilespmem:s7+$0x40];
	v24 =	vadd.f32 v26, v28;
	v28 =	vperm.xlane v14, v3  }
0x315: {  	v26 =	vld [tilespmem:s7+$0xFFFFFFC0];
	v16 =	vadd.f32 v16, v30;
	v30 =	vmov s5;
	v32 =	vperm.xlane v19, v3  }
0x316: {  	v27 =	vld [tilespmem:s26+$0xFFFFFFC0];
	v8 =	vsel vm0, v24, v8;
	vm0 =	veq.s32 v30, v4;
	v24 =	vadd.f32 v14, v28  }
0x317: {  	v14 =	vld [tilespmem:s7+$0xB0];
	v8 =	vsel vm0, v16, v8;
	vm0 =	veq.s32 v31, v4;
	v16 =	vadd.f32 v19, v32  }
0x318: {  	v31 =	vld [tilespmem:s7+$0xFFFFFF40];
	v8 =	vsel vm0, v24, v8;
	vm0 =	veq.s32 v29, v4  }
0x319: {  	v33 =	vld [tilespmem:s26+$0xFFFFFF40];
	v8 =	vsel vm0, v16, v8  }
0x31a: {  	v16 =	vld [tilespmem:s7+$0x30]  }
0x31b: {  	v32 =	vld [tilespmem:s7+$0xFFFFFFB0]  }
0x31c: {  	v34 =	vld [tilespmem:s26+$0xFFFFFFB0]  }
0x31d: {  	v19 =	vld [tilespmem:s7+$0xA0]  }
0x31e: {  	v35 =	vld [tilespmem:s7+$0xFFFFFF30]  }
0x31f: {  	v38 =	vld [tilespmem:s26+$0xFFFFFF30]  }
0x320: {  	v24 =	vld [tilespmem:s7+$0x20]  }
0x321: {  	v36 =	vld [tilespmem:s7+$0xFFFFFFA0]  }
0x322: {  	v39 =	vld [tilespmem:s26+$0xFFFFFFA0]  }
0x323: {  	v28 =	vld [tilespmem:s7+$0x80]  }
0x324: {  	v29 =	vld [tilespmem:s26+$0x80]  }
0x325: {  	v30 =	vld [tilespmem:s7+$0x90]  }
0x326: {  	v42 =	vld [tilespmem:s7+$0xFFFFFF20]  }
0x327: {  	v44 =	vld [tilespmem:s26+$0xFFFFFF20]  }
0x328: {  	v37 =	vld [tilespmem:s7+$0x0]  }
0x329: {  	v40 =	vld [tilespmem:s26+$0x0]  }
0x32a: {  	v41 =	vld [tilespmem:s7+$0x10]  }
0x32b: {  	v43 =	vld [tilespmem:s7+$0xFFFFFF80]  }
0x32c: {  	v45 =	vld [tilespmem:s26+$0xFFFFFF80]  }
.Ltmp9:
0x32d: {  	v46 =	vld [tilespmem:s7+$0xFFFFFF90];
	(pc) =	sbr.rel @p0 .LBB2_21-.Ltmp9, $4  }
0x32e: {  	v47 =	vld [tilespmem:s7+$0xFFFFFF00]  }
0x32f: {  	v48 =	vld [tilespmem:s26+$0xFFFFFF00]  }
0x330: {  	v17 =	vmul.f32 v17, v15;
	v15 =	vmul.f32 v22, v21;
	v49 =	vld [tilespmem:s7+$0xFFFFFF10]  }
0x331: {  	s28 =	sadd.s32 $0x4, s28;
	v22 =	vmul.f32 v52, v51;
	v21 =	vmul.f32 v54, v53;
	v50 =	vld [tilespmem:s26+$0xFFFFFF10]  }
0x332: {  	v23 =	vmul.f32 v25, v23;
	v61 =	vld [tilespmem:s26+$0xFFFFFF90];
	v18 =	vmul.f32 v20, v18  }
0x333: {  	v20 =	vmul.f32 v33, v31;
	v26 =	vmul.f32 v27, v26;
	v62 =	vld [tilespmem:s26+$0x10]  }
0x334: {  	v31 =	vmul.f32 v38, v35;
	v32 =	vmul.f32 v34, v32;
	v63 =	vld [tilespmem:s26+$0x90]  }
0x335: {  	v51 =	vmul.f32 v44, v42;
	v52 =	vmul.f32 v39, v36;
	v53 =	vld [tilespmem:s26+$0x20]  }
0x336: {  	v56 =	vld [tilespmem:s26+$0xA0];
	v54 =	vmul.f32 v48, v47;
	v55 =	vmul.f32 v50, v49  }
0x337: {  	v43 =	vmul.f32 v45, v43;
	v57 =	vld [tilespmem:s26+$0x30];
	v25 =	vmul.f32 v61, v46  }
0x338: {  	v37 =	vmul.f32 v40, v37;
	v58 =	vld [tilespmem:s26+$0xB0];
	v27 =	vmul.f32 v62, v41;
	v38 =	vadd.f32 v55, v54  }
0x339: {  	v59 =	vld [tilespmem:s26+$0x40];
	v28 =	vmul.f32 v29, v28;
	v60 =	vmul.f32 v63, v30;
	v25 =	vadd.f32 v25, v43  }
0x33a: {  	v24 =	vmul.f32 v53, v24;
	v62 =	vld [tilespmem:s26+$0xC0];
	v27 =	vadd.f32 v27, v37;
	v61 =	vadd.f32 v51, v38  }
0x33b: {  	v63 =	vld [tilespmem:s26+$0x50];
	v19 =	vmul.f32 v56, v19;
	v28 =	vadd.f32 v60, v28;
	v25 =	vadd.f32 v52, v25  }
0x33c: {  	v36 =	vld [tilespmem:s26+$0xD0];
	v16 =	vmul.f32 v57, v16;
	v24 =	vadd.f32 v24, v27;
	v35 =	vadd.f32 v31, v61  }
0x33d: {  	v14 =	vmul.f32 v58, v14;
	v37 =	vld [tilespmem:s26+$0x60];
	v19 =	vadd.f32 v19, v28;
	v25 =	vadd.f32 v32, v25  }
0x33e: {  	v13 =	vmul.f32 v59, v13;
	v38 =	vld [tilespmem:s26+$0xE0];
	v16 =	vadd.f32 v16, v24;
	v20 =	vadd.f32 v20, v35  }
0x33f: {  	v39 =	vld [tilespmem:s26+$0x70];
	v12 =	vmul.f32 v62, v12;
	v14 =	vadd.f32 v14, v19;
	v25 =	vadd.f32 v26, v25  }
0x340: {  	v41 =	vld [tilespmem:s26+$0xF0];
	v11 =	vmul.f32 v63, v11;
	v13 =	vadd.f32 v13, v16;
	v40 =	vadd.f32 v23, v20  }
0x341: {  	v10 =	vmul.f32 v36, v10;
	v12 =	vadd.f32 v12, v14;
	v18 =	vadd.f32 v18, v25  }
0x342: {  	v9 =	vmul.f32 v37, v9;
	v11 =	vadd.f32 v11, v13;
	v42 =	vadd.f32 v21, v40  }
0x343: {  	v6 =	vmul.f32 v38, v6;
	v10 =	vadd.f32 v10, v12;
	v43 =	vadd.f32 v22, v18  }
0x344: {  	v7 =	vmul.f32 v39, v7;
	v9 =	vadd.f32 v9, v11;
	v44 =	vadd.f32 v17, v42  }
0x345: {  	v5 =	vmul.f32 v41, v5;
	v6 =	vadd.f32 v6, v10;
	v45 =	vadd.f32 v15, v43  }
0x346: {  	v7 =	vadd.f32 v7, v9;
	v46 =	vperm.xlane v44, v0  }
0x347: {  	v5 =	vadd.f32 v5, v6;
	v47 =	vperm.xlane v45, v0  }
0x348: {  	v48 =	vperm.xlane v7, v0;
	v6 =	vadd.f32 v44, v46  }
0x349: {  	v49 =	vperm.xlane v5, v0;
	v9 =	vadd.f32 v45, v47  }
0x34a: {  	v7 =	vadd.f32 v7, v48;
	v12 =	vperm.xlane v6, v1  }
0x34b: {  	v5 =	vadd.f32 v5, v49;
	v50 =	vperm.xlane v9, v1  }
0x34c: {  	v51 =	vperm.xlane v7, v1;
	v6 =	vadd.f32 v6, v12  }
0x34d: {  	v52 =	vperm.xlane v5, v1;
	v9 =	vadd.f32 v9, v50  }
0x34e: {  	v7 =	vadd.f32 v7, v51;
	v12 =	vperm.xlane v6, v2  }
0x34f: {  	v5 =	vadd.f32 v5, v52;
	v53 =	vperm.xlane v9, v2  }
0x350: {  	s5 =	sadd.s32 $0x3, s18;
	v54 =	vperm.xlane v7, v2;
	v6 =	vadd.f32 v6, v12  }
0x351: {  	v58 =	vmov s5;
	v56 =	vperm.xlane v5, v2;
	v9 =	vadd.f32 v9, v53  }
0x352: {  	s6 =	sadd.s32 $0x2, s18;
	v55 =	vmov s18;
	v7 =	vadd.f32 v7, v54;
	v57 =	vperm.xlane v6, v3  }
0x353: {  	v60 =	vmov s6;
	v5 =	vadd.f32 v5, v56;
	v59 =	vperm.xlane v9, v3  }
0x354: {  	s30 =	sadd.s32 $0x1, s18;
	s31 =	sshll.u32 s0, $0x4;
	s0 =	sadd.s32 $0x1, s0;
	vm0 =	veq.s32 v55, v4;
	v61 =	vperm.xlane v7, v3;
	v6 =	vadd.f32 v6, v57  }
0x355: {  	p0 =	sne.s32 s0, $0x6;
	v62 =	vmov s30;
	v63 =	vperm.xlane v5, v3;
	v9 =	vadd.f32 v9, v59  }
.Ltmp10:
0x356: {  	vm13 =	veq.s32 v62, v4;
	v7 =	vadd.f32 v7, v61;
	v6 =	vsel vm0, v6, v8;
	(pc) =	sbr.rel @p0 .LBB2_20-.Ltmp10, $4  }
0x357: {  	vm14 =	veq.s32 v60, v4;
	v5 =	vadd.f32 v5, v63;
	v6 =	vsel vm13, v9, v6  }
0x358: {  	vm15 =	veq.s32 v58, v4;
	v6 =	vsel vm14, v7, v6  }
0x359: {  	s5 =	sand.u32 $0x3FFFFFF0, s31;
	v5 =	vsel vm15, v5, v6  }
0x35a: {  	s14 =	sadd.s32 $0x800, s14;
	s16 =	sadd.s32 $0x800, s16;
	[tilespmem:s5+$0x1F480] =	vst v5  }
0x35b: {  	s0 =	simm.s32 $0x26B0  }
0x35c: {  	[tilespmem:s11], [sflag:$0x1] =	stream.indirect.gather [hbm4b:s1+s10], $0x80, s0, s10, $0xb8;
	[tilespmem:$0x1F680] =	vst v63  }
0x35d: {  	s31 =	simm.s32 $0x4E30  }
0x35e: {  	[tilespmem:s12], [sflag:$0x1] =	stream.indirect.gather [hbm4b:s1+s10], $0x80, s31, s10, $0xb8;
	[tilespmem:$0x1F680] =	vst v63  }
0x35f: {  	_ =	swait.ge [sflag:s23], $0x3000  }
0x360: {  	[sflag:s23] =	ssyncset.done $0x0  }
0x361: {  	[sflag:s23] =	ssyncadd.s32 $0xFFFFD000  }
0x362: {  	_ =	swait.ge [sflag:s23], $0x3000  }
0x363: {  	s14 =	simm.s32 $0xE000;
	[sflag:s23] =	ssyncset.done $0x0  }
0x364: {  	s16 =	simm.s32 $0xB000;
	s0 =	simm.s32 $0x0;
	[sflag:s23] =	ssyncadd.s32 $0xFFFFD000  }
.LBB2_24:
0x365: {  	v5 =	vld [tilespmem:s16+$0xF0]  }
0x366: {  	v7 =	vld [tilespmem:s16+$0x70]  }
0x367: {  	v8 =	vld [tilespmem:s16+$0xFFFFFFF0]  }
0x368: {  	v15 =	vld [tilespmem:s14+$0xFFFFFFF0]  }
0x369: {  	v6 =	vld [tilespmem:s16+$0xE0]  }
0x36a: {  	v17 =	vld [tilespmem:s16+$0xFFFFFF70]  }
0x36b: {  	v21 =	vld [tilespmem:s14+$0xFFFFFF70]  }
0x36c: {  	v9 =	vld [tilespmem:s16+$0x60]  }
0x36d: {  	v22 =	vld [tilespmem:s16+$0xFFFFFFE0]  }
0x36e: {  	v51 =	vld [tilespmem:s14+$0xFFFFFFE0]  }
0x36f: {  	v10 =	vld [tilespmem:s16+$0xD0]  }
0x370: {  	v52 =	vld [tilespmem:s16+$0xFFFFFF60]  }
0x371: {  	v53 =	vld [tilespmem:s14+$0xFFFFFF60]  }
0x372: {  	v11 =	vld [tilespmem:s16+$0x50]  }
0x373: {  	v18 =	vld [tilespmem:s16+$0xFFFFFFD0]  }
0x374: {  	v20 =	vld [tilespmem:s14+$0xFFFFFFD0]  }
0x375: {  	v12 =	vld [tilespmem:s16+$0xC0]  }
0x376: {  	v23 =	vld [tilespmem:s16+$0xFFFFFF50]  }
0x377: {  	v25 =	vld [tilespmem:s14+$0xFFFFFF50]  }
0x378: {  	v13 =	vld [tilespmem:s16+$0x40]  }
0x379: {  	v26 =	vld [tilespmem:s16+$0xFFFFFFC0]  }
0x37a: {  	v27 =	vld [tilespmem:s14+$0xFFFFFFC0]  }
0x37b: {  	v14 =	vld [tilespmem:s16+$0xB0]  }
0x37c: {  	v31 =	vld [tilespmem:s16+$0xFFFFFF40]  }
0x37d: {  	v33 =	vld [tilespmem:s14+$0xFFFFFF40]  }
0x37e: {  	v16 =	vld [tilespmem:s16+$0x30]  }
0x37f: {  	v32 =	vld [tilespmem:s16+$0xFFFFFFB0]  }
0x380: {  	v34 =	vld [tilespmem:s14+$0xFFFFFFB0]  }
0x381: {  	v19 =	vld [tilespmem:s16+$0xA0]  }
0x382: {  	v35 =	vld [tilespmem:s16+$0xFFFFFF30]  }
0x383: {  	v38 =	vld [tilespmem:s14+$0xFFFFFF30]  }
0x384: {  	v24 =	vld [tilespmem:s16+$0x20]  }
0x385: {  	v36 =	vld [tilespmem:s16+$0xFFFFFFA0]  }
0x386: {  	v39 =	vld [tilespmem:s14+$0xFFFFFFA0]  }
0x387: {  	v28 =	vld [tilespmem:s16+$0x80]  }
0x388: {  	v29 =	vld [tilespmem:s14+$0x80]  }
0x389: {  	v30 =	vld [tilespmem:s16+$0x90]  }
0x38a: {  	v42 =	vld [tilespmem:s16+$0xFFFFFF20]  }
0x38b: {  	v44 =	vld [tilespmem:s14+$0xFFFFFF20]  }
0x38c: {  	v37 =	vld [tilespmem:s16+$0x0]  }
0x38d: {  	v40 =	vld [tilespmem:s14+$0x0]  }
0x38e: {  	v41 =	vld [tilespmem:s16+$0x10]  }
0x38f: {  	v43 =	vld [tilespmem:s16+$0xFFFFFF80]  }
0x390: {  	v45 =	vld [tilespmem:s14+$0xFFFFFF80]  }
0x391: {  	v46 =	vld [tilespmem:s16+$0xFFFFFF90]  }
0x392: {  	v47 =	vld [tilespmem:s16+$0xFFFFFF00]  }
0x393: {  	v48 =	vld [tilespmem:s14+$0xFFFFFF00]  }
0x394: {  	v49 =	vld [tilespmem:s16+$0xFFFFFF10];
	s28 =	simm.s32 $0x4;
	v17 =	vmul.f32 v21, v17;
	v15 =	vmul.f32 v15, v8  }
0x395: {  	v50 =	vld [tilespmem:s14+$0xFFFFFF10];
	s26 =	smov.u32 s14;
	s7 =	smov.u32 s16;
	s18 =	simm.s32 $0x0;
	v8 =	vimm.f32 $0.0e+00;
	v21 =	vmul.f32 v53, v52;
	v22 =	vmul.f32 v51, v22  }
.LBB2_25:
0x396: {  	p0 =	slt.u32 s28, $0xC;
	v23 =	vmul.f32 v25, v23;
	v25 =	vld [tilespmem:s26+$0xFFFFFF90];
	v18 =	vmul.f32 v20, v18  }
0x397: {  	v20 =	vmul.f32 v33, v31;
	v26 =	vmul.f32 v27, v26;
	v27 =	vld [tilespmem:s26+$0x10]  }
0x398: {  	v31 =	vmul.f32 v38, v35;
	v32 =	vmul.f32 v34, v32;
	v33 =	vld [tilespmem:s26+$0x90]  }
0x399: {  	v34 =	vmul.f32 v44, v42;
	v35 =	vmul.f32 v39, v36;
	v36 =	vld [tilespmem:s26+$0x20]  }
0x39a: {  	v38 =	vmul.f32 v48, v47;
	v39 =	vmul.f32 v50, v49;
	v42 =	vld [tilespmem:s26+$0xA0]  }
0x39b: {  	v43 =	vmul.f32 v45, v43;
	v25 =	vmul.f32 v25, v46;
	v44 =	vld [tilespmem:s26+$0x30]  }
0x39c: {  	v37 =	vmul.f32 v40, v37;
	v38 =	vadd.f32 v39, v38;
	v27 =	vmul.f32 v27, v41;
	v39 =	vld [tilespmem:s26+$0xB0]  }
0x39d: {  	v28 =	vmul.f32 v29, v28;
	v25 =	vadd.f32 v25, v43;
	v40 =	vld [tilespmem:s26+$0x40];
	v29 =	vmul.f32 v33, v30  }
0x39e: {  	v30 =	vadd.f32 v34, v38;
	v27 =	vadd.f32 v27, v37;
	v24 =	vmul.f32 v36, v24;
	v33 =	vld [tilespmem:s26+$0xC0]  }
0x39f: {  	v25 =	vadd.f32 v35, v25;
	v34 =	vld [tilespmem:s26+$0x50];
	v28 =	vadd.f32 v29, v28;
	v19 =	vmul.f32 v42, v19  }
0x3a0: {  	v29 =	vadd.f32 v31, v30;
	v24 =	vadd.f32 v24, v27;
	v16 =	vmul.f32 v44, v16;
	v27 =	vld [tilespmem:s26+$0xD0]  }
0x3a1: {  	v25 =	vadd.f32 v32, v25;
	v30 =	vld [tilespmem:s26+$0x60];
	v19 =	vadd.f32 v19, v28;
	v14 =	vmul.f32 v39, v14  }
0x3a2: {  	v20 =	vadd.f32 v20, v29;
	v16 =	vadd.f32 v16, v24;
	v13 =	vmul.f32 v40, v13;
	v24 =	vld [tilespmem:s26+$0xE0]  }
0x3a3: {  	v25 =	vadd.f32 v26, v25;
	v26 =	vld [tilespmem:s26+$0x70];
	v14 =	vadd.f32 v14, v19;
	v12 =	vmul.f32 v33, v12  }
0x3a4: {  	s7 =	sadd.s32 $0x200, s7;
	v19 =	vadd.f32 v23, v20;
	v13 =	vadd.f32 v13, v16;
	v11 =	vmul.f32 v34, v11;
	v16 =	vld [tilespmem:s26+$0xF0]  }
0x3a5: {  	v20 =	vld [tilespmem:s7+$0xF0];
	v18 =	vadd.f32 v18, v25;
	v12 =	vadd.f32 v12, v14;
	v10 =	vmul.f32 v27, v10  }
0x3a6: {  	v14 =	vld [tilespmem:s7+$0x70];
	v19 =	vadd.f32 v21, v19;
	v11 =	vadd.f32 v11, v13;
	v9 =	vmul.f32 v30, v9  }
0x3a7: {  	s26 =	sadd.s32 $0x200, s26;
	v21 =	vld [tilespmem:s7+$0xFFFFFFF0];
	v13 =	vadd.f32 v22, v18;
	v10 =	vadd.f32 v10, v12;
	v12 =	vmul.f32 v24, v6  }
0x3a8: {  	v22 =	vld [tilespmem:s26+$0xFFFFFFF0];
	v18 =	vadd.f32 v17, v19;
	v9 =	vadd.f32 v9, v11;
	v23 =	vmul.f32 v26, v7  }
0x3a9: {  	v6 =	vld [tilespmem:s7+$0xE0];
	v11 =	vadd.f32 v15, v13;
	v10 =	vadd.f32 v12, v10;
	v12 =	vmul.f32 v16, v5  }
0x3aa: {  	v15 =	vld [tilespmem:s7+$0xFFFFFF70];
	v13 =	vperm.xlane v18, v0;
	v16 =	vadd.f32 v23, v9;
	v5 =	vmov v20  }
0x3ab: {  	v17 =	vld [tilespmem:s26+$0xFFFFFF70];
	v19 =	vperm.xlane v11, v0;
	v12 =	vadd.f32 v12, v10;
	v7 =	vmov v14  }
0x3ac: {  	v9 =	vld [tilespmem:s7+$0x60];
	v13 =	vadd.f32 v18, v13;
	v10 =	vperm.xlane v16, v0  }
0x3ad: {  	v51 =	vld [tilespmem:s7+$0xFFFFFFE0];
	v11 =	vadd.f32 v11, v19;
	v14 =	vperm.xlane v12, v0  }
0x3ae: {  	v52 =	vld [tilespmem:s26+$0xFFFFFFE0];
	v18 =	vperm.xlane v13, v1;
	v16 =	vadd.f32 v16, v10  }
0x3af: {  	v10 =	vld [tilespmem:s7+$0xD0];
	v19 =	vperm.xlane v11, v1;
	v12 =	vadd.f32 v12, v14  }
0x3b0: {  	v53 =	vld [tilespmem:s7+$0xFFFFFF60];
	v13 =	vadd.f32 v13, v18;
	v14 =	vperm.xlane v16, v1  }
0x3b1: {  	v54 =	vld [tilespmem:s26+$0xFFFFFF60];
	v19 =	vadd.f32 v11, v19;
	v20 =	vperm.xlane v12, v1  }
0x3b2: {  	v11 =	vld [tilespmem:s7+$0x50];
	v23 =	vperm.xlane v13, v2;
	v14 =	vadd.f32 v16, v14  }
0x3b3: {  	v18 =	vld [tilespmem:s7+$0xFFFFFFD0];
	v16 =	vperm.xlane v19, v2;
	v24 =	vadd.f32 v12, v20  }
0x3b4: {  	v20 =	vld [tilespmem:s26+$0xFFFFFFD0];
	v26 =	vadd.f32 v13, v23;
	v13 =	vperm.xlane v14, v2  }
0x3b5: {  	s5 =	sadd.s32 $0x3, s18;
	v27 =	vmov s18;
	v12 =	vld [tilespmem:s7+$0xC0];
	v16 =	vadd.f32 v19, v16;
	v19 =	vperm.xlane v24, v2  }
0x3b6: {  	s6 =	sadd.s32 $0x2, s18;
	v29 =	vmov s5;
	v23 =	vld [tilespmem:s7+$0xFFFFFF50];
	v28 =	vperm.xlane v26, v3;
	v14 =	vadd.f32 v14, v13  }
0x3b7: {  	v31 =	vmov s6;
	v25 =	vld [tilespmem:s26+$0xFFFFFF50];
	v30 =	vperm.xlane v16, v3;
	v19 =	vadd.f32 v24, v19  }
0x3b8: {  	s5 =	sadd.s32 $0x1, s18;
	s18 =	smov.u32 s28;
	vm0 =	veq.s32 v27, v4;
	v13 =	vld [tilespmem:s7+$0x40];
	v24 =	vadd.f32 v26, v28;
	v28 =	vperm.xlane v14, v3  }
0x3b9: {  	v26 =	vld [tilespmem:s7+$0xFFFFFFC0];
	v16 =	vadd.f32 v16, v30;
	v30 =	vmov s5;
	v32 =	vperm.xlane v19, v3  }
0x3ba: {  	v27 =	vld [tilespmem:s26+$0xFFFFFFC0];
	v8 =	vsel vm0, v24, v8;
	vm0 =	veq.s32 v30, v4;
	v24 =	vadd.f32 v14, v28  }
0x3bb: {  	v14 =	vld [tilespmem:s7+$0xB0];
	v8 =	vsel vm0, v16, v8;
	vm0 =	veq.s32 v31, v4;
	v16 =	vadd.f32 v19, v32  }
0x3bc: {  	v31 =	vld [tilespmem:s7+$0xFFFFFF40];
	v8 =	vsel vm0, v24, v8;
	vm0 =	veq.s32 v29, v4  }
0x3bd: {  	v33 =	vld [tilespmem:s26+$0xFFFFFF40];
	v8 =	vsel vm0, v16, v8  }
0x3be: {  	v16 =	vld [tilespmem:s7+$0x30]  }
0x3bf: {  	v32 =	vld [tilespmem:s7+$0xFFFFFFB0]  }
0x3c0: {  	v34 =	vld [tilespmem:s26+$0xFFFFFFB0]  }
0x3c1: {  	v19 =	vld [tilespmem:s7+$0xA0]  }
0x3c2: {  	v35 =	vld [tilespmem:s7+$0xFFFFFF30]  }
0x3c3: {  	v38 =	vld [tilespmem:s26+$0xFFFFFF30]  }
0x3c4: {  	v24 =	vld [tilespmem:s7+$0x20]  }
0x3c5: {  	v36 =	vld [tilespmem:s7+$0xFFFFFFA0]  }
0x3c6: {  	v39 =	vld [tilespmem:s26+$0xFFFFFFA0]  }
0x3c7: {  	v28 =	vld [tilespmem:s7+$0x80]  }
0x3c8: {  	v29 =	vld [tilespmem:s26+$0x80]  }
0x3c9: {  	v30 =	vld [tilespmem:s7+$0x90]  }
0x3ca: {  	v42 =	vld [tilespmem:s7+$0xFFFFFF20]  }
0x3cb: {  	v44 =	vld [tilespmem:s26+$0xFFFFFF20]  }
0x3cc: {  	v37 =	vld [tilespmem:s7+$0x0]  }
0x3cd: {  	v40 =	vld [tilespmem:s26+$0x0]  }
0x3ce: {  	v41 =	vld [tilespmem:s7+$0x10]  }
0x3cf: {  	v43 =	vld [tilespmem:s7+$0xFFFFFF80]  }
0x3d0: {  	v45 =	vld [tilespmem:s26+$0xFFFFFF80]  }
.Ltmp11:
0x3d1: {  	v46 =	vld [tilespmem:s7+$0xFFFFFF90];
	(pc) =	sbr.rel @p0 .LBB2_25-.Ltmp11, $4  }
0x3d2: {  	v47 =	vld [tilespmem:s7+$0xFFFFFF00]  }
0x3d3: {  	v48 =	vld [tilespmem:s26+$0xFFFFFF00]  }
0x3d4: {  	v17 =	vmul.f32 v17, v15;
	v15 =	vmul.f32 v22, v21;
	v49 =	vld [tilespmem:s7+$0xFFFFFF10]  }
0x3d5: {  	s28 =	sadd.s32 $0x4, s28;
	v22 =	vmul.f32 v52, v51;
	v21 =	vmul.f32 v54, v53;
	v50 =	vld [tilespmem:s26+$0xFFFFFF10]  }
0x3d6: {  	v23 =	vmul.f32 v25, v23;
	v61 =	vld [tilespmem:s26+$0xFFFFFF90];
	v18 =	vmul.f32 v20, v18  }
0x3d7: {  	v20 =	vmul.f32 v33, v31;
	v26 =	vmul.f32 v27, v26;
	v62 =	vld [tilespmem:s26+$0x10]  }
0x3d8: {  	v31 =	vmul.f32 v38, v35;
	v32 =	vmul.f32 v34, v32;
	v63 =	vld [tilespmem:s26+$0x90]  }
0x3d9: {  	v51 =	vmul.f32 v44, v42;
	v52 =	vmul.f32 v39, v36;
	v53 =	vld [tilespmem:s26+$0x20]  }
0x3da: {  	v56 =	vld [tilespmem:s26+$0xA0];
	v54 =	vmul.f32 v48, v47;
	v55 =	vmul.f32 v50, v49  }
0x3db: {  	v43 =	vmul.f32 v45, v43;
	v57 =	vld [tilespmem:s26+$0x30];
	v25 =	vmul.f32 v61, v46  }
0x3dc: {  	v37 =	vmul.f32 v40, v37;
	v58 =	vld [tilespmem:s26+$0xB0];
	v27 =	vmul.f32 v62, v41;
	v38 =	vadd.f32 v55, v54  }
0x3dd: {  	v59 =	vld [tilespmem:s26+$0x40];
	v28 =	vmul.f32 v29, v28;
	v60 =	vmul.f32 v63, v30;
	v25 =	vadd.f32 v25, v43  }
0x3de: {  	v24 =	vmul.f32 v53, v24;
	v62 =	vld [tilespmem:s26+$0xC0];
	v27 =	vadd.f32 v27, v37;
	v61 =	vadd.f32 v51, v38  }
0x3df: {  	v63 =	vld [tilespmem:s26+$0x50];
	v19 =	vmul.f32 v56, v19;
	v28 =	vadd.f32 v60, v28;
	v25 =	vadd.f32 v52, v25  }
0x3e0: {  	v36 =	vld [tilespmem:s26+$0xD0];
	v16 =	vmul.f32 v57, v16;
	v24 =	vadd.f32 v24, v27;
	v35 =	vadd.f32 v31, v61  }
0x3e1: {  	v14 =	vmul.f32 v58, v14;
	v37 =	vld [tilespmem:s26+$0x60];
	v19 =	vadd.f32 v19, v28;
	v25 =	vadd.f32 v32, v25  }
0x3e2: {  	v13 =	vmul.f32 v59, v13;
	v38 =	vld [tilespmem:s26+$0xE0];
	v16 =	vadd.f32 v16, v24;
	v20 =	vadd.f32 v20, v35  }
0x3e3: {  	v39 =	vld [tilespmem:s26+$0x70];
	v12 =	vmul.f32 v62, v12;
	v14 =	vadd.f32 v14, v19;
	v25 =	vadd.f32 v26, v25  }
0x3e4: {  	v41 =	vld [tilespmem:s26+$0xF0];
	v11 =	vmul.f32 v63, v11;
	v13 =	vadd.f32 v13, v16;
	v40 =	vadd.f32 v23, v20  }
0x3e5: {  	v10 =	vmul.f32 v36, v10;
	v12 =	vadd.f32 v12, v14;
	v18 =	vadd.f32 v18, v25  }
0x3e6: {  	v9 =	vmul.f32 v37, v9;
	v11 =	vadd.f32 v11, v13;
	v42 =	vadd.f32 v21, v40  }
0x3e7: {  	v6 =	vmul.f32 v38, v6;
	v10 =	vadd.f32 v10, v12;
	v43 =	vadd.f32 v22, v18  }
0x3e8: {  	v7 =	vmul.f32 v39, v7;
	v9 =	vadd.f32 v9, v11;
	v44 =	vadd.f32 v17, v42  }
0x3e9: {  	v5 =	vmul.f32 v41, v5;
	v6 =	vadd.f32 v6, v10;
	v45 =	vadd.f32 v15, v43  }
0x3ea: {  	v7 =	vadd.f32 v7, v9;
	v46 =	vperm.xlane v44, v0  }
0x3eb: {  	v5 =	vadd.f32 v5, v6;
	v47 =	vperm.xlane v45, v0  }
0x3ec: {  	v48 =	vperm.xlane v7, v0;
	v6 =	vadd.f32 v44, v46  }
0x3ed: {  	v49 =	vperm.xlane v5, v0;
	v9 =	vadd.f32 v45, v47  }
0x3ee: {  	v7 =	vadd.f32 v7, v48;
	v12 =	vperm.xlane v6, v1  }
0x3ef: {  	v5 =	vadd.f32 v5, v49;
	v50 =	vperm.xlane v9, v1  }
0x3f0: {  	v51 =	vperm.xlane v7, v1;
	v6 =	vadd.f32 v6, v12  }
0x3f1: {  	v52 =	vperm.xlane v5, v1;
	v9 =	vadd.f32 v9, v50  }
0x3f2: {  	v7 =	vadd.f32 v7, v51;
	v12 =	vperm.xlane v6, v2  }
0x3f3: {  	v5 =	vadd.f32 v5, v52;
	v53 =	vperm.xlane v9, v2  }
0x3f4: {  	s5 =	sadd.s32 $0x3, s18;
	v54 =	vperm.xlane v7, v2;
	v6 =	vadd.f32 v6, v12  }
0x3f5: {  	v58 =	vmov s5;
	v56 =	vperm.xlane v5, v2;
	v9 =	vadd.f32 v9, v53  }
0x3f6: {  	s6 =	sadd.s32 $0x2, s18;
	v55 =	vmov s18;
	v7 =	vadd.f32 v7, v54;
	v57 =	vperm.xlane v6, v3  }
0x3f7: {  	v60 =	vmov s6;
	v5 =	vadd.f32 v5, v56;
	v59 =	vperm.xlane v9, v3  }
0x3f8: {  	s30 =	sadd.s32 $0x1, s18;
	s31 =	sshll.u32 s0, $0x4;
	s0 =	sadd.s32 $0x1, s0;
	vm0 =	veq.s32 v55, v4;
	v61 =	vperm.xlane v7, v3;
	v6 =	vadd.f32 v6, v57  }
0x3f9: {  	p0 =	sne.s32 s0, $0x6;
	v62 =	vmov s30;
	v63 =	vperm.xlane v5, v3;
	v9 =	vadd.f32 v9, v59  }
.Ltmp12:
0x3fa: {  	vm13 =	veq.s32 v62, v4;
	v7 =	vadd.f32 v7, v61;
	v6 =	vsel vm0, v6, v8;
	(pc) =	sbr.rel @p0 .LBB2_24-.Ltmp12, $4  }
0x3fb: {  	vm14 =	veq.s32 v60, v4;
	v5 =	vadd.f32 v5, v63;
	v6 =	vsel vm13, v9, v6  }
0x3fc: {  	vm15 =	veq.s32 v58, v4;
	v6 =	vsel vm14, v7, v6  }
0x3fd: {  	s5 =	sand.u32 $0x3FFFFFF0, s31;
	v5 =	vsel vm15, v5, v6  }
0x3fe: {  	s14 =	sadd.s32 $0x800, s14;
	s16 =	sadd.s32 $0x800, s16;
	[tilespmem:s5+$0x1F4E0] =	vst v5  }
0x3ff: {  	_ =	swait.ge [sflag:s24], $0x3000  }
0x400: {  	[sflag:s24] =	ssyncset.done $0x0  }
0x401: {  	[sflag:s24] =	ssyncadd.s32 $0xFFFFD000  }
0x402: {  	_ =	swait.ge [sflag:s24], $0x3000  }
0x403: {  	s0 =	simm.s32 $0x0;
	[sflag:s24] =	ssyncset.done $0x0  }
0x404: {  	s14 =	simm.s32 $0x14000;
	s16 =	simm.s32 $0x11000;
	[sflag:s24] =	ssyncadd.s32 $0xFFFFD000  }
.LBB2_28:
0x405: {  	v5 =	vld [tilespmem:s16+$0xF0]  }
0x406: {  	v7 =	vld [tilespmem:s16+$0x70]  }
0x407: {  	v8 =	vld [tilespmem:s16+$0xFFFFFFF0]  }
0x408: {  	v15 =	vld [tilespmem:s14+$0xFFFFFFF0]  }
0x409: {  	v6 =	vld [tilespmem:s16+$0xE0]  }
0x40a: {  	v17 =	vld [tilespmem:s16+$0xFFFFFF70]  }
0x40b: {  	v21 =	vld [tilespmem:s14+$0xFFFFFF70]  }
0x40c: {  	v9 =	vld [tilespmem:s16+$0x60]  }
0x40d: {  	v22 =	vld [tilespmem:s16+$0xFFFFFFE0]  }
0x40e: {  	v51 =	vld [tilespmem:s14+$0xFFFFFFE0]  }
0x40f: {  	v10 =	vld [tilespmem:s16+$0xD0]  }
0x410: {  	v52 =	vld [tilespmem:s16+$0xFFFFFF60]  }
0x411: {  	v53 =	vld [tilespmem:s14+$0xFFFFFF60]  }
0x412: {  	v11 =	vld [tilespmem:s16+$0x50]  }
0x413: {  	v18 =	vld [tilespmem:s16+$0xFFFFFFD0]  }
0x414: {  	v20 =	vld [tilespmem:s14+$0xFFFFFFD0]  }
0x415: {  	v12 =	vld [tilespmem:s16+$0xC0]  }
0x416: {  	v23 =	vld [tilespmem:s16+$0xFFFFFF50]  }
0x417: {  	v25 =	vld [tilespmem:s14+$0xFFFFFF50]  }
0x418: {  	v13 =	vld [tilespmem:s16+$0x40]  }
0x419: {  	v26 =	vld [tilespmem:s16+$0xFFFFFFC0]  }
0x41a: {  	v27 =	vld [tilespmem:s14+$0xFFFFFFC0]  }
0x41b: {  	v14 =	vld [tilespmem:s16+$0xB0]  }
0x41c: {  	v31 =	vld [tilespmem:s16+$0xFFFFFF40]  }
0x41d: {  	v33 =	vld [tilespmem:s14+$0xFFFFFF40]  }
0x41e: {  	v16 =	vld [tilespmem:s16+$0x30]  }
0x41f: {  	v32 =	vld [tilespmem:s16+$0xFFFFFFB0]  }
0x420: {  	v34 =	vld [tilespmem:s14+$0xFFFFFFB0]  }
0x421: {  	v19 =	vld [tilespmem:s16+$0xA0]  }
0x422: {  	v35 =	vld [tilespmem:s16+$0xFFFFFF30]  }
0x423: {  	v38 =	vld [tilespmem:s14+$0xFFFFFF30]  }
0x424: {  	v24 =	vld [tilespmem:s16+$0x20]  }
0x425: {  	v36 =	vld [tilespmem:s16+$0xFFFFFFA0]  }
0x426: {  	v39 =	vld [tilespmem:s14+$0xFFFFFFA0]  }
0x427: {  	v28 =	vld [tilespmem:s16+$0x80]  }
0x428: {  	v29 =	vld [tilespmem:s14+$0x80]  }
0x429: {  	v30 =	vld [tilespmem:s16+$0x90]  }
0x42a: {  	v42 =	vld [tilespmem:s16+$0xFFFFFF20]  }
0x42b: {  	v44 =	vld [tilespmem:s14+$0xFFFFFF20]  }
0x42c: {  	v37 =	vld [tilespmem:s16+$0x0]  }
0x42d: {  	v40 =	vld [tilespmem:s14+$0x0]  }
0x42e: {  	v41 =	vld [tilespmem:s16+$0x10]  }
0x42f: {  	v43 =	vld [tilespmem:s16+$0xFFFFFF80]  }
0x430: {  	v45 =	vld [tilespmem:s14+$0xFFFFFF80]  }
0x431: {  	v46 =	vld [tilespmem:s16+$0xFFFFFF90]  }
0x432: {  	v47 =	vld [tilespmem:s16+$0xFFFFFF00]  }
0x433: {  	v48 =	vld [tilespmem:s14+$0xFFFFFF00]  }
0x434: {  	v49 =	vld [tilespmem:s16+$0xFFFFFF10];
	s28 =	simm.s32 $0x4;
	v17 =	vmul.f32 v21, v17;
	v15 =	vmul.f32 v15, v8  }
0x435: {  	v50 =	vld [tilespmem:s14+$0xFFFFFF10];
	s26 =	smov.u32 s14;
	s7 =	smov.u32 s16;
	s18 =	simm.s32 $0x0;
	v8 =	vimm.f32 $0.0e+00;
	v21 =	vmul.f32 v53, v52;
	v22 =	vmul.f32 v51, v22  }
.LBB2_29:
0x436: {  	p0 =	slt.u32 s28, $0xC;
	v23 =	vmul.f32 v25, v23;
	v25 =	vld [tilespmem:s26+$0xFFFFFF90];
	v18 =	vmul.f32 v20, v18  }
0x437: {  	v20 =	vmul.f32 v33, v31;
	v26 =	vmul.f32 v27, v26;
	v27 =	vld [tilespmem:s26+$0x10]  }
0x438: {  	v31 =	vmul.f32 v38, v35;
	v32 =	vmul.f32 v34, v32;
	v33 =	vld [tilespmem:s26+$0x90]  }
0x439: {  	v34 =	vmul.f32 v44, v42;
	v35 =	vmul.f32 v39, v36;
	v36 =	vld [tilespmem:s26+$0x20]  }
0x43a: {  	v38 =	vmul.f32 v48, v47;
	v39 =	vmul.f32 v50, v49;
	v42 =	vld [tilespmem:s26+$0xA0]  }
0x43b: {  	v43 =	vmul.f32 v45, v43;
	v25 =	vmul.f32 v25, v46;
	v44 =	vld [tilespmem:s26+$0x30]  }
0x43c: {  	v37 =	vmul.f32 v40, v37;
	v38 =	vadd.f32 v39, v38;
	v27 =	vmul.f32 v27, v41;
	v39 =	vld [tilespmem:s26+$0xB0]  }
0x43d: {  	v28 =	vmul.f32 v29, v28;
	v25 =	vadd.f32 v25, v43;
	v40 =	vld [tilespmem:s26+$0x40];
	v29 =	vmul.f32 v33, v30  }
0x43e: {  	v30 =	vadd.f32 v34, v38;
	v27 =	vadd.f32 v27, v37;
	v24 =	vmul.f32 v36, v24;
	v33 =	vld [tilespmem:s26+$0xC0]  }
0x43f: {  	v25 =	vadd.f32 v35, v25;
	v34 =	vld [tilespmem:s26+$0x50];
	v28 =	vadd.f32 v29, v28;
	v19 =	vmul.f32 v42, v19  }
0x440: {  	v29 =	vadd.f32 v31, v30;
	v24 =	vadd.f32 v24, v27;
	v16 =	vmul.f32 v44, v16;
	v27 =	vld [tilespmem:s26+$0xD0]  }
0x441: {  	v25 =	vadd.f32 v32, v25;
	v30 =	vld [tilespmem:s26+$0x60];
	v19 =	vadd.f32 v19, v28;
	v14 =	vmul.f32 v39, v14  }
0x442: {  	v20 =	vadd.f32 v20, v29;
	v16 =	vadd.f32 v16, v24;
	v13 =	vmul.f32 v40, v13;
	v24 =	vld [tilespmem:s26+$0xE0]  }
0x443: {  	v25 =	vadd.f32 v26, v25;
	v26 =	vld [tilespmem:s26+$0x70];
	v14 =	vadd.f32 v14, v19;
	v12 =	vmul.f32 v33, v12  }
0x444: {  	s7 =	sadd.s32 $0x200, s7;
	v19 =	vadd.f32 v23, v20;
	v13 =	vadd.f32 v13, v16;
	v11 =	vmul.f32 v34, v11;
	v16 =	vld [tilespmem:s26+$0xF0]  }
0x445: {  	v20 =	vld [tilespmem:s7+$0xF0];
	v18 =	vadd.f32 v18, v25;
	v12 =	vadd.f32 v12, v14;
	v10 =	vmul.f32 v27, v10  }
0x446: {  	v14 =	vld [tilespmem:s7+$0x70];
	v19 =	vadd.f32 v21, v19;
	v11 =	vadd.f32 v11, v13;
	v9 =	vmul.f32 v30, v9  }
0x447: {  	s26 =	sadd.s32 $0x200, s26;
	v21 =	vld [tilespmem:s7+$0xFFFFFFF0];
	v13 =	vadd.f32 v22, v18;
	v10 =	vadd.f32 v10, v12;
	v12 =	vmul.f32 v24, v6  }
0x448: {  	v22 =	vld [tilespmem:s26+$0xFFFFFFF0];
	v18 =	vadd.f32 v17, v19;
	v9 =	vadd.f32 v9, v11;
	v23 =	vmul.f32 v26, v7  }
0x449: {  	v6 =	vld [tilespmem:s7+$0xE0];
	v11 =	vadd.f32 v15, v13;
	v10 =	vadd.f32 v12, v10;
	v12 =	vmul.f32 v16, v5  }
0x44a: {  	v15 =	vld [tilespmem:s7+$0xFFFFFF70];
	v13 =	vperm.xlane v18, v0;
	v16 =	vadd.f32 v23, v9;
	v5 =	vmov v20  }
0x44b: {  	v17 =	vld [tilespmem:s26+$0xFFFFFF70];
	v19 =	vperm.xlane v11, v0;
	v12 =	vadd.f32 v12, v10;
	v7 =	vmov v14  }
0x44c: {  	v9 =	vld [tilespmem:s7+$0x60];
	v13 =	vadd.f32 v18, v13;
	v10 =	vperm.xlane v16, v0  }
0x44d: {  	v51 =	vld [tilespmem:s7+$0xFFFFFFE0];
	v11 =	vadd.f32 v11, v19;
	v14 =	vperm.xlane v12, v0  }
0x44e: {  	v52 =	vld [tilespmem:s26+$0xFFFFFFE0];
	v18 =	vperm.xlane v13, v1;
	v16 =	vadd.f32 v16, v10  }
0x44f: {  	v10 =	vld [tilespmem:s7+$0xD0];
	v19 =	vperm.xlane v11, v1;
	v12 =	vadd.f32 v12, v14  }
0x450: {  	v53 =	vld [tilespmem:s7+$0xFFFFFF60];
	v13 =	vadd.f32 v13, v18;
	v14 =	vperm.xlane v16, v1  }
0x451: {  	v54 =	vld [tilespmem:s26+$0xFFFFFF60];
	v19 =	vadd.f32 v11, v19;
	v20 =	vperm.xlane v12, v1  }
0x452: {  	v11 =	vld [tilespmem:s7+$0x50];
	v23 =	vperm.xlane v13, v2;
	v14 =	vadd.f32 v16, v14  }
0x453: {  	v18 =	vld [tilespmem:s7+$0xFFFFFFD0];
	v16 =	vperm.xlane v19, v2;
	v24 =	vadd.f32 v12, v20  }
0x454: {  	v20 =	vld [tilespmem:s26+$0xFFFFFFD0];
	v26 =	vadd.f32 v13, v23;
	v13 =	vperm.xlane v14, v2  }
0x455: {  	s5 =	sadd.s32 $0x3, s18;
	v27 =	vmov s18;
	v12 =	vld [tilespmem:s7+$0xC0];
	v16 =	vadd.f32 v19, v16;
	v19 =	vperm.xlane v24, v2  }
0x456: {  	s6 =	sadd.s32 $0x2, s18;
	v29 =	vmov s5;
	v23 =	vld [tilespmem:s7+$0xFFFFFF50];
	v28 =	vperm.xlane v26, v3;
	v14 =	vadd.f32 v14, v13  }
0x457: {  	v31 =	vmov s6;
	v25 =	vld [tilespmem:s26+$0xFFFFFF50];
	v30 =	vperm.xlane v16, v3;
	v19 =	vadd.f32 v24, v19  }
0x458: {  	s5 =	sadd.s32 $0x1, s18;
	s18 =	smov.u32 s28;
	vm0 =	veq.s32 v27, v4;
	v13 =	vld [tilespmem:s7+$0x40];
	v24 =	vadd.f32 v26, v28;
	v28 =	vperm.xlane v14, v3  }
0x459: {  	v26 =	vld [tilespmem:s7+$0xFFFFFFC0];
	v16 =	vadd.f32 v16, v30;
	v30 =	vmov s5;
	v32 =	vperm.xlane v19, v3  }
0x45a: {  	v27 =	vld [tilespmem:s26+$0xFFFFFFC0];
	v8 =	vsel vm0, v24, v8;
	vm0 =	veq.s32 v30, v4;
	v24 =	vadd.f32 v14, v28  }
0x45b: {  	v14 =	vld [tilespmem:s7+$0xB0];
	v8 =	vsel vm0, v16, v8;
	vm0 =	veq.s32 v31, v4;
	v16 =	vadd.f32 v19, v32  }
0x45c: {  	v31 =	vld [tilespmem:s7+$0xFFFFFF40];
	v8 =	vsel vm0, v24, v8;
	vm0 =	veq.s32 v29, v4  }
0x45d: {  	v33 =	vld [tilespmem:s26+$0xFFFFFF40];
	v8 =	vsel vm0, v16, v8  }
0x45e: {  	v16 =	vld [tilespmem:s7+$0x30]  }
0x45f: {  	v32 =	vld [tilespmem:s7+$0xFFFFFFB0]  }
0x460: {  	v34 =	vld [tilespmem:s26+$0xFFFFFFB0]  }
0x461: {  	v19 =	vld [tilespmem:s7+$0xA0]  }
0x462: {  	v35 =	vld [tilespmem:s7+$0xFFFFFF30]  }
0x463: {  	v38 =	vld [tilespmem:s26+$0xFFFFFF30]  }
0x464: {  	v24 =	vld [tilespmem:s7+$0x20]  }
0x465: {  	v36 =	vld [tilespmem:s7+$0xFFFFFFA0]  }
0x466: {  	v39 =	vld [tilespmem:s26+$0xFFFFFFA0]  }
0x467: {  	v28 =	vld [tilespmem:s7+$0x80]  }
0x468: {  	v29 =	vld [tilespmem:s26+$0x80]  }
0x469: {  	v30 =	vld [tilespmem:s7+$0x90]  }
0x46a: {  	v42 =	vld [tilespmem:s7+$0xFFFFFF20]  }
0x46b: {  	v44 =	vld [tilespmem:s26+$0xFFFFFF20]  }
0x46c: {  	v37 =	vld [tilespmem:s7+$0x0]  }
0x46d: {  	v40 =	vld [tilespmem:s26+$0x0]  }
0x46e: {  	v41 =	vld [tilespmem:s7+$0x10]  }
0x46f: {  	v43 =	vld [tilespmem:s7+$0xFFFFFF80]  }
0x470: {  	v45 =	vld [tilespmem:s26+$0xFFFFFF80]  }
.Ltmp13:
0x471: {  	v46 =	vld [tilespmem:s7+$0xFFFFFF90];
	(pc) =	sbr.rel @p0 .LBB2_29-.Ltmp13, $4  }
0x472: {  	v47 =	vld [tilespmem:s7+$0xFFFFFF00]  }
0x473: {  	v48 =	vld [tilespmem:s26+$0xFFFFFF00]  }
0x474: {  	v17 =	vmul.f32 v17, v15;
	v15 =	vmul.f32 v22, v21;
	v49 =	vld [tilespmem:s7+$0xFFFFFF10]  }
0x475: {  	s28 =	sadd.s32 $0x4, s28;
	v22 =	vmul.f32 v52, v51;
	v21 =	vmul.f32 v54, v53;
	v50 =	vld [tilespmem:s26+$0xFFFFFF10]  }
0x476: {  	v23 =	vmul.f32 v25, v23;
	v61 =	vld [tilespmem:s26+$0xFFFFFF90];
	v18 =	vmul.f32 v20, v18  }
0x477: {  	v20 =	vmul.f32 v33, v31;
	v26 =	vmul.f32 v27, v26;
	v62 =	vld [tilespmem:s26+$0x10]  }
0x478: {  	v31 =	vmul.f32 v38, v35;
	v32 =	vmul.f32 v34, v32;
	v63 =	vld [tilespmem:s26+$0x90]  }
0x479: {  	v51 =	vmul.f32 v44, v42;
	v52 =	vmul.f32 v39, v36;
	v53 =	vld [tilespmem:s26+$0x20]  }
0x47a: {  	v56 =	vld [tilespmem:s26+$0xA0];
	v54 =	vmul.f32 v48, v47;
	v55 =	vmul.f32 v50, v49  }
0x47b: {  	v43 =	vmul.f32 v45, v43;
	v57 =	vld [tilespmem:s26+$0x30];
	v25 =	vmul.f32 v61, v46  }
0x47c: {  	v37 =	vmul.f32 v40, v37;
	v58 =	vld [tilespmem:s26+$0xB0];
	v27 =	vmul.f32 v62, v41;
	v38 =	vadd.f32 v55, v54  }
0x47d: {  	v59 =	vld [tilespmem:s26+$0x40];
	v28 =	vmul.f32 v29, v28;
	v60 =	vmul.f32 v63, v30;
	v25 =	vadd.f32 v25, v43  }
0x47e: {  	v24 =	vmul.f32 v53, v24;
	v62 =	vld [tilespmem:s26+$0xC0];
	v27 =	vadd.f32 v27, v37;
	v61 =	vadd.f32 v51, v38  }
0x47f: {  	v63 =	vld [tilespmem:s26+$0x50];
	v19 =	vmul.f32 v56, v19;
	v28 =	vadd.f32 v60, v28;
	v25 =	vadd.f32 v52, v25  }
0x480: {  	v36 =	vld [tilespmem:s26+$0xD0];
	v16 =	vmul.f32 v57, v16;
	v24 =	vadd.f32 v24, v27;
	v35 =	vadd.f32 v31, v61  }
0x481: {  	v14 =	vmul.f32 v58, v14;
	v37 =	vld [tilespmem:s26+$0x60];
	v19 =	vadd.f32 v19, v28;
	v25 =	vadd.f32 v32, v25  }
0x482: {  	v13 =	vmul.f32 v59, v13;
	v38 =	vld [tilespmem:s26+$0xE0];
	v16 =	vadd.f32 v16, v24;
	v20 =	vadd.f32 v20, v35  }
0x483: {  	v39 =	vld [tilespmem:s26+$0x70];
	v12 =	vmul.f32 v62, v12;
	v14 =	vadd.f32 v14, v19;
	v25 =	vadd.f32 v26, v25  }
0x484: {  	v41 =	vld [tilespmem:s26+$0xF0];
	v11 =	vmul.f32 v63, v11;
	v13 =	vadd.f32 v13, v16;
	v40 =	vadd.f32 v23, v20  }
0x485: {  	v10 =	vmul.f32 v36, v10;
	v12 =	vadd.f32 v12, v14;
	v18 =	vadd.f32 v18, v25  }
0x486: {  	v9 =	vmul.f32 v37, v9;
	v11 =	vadd.f32 v11, v13;
	v42 =	vadd.f32 v21, v40  }
0x487: {  	v6 =	vmul.f32 v38, v6;
	v10 =	vadd.f32 v10, v12;
	v43 =	vadd.f32 v22, v18  }
0x488: {  	v7 =	vmul.f32 v39, v7;
	v9 =	vadd.f32 v9, v11;
	v44 =	vadd.f32 v17, v42  }
0x489: {  	v5 =	vmul.f32 v41, v5;
	v6 =	vadd.f32 v6, v10;
	v45 =	vadd.f32 v15, v43  }
0x48a: {  	v7 =	vadd.f32 v7, v9;
	v46 =	vperm.xlane v44, v0  }
0x48b: {  	v5 =	vadd.f32 v5, v6;
	v47 =	vperm.xlane v45, v0  }
0x48c: {  	v48 =	vperm.xlane v7, v0;
	v6 =	vadd.f32 v44, v46  }
0x48d: {  	v49 =	vperm.xlane v5, v0;
	v9 =	vadd.f32 v45, v47  }
0x48e: {  	v7 =	vadd.f32 v7, v48;
	v12 =	vperm.xlane v6, v1  }
0x48f: {  	v5 =	vadd.f32 v5, v49;
	v50 =	vperm.xlane v9, v1  }
0x490: {  	v51 =	vperm.xlane v7, v1;
	v6 =	vadd.f32 v6, v12  }
0x491: {  	v52 =	vperm.xlane v5, v1;
	v9 =	vadd.f32 v9, v50  }
0x492: {  	v7 =	vadd.f32 v7, v51;
	v12 =	vperm.xlane v6, v2  }
0x493: {  	v5 =	vadd.f32 v5, v52;
	v53 =	vperm.xlane v9, v2  }
0x494: {  	s5 =	sadd.s32 $0x3, s18;
	v54 =	vperm.xlane v7, v2;
	v6 =	vadd.f32 v6, v12  }
0x495: {  	v58 =	vmov s5;
	v56 =	vperm.xlane v5, v2;
	v9 =	vadd.f32 v9, v53  }
0x496: {  	s6 =	sadd.s32 $0x2, s18;
	v55 =	vmov s18;
	v7 =	vadd.f32 v7, v54;
	v57 =	vperm.xlane v6, v3  }
0x497: {  	v60 =	vmov s6;
	v5 =	vadd.f32 v5, v56;
	v59 =	vperm.xlane v9, v3  }
0x498: {  	s30 =	sadd.s32 $0x1, s18;
	s31 =	sshll.u32 s0, $0x4;
	s0 =	sadd.s32 $0x1, s0;
	vm0 =	veq.s32 v55, v4;
	v61 =	vperm.xlane v7, v3;
	v6 =	vadd.f32 v6, v57  }
0x499: {  	p0 =	sne.s32 s0, $0x6;
	v62 =	vmov s30;
	v63 =	vperm.xlane v5, v3;
	v9 =	vadd.f32 v9, v59  }
.Ltmp14:
0x49a: {  	vm13 =	veq.s32 v62, v4;
	v7 =	vadd.f32 v7, v61;
	v6 =	vsel vm0, v6, v8;
	(pc) =	sbr.rel @p0 .LBB2_28-.Ltmp14, $4  }
0x49b: {  	vm14 =	veq.s32 v60, v4;
	v5 =	vadd.f32 v5, v63;
	v6 =	vsel vm13, v9, v6  }
0x49c: {  	vm15 =	veq.s32 v58, v4;
	v6 =	vsel vm14, v7, v6  }
0x49d: {  	s5 =	sand.u32 $0x3FFFFFF0, s31;
	v5 =	vsel vm15, v5, v6  }
0x49e: {  	s14 =	sadd.s32 $0x800, s14;
	s16 =	sadd.s32 $0x800, s16;
	[tilespmem:s5+$0x1F540] =	vst v5  }
0x49f: {  	_ =	swait.ge [sflag:s25], $0x3000  }
0x4a0: {  	[sflag:s25] =	ssyncset.done $0x0  }
0x4a1: {  	[sflag:s25] =	ssyncadd.s32 $0xFFFFD000  }
0x4a2: {  	_ =	swait.ge [sflag:s25], $0x3000  }
0x4a3: {  	s0 =	simm.s32 $0x0;
	[sflag:s25] =	ssyncset.done $0x0  }
0x4a4: {  	s14 =	simm.s32 $0x1A000;
	s16 =	simm.s32 $0x17000;
	[sflag:s25] =	ssyncadd.s32 $0xFFFFD000  }
.LBB2_32:
0x4a5: {  	v5 =	vld [tilespmem:s16+$0xF0]  }
0x4a6: {  	v7 =	vld [tilespmem:s16+$0x70]  }
0x4a7: {  	v8 =	vld [tilespmem:s16+$0xFFFFFFF0]  }
0x4a8: {  	v15 =	vld [tilespmem:s14+$0xFFFFFFF0]  }
0x4a9: {  	v6 =	vld [tilespmem:s16+$0xE0]  }
0x4aa: {  	v17 =	vld [tilespmem:s16+$0xFFFFFF70]  }
0x4ab: {  	v21 =	vld [tilespmem:s14+$0xFFFFFF70]  }
0x4ac: {  	v9 =	vld [tilespmem:s16+$0x60]  }
0x4ad: {  	v22 =	vld [tilespmem:s16+$0xFFFFFFE0]  }
0x4ae: {  	v51 =	vld [tilespmem:s14+$0xFFFFFFE0]  }
0x4af: {  	v10 =	vld [tilespmem:s16+$0xD0]  }
0x4b0: {  	v52 =	vld [tilespmem:s16+$0xFFFFFF60]  }
0x4b1: {  	v53 =	vld [tilespmem:s14+$0xFFFFFF60]  }
0x4b2: {  	v11 =	vld [tilespmem:s16+$0x50]  }
0x4b3: {  	v18 =	vld [tilespmem:s16+$0xFFFFFFD0]  }
0x4b4: {  	v20 =	vld [tilespmem:s14+$0xFFFFFFD0]  }
0x4b5: {  	v12 =	vld [tilespmem:s16+$0xC0]  }
0x4b6: {  	v23 =	vld [tilespmem:s16+$0xFFFFFF50]  }
0x4b7: {  	v25 =	vld [tilespmem:s14+$0xFFFFFF50]  }
0x4b8: {  	v13 =	vld [tilespmem:s16+$0x40]  }
0x4b9: {  	v26 =	vld [tilespmem:s16+$0xFFFFFFC0]  }
0x4ba: {  	v27 =	vld [tilespmem:s14+$0xFFFFFFC0]  }
0x4bb: {  	v14 =	vld [tilespmem:s16+$0xB0]  }
0x4bc: {  	v31 =	vld [tilespmem:s16+$0xFFFFFF40]  }
0x4bd: {  	v33 =	vld [tilespmem:s14+$0xFFFFFF40]  }
0x4be: {  	v16 =	vld [tilespmem:s16+$0x30]  }
0x4bf: {  	v32 =	vld [tilespmem:s16+$0xFFFFFFB0]  }
0x4c0: {  	v34 =	vld [tilespmem:s14+$0xFFFFFFB0]  }
0x4c1: {  	v19 =	vld [tilespmem:s16+$0xA0]  }
0x4c2: {  	v35 =	vld [tilespmem:s16+$0xFFFFFF30]  }
0x4c3: {  	v38 =	vld [tilespmem:s14+$0xFFFFFF30]  }
0x4c4: {  	v24 =	vld [tilespmem:s16+$0x20]  }
0x4c5: {  	v36 =	vld [tilespmem:s16+$0xFFFFFFA0]  }
0x4c6: {  	v39 =	vld [tilespmem:s14+$0xFFFFFFA0]  }
0x4c7: {  	v28 =	vld [tilespmem:s16+$0x80]  }
0x4c8: {  	v29 =	vld [tilespmem:s14+$0x80]  }
0x4c9: {  	v30 =	vld [tilespmem:s16+$0x90]  }
0x4ca: {  	v42 =	vld [tilespmem:s16+$0xFFFFFF20]  }
0x4cb: {  	v44 =	vld [tilespmem:s14+$0xFFFFFF20]  }
0x4cc: {  	v37 =	vld [tilespmem:s16+$0x0]  }
0x4cd: {  	v40 =	vld [tilespmem:s14+$0x0]  }
0x4ce: {  	v41 =	vld [tilespmem:s16+$0x10]  }
0x4cf: {  	v43 =	vld [tilespmem:s16+$0xFFFFFF80]  }
0x4d0: {  	v45 =	vld [tilespmem:s14+$0xFFFFFF80]  }
0x4d1: {  	v46 =	vld [tilespmem:s16+$0xFFFFFF90]  }
0x4d2: {  	v47 =	vld [tilespmem:s16+$0xFFFFFF00]  }
0x4d3: {  	v48 =	vld [tilespmem:s14+$0xFFFFFF00]  }
0x4d4: {  	v49 =	vld [tilespmem:s16+$0xFFFFFF10];
	s28 =	simm.s32 $0x4;
	v17 =	vmul.f32 v21, v17;
	v15 =	vmul.f32 v15, v8  }
0x4d5: {  	v50 =	vld [tilespmem:s14+$0xFFFFFF10];
	s26 =	smov.u32 s14;
	s7 =	smov.u32 s16;
	s18 =	simm.s32 $0x0;
	v8 =	vimm.f32 $0.0e+00;
	v21 =	vmul.f32 v53, v52;
	v22 =	vmul.f32 v51, v22  }
.LBB2_33:
0x4d6: {  	p0 =	slt.u32 s28, $0xC;
	v23 =	vmul.f32 v25, v23;
	v25 =	vld [tilespmem:s26+$0xFFFFFF90];
	v18 =	vmul.f32 v20, v18  }
0x4d7: {  	v20 =	vmul.f32 v33, v31;
	v26 =	vmul.f32 v27, v26;
	v27 =	vld [tilespmem:s26+$0x10]  }
0x4d8: {  	v31 =	vmul.f32 v38, v35;
	v32 =	vmul.f32 v34, v32;
	v33 =	vld [tilespmem:s26+$0x90]  }
0x4d9: {  	v34 =	vmul.f32 v44, v42;
	v35 =	vmul.f32 v39, v36;
	v36 =	vld [tilespmem:s26+$0x20]  }
0x4da: {  	v38 =	vmul.f32 v48, v47;
	v39 =	vmul.f32 v50, v49;
	v42 =	vld [tilespmem:s26+$0xA0]  }
0x4db: {  	v43 =	vmul.f32 v45, v43;
	v25 =	vmul.f32 v25, v46;
	v44 =	vld [tilespmem:s26+$0x30]  }
0x4dc: {  	v37 =	vmul.f32 v40, v37;
	v38 =	vadd.f32 v39, v38;
	v27 =	vmul.f32 v27, v41;
	v39 =	vld [tilespmem:s26+$0xB0]  }
0x4dd: {  	v28 =	vmul.f32 v29, v28;
	v25 =	vadd.f32 v25, v43;
	v40 =	vld [tilespmem:s26+$0x40];
	v29 =	vmul.f32 v33, v30  }
0x4de: {  	v30 =	vadd.f32 v34, v38;
	v27 =	vadd.f32 v27, v37;
	v24 =	vmul.f32 v36, v24;
	v33 =	vld [tilespmem:s26+$0xC0]  }
0x4df: {  	v25 =	vadd.f32 v35, v25;
	v34 =	vld [tilespmem:s26+$0x50];
	v28 =	vadd.f32 v29, v28;
	v19 =	vmul.f32 v42, v19  }
0x4e0: {  	v29 =	vadd.f32 v31, v30;
	v24 =	vadd.f32 v24, v27;
	v16 =	vmul.f32 v44, v16;
	v27 =	vld [tilespmem:s26+$0xD0]  }
0x4e1: {  	v25 =	vadd.f32 v32, v25;
	v30 =	vld [tilespmem:s26+$0x60];
	v19 =	vadd.f32 v19, v28;
	v14 =	vmul.f32 v39, v14  }
0x4e2: {  	v20 =	vadd.f32 v20, v29;
	v16 =	vadd.f32 v16, v24;
	v13 =	vmul.f32 v40, v13;
	v24 =	vld [tilespmem:s26+$0xE0]  }
0x4e3: {  	v25 =	vadd.f32 v26, v25;
	v26 =	vld [tilespmem:s26+$0x70];
	v14 =	vadd.f32 v14, v19;
	v12 =	vmul.f32 v33, v12  }
0x4e4: {  	s7 =	sadd.s32 $0x200, s7;
	v19 =	vadd.f32 v23, v20;
	v13 =	vadd.f32 v13, v16;
	v11 =	vmul.f32 v34, v11;
	v16 =	vld [tilespmem:s26+$0xF0]  }
0x4e5: {  	v20 =	vld [tilespmem:s7+$0xF0];
	v18 =	vadd.f32 v18, v25;
	v12 =	vadd.f32 v12, v14;
	v10 =	vmul.f32 v27, v10  }
0x4e6: {  	v14 =	vld [tilespmem:s7+$0x70];
	v19 =	vadd.f32 v21, v19;
	v11 =	vadd.f32 v11, v13;
	v9 =	vmul.f32 v30, v9  }
0x4e7: {  	s26 =	sadd.s32 $0x200, s26;
	v21 =	vld [tilespmem:s7+$0xFFFFFFF0];
	v13 =	vadd.f32 v22, v18;
	v10 =	vadd.f32 v10, v12;
	v12 =	vmul.f32 v24, v6  }
0x4e8: {  	v22 =	vld [tilespmem:s26+$0xFFFFFFF0];
	v18 =	vadd.f32 v17, v19;
	v9 =	vadd.f32 v9, v11;
	v23 =	vmul.f32 v26, v7  }
0x4e9: {  	v6 =	vld [tilespmem:s7+$0xE0];
	v11 =	vadd.f32 v15, v13;
	v10 =	vadd.f32 v12, v10;
	v12 =	vmul.f32 v16, v5  }
0x4ea: {  	v15 =	vld [tilespmem:s7+$0xFFFFFF70];
	v13 =	vperm.xlane v18, v0;
	v16 =	vadd.f32 v23, v9;
	v5 =	vmov v20  }
0x4eb: {  	v17 =	vld [tilespmem:s26+$0xFFFFFF70];
	v19 =	vperm.xlane v11, v0;
	v12 =	vadd.f32 v12, v10;
	v7 =	vmov v14  }
0x4ec: {  	v9 =	vld [tilespmem:s7+$0x60];
	v13 =	vadd.f32 v18, v13;
	v10 =	vperm.xlane v16, v0  }
0x4ed: {  	v51 =	vld [tilespmem:s7+$0xFFFFFFE0];
	v11 =	vadd.f32 v11, v19;
	v14 =	vperm.xlane v12, v0  }
0x4ee: {  	v52 =	vld [tilespmem:s26+$0xFFFFFFE0];
	v18 =	vperm.xlane v13, v1;
	v16 =	vadd.f32 v16, v10  }
0x4ef: {  	v10 =	vld [tilespmem:s7+$0xD0];
	v19 =	vperm.xlane v11, v1;
	v12 =	vadd.f32 v12, v14  }
0x4f0: {  	v53 =	vld [tilespmem:s7+$0xFFFFFF60];
	v13 =	vadd.f32 v13, v18;
	v14 =	vperm.xlane v16, v1  }
0x4f1: {  	v54 =	vld [tilespmem:s26+$0xFFFFFF60];
	v19 =	vadd.f32 v11, v19;
	v20 =	vperm.xlane v12, v1  }
0x4f2: {  	v11 =	vld [tilespmem:s7+$0x50];
	v23 =	vperm.xlane v13, v2;
	v14 =	vadd.f32 v16, v14  }
0x4f3: {  	v18 =	vld [tilespmem:s7+$0xFFFFFFD0];
	v16 =	vperm.xlane v19, v2;
	v24 =	vadd.f32 v12, v20  }
0x4f4: {  	v20 =	vld [tilespmem:s26+$0xFFFFFFD0];
	v26 =	vadd.f32 v13, v23;
	v13 =	vperm.xlane v14, v2  }
0x4f5: {  	s5 =	sadd.s32 $0x3, s18;
	v27 =	vmov s18;
	v12 =	vld [tilespmem:s7+$0xC0];
	v16 =	vadd.f32 v19, v16;
	v19 =	vperm.xlane v24, v2  }
0x4f6: {  	s6 =	sadd.s32 $0x2, s18;
	v29 =	vmov s5;
	v23 =	vld [tilespmem:s7+$0xFFFFFF50];
	v28 =	vperm.xlane v26, v3;
	v14 =	vadd.f32 v14, v13  }
0x4f7: {  	v31 =	vmov s6;
	v25 =	vld [tilespmem:s26+$0xFFFFFF50];
	v30 =	vperm.xlane v16, v3;
	v19 =	vadd.f32 v24, v19  }
0x4f8: {  	s5 =	sadd.s32 $0x1, s18;
	s18 =	smov.u32 s28;
	vm0 =	veq.s32 v27, v4;
	v13 =	vld [tilespmem:s7+$0x40];
	v24 =	vadd.f32 v26, v28;
	v28 =	vperm.xlane v14, v3  }
0x4f9: {  	v26 =	vld [tilespmem:s7+$0xFFFFFFC0];
	v16 =	vadd.f32 v16, v30;
	v30 =	vmov s5;
	v32 =	vperm.xlane v19, v3  }
0x4fa: {  	v27 =	vld [tilespmem:s26+$0xFFFFFFC0];
	v8 =	vsel vm0, v24, v8;
	vm0 =	veq.s32 v30, v4;
	v24 =	vadd.f32 v14, v28  }
0x4fb: {  	v14 =	vld [tilespmem:s7+$0xB0];
	v8 =	vsel vm0, v16, v8;
	vm0 =	veq.s32 v31, v4;
	v16 =	vadd.f32 v19, v32  }
0x4fc: {  	v31 =	vld [tilespmem:s7+$0xFFFFFF40];
	v8 =	vsel vm0, v24, v8;
	vm0 =	veq.s32 v29, v4  }
0x4fd: {  	v33 =	vld [tilespmem:s26+$0xFFFFFF40];
	v8 =	vsel vm0, v16, v8  }
0x4fe: {  	v16 =	vld [tilespmem:s7+$0x30]  }
0x4ff: {  	v32 =	vld [tilespmem:s7+$0xFFFFFFB0]  }
0x500: {  	v34 =	vld [tilespmem:s26+$0xFFFFFFB0]  }
0x501: {  	v19 =	vld [tilespmem:s7+$0xA0]  }
0x502: {  	v35 =	vld [tilespmem:s7+$0xFFFFFF30]  }
0x503: {  	v38 =	vld [tilespmem:s26+$0xFFFFFF30]  }
0x504: {  	v24 =	vld [tilespmem:s7+$0x20]  }
0x505: {  	v36 =	vld [tilespmem:s7+$0xFFFFFFA0]  }
0x506: {  	v39 =	vld [tilespmem:s26+$0xFFFFFFA0]  }
0x507: {  	v28 =	vld [tilespmem:s7+$0x80]  }
0x508: {  	v29 =	vld [tilespmem:s26+$0x80]  }
0x509: {  	v30 =	vld [tilespmem:s7+$0x90]  }
0x50a: {  	v42 =	vld [tilespmem:s7+$0xFFFFFF20]  }
0x50b: {  	v44 =	vld [tilespmem:s26+$0xFFFFFF20]  }
0x50c: {  	v37 =	vld [tilespmem:s7+$0x0]  }
0x50d: {  	v40 =	vld [tilespmem:s26+$0x0]  }
0x50e: {  	v41 =	vld [tilespmem:s7+$0x10]  }
0x50f: {  	v43 =	vld [tilespmem:s7+$0xFFFFFF80]  }
0x510: {  	v45 =	vld [tilespmem:s26+$0xFFFFFF80]  }
.Ltmp15:
0x511: {  	v46 =	vld [tilespmem:s7+$0xFFFFFF90];
	(pc) =	sbr.rel @p0 .LBB2_33-.Ltmp15, $4  }
0x512: {  	v47 =	vld [tilespmem:s7+$0xFFFFFF00]  }
0x513: {  	v48 =	vld [tilespmem:s26+$0xFFFFFF00]  }
0x514: {  	v17 =	vmul.f32 v17, v15;
	v15 =	vmul.f32 v22, v21;
	v49 =	vld [tilespmem:s7+$0xFFFFFF10]  }
0x515: {  	s28 =	sadd.s32 $0x4, s28;
	v22 =	vmul.f32 v52, v51;
	v21 =	vmul.f32 v54, v53;
	v50 =	vld [tilespmem:s26+$0xFFFFFF10]  }
0x516: {  	v23 =	vmul.f32 v25, v23;
	v61 =	vld [tilespmem:s26+$0xFFFFFF90];
	v18 =	vmul.f32 v20, v18  }
0x517: {  	v20 =	vmul.f32 v33, v31;
	v26 =	vmul.f32 v27, v26;
	v62 =	vld [tilespmem:s26+$0x10]  }
0x518: {  	v31 =	vmul.f32 v38, v35;
	v32 =	vmul.f32 v34, v32;
	v63 =	vld [tilespmem:s26+$0x90]  }
0x519: {  	v51 =	vmul.f32 v44, v42;
	v52 =	vmul.f32 v39, v36;
	v53 =	vld [tilespmem:s26+$0x20]  }
0x51a: {  	v56 =	vld [tilespmem:s26+$0xA0];
	v54 =	vmul.f32 v48, v47;
	v55 =	vmul.f32 v50, v49  }
0x51b: {  	v43 =	vmul.f32 v45, v43;
	v57 =	vld [tilespmem:s26+$0x30];
	v25 =	vmul.f32 v61, v46  }
0x51c: {  	v37 =	vmul.f32 v40, v37;
	v58 =	vld [tilespmem:s26+$0xB0];
	v27 =	vmul.f32 v62, v41;
	v38 =	vadd.f32 v55, v54  }
0x51d: {  	v59 =	vld [tilespmem:s26+$0x40];
	v28 =	vmul.f32 v29, v28;
	v60 =	vmul.f32 v63, v30;
	v25 =	vadd.f32 v25, v43  }
0x51e: {  	v24 =	vmul.f32 v53, v24;
	v62 =	vld [tilespmem:s26+$0xC0];
	v27 =	vadd.f32 v27, v37;
	v61 =	vadd.f32 v51, v38  }
0x51f: {  	v63 =	vld [tilespmem:s26+$0x50];
	v19 =	vmul.f32 v56, v19;
	v28 =	vadd.f32 v60, v28;
	v25 =	vadd.f32 v52, v25  }
0x520: {  	v36 =	vld [tilespmem:s26+$0xD0];
	v16 =	vmul.f32 v57, v16;
	v24 =	vadd.f32 v24, v27;
	v35 =	vadd.f32 v31, v61  }
0x521: {  	v14 =	vmul.f32 v58, v14;
	v37 =	vld [tilespmem:s26+$0x60];
	v19 =	vadd.f32 v19, v28;
	v25 =	vadd.f32 v32, v25  }
0x522: {  	v13 =	vmul.f32 v59, v13;
	v38 =	vld [tilespmem:s26+$0xE0];
	v16 =	vadd.f32 v16, v24;
	v20 =	vadd.f32 v20, v35  }
0x523: {  	v39 =	vld [tilespmem:s26+$0x70];
	v12 =	vmul.f32 v62, v12;
	v14 =	vadd.f32 v14, v19;
	v25 =	vadd.f32 v26, v25  }
0x524: {  	v41 =	vld [tilespmem:s26+$0xF0];
	v11 =	vmul.f32 v63, v11;
	v13 =	vadd.f32 v13, v16;
	v40 =	vadd.f32 v23, v20  }
0x525: {  	v10 =	vmul.f32 v36, v10;
	v12 =	vadd.f32 v12, v14;
	v18 =	vadd.f32 v18, v25  }
0x526: {  	v9 =	vmul.f32 v37, v9;
	v11 =	vadd.f32 v11, v13;
	v42 =	vadd.f32 v21, v40  }
0x527: {  	v6 =	vmul.f32 v38, v6;
	v10 =	vadd.f32 v10, v12;
	v43 =	vadd.f32 v22, v18  }
0x528: {  	v7 =	vmul.f32 v39, v7;
	v9 =	vadd.f32 v9, v11;
	v44 =	vadd.f32 v17, v42  }
0x529: {  	v5 =	vmul.f32 v41, v5;
	v6 =	vadd.f32 v6, v10;
	v45 =	vadd.f32 v15, v43  }
0x52a: {  	v7 =	vadd.f32 v7, v9;
	v46 =	vperm.xlane v44, v0  }
0x52b: {  	v5 =	vadd.f32 v5, v6;
	v47 =	vperm.xlane v45, v0  }
0x52c: {  	v48 =	vperm.xlane v7, v0;
	v6 =	vadd.f32 v44, v46  }
0x52d: {  	v49 =	vperm.xlane v5, v0;
	v9 =	vadd.f32 v45, v47  }
0x52e: {  	v7 =	vadd.f32 v7, v48;
	v12 =	vperm.xlane v6, v1  }
0x52f: {  	v5 =	vadd.f32 v5, v49;
	v50 =	vperm.xlane v9, v1  }
0x530: {  	v51 =	vperm.xlane v7, v1;
	v6 =	vadd.f32 v6, v12  }
0x531: {  	v52 =	vperm.xlane v5, v1;
	v9 =	vadd.f32 v9, v50  }
0x532: {  	v7 =	vadd.f32 v7, v51;
	v12 =	vperm.xlane v6, v2  }
0x533: {  	v5 =	vadd.f32 v5, v52;
	v53 =	vperm.xlane v9, v2  }
0x534: {  	s5 =	sadd.s32 $0x3, s18;
	v54 =	vperm.xlane v7, v2;
	v6 =	vadd.f32 v6, v12  }
0x535: {  	v58 =	vmov s5;
	v56 =	vperm.xlane v5, v2;
	v9 =	vadd.f32 v9, v53  }
0x536: {  	s6 =	sadd.s32 $0x2, s18;
	v55 =	vmov s18;
	v7 =	vadd.f32 v7, v54;
	v57 =	vperm.xlane v6, v3  }
0x537: {  	v60 =	vmov s6;
	v5 =	vadd.f32 v5, v56;
	v59 =	vperm.xlane v9, v3  }
0x538: {  	s30 =	sadd.s32 $0x1, s18;
	s31 =	sshll.u32 s0, $0x4;
	s0 =	sadd.s32 $0x1, s0;
	vm0 =	veq.s32 v55, v4;
	v61 =	vperm.xlane v7, v3;
	v6 =	vadd.f32 v6, v57  }
0x539: {  	p0 =	sne.s32 s0, $0x6;
	v62 =	vmov s30;
	v63 =	vperm.xlane v5, v3;
	v9 =	vadd.f32 v9, v59  }
.Ltmp16:
0x53a: {  	vm13 =	veq.s32 v62, v4;
	v7 =	vadd.f32 v7, v61;
	v6 =	vsel vm0, v6, v8;
	(pc) =	sbr.rel @p0 .LBB2_32-.Ltmp16, $4  }
0x53b: {  	vm14 =	veq.s32 v60, v4;
	v5 =	vadd.f32 v5, v63;
	v6 =	vsel vm13, v9, v6  }
0x53c: {  	vm15 =	veq.s32 v58, v4;
	v6 =	vsel vm14, v7, v6  }
0x53d: {  	s5 =	sand.u32 $0x3FFFFFF0, s31;
	v5 =	vsel vm15, v5, v6  }
0x53e: {  	s14 =	sadd.s32 $0x800, s14;
	s16 =	sadd.s32 $0x800, s16;
	[tilespmem:s5+$0x1F5A0] =	vst v5  }
0x53f: {  	_ =	swait.ge [sflag:s22], $0x3000  }
0x540: {  	[sflag:s22] =	ssyncset.done $0x0  }
0x541: {  	[sflag:s22] =	ssyncadd.s32 $0xFFFFD000  }
0x542: {  	_ =	swait.ge [sflag:s22], $0x3000  }
0x543: {  	s0 =	simm.s32 $0x0;
	[sflag:s22] =	ssyncset.done $0x0  }
0x544: {  	s14 =	simm.s32 $0x8000;
	s16 =	simm.s32 $0x5000;
	[sflag:s22] =	ssyncadd.s32 $0xFFFFD000  }
.LBB2_36:
0x545: {  	v5 =	vld [tilespmem:s16+$0xF0]  }
0x546: {  	v7 =	vld [tilespmem:s16+$0x70]  }
0x547: {  	v8 =	vld [tilespmem:s16+$0xFFFFFFF0]  }
0x548: {  	v15 =	vld [tilespmem:s14+$0xFFFFFFF0]  }
0x549: {  	v6 =	vld [tilespmem:s16+$0xE0]  }
0x54a: {  	v17 =	vld [tilespmem:s16+$0xFFFFFF70]  }
0x54b: {  	v21 =	vld [tilespmem:s14+$0xFFFFFF70]  }
0x54c: {  	v9 =	vld [tilespmem:s16+$0x60]  }
0x54d: {  	v22 =	vld [tilespmem:s16+$0xFFFFFFE0]  }
0x54e: {  	v51 =	vld [tilespmem:s14+$0xFFFFFFE0]  }
0x54f: {  	v10 =	vld [tilespmem:s16+$0xD0]  }
0x550: {  	v52 =	vld [tilespmem:s16+$0xFFFFFF60]  }
0x551: {  	v53 =	vld [tilespmem:s14+$0xFFFFFF60]  }
0x552: {  	v11 =	vld [tilespmem:s16+$0x50]  }
0x553: {  	v18 =	vld [tilespmem:s16+$0xFFFFFFD0]  }
0x554: {  	v20 =	vld [tilespmem:s14+$0xFFFFFFD0]  }
0x555: {  	v12 =	vld [tilespmem:s16+$0xC0]  }
0x556: {  	v23 =	vld [tilespmem:s16+$0xFFFFFF50]  }
0x557: {  	v25 =	vld [tilespmem:s14+$0xFFFFFF50]  }
0x558: {  	v13 =	vld [tilespmem:s16+$0x40]  }
0x559: {  	v26 =	vld [tilespmem:s16+$0xFFFFFFC0]  }
0x55a: {  	v27 =	vld [tilespmem:s14+$0xFFFFFFC0]  }
0x55b: {  	v14 =	vld [tilespmem:s16+$0xB0]  }
0x55c: {  	v31 =	vld [tilespmem:s16+$0xFFFFFF40]  }
0x55d: {  	v33 =	vld [tilespmem:s14+$0xFFFFFF40]  }
0x55e: {  	v16 =	vld [tilespmem:s16+$0x30]  }
0x55f: {  	v32 =	vld [tilespmem:s16+$0xFFFFFFB0]  }
0x560: {  	v34 =	vld [tilespmem:s14+$0xFFFFFFB0]  }
0x561: {  	v19 =	vld [tilespmem:s16+$0xA0]  }
0x562: {  	v35 =	vld [tilespmem:s16+$0xFFFFFF30]  }
0x563: {  	v38 =	vld [tilespmem:s14+$0xFFFFFF30]  }
0x564: {  	v24 =	vld [tilespmem:s16+$0x20]  }
0x565: {  	v36 =	vld [tilespmem:s16+$0xFFFFFFA0]  }
0x566: {  	v39 =	vld [tilespmem:s14+$0xFFFFFFA0]  }
0x567: {  	v28 =	vld [tilespmem:s16+$0x80]  }
0x568: {  	v29 =	vld [tilespmem:s14+$0x80]  }
0x569: {  	v30 =	vld [tilespmem:s16+$0x90]  }
0x56a: {  	v42 =	vld [tilespmem:s16+$0xFFFFFF20]  }
0x56b: {  	v44 =	vld [tilespmem:s14+$0xFFFFFF20]  }
0x56c: {  	v37 =	vld [tilespmem:s16+$0x0]  }
0x56d: {  	v40 =	vld [tilespmem:s14+$0x0]  }
0x56e: {  	v41 =	vld [tilespmem:s16+$0x10]  }
0x56f: {  	v43 =	vld [tilespmem:s16+$0xFFFFFF80]  }
0x570: {  	v45 =	vld [tilespmem:s14+$0xFFFFFF80]  }
0x571: {  	v46 =	vld [tilespmem:s16+$0xFFFFFF90]  }
0x572: {  	v47 =	vld [tilespmem:s16+$0xFFFFFF00]  }
0x573: {  	v48 =	vld [tilespmem:s14+$0xFFFFFF00]  }
0x574: {  	v49 =	vld [tilespmem:s16+$0xFFFFFF10];
	s28 =	simm.s32 $0x4;
	v17 =	vmul.f32 v21, v17;
	v15 =	vmul.f32 v15, v8  }
0x575: {  	v50 =	vld [tilespmem:s14+$0xFFFFFF10];
	s26 =	smov.u32 s14;
	s7 =	smov.u32 s16;
	s18 =	simm.s32 $0x0;
	v8 =	vimm.f32 $0.0e+00;
	v21 =	vmul.f32 v53, v52;
	v22 =	vmul.f32 v51, v22  }
.LBB2_37:
0x576: {  	p0 =	slt.u32 s28, $0xC;
	v23 =	vmul.f32 v25, v23;
	v25 =	vld [tilespmem:s26+$0xFFFFFF90];
	v18 =	vmul.f32 v20, v18  }
0x577: {  	v20 =	vmul.f32 v33, v31;
	v26 =	vmul.f32 v27, v26;
	v27 =	vld [tilespmem:s26+$0x10]  }
0x578: {  	v31 =	vmul.f32 v38, v35;
	v32 =	vmul.f32 v34, v32;
	v33 =	vld [tilespmem:s26+$0x90]  }
0x579: {  	v34 =	vmul.f32 v44, v42;
	v35 =	vmul.f32 v39, v36;
	v36 =	vld [tilespmem:s26+$0x20]  }
0x57a: {  	v38 =	vmul.f32 v48, v47;
	v39 =	vmul.f32 v50, v49;
	v42 =	vld [tilespmem:s26+$0xA0]  }
0x57b: {  	v43 =	vmul.f32 v45, v43;
	v25 =	vmul.f32 v25, v46;
	v44 =	vld [tilespmem:s26+$0x30]  }
0x57c: {  	v37 =	vmul.f32 v40, v37;
	v38 =	vadd.f32 v39, v38;
	v27 =	vmul.f32 v27, v41;
	v39 =	vld [tilespmem:s26+$0xB0]  }
0x57d: {  	v28 =	vmul.f32 v29, v28;
	v25 =	vadd.f32 v25, v43;
	v40 =	vld [tilespmem:s26+$0x40];
	v29 =	vmul.f32 v33, v30  }
0x57e: {  	v30 =	vadd.f32 v34, v38;
	v27 =	vadd.f32 v27, v37;
	v24 =	vmul.f32 v36, v24;
	v33 =	vld [tilespmem:s26+$0xC0]  }
0x57f: {  	v25 =	vadd.f32 v35, v25;
	v34 =	vld [tilespmem:s26+$0x50];
	v28 =	vadd.f32 v29, v28;
	v19 =	vmul.f32 v42, v19  }
0x580: {  	v29 =	vadd.f32 v31, v30;
	v24 =	vadd.f32 v24, v27;
	v16 =	vmul.f32 v44, v16;
	v27 =	vld [tilespmem:s26+$0xD0]  }
0x581: {  	v25 =	vadd.f32 v32, v25;
	v30 =	vld [tilespmem:s26+$0x60];
	v19 =	vadd.f32 v19, v28;
	v14 =	vmul.f32 v39, v14  }
0x582: {  	v20 =	vadd.f32 v20, v29;
	v16 =	vadd.f32 v16, v24;
	v13 =	vmul.f32 v40, v13;
	v24 =	vld [tilespmem:s26+$0xE0]  }
0x583: {  	v25 =	vadd.f32 v26, v25;
	v26 =	vld [tilespmem:s26+$0x70];
	v14 =	vadd.f32 v14, v19;
	v12 =	vmul.f32 v33, v12  }
0x584: {  	s7 =	sadd.s32 $0x200, s7;
	v19 =	vadd.f32 v23, v20;
	v13 =	vadd.f32 v13, v16;
	v11 =	vmul.f32 v34, v11;
	v16 =	vld [tilespmem:s26+$0xF0]  }
0x585: {  	v20 =	vld [tilespmem:s7+$0xF0];
	v18 =	vadd.f32 v18, v25;
	v12 =	vadd.f32 v12, v14;
	v10 =	vmul.f32 v27, v10  }
0x586: {  	v14 =	vld [tilespmem:s7+$0x70];
	v19 =	vadd.f32 v21, v19;
	v11 =	vadd.f32 v11, v13;
	v9 =	vmul.f32 v30, v9  }
0x587: {  	s26 =	sadd.s32 $0x200, s26;
	v21 =	vld [tilespmem:s7+$0xFFFFFFF0];
	v13 =	vadd.f32 v22, v18;
	v10 =	vadd.f32 v10, v12;
	v12 =	vmul.f32 v24, v6  }
0x588: {  	v22 =	vld [tilespmem:s26+$0xFFFFFFF0];
	v18 =	vadd.f32 v17, v19;
	v9 =	vadd.f32 v9, v11;
	v23 =	vmul.f32 v26, v7  }
0x589: {  	v6 =	vld [tilespmem:s7+$0xE0];
	v11 =	vadd.f32 v15, v13;
	v10 =	vadd.f32 v12, v10;
	v12 =	vmul.f32 v16, v5  }
0x58a: {  	v15 =	vld [tilespmem:s7+$0xFFFFFF70];
	v13 =	vperm.xlane v18, v0;
	v16 =	vadd.f32 v23, v9;
	v5 =	vmov v20  }
0x58b: {  	v17 =	vld [tilespmem:s26+$0xFFFFFF70];
	v19 =	vperm.xlane v11, v0;
	v12 =	vadd.f32 v12, v10;
	v7 =	vmov v14  }
0x58c: {  	v9 =	vld [tilespmem:s7+$0x60];
	v13 =	vadd.f32 v18, v13;
	v10 =	vperm.xlane v16, v0  }
0x58d: {  	v51 =	vld [tilespmem:s7+$0xFFFFFFE0];
	v11 =	vadd.f32 v11, v19;
	v14 =	vperm.xlane v12, v0  }
0x58e: {  	v52 =	vld [tilespmem:s26+$0xFFFFFFE0];
	v18 =	vperm.xlane v13, v1;
	v16 =	vadd.f32 v16, v10  }
0x58f: {  	v10 =	vld [tilespmem:s7+$0xD0];
	v19 =	vperm.xlane v11, v1;
	v12 =	vadd.f32 v12, v14  }
0x590: {  	v53 =	vld [tilespmem:s7+$0xFFFFFF60];
	v13 =	vadd.f32 v13, v18;
	v14 =	vperm.xlane v16, v1  }
0x591: {  	v54 =	vld [tilespmem:s26+$0xFFFFFF60];
	v19 =	vadd.f32 v11, v19;
	v20 =	vperm.xlane v12, v1  }
0x592: {  	v11 =	vld [tilespmem:s7+$0x50];
	v23 =	vperm.xlane v13, v2;
	v14 =	vadd.f32 v16, v14  }
0x593: {  	v18 =	vld [tilespmem:s7+$0xFFFFFFD0];
	v16 =	vperm.xlane v19, v2;
	v24 =	vadd.f32 v12, v20  }
0x594: {  	v20 =	vld [tilespmem:s26+$0xFFFFFFD0];
	v26 =	vadd.f32 v13, v23;
	v13 =	vperm.xlane v14, v2  }
0x595: {  	s5 =	sadd.s32 $0x3, s18;
	v27 =	vmov s18;
	v12 =	vld [tilespmem:s7+$0xC0];
	v16 =	vadd.f32 v19, v16;
	v19 =	vperm.xlane v24, v2  }
0x596: {  	s6 =	sadd.s32 $0x2, s18;
	v29 =	vmov s5;
	v23 =	vld [tilespmem:s7+$0xFFFFFF50];
	v28 =	vperm.xlane v26, v3;
	v14 =	vadd.f32 v14, v13  }
0x597: {  	v31 =	vmov s6;
	v25 =	vld [tilespmem:s26+$0xFFFFFF50];
	v30 =	vperm.xlane v16, v3;
	v19 =	vadd.f32 v24, v19  }
0x598: {  	s5 =	sadd.s32 $0x1, s18;
	s18 =	smov.u32 s28;
	vm0 =	veq.s32 v27, v4;
	v13 =	vld [tilespmem:s7+$0x40];
	v24 =	vadd.f32 v26, v28;
	v28 =	vperm.xlane v14, v3  }
0x599: {  	v26 =	vld [tilespmem:s7+$0xFFFFFFC0];
	v16 =	vadd.f32 v16, v30;
	v30 =	vmov s5;
	v32 =	vperm.xlane v19, v3  }
0x59a: {  	v27 =	vld [tilespmem:s26+$0xFFFFFFC0];
	v8 =	vsel vm0, v24, v8;
	vm0 =	veq.s32 v30, v4;
	v24 =	vadd.f32 v14, v28  }
0x59b: {  	v14 =	vld [tilespmem:s7+$0xB0];
	v8 =	vsel vm0, v16, v8;
	vm0 =	veq.s32 v31, v4;
	v16 =	vadd.f32 v19, v32  }
0x59c: {  	v31 =	vld [tilespmem:s7+$0xFFFFFF40];
	v8 =	vsel vm0, v24, v8;
	vm0 =	veq.s32 v29, v4  }
0x59d: {  	v33 =	vld [tilespmem:s26+$0xFFFFFF40];
	v8 =	vsel vm0, v16, v8  }
0x59e: {  	v16 =	vld [tilespmem:s7+$0x30]  }
0x59f: {  	v32 =	vld [tilespmem:s7+$0xFFFFFFB0]  }
0x5a0: {  	v34 =	vld [tilespmem:s26+$0xFFFFFFB0]  }
0x5a1: {  	v19 =	vld [tilespmem:s7+$0xA0]  }
0x5a2: {  	v35 =	vld [tilespmem:s7+$0xFFFFFF30]  }
0x5a3: {  	v38 =	vld [tilespmem:s26+$0xFFFFFF30]  }
0x5a4: {  	v24 =	vld [tilespmem:s7+$0x20]  }
0x5a5: {  	v36 =	vld [tilespmem:s7+$0xFFFFFFA0]  }
0x5a6: {  	v39 =	vld [tilespmem:s26+$0xFFFFFFA0]  }
0x5a7: {  	v28 =	vld [tilespmem:s7+$0x80]  }
0x5a8: {  	v29 =	vld [tilespmem:s26+$0x80]  }
0x5a9: {  	v30 =	vld [tilespmem:s7+$0x90]  }
0x5aa: {  	v42 =	vld [tilespmem:s7+$0xFFFFFF20]  }
0x5ab: {  	v44 =	vld [tilespmem:s26+$0xFFFFFF20]  }
0x5ac: {  	v37 =	vld [tilespmem:s7+$0x0]  }
0x5ad: {  	v40 =	vld [tilespmem:s26+$0x0]  }
0x5ae: {  	v41 =	vld [tilespmem:s7+$0x10]  }
0x5af: {  	v43 =	vld [tilespmem:s7+$0xFFFFFF80]  }
0x5b0: {  	v45 =	vld [tilespmem:s26+$0xFFFFFF80]  }
.Ltmp17:
0x5b1: {  	v46 =	vld [tilespmem:s7+$0xFFFFFF90];
	(pc) =	sbr.rel @p0 .LBB2_37-.Ltmp17, $4  }
0x5b2: {  	v47 =	vld [tilespmem:s7+$0xFFFFFF00]  }
0x5b3: {  	v48 =	vld [tilespmem:s26+$0xFFFFFF00]  }
0x5b4: {  	v17 =	vmul.f32 v17, v15;
	v15 =	vmul.f32 v22, v21;
	v49 =	vld [tilespmem:s7+$0xFFFFFF10]  }
0x5b5: {  	s28 =	sadd.s32 $0x4, s28;
	v22 =	vmul.f32 v52, v51;
	v21 =	vmul.f32 v54, v53;
	v50 =	vld [tilespmem:s26+$0xFFFFFF10]  }
0x5b6: {  	v23 =	vmul.f32 v25, v23;
	v61 =	vld [tilespmem:s26+$0xFFFFFF90];
	v18 =	vmul.f32 v20, v18  }
0x5b7: {  	v20 =	vmul.f32 v33, v31;
	v26 =	vmul.f32 v27, v26;
	v62 =	vld [tilespmem:s26+$0x10]  }
0x5b8: {  	v31 =	vmul.f32 v38, v35;
	v32 =	vmul.f32 v34, v32;
	v63 =	vld [tilespmem:s26+$0x90]  }
0x5b9: {  	v51 =	vmul.f32 v44, v42;
	v52 =	vmul.f32 v39, v36;
	v53 =	vld [tilespmem:s26+$0x20]  }
0x5ba: {  	v56 =	vld [tilespmem:s26+$0xA0];
	v54 =	vmul.f32 v48, v47;
	v55 =	vmul.f32 v50, v49  }
0x5bb: {  	v43 =	vmul.f32 v45, v43;
	v57 =	vld [tilespmem:s26+$0x30];
	v25 =	vmul.f32 v61, v46  }
0x5bc: {  	v37 =	vmul.f32 v40, v37;
	v58 =	vld [tilespmem:s26+$0xB0];
	v27 =	vmul.f32 v62, v41;
	v38 =	vadd.f32 v55, v54  }
0x5bd: {  	v59 =	vld [tilespmem:s26+$0x40];
	v28 =	vmul.f32 v29, v28;
	v60 =	vmul.f32 v63, v30;
	v25 =	vadd.f32 v25, v43  }
0x5be: {  	v24 =	vmul.f32 v53, v24;
	v62 =	vld [tilespmem:s26+$0xC0];
	v27 =	vadd.f32 v27, v37;
	v61 =	vadd.f32 v51, v38  }
0x5bf: {  	v63 =	vld [tilespmem:s26+$0x50];
	v19 =	vmul.f32 v56, v19;
	v28 =	vadd.f32 v60, v28;
	v25 =	vadd.f32 v52, v25  }
0x5c0: {  	v36 =	vld [tilespmem:s26+$0xD0];
	v16 =	vmul.f32 v57, v16;
	v24 =	vadd.f32 v24, v27;
	v35 =	vadd.f32 v31, v61  }
0x5c1: {  	v14 =	vmul.f32 v58, v14;
	v37 =	vld [tilespmem:s26+$0x60];
	v19 =	vadd.f32 v19, v28;
	v25 =	vadd.f32 v32, v25  }
0x5c2: {  	v13 =	vmul.f32 v59, v13;
	v38 =	vld [tilespmem:s26+$0xE0];
	v16 =	vadd.f32 v16, v24;
	v20 =	vadd.f32 v20, v35  }
0x5c3: {  	v39 =	vld [tilespmem:s26+$0x70];
	v12 =	vmul.f32 v62, v12;
	v14 =	vadd.f32 v14, v19;
	v25 =	vadd.f32 v26, v25  }
0x5c4: {  	v41 =	vld [tilespmem:s26+$0xF0];
	v11 =	vmul.f32 v63, v11;
	v13 =	vadd.f32 v13, v16;
	v40 =	vadd.f32 v23, v20  }
0x5c5: {  	v10 =	vmul.f32 v36, v10;
	v12 =	vadd.f32 v12, v14;
	v18 =	vadd.f32 v18, v25  }
0x5c6: {  	v9 =	vmul.f32 v37, v9;
	v11 =	vadd.f32 v11, v13;
	v42 =	vadd.f32 v21, v40  }
0x5c7: {  	v6 =	vmul.f32 v38, v6;
	v10 =	vadd.f32 v10, v12;
	v43 =	vadd.f32 v22, v18  }
0x5c8: {  	v7 =	vmul.f32 v39, v7;
	v9 =	vadd.f32 v9, v11;
	v44 =	vadd.f32 v17, v42  }
0x5c9: {  	v5 =	vmul.f32 v41, v5;
	v6 =	vadd.f32 v6, v10;
	v45 =	vadd.f32 v15, v43  }
0x5ca: {  	v7 =	vadd.f32 v7, v9;
	v46 =	vperm.xlane v44, v0  }
0x5cb: {  	v5 =	vadd.f32 v5, v6;
	v47 =	vperm.xlane v45, v0  }
0x5cc: {  	v48 =	vperm.xlane v7, v0;
	v6 =	vadd.f32 v44, v46  }
0x5cd: {  	v49 =	vperm.xlane v5, v0;
	v9 =	vadd.f32 v45, v47  }
0x5ce: {  	v7 =	vadd.f32 v7, v48;
	v12 =	vperm.xlane v6, v1  }
0x5cf: {  	v5 =	vadd.f32 v5, v49;
	v50 =	vperm.xlane v9, v1  }
0x5d0: {  	v51 =	vperm.xlane v7, v1;
	v6 =	vadd.f32 v6, v12  }
0x5d1: {  	v52 =	vperm.xlane v5, v1;
	v9 =	vadd.f32 v9, v50  }
0x5d2: {  	v7 =	vadd.f32 v7, v51;
	v12 =	vperm.xlane v6, v2  }
0x5d3: {  	v5 =	vadd.f32 v5, v52;
	v53 =	vperm.xlane v9, v2  }
0x5d4: {  	s5 =	sadd.s32 $0x3, s18;
	v54 =	vperm.xlane v7, v2;
	v6 =	vadd.f32 v6, v12  }
0x5d5: {  	v58 =	vmov s5;
	v56 =	vperm.xlane v5, v2;
	v9 =	vadd.f32 v9, v53  }
0x5d6: {  	s6 =	sadd.s32 $0x2, s18;
	v55 =	vmov s18;
	v7 =	vadd.f32 v7, v54;
	v57 =	vperm.xlane v6, v3  }
0x5d7: {  	v60 =	vmov s6;
	v5 =	vadd.f32 v5, v56;
	v59 =	vperm.xlane v9, v3  }
0x5d8: {  	s30 =	sadd.s32 $0x1, s18;
	s31 =	sshll.u32 s0, $0x4;
	s0 =	sadd.s32 $0x1, s0;
	vm0 =	veq.s32 v55, v4;
	v61 =	vperm.xlane v7, v3;
	v6 =	vadd.f32 v6, v57  }
0x5d9: {  	p0 =	sne.s32 s0, $0x6;
	v62 =	vmov s30;
	v63 =	vperm.xlane v5, v3;
	v9 =	vadd.f32 v9, v59  }
.Ltmp18:
0x5da: {  	vm13 =	veq.s32 v62, v4;
	v7 =	vadd.f32 v7, v61;
	v6 =	vsel vm0, v6, v8;
	(pc) =	sbr.rel @p0 .LBB2_36-.Ltmp18, $4  }
0x5db: {  	vm14 =	veq.s32 v60, v4;
	v5 =	vadd.f32 v5, v63;
	v6 =	vsel vm13, v9, v6  }
0x5dc: {  	vm15 =	veq.s32 v58, v4;
	v6 =	vsel vm14, v7, v6  }
0x5dd: {  	s5 =	sand.u32 $0x3FFFFFF0, s31;
	v5 =	vsel vm15, v5, v6  }
0x5de: {  	s14 =	sadd.s32 $0x800, s14;
	s16 =	sadd.s32 $0x800, s16;
	[tilespmem:s5+$0x1F5B0] =	vst v5  }
0x5df: {  	s2 =	sadd.s32 $0x1, s2  }
0x5e0: {  	p0 =	sne.s32 s2, s8  }
.Ltmp19:
0x5e1: {  	s0 =	rddreg [dreg:$0x5];
	s5 =	simm.s32 $0x1CF00;
	(pc) =	sbr.rel @p0 .LBB2_1-.Ltmp19, $4  }
0x5e2: {  	[hbm4b:s0+s3] =	stream.linear.scatter [tilespmem:s5], [sflag:$0x5], $0x2710, $0x38;
	[tilespmem:$0x1F680] =	vst v63  }
0x5e3: {  	_ =	swait.ge [sflag:s9], $0x2710  }
0x5e4: {  	[sflag:s9] =	ssyncset.done $0x0  }
0x5e5: {  	[sflag:s9] =	ssyncadd.s32 $0xFFFFD8F0  }
0x5e6: {  	_ =	sfence.sel $0x180000  }
0x5e7: {  	[bflag:$0x0] =	sbarrier.arrive $0xFFFF  }
0x5e8: {  	_ =	strace $0x90000047  }
0x5e9: {  	s0 =	stileid.u32;
	[bflag:$0x2] =	sbarrier.arrive $0xFFFF  }
0x5ea: {  	p0 =	sne.s32 s0, $0x0;
	s0 =	rddreg [dreg:$0x3]  }
0x5eb: {  	s0 =	sadd.s32 @!p0 $0x100000, s0  }
0x5ec: {  	[sflag:s0] =	ssyncadd.tile.s32 @!p0 $0x1;
	_ =	shalt  }
.Lfunc_end2:
_tile_overlayer_lowered:
.L_overlay_start_2:
0x5ed: {  	(tag) =	ssettag $0x2  }
0x5ee: {  	s0 =	rddreg [dreg:$0x0];
	s2 =	stileid.u32  }
0x5ef: {  	s1 =	rddreg [dreg:$0x1];
	p0 =	sne.s32 s2, $0x0  }
0x5f0: {  	s3 =	rddreg [dreg:$0x2];
	[bflag:$0x3] =	sbarrier.arrive $0xFFFF;
	s2 =	simm.s32 @!p0 $0x1C05  }
0x5f1: {  	[timem:s3], [sflag:s2] =	dma.local @!p0 [hbm:s0], s1  }
0x5f2: {  	s0 =	simm.s32 @!p0 $0x5  }
0x5f3: {  	_ =	swait.ge @!p0 [sflag:s0], s1  }
0x5f4: {  	s1 =	ssub.s32 @!p0 $0x0, s1;
	[sflag:s0] =	ssyncset.done @!p0 $0x0  }
0x5f5: {  	[sflag:s0] =	ssyncadd.s32 @!p0 s1  }
0x5f6: {  	[bflag:$0x3] =	sbarrier.arrive $0xFFFF  }
0x5f7: {  	_ =	shalt  }

</sc_bundles>
